<compile_context>
chip_gen: v7x
topology: tpu7x:2x2x1
jax: 0.10.2.dev20260603
libtpu: 0.0.44.dev20260713+nightly
codegen_flags: <defaults>
</compile_context>

<pallas_src>
import functools

import jax
import jax.numpy as jnp
from jax import lax
from jax.experimental import pallas as pl
from jax.experimental.pallas import tpu as pltpu
from jax.experimental.pallas import tpu_sc as plsc

B = 16384
F = 26
V = 100000
D = 16

NC = 2
NS = 16
L = 16
NW = NC * NS

R = F * V
RFULL = R - R % 128
GW = 1024
NGRP = RFULL // GW
TAIL = R - RFULL

BPW = B // NW
CH = 128
NCH = BPW // CH
CF = CH * F
GS = 128
NG = CF // GS
NV = CF // L


def _reformat_body(emb_t_hbm, tail_hbm, out_hbm, in0, in1, tp0, tp1, tbuf,
                   isem0, isem1, osem0, osem1):
    wid = lax.axis_index("s") * NC + lax.axis_index("c")
    ibufs = (in0, in1)
    obufs = (tp0, tp1)
    isems = (isem0, isem1)
    osems = (osem0, osem1)

    n_i = (NGRP - wid + NW - 1) // NW
    rows = lax.iota(jnp.int32, L)

    def g_of(i):
        return wid + i * NW

    def start_in(i, slot):
        for c in range(D):
            pltpu.async_copy(
                emb_t_hbm.at[c, pl.ds(g_of(i) * GW, GW)],
                ibufs[slot].at[pl.ds(c * GW, GW)], isems[slot])

    def wait_in(i, slot):
        for c in range(D):
            pltpu.make_async_copy(
                emb_t_hbm.at[c, pl.ds(g_of(i) * GW, GW)],
                ibufs[slot].at[pl.ds(c * GW, GW)], isems[slot]).wait()

    def start_out(i, slot):
        pltpu.async_copy(
            obufs[slot], out_hbm.at[pl.ds(g_of(i) * GW * D, GW * D)],
            osems[slot])

    def wait_out(i, slot):
        pltpu.make_async_copy(
            obufs[slot], out_hbm.at[pl.ds(g_of(i) * GW * D, GW * D)],
            osems[slot]).wait()

    def main():
        start_in(0, 0)

        def grp(i, _):
            slot = lax.rem(i, 2)

            @pl.when(i + 1 < n_i)
            def _():
                @pl.when(slot == 0)
                def _():
                    start_in(i + 1, 1)

                @pl.when(slot == 1)
                def _():
                    start_in(i + 1, 0)

            @pl.when(i >= 2)
            def _():
                @pl.when(slot == 0)
                def _():
                    wait_out(i - 2, 0)

                @pl.when(slot == 1)
                def _():
                    wait_out(i - 2, 1)

            def do_slot(s):
                wait_in(i, s)
                src = ibufs[s]
                dst = obufs[s]
                rows_gw = rows * GW

                @plsc.parallel_loop(0, GW, unroll=8)
                def _(rm):
                    vals = plsc.load_gather(src, [rows_gw + rm])
                    dst[pl.ds(rm * D, D)] = vals

                start_out(i, s)

            @pl.when(slot == 0)
            def _():
                do_slot(0)

            @pl.when(slot == 1)
            def _():
                do_slot(1)

            return 0

        lax.fori_loop(0, n_i, grp, 0)

        def drain_at(i):
            @pl.when(lax.rem(i, 2) == 0)
            def _():
                wait_out(i, 0)

            @pl.when(lax.rem(i, 2) == 1)
            def _():
                wait_out(i, 1)

        drain_at(n_i - 2)
        drain_at(n_i - 1)

    main()

    @pl.when(wid == NW - 1)
    def _():
        pltpu.sync_copy(tail_hbm, tbuf)
        pltpu.sync_copy(tbuf, out_hbm.at[pl.ds(RFULL * D, TAIL * D)])


_reformat = functools.partial(
    pl.kernel,
    mesh=plsc.VectorSubcoreMesh(core_axis_name="c", subcore_axis_name="s"),
    out_type=jax.ShapeDtypeStruct((R * D,), jnp.float32),
    scratch_types=[
        pltpu.VMEM((L * GW,), jnp.float32),
        pltpu.VMEM((L * GW,), jnp.float32),
        pltpu.VMEM((GW * D,), jnp.float32),
        pltpu.VMEM((GW * D,), jnp.float32),
        pltpu.VMEM((TAIL * D,), jnp.float32),
        pltpu.SemaphoreType.DMA,
        pltpu.SemaphoreType.DMA,
        pltpu.SemaphoreType.DMA,
        pltpu.SemaphoreType.DMA,
    ],
    compiler_params=pltpu.CompilerParams(
        needs_layout_passes=False, use_tc_tiling_on_sc=True),
)(_reformat_body)


def _fm_body(idx_hbm, emb_hbm, lin_hbm, out_hbm,
             idx_v, rows_v, lin_v, acc_v, gsem, lsem):
    wid = lax.axis_index("s") * NC + lax.axis_index("c")
    base = wid * BPW

    def chunk(c, _):
        cbase = base + c * CH
        pltpu.sync_copy(idx_hbm.at[pl.ds(cbase * F, CF)], idx_v)

        @plsc.parallel_loop(0, NV, unroll=8)
        def offs(j):
            p = j * L + lax.iota(jnp.int32, L)
            f = lax.rem(p, F)
            idx_v[pl.ds(j * L, L)] = idx_v[pl.ds(j * L, L)] + f * V

        def fire(g, _):
            pltpu.async_copy(emb_hbm.at[idx_v.at[pl.ds(g * GS, GS)]],
                             rows_v.at[pl.ds(g * GS, GS)], gsem)
            pltpu.async_copy(lin_hbm.at[idx_v.at[pl.ds(g * GS, GS)]],
                             lin_v.at[pl.ds(g * GS, GS)], lsem)
            return 0

        lax.fori_loop(0, NG, fire, 0)

        zv = jnp.zeros((L,), jnp.float32)

        @plsc.parallel_loop(0, CH // L)
        def init(j):
            acc_v[pl.ds(j * L, L)] = zv

        def drain(g, _):
            pltpu.make_async_copy(emb_hbm.at[idx_v.at[pl.ds(g * GS, GS)]],
                                  rows_v.at[pl.ds(g * GS, GS)], gsem).wait()
            pltpu.make_async_copy(lin_hbm.at[idx_v.at[pl.ds(g * GS, GS)]],
                                  lin_v.at[pl.ds(g * GS, GS)], lsem).wait()
            return 0

        lax.fori_loop(0, NG, drain, 0)

        def lin_pass(j, _):
            p = j * L + lax.iota(jnp.int32, L)
            sid = lax.div(p, F)
            plsc.addupdate_scatter(acc_v, [sid], lin_v[pl.ds(j * L, L)])
            return 0

        lax.fori_loop(0, NV, lin_pass, 0)

        @plsc.parallel_loop(0, CH, unroll=2)
        def sample(b):
            s = jnp.zeros((L,), jnp.float32)
            q = jnp.zeros((L,), jnp.float32)
            for f in range(F):
                r = rows_v[b * F + f, :]
                s = s + r
                q = q + r * r
            t = (s * s - q) * 0.5
            sid = jnp.zeros((L,), jnp.int32) + b
            plsc.addupdate_scatter(acc_v, [sid], t)

        pltpu.sync_copy(acc_v, out_hbm.at[pl.ds(cbase, CH)])
        return 0

    lax.fori_loop(0, NCH, chunk, 0)


_fm = functools.partial(
    pl.kernel,
    mesh=plsc.VectorSubcoreMesh(core_axis_name="c", subcore_axis_name="s"),
    out_type=jax.ShapeDtypeStruct((B,), jnp.float32),
    scratch_types=[
        pltpu.VMEM((CF,), jnp.int32),
        pltpu.VMEM((CF, D), jnp.float32),
        pltpu.VMEM((CF,), jnp.float32),
        pltpu.VMEM((CH,), jnp.float32),
        pltpu.SemaphoreType.DMA,
        pltpu.SemaphoreType.DMA,
    ],
    compiler_params=pltpu.CompilerParams(
        needs_layout_passes=False, use_tc_tiling_on_sc=False),
)(_fm_body)


@jax.jit
def kernel(inputs, emb_table, lin_table, bias):
    idx_flat = inputs.astype(jnp.int32).reshape(B * F)
    lin_flat = lin_table.reshape(F * V)
    tail_rows = emb_table[RFULL:, :].reshape(TAIL * D)
    table_flat = _reformat(emb_table.T, tail_rows)
    table = table_flat.reshape(F * V, D)
    out = _fm(idx_flat, table, lin_flat)
    return out.reshape(B, 1) + bias

# --- scband reference (transcript-rebuilt; emitter-appended) ---
"""Pipeline reference for scband-factorization-machine-10849087389707 (READ-ONLY COPY).

The authoritative reference and input builder live on the scoring server;
editing this copy changes nothing except your own understanding.
"""

import jax, jax.numpy as jnp
import numpy as np

B = 16384
F = 26
V = 100000
D = 16


def setup_inputs(seed: int = 0) -> dict:
    key = jax.random.key(seed)
    k1, k2, k3 = jax.random.split(key, 3)
    inputs = jax.random.randint(k1, (B, F), 0, V, dtype=jnp.int64 if jax.config.jax_enable_x64 else jnp.int32)
    # Concatenated per-field embedding tables: total rows = sum(feature_cards) = F*V
    emb_table = jax.random.normal(k2, (F * V, D), dtype=jnp.float32) * 0.01
    lin_table = jax.random.normal(k3, (F * V, 1), dtype=jnp.float32) * 0.01
    bias = jnp.zeros((1,), dtype=jnp.float32)
    return {"inputs": inputs, "emb_table": emb_table, "lin_table": lin_table, "bias": bias}


def reference(inputs, emb_table, lin_table, bias):
    # Per-field offsets into the concatenated table
    offsets = (jnp.arange(F) * V).astype(inputs.dtype)
    idx = inputs + offsets[None, :]  # [B, F]
    # Linear part: sum of per-field linear weights + global bias -> [B, 1]
    linear_out = jnp.sum(jnp.take(lin_table, idx, axis=0)[..., 0], axis=1, keepdims=True) + bias
    # Factor part: embedding lookup -> [B, F, D]
    factor = jnp.take(emb_table, idx, axis=0)
    sum_of_squares = jnp.power(jnp.sum(factor, axis=1), 2)      # [B, D]
    squares_of_sum = jnp.sum(jnp.power(factor, 2), axis=1)       # [B, D]
    out = linear_out + 0.5 * jnp.sum(sum_of_squares - squares_of_sum, axis=1, keepdims=True)
    return out

if __name__ == "__main__":
    import jax
    _d = setup_inputs()
    print(jax.jit(kernel)(*tuple(_d.values())))

</pallas_src>

<mosaic_0001>
#map = affine_map<(d0, d1) -> (0, 0)>
#map1 = affine_map<(d0, d1) -> (0)>
module attributes {stable_mosaic.version = 14 : i64} {
  func.func @_reformat_body(%arg0: i32, %arg1: i32, %arg2: memref<16x2600000xf32, #tpu.memory_space<hbm>>, %arg3: memref<1024xf32, #tpu.memory_space<hbm>>, %arg4: memref<41600000xf32, #tpu.memory_space<hbm>>, %arg5: memref<16384xf32, #tpu.memory_space<vmem>>, %arg6: memref<16384xf32, #tpu.memory_space<vmem>>, %arg7: memref<16384xf32, #tpu.memory_space<vmem>>, %arg8: memref<16384xf32, #tpu.memory_space<vmem>>, %arg9: memref<1024xf32, #tpu.memory_space<vmem>>, %arg10: memref<!tpu.dma_semaphore, #tpu.memory_space<semaphore_mem>>, %arg11: memref<!tpu.dma_semaphore, #tpu.memory_space<semaphore_mem>>, %arg12: memref<!tpu.dma_semaphore, #tpu.memory_space<semaphore_mem>>, %arg13: memref<!tpu.dma_semaphore, #tpu.memory_space<semaphore_mem>>) attributes {dimension_semantics = [#tpu.dimension_semantics<core_parallel>, #tpu.dimension_semantics<subcore_parallel>], iteration_bounds = array<i64: 2, 16>, scalar_prefetch = 0 : i64, scratch_operands = 9 : i64, tpu.core_type = #tpu.core_type<sc_vector_subcore>, window_params = [{transform_indices = #map}, {transform_indices = #map1}, {transform_indices = #map1}]} {
    %mul3A = arith.constant 2 : i32
    %mul3A_0 = arith.muli %arg1, %mul3A : i32
    %add3A = arith.addi %mul3A_0, %arg0 : i32
    %sub3A = arith.constant 2539 : i32
    %sub3A_1 = arith.subi %sub3A, %add3A : i32
    %add3A_2 = arith.constant 32 : i32
    %add3A_3 = arith.addi %sub3A_1, %add3A_2 : i32
    %sub3A_4 = arith.constant 1 : i32
    %sub3A_5 = arith.subi %add3A_3, %sub3A_4 : i32
    %jit3A = arith.constant 32 : i32
    %div3A = arith.divsi %sub3A_5, %jit3A : i32
    %sign3A = arith.constant 0 : i32
    %sign3A_6 = arith.cmpi sgt, %sub3A_5, %sign3A : i32
    %sign3A_7 = arith.extui %sign3A_6 : i1 to i32
    %sign3A_8 = arith.constant 0 : i32
    %sign3A_9 = arith.cmpi slt, %sub3A_5, %sign3A_8 : i32
    %sign3A_10 = arith.extui %sign3A_9 : i1 to i32
    %sign3A_11 = arith.subi %sign3A_7, %sign3A_10 : i32
    %sign3A_12 = arith.constant 0 : i32
    %sign3A_13 = arith.cmpi sgt, %jit3A, %sign3A_12 : i32
    %sign3A_14 = arith.extui %sign3A_13 : i1 to i32
    %sign3A_15 = arith.constant 0 : i32
    %sign3A_16 = arith.cmpi slt, %jit3A, %sign3A_15 : i32
    %sign3A_17 = arith.extui %sign3A_16 : i1 to i32
    %sign3A_18 = arith.subi %sign3A_14, %sign3A_17 : i32
    %ne3A = arith.cmpi ne, %sign3A_11, %sign3A_18 : i32
    %rem3A = arith.remsi %sub3A_5, %jit3A : i32
    %ne3A_19 = arith.constant 0 : i32
    %ne3A_20 = arith.cmpi ne, %rem3A, %ne3A_19 : i32
    %and3A = arith.andi %ne3A, %ne3A_20 : i1
    %sub3A_21 = arith.constant 1 : i32
    %sub3A_22 = arith.subi %div3A, %sub3A_21 : i32
    %select_n3A = arith.select %and3A, %sub3A_22, %div3A : i32
    %iota3A = tpu.iota {dimensions = array<i32: 0>} : vector<16xi32>
    %add3A_23 = arith.constant 0 : i32
    %add3A_24 = arith.addi %add3A, %add3A_23 : i32
    %mul3A_25 = arith.constant 1024 : i32
    %mul3A_26 = arith.muli %add3A_24, %mul3A_25 : i32
    %dma_start3A = arith.constant 0 : i32
    %dma_start3A_27 = arith.constant 0 : i32
    %dma_start3A_28 = tpu.memref_slice %arg5[%dma_start3A_27] : memref<16384xf32, #tpu.memory_space<vmem>> -> memref<1024xf32, #tpu.memory_space<vmem>>
    %dma_start3A_29 = tpu.memref_slice %arg2[%dma_start3A, %mul3A_26] : memref<16x2600000xf32, #tpu.memory_space<hbm>> -> memref<1x1024xf32, #tpu.memory_space<hbm>>
    %dma_start3A_30 = tpu.memref_squeeze %dma_start3A_29 : memref<1x1024xf32, #tpu.memory_space<hbm>> -> memref<1024xf32, #tpu.memory_space<hbm>>
    %dma_start3A_31 = arith.constant 0 : i32
    %dma_start3A_32 = tpu.memref_slice %arg5[%dma_start3A_31] : memref<16384xf32, #tpu.memory_space<vmem>> -> memref<1024xf32, #tpu.memory_space<vmem>>
    %dma_start3A_33 = tpu.memref_slice %arg2[%dma_start3A, %mul3A_26] : memref<16x2600000xf32, #tpu.memory_space<hbm>> -> memref<1x1024xf32, #tpu.memory_space<hbm>>
    %dma_start3A_34 = tpu.memref_squeeze %dma_start3A_33 : memref<1x1024xf32, #tpu.memory_space<hbm>> -> memref<1024xf32, #tpu.memory_space<hbm>>
    tpu.enqueue_dma source(%dma_start3A_34 : memref<1024xf32, #tpu.memory_space<hbm>>) target(%dma_start3A_32 : memref<1024xf32, #tpu.memory_space<vmem>>) target_semaphore(%arg10 : memref<!tpu.dma_semaphore, #tpu.memory_space<semaphore_mem>>)
    %add3A_35 = arith.constant 0 : i32
    %add3A_36 = arith.addi %add3A, %add3A_35 : i32
    %mul3A_37 = arith.constant 1024 : i32
    %mul3A_38 = arith.muli %add3A_36, %mul3A_37 : i32
    %dma_start3A_39 = arith.constant 1 : i32
    %dma_start3A_40 = arith.constant 1024 : i32
    %dma_start3A_41 = tpu.memref_slice %arg5[%dma_start3A_40] : memref<16384xf32, #tpu.memory_space<vmem>> -> memref<1024xf32, #tpu.memory_space<vmem>>
    %dma_start3A_42 = tpu.memref_slice %arg2[%dma_start3A_39, %mul3A_38] : memref<16x2600000xf32, #tpu.memory_space<hbm>> -> memref<1x1024xf32, #tpu.memory_space<hbm>>
    %dma_start3A_43 = tpu.memref_squeeze %dma_start3A_42 : memref<1x1024xf32, #tpu.memory_space<hbm>> -> memref<1024xf32, #tpu.memory_space<hbm>>
    %dma_start3A_44 = arith.constant 1024 : i32
    %dma_start3A_45 = tpu.memref_slice %arg5[%dma_start3A_44] : memref<16384xf32, #tpu.memory_space<vmem>> -> memref<1024xf32, #tpu.memory_space<vmem>>
    %dma_start3A_46 = tpu.memref_slice %arg2[%dma_start3A_39, %mul3A_38] : memref<16x2600000xf32, #tpu.memory_space<hbm>> -> memref<1x1024xf32, #tpu.memory_space<hbm>>
    %dma_start3A_47 = tpu.memref_squeeze %dma_start3A_46 : memref<1x1024xf32, #tpu.memory_space<hbm>> -> memref<1024xf32, #tpu.memory_space<hbm>>
    tpu.enqueue_dma source(%dma_start3A_47 : memref<1024xf32, #tpu.memory_space<hbm>>) target(%dma_start3A_45 : memref<1024xf32, #tpu.memory_space<vmem>>) target_semaphore(%arg10 : memref<!tpu.dma_semaphore, #tpu.memory_space<semaphore_mem>>)
    %add3A_48 = arith.constant 0 : i32
    %add3A_49 = arith.addi %add3A, %add3A_48 : i32
    %mul3A_50 = arith.constant 1024 : i32
    %mul3A_51 = arith.muli %add3A_49, %mul3A_50 : i32
    %dma_start3A_52 = arith.constant 2 : i32
    %dma_start3A_53 = arith.constant 2048 : i32
    %dma_start3A_54 = tpu.memref_slice %arg5[%dma_start3A_53] : memref<16384xf32, #tpu.memory_space<vmem>> -> memref<1024xf32, #tpu.memory_space<vmem>>
    %dma_start3A_55 = tpu.memref_slice %arg2[%dma_start3A_52, %mul3A_51] : memref<16x2600000xf32, #tpu.memory_space<hbm>> -> memref<1x1024xf32, #tpu.memory_space<hbm>>
    %dma_start3A_56 = tpu.memref_squeeze %dma_start3A_55 : memref<1x1024xf32, #tpu.memory_space<hbm>> -> memref<1024xf32, #tpu.memory_space<hbm>>
    %dma_start3A_57 = arith.constant 2048 : i32
    %dma_start3A_58 = tpu.memref_slice %arg5[%dma_start3A_57] : memref<16384xf32, #tpu.memory_space<vmem>> -> memref<1024xf32, #tpu.memory_space<vmem>>
    %dma_start3A_59 = tpu.memref_slice %arg2[%dma_start3A_52, %mul3A_51] : memref<16x2600000xf32, #tpu.memory_space<hbm>> -> memref<1x1024xf32, #tpu.memory_space<hbm>>
    %dma_start3A_60 = tpu.memref_squeeze %dma_start3A_59 : memref<1x1024xf32, #tpu.memory_space<hbm>> -> memref<1024xf32, #tpu.memory_space<hbm>>
    tpu.enqueue_dma source(%dma_start3A_60 : memref<1024xf32, #tpu.memory_space<hbm>>) target(%dma_start3A_58 : memref<1024xf32, #tpu.memory_space<vmem>>) target_semaphore(%arg10 : memref<!tpu.dma_semaphore, #tpu.memory_space<semaphore_mem>>)
    %add3A_61 = arith.constant 0 : i32
    %add3A_62 = arith.addi %add3A, %add3A_61 : i32
    %mul3A_63 = arith.constant 1024 : i32
    %mul3A_64 = arith.muli %add3A_62, %mul3A_63 : i32
    %dma_start3A_65 = arith.constant 3 : i32
    %dma_start3A_66 = arith.constant 3072 : i32
    %dma_start3A_67 = tpu.memref_slice %arg5[%dma_start3A_66] : memref<16384xf32, #tpu.memory_space<vmem>> -> memref<1024xf32, #tpu.memory_space<vmem>>
    %dma_start3A_68 = tpu.memref_slice %arg2[%dma_start3A_65, %mul3A_64] : memref<16x2600000xf32, #tpu.memory_space<hbm>> -> memref<1x1024xf32, #tpu.memory_space<hbm>>
    %dma_start3A_69 = tpu.memref_squeeze %dma_start3A_68 : memref<1x1024xf32, #tpu.memory_space<hbm>> -> memref<1024xf32, #tpu.memory_space<hbm>>
    %dma_start3A_70 = arith.constant 3072 : i32
    %dma_start3A_71 = tpu.memref_slice %arg5[%dma_start3A_70] : memref<16384xf32, #tpu.memory_space<vmem>> -> memref<1024xf32, #tpu.memory_space<vmem>>
    %dma_start3A_72 = tpu.memref_slice %arg2[%dma_start3A_65, %mul3A_64] : memref<16x2600000xf32, #tpu.memory_space<hbm>> -> memref<1x1024xf32, #tpu.memory_space<hbm>>
    %dma_start3A_73 = tpu.memref_squeeze %dma_start3A_72 : memref<1x1024xf32, #tpu.memory_space<hbm>> -> memref<1024xf32, #tpu.memory_space<hbm>>
    tpu.enqueue_dma source(%dma_start3A_73 : memref<1024xf32, #tpu.memory_space<hbm>>) target(%dma_start3A_71 : memref<1024xf32, #tpu.memory_space<vmem>>) target_semaphore(%arg10 : memref<!tpu.dma_semaphore, #tpu.memory_space<semaphore_mem>>)
    %add3A_74 = arith.constant 0 : i32
    %add3A_75 = arith.addi %add3A, %add3A_74 : i32
    %mul3A_76 = arith.constant 1024 : i32
    %mul3A_77 = arith.muli %add3A_75, %mul3A_76 : i32
    %dma_start3A_78 = arith.constant 4 : i32
    %dma_start3A_79 = arith.constant 4096 : i32
    %dma_start3A_80 = tpu.memref_slice %arg5[%dma_start3A_79] : memref<16384xf32, #tpu.memory_space<vmem>> -> memref<1024xf32, #tpu.memory_space<vmem>>
    %dma_start3A_81 = tpu.memref_slice %arg2[%dma_start3A_78, %mul3A_77] : memref<16x2600000xf32, #tpu.memory_space<hbm>> -> memref<1x1024xf32, #tpu.memory_space<hbm>>
    %dma_start3A_82 = tpu.memref_squeeze %dma_start3A_81 : memref<1x1024xf32, #tpu.memory_space<hbm>> -> memref<1024xf32, #tpu.memory_space<hbm>>
    %dma_start3A_83 = arith.constant 4096 : i32
    %dma_start3A_84 = tpu.memref_slice %arg5[%dma_start3A_83] : memref<16384xf32, #tpu.memory_space<vmem>> -> memref<1024xf32, #tpu.memory_space<vmem>>
    %dma_start3A_85 = tpu.memref_slice %arg2[%dma_start3A_78, %mul3A_77] : memref<16x2600000xf32, #tpu.memory_space<hbm>> -> memref<1x1024xf32, #tpu.memory_space<hbm>>
    %dma_start3A_86 = tpu.memref_squeeze %dma_start3A_85 : memref<1x1024xf32, #tpu.memory_space<hbm>> -> memref<1024xf32, #tpu.memory_space<hbm>>
    tpu.enqueue_dma source(%dma_start3A_86 : memref<1024xf32, #tpu.memory_space<hbm>>) target(%dma_start3A_84 : memref<1024xf32, #tpu.memory_space<vmem>>) target_semaphore(%arg10 : memref<!tpu.dma_semaphore, #tpu.memory_space<semaphore_mem>>)
    %add3A_87 = arith.constant 0 : i32
    %add3A_88 = arith.addi %add3A, %add3A_87 : i32
    %mul3A_89 = arith.constant 1024 : i32
    %mul3A_90 = arith.muli %add3A_88, %mul3A_89 : i32
    %dma_start3A_91 = arith.constant 5 : i32
    %dma_start3A_92 = arith.constant 5120 : i32
    %dma_start3A_93 = tpu.memref_slice %arg5[%dma_start3A_92] : memref<16384xf32, #tpu.memory_space<vmem>> -> memref<1024xf32, #tpu.memory_space<vmem>>
    %dma_start3A_94 = tpu.memref_slice %arg2[%dma_start3A_91, %mul3A_90] : memref<16x2600000xf32, #tpu.memory_space<hbm>> -> memref<1x1024xf32, #tpu.memory_space<hbm>>
    %dma_start3A_95 = tpu.memref_squeeze %dma_start3A_94 : memref<1x1024xf32, #tpu.memory_space<hbm>> -> memref<1024xf32, #tpu.memory_space<hbm>>
    %dma_start3A_96 = arith.constant 5120 : i32
    %dma_start3A_97 = tpu.memref_slice %arg5[%dma_start3A_96] : memref<16384xf32, #tpu.memory_space<vmem>> -> memref<1024xf32, #tpu.memory_space<vmem>>
    %dma_start3A_98 = tpu.memref_slice %arg2[%dma_start3A_91, %mul3A_90] : memref<16x2600000xf32, #tpu.memory_space<hbm>> -> memref<1x1024xf32, #tpu.memory_space<hbm>>
    %dma_start3A_99 = tpu.memref_squeeze %dma_start3A_98 : memref<1x1024xf32, #tpu.memory_space<hbm>> -> memref<1024xf32, #tpu.memory_space<hbm>>
    tpu.enqueue_dma source(%dma_start3A_99 : memref<1024xf32, #tpu.memory_space<hbm>>) target(%dma_start3A_97 : memref<1024xf32, #tpu.memory_space<vmem>>) target_semaphore(%arg10 : memref<!tpu.dma_semaphore, #tpu.memory_space<semaphore_mem>>)
    %add3A_100 = arith.constant 0 : i32
    %add3A_101 = arith.addi %add3A, %add3A_100 : i32
    %mul3A_102 = arith.constant 1024 : i32
    %mul3A_103 = arith.muli %add3A_101, %mul3A_102 : i32
    %dma_start3A_104 = arith.constant 6 : i32
    %dma_start3A_105 = arith.constant 6144 : i32
    %dma_start3A_106 = tpu.memref_slice %arg5[%dma_start3A_105] : memref<16384xf32, #tpu.memory_space<vmem>> -> memref<1024xf32, #tpu.memory_space<vmem>>
    %dma_start3A_107 = tpu.memref_slice %arg2[%dma_start3A_104, %mul3A_103] : memref<16x2600000xf32, #tpu.memory_space<hbm>> -> memref<1x1024xf32, #tpu.memory_space<hbm>>
    %dma_start3A_108 = tpu.memref_squeeze %dma_start3A_107 : memref<1x1024xf32, #tpu.memory_space<hbm>> -> memref<1024xf32, #tpu.memory_space<hbm>>
    %dma_start3A_109 = arith.constant 6144 : i32
    %dma_start3A_110 = tpu.memref_slice %arg5[%dma_start3A_109] : memref<16384xf32, #tpu.memory_space<vmem>> -> memref<1024xf32, #tpu.memory_space<vmem>>
    %dma_start3A_111 = tpu.memref_slice %arg2[%dma_start3A_104, %mul3A_103] : memref<16x2600000xf32, #tpu.memory_space<hbm>> -> memref<1x1024xf32, #tpu.memory_space<hbm>>
    %dma_start3A_112 = tpu.memref_squeeze %dma_start3A_111 : memref<1x1024xf32, #tpu.memory_space<hbm>> -> memref<1024xf32, #tpu.memory_space<hbm>>
    tpu.enqueue_dma source(%dma_start3A_112 : memref<1024xf32, #tpu.memory_space<hbm>>) target(%dma_start3A_110 : memref<1024xf32, #tpu.memory_space<vmem>>) target_semaphore(%arg10 : memref<!tpu.dma_semaphore, #tpu.memory_space<semaphore_mem>>)
    %add3A_113 = arith.constant 0 : i32
    %add3A_114 = arith.addi %add3A, %add3A_113 : i32
    %mul3A_115 = arith.constant 1024 : i32
    %mul3A_116 = arith.muli %add3A_114, %mul3A_115 : i32
    %dma_start3A_117 = arith.constant 7 : i32
    %dma_start3A_118 = arith.constant 7168 : i32
    %dma_start3A_119 = tpu.memref_slice %arg5[%dma_start3A_118] : memref<16384xf32, #tpu.memory_space<vmem>> -> memref<1024xf32, #tpu.memory_space<vmem>>
    %dma_start3A_120 = tpu.memref_slice %arg2[%dma_start3A_117, %mul3A_116] : memref<16x2600000xf32, #tpu.memory_space<hbm>> -> memref<1x1024xf32, #tpu.memory_space<hbm>>
    %dma_start3A_121 = tpu.memref_squeeze %dma_start3A_120 : memref<1x1024xf32, #tpu.memory_space<hbm>> -> memref<1024xf32, #tpu.memory_space<hbm>>
    %dma_start3A_122 = arith.constant 7168 : i32
    %dma_start3A_123 = tpu.memref_slice %arg5[%dma_start3A_122] : memref<16384xf32, #tpu.memory_space<vmem>> -> memref<1024xf32, #tpu.memory_space<vmem>>
    %dma_start3A_124 = tpu.memref_slice %arg2[%dma_start3A_117, %mul3A_116] : memref<16x2600000xf32, #tpu.memory_space<hbm>> -> memref<1x1024xf32, #tpu.memory_space<hbm>>
    %dma_start3A_125 = tpu.memref_squeeze %dma_start3A_124 : memref<1x1024xf32, #tpu.memory_space<hbm>> -> memref<1024xf32, #tpu.memory_space<hbm>>
    tpu.enqueue_dma source(%dma_start3A_125 : memref<1024xf32, #tpu.memory_space<hbm>>) target(%dma_start3A_123 : memref<1024xf32, #tpu.memory_space<vmem>>) target_semaphore(%arg10 : memref<!tpu.dma_semaphore, #tpu.memory_space<semaphore_mem>>)
    %add3A_126 = arith.constant 0 : i32
    %add3A_127 = arith.addi %add3A, %add3A_126 : i32
    %mul3A_128 = arith.constant 1024 : i32
    %mul3A_129 = arith.muli %add3A_127, %mul3A_128 : i32
    %dma_start3A_130 = arith.constant 8 : i32
    %dma_start3A_131 = arith.constant 8192 : i32
    %dma_start3A_132 = tpu.memref_slice %arg5[%dma_start3A_131] : memref<16384xf32, #tpu.memory_space<vmem>> -> memref<1024xf32, #tpu.memory_space<vmem>>
    %dma_start3A_133 = tpu.memref_slice %arg2[%dma_start3A_130, %mul3A_129] : memref<16x2600000xf32, #tpu.memory_space<hbm>> -> memref<1x1024xf32, #tpu.memory_space<hbm>>
    %dma_start3A_134 = tpu.memref_squeeze %dma_start3A_133 : memref<1x1024xf32, #tpu.memory_space<hbm>> -> memref<1024xf32, #tpu.memory_space<hbm>>
    %dma_start3A_135 = arith.constant 8192 : i32
    %dma_start3A_136 = tpu.memref_slice %arg5[%dma_start3A_135] : memref<16384xf32, #tpu.memory_space<vmem>> -> memref<1024xf32, #tpu.memory_space<vmem>>
    %dma_start3A_137 = tpu.memref_slice %arg2[%dma_start3A_130, %mul3A_129] : memref<16x2600000xf32, #tpu.memory_space<hbm>> -> memref<1x1024xf32, #tpu.memory_space<hbm>>
    %dma_start3A_138 = tpu.memref_squeeze %dma_start3A_137 : memref<1x1024xf32, #tpu.memory_space<hbm>> -> memref<1024xf32, #tpu.memory_space<hbm>>
    tpu.enqueue_dma source(%dma_start3A_138 : memref<1024xf32, #tpu.memory_space<hbm>>) target(%dma_start3A_136 : memref<1024xf32, #tpu.memory_space<vmem>>) target_semaphore(%arg10 : memref<!tpu.dma_semaphore, #tpu.memory_space<semaphore_mem>>)
    %add3A_139 = arith.constant 0 : i32
    %add3A_140 = arith.addi %add3A, %add3A_139 : i32
    %mul3A_141 = arith.constant 1024 : i32
    %mul3A_142 = arith.muli %add3A_140, %mul3A_141 : i32
    %dma_start3A_143 = arith.constant 9 : i32
    %dma_start3A_144 = arith.constant 9216 : i32
    %dma_start3A_145 = tpu.memref_slice %arg5[%dma_start3A_144] : memref<16384xf32, #tpu.memory_space<vmem>> -> memref<1024xf32, #tpu.memory_space<vmem>>
    %dma_start3A_146 = tpu.memref_slice %arg2[%dma_start3A_143, %mul3A_142] : memref<16x2600000xf32, #tpu.memory_space<hbm>> -> memref<1x1024xf32, #tpu.memory_space<hbm>>
    %dma_start3A_147 = tpu.memref_squeeze %dma_start3A_146 : memref<1x1024xf32, #tpu.memory_space<hbm>> -> memref<1024xf32, #tpu.memory_space<hbm>>
    %dma_start3A_148 = arith.constant 9216 : i32
    %dma_start3A_149 = tpu.memref_slice %arg5[%dma_start3A_148] : memref<16384xf32, #tpu.memory_space<vmem>> -> memref<1024xf32, #tpu.memory_space<vmem>>
    %dma_start3A_150 = tpu.memref_slice %arg2[%dma_start3A_143, %mul3A_142] : memref<16x2600000xf32, #tpu.memory_space<hbm>> -> memref<1x1024xf32, #tpu.memory_space<hbm>>
    %dma_start3A_151 = tpu.memref_squeeze %dma_start3A_150 : memref<1x1024xf32, #tpu.memory_space<hbm>> -> memref<1024xf32, #tpu.memory_space<hbm>>
    tpu.enqueue_dma source(%dma_start3A_151 : memref<1024xf32, #tpu.memory_space<hbm>>) target(%dma_start3A_149 : memref<1024xf32, #tpu.memory_space<vmem>>) target_semaphore(%arg10 : memref<!tpu.dma_semaphore, #tpu.memory_space<semaphore_mem>>)
    %add3A_152 = arith.constant 0 : i32
    %add3A_153 = arith.addi %add3A, %add3A_152 : i32
    %mul3A_154 = arith.constant 1024 : i32
    %mul3A_155 = arith.muli %add3A_153, %mul3A_154 : i32
    %dma_start3A_156 = arith.constant 10 : i32
    %dma_start3A_157 = arith.constant 10240 : i32
    %dma_start3A_158 = tpu.memref_slice %arg5[%dma_start3A_157] : memref<16384xf32, #tpu.memory_space<vmem>> -> memref<1024xf32, #tpu.memory_space<vmem>>
    %dma_start3A_159 = tpu.memref_slice %arg2[%dma_start3A_156, %mul3A_155] : memref<16x2600000xf32, #tpu.memory_space<hbm>> -> memref<1x1024xf32, #tpu.memory_space<hbm>>
    %dma_start3A_160 = tpu.memref_squeeze %dma_start3A_159 : memref<1x1024xf32, #tpu.memory_space<hbm>> -> memref<1024xf32, #tpu.memory_space<hbm>>
    %dma_start3A_161 = arith.constant 10240 : i32
    %dma_start3A_162 = tpu.memref_slice %arg5[%dma_start3A_161] : memref<16384xf32, #tpu.memory_space<vmem>> -> memref<1024xf32, #tpu.memory_space<vmem>>
    %dma_start3A_163 = tpu.memref_slice %arg2[%dma_start3A_156, %mul3A_155] : memref<16x2600000xf32, #tpu.memory_space<hbm>> -> memref<1x1024xf32, #tpu.memory_space<hbm>>
    %dma_start3A_164 = tpu.memref_squeeze %dma_start3A_163 : memref<1x1024xf32, #tpu.memory_space<hbm>> -> memref<1024xf32, #tpu.memory_space<hbm>>
    tpu.enqueue_dma source(%dma_start3A_164 : memref<1024xf32, #tpu.memory_space<hbm>>) target(%dma_start3A_162 : memref<1024xf32, #tpu.memory_space<vmem>>) target_semaphore(%arg10 : memref<!tpu.dma_semaphore, #tpu.memory_space<semaphore_mem>>)
    %add3A_165 = arith.constant 0 : i32
    %add3A_166 = arith.addi %add3A, %add3A_165 : i32
    %mul3A_167 = arith.constant 1024 : i32
    %mul3A_168 = arith.muli %add3A_166, %mul3A_167 : i32
    %dma_start3A_169 = arith.constant 11 : i32
    %dma_start3A_170 = arith.constant 11264 : i32
    %dma_start3A_171 = tpu.memref_slice %arg5[%dma_start3A_170] : memref<16384xf32, #tpu.memory_space<vmem>> -> memref<1024xf32, #tpu.memory_space<vmem>>
    %dma_start3A_172 = tpu.memref_slice %arg2[%dma_start3A_169, %mul3A_168] : memref<16x2600000xf32, #tpu.memory_space<hbm>> -> memref<1x1024xf32, #tpu.memory_space<hbm>>
    %dma_start3A_173 = tpu.memref_squeeze %dma_start3A_172 : memref<1x1024xf32, #tpu.memory_space<hbm>> -> memref<1024xf32, #tpu.memory_space<hbm>>
    %dma_start3A_174 = arith.constant 11264 : i32
    %dma_start3A_175 = tpu.memref_slice %arg5[%dma_start3A_174] : memref<16384xf32, #tpu.memory_space<vmem>> -> memref<1024xf32, #tpu.memory_space<vmem>>
    %dma_start3A_176 = tpu.memref_slice %arg2[%dma_start3A_169, %mul3A_168] : memref<16x2600000xf32, #tpu.memory_space<hbm>> -> memref<1x1024xf32, #tpu.memory_space<hbm>>
    %dma_start3A_177 = tpu.memref_squeeze %dma_start3A_176 : memref<1x1024xf32, #tpu.memory_space<hbm>> -> memref<1024xf32, #tpu.memory_space<hbm>>
    tpu.enqueue_dma source(%dma_start3A_177 : memref<1024xf32, #tpu.memory_space<hbm>>) target(%dma_start3A_175 : memref<1024xf32, #tpu.memory_space<vmem>>) target_semaphore(%arg10 : memref<!tpu.dma_semaphore, #tpu.memory_space<semaphore_mem>>)
    %add3A_178 = arith.constant 0 : i32
    %add3A_179 = arith.addi %add3A, %add3A_178 : i32
    %mul3A_180 = arith.constant 1024 : i32
    %mul3A_181 = arith.muli %add3A_179, %mul3A_180 : i32
    %dma_start3A_182 = arith.constant 12 : i32
    %dma_start3A_183 = arith.constant 12288 : i32
    %dma_start3A_184 = tpu.memref_slice %arg5[%dma_start3A_183] : memref<16384xf32, #tpu.memory_space<vmem>> -> memref<1024xf32, #tpu.memory_space<vmem>>
    %dma_start3A_185 = tpu.memref_slice %arg2[%dma_start3A_182, %mul3A_181] : memref<16x2600000xf32, #tpu.memory_space<hbm>> -> memref<1x1024xf32, #tpu.memory_space<hbm>>
    %dma_start3A_186 = tpu.memref_squeeze %dma_start3A_185 : memref<1x1024xf32, #tpu.memory_space<hbm>> -> memref<1024xf32, #tpu.memory_space<hbm>>
    %dma_start3A_187 = arith.constant 12288 : i32
    %dma_start3A_188 = tpu.memref_slice %arg5[%dma_start3A_187] : memref<16384xf32, #tpu.memory_space<vmem>> -> memref<1024xf32, #tpu.memory_space<vmem>>
    %dma_start3A_189 = tpu.memref_slice %arg2[%dma_start3A_182, %mul3A_181] : memref<16x2600000xf32, #tpu.memory_space<hbm>> -> memref<1x1024xf32, #tpu.memory_space<hbm>>
    %dma_start3A_190 = tpu.memref_squeeze %dma_start3A_189 : memref<1x1024xf32, #tpu.memory_space<hbm>> -> memref<1024xf32, #tpu.memory_space<hbm>>
    tpu.enqueue_dma source(%dma_start3A_190 : memref<1024xf32, #tpu.memory_space<hbm>>) target(%dma_start3A_188 : memref<1024xf32, #tpu.memory_space<vmem>>) target_semaphore(%arg10 : memref<!tpu.dma_semaphore, #tpu.memory_space<semaphore_mem>>)
    %add3A_191 = arith.constant 0 : i32
    %add3A_192 = arith.addi %add3A, %add3A_191 : i32
    %mul3A_193 = arith.constant 1024 : i32
    %mul3A_194 = arith.muli %add3A_192, %mul3A_193 : i32
    %dma_start3A_195 = arith.constant 13 : i32
    %dma_start3A_196 = arith.constant 13312 : i32
    %dma_start3A_197 = tpu.memref_slice %arg5[%dma_start3A_196] : memref<16384xf32, #tpu.memory_space<vmem>> -> memref<1024xf32, #tpu.memory_space<vmem>>
    %dma_start3A_198 = tpu.memref_slice %arg2[%dma_start3A_195, %mul3A_194] : memref<16x2600000xf32, #tpu.memory_space<hbm>> -> memref<1x1024xf32, #tpu.memory_space<hbm>>
    %dma_start3A_199 = tpu.memref_squeeze %dma_start3A_198 : memref<1x1024xf32, #tpu.memory_space<hbm>> -> memref<1024xf32, #tpu.memory_space<hbm>>
    %dma_start3A_200 = arith.constant 13312 : i32
    %dma_start3A_201 = tpu.memref_slice %arg5[%dma_start3A_200] : memref<16384xf32, #tpu.memory_space<vmem>> -> memref<1024xf32, #tpu.memory_space<vmem>>
    %dma_start3A_202 = tpu.memref_slice %arg2[%dma_start3A_195, %mul3A_194] : memref<16x2600000xf32, #tpu.memory_space<hbm>> -> memref<1x1024xf32, #tpu.memory_space<hbm>>
    %dma_start3A_203 = tpu.memref_squeeze %dma_start3A_202 : memref<1x1024xf32, #tpu.memory_space<hbm>> -> memref<1024xf32, #tpu.memory_space<hbm>>
    tpu.enqueue_dma source(%dma_start3A_203 : memref<1024xf32, #tpu.memory_space<hbm>>) target(%dma_start3A_201 : memref<1024xf32, #tpu.memory_space<vmem>>) target_semaphore(%arg10 : memref<!tpu.dma_semaphore, #tpu.memory_space<semaphore_mem>>)
    %add3A_204 = arith.constant 0 : i32
    %add3A_205 = arith.addi %add3A, %add3A_204 : i32
    %mul3A_206 = arith.constant 1024 : i32
    %mul3A_207 = arith.muli %add3A_205, %mul3A_206 : i32
    %dma_start3A_208 = arith.constant 14 : i32
    %dma_start3A_209 = arith.constant 14336 : i32
    %dma_start3A_210 = tpu.memref_slice %arg5[%dma_start3A_209] : memref<16384xf32, #tpu.memory_space<vmem>> -> memref<1024xf32, #tpu.memory_space<vmem>>
    %dma_start3A_211 = tpu.memref_slice %arg2[%dma_start3A_208, %mul3A_207] : memref<16x2600000xf32, #tpu.memory_space<hbm>> -> memref<1x1024xf32, #tpu.memory_space<hbm>>
    %dma_start3A_212 = tpu.memref_squeeze %dma_start3A_211 : memref<1x1024xf32, #tpu.memory_space<hbm>> -> memref<1024xf32, #tpu.memory_space<hbm>>
    %dma_start3A_213 = arith.constant 14336 : i32
    %dma_start3A_214 = tpu.memref_slice %arg5[%dma_start3A_213] : memref<16384xf32, #tpu.memory_space<vmem>> -> memref<1024xf32, #tpu.memory_space<vmem>>
    %dma_start3A_215 = tpu.memref_slice %arg2[%dma_start3A_208, %mul3A_207] : memref<16x2600000xf32, #tpu.memory_space<hbm>> -> memref<1x1024xf32, #tpu.memory_space<hbm>>
    %dma_start3A_216 = tpu.memref_squeeze %dma_start3A_215 : memref<1x1024xf32, #tpu.memory_space<hbm>> -> memref<1024xf32, #tpu.memory_space<hbm>>
    tpu.enqueue_dma source(%dma_start3A_216 : memref<1024xf32, #tpu.memory_space<hbm>>) target(%dma_start3A_214 : memref<1024xf32, #tpu.memory_space<vmem>>) target_semaphore(%arg10 : memref<!tpu.dma_semaphore, #tpu.memory_space<semaphore_mem>>)
    %add3A_217 = arith.constant 0 : i32
    %add3A_218 = arith.addi %add3A, %add3A_217 : i32
    %mul3A_219 = arith.constant 1024 : i32
    %mul3A_220 = arith.muli %add3A_218, %mul3A_219 : i32
    %dma_start3A_221 = arith.constant 15 : i32
    %dma_start3A_222 = arith.constant 15360 : i32
    %dma_start3A_223 = tpu.memref_slice %arg5[%dma_start3A_222] : memref<16384xf32, #tpu.memory_space<vmem>> -> memref<1024xf32, #tpu.memory_space<vmem>>
    %dma_start3A_224 = tpu.memref_slice %arg2[%dma_start3A_221, %mul3A_220] : memref<16x2600000xf32, #tpu.memory_space<hbm>> -> memref<1x1024xf32, #tpu.memory_space<hbm>>
    %dma_start3A_225 = tpu.memref_squeeze %dma_start3A_224 : memref<1x1024xf32, #tpu.memory_space<hbm>> -> memref<1024xf32, #tpu.memory_space<hbm>>
    %dma_start3A_226 = arith.constant 15360 : i32
    %dma_start3A_227 = tpu.memref_slice %arg5[%dma_start3A_226] : memref<16384xf32, #tpu.memory_space<vmem>> -> memref<1024xf32, #tpu.memory_space<vmem>>
    %dma_start3A_228 = tpu.memref_slice %arg2[%dma_start3A_221, %mul3A_220] : memref<16x2600000xf32, #tpu.memory_space<hbm>> -> memref<1x1024xf32, #tpu.memory_space<hbm>>
    %dma_start3A_229 = tpu.memref_squeeze %dma_start3A_228 : memref<1x1024xf32, #tpu.memory_space<hbm>> -> memref<1024xf32, #tpu.memory_space<hbm>>
    tpu.enqueue_dma source(%dma_start3A_229 : memref<1024xf32, #tpu.memory_space<hbm>>) target(%dma_start3A_227 : memref<1024xf32, #tpu.memory_space<vmem>>) target_semaphore(%arg10 : memref<!tpu.dma_semaphore, #tpu.memory_space<semaphore_mem>>)
    %while3A = arith.constant 0 : i32
    %while3A_230 = arith.constant 0 : i32
    %while3A_231 = arith.subi %select_n3A, %while3A : i32
    %while3A_232 = arith.addi %while3A, %while3A_231 : i32
    %while3A_233 = arith.constant 1 : i32
    %while3A_234 = arith.divsi %while3A_231, %while3A_233 : i32
    %while3A_235 = arith.muli %while3A_234, %while3A_233 : i32
    %while3A_236 = arith.addi %while3A, %while3A_235 : i32
    %while3A_237 = arith.constant 1 : i32
    %while3A_238 = scf.for %while3A_275 = %while3A to %while3A_236 step %while3A_237 iter_args(%while3A_276 = %while3A_230) -> (i32)  : i32 {
      %rem3A_277 = arith.constant 2 : i32
      %rem3A_278 = arith.remsi %while3A_275, %rem3A_277 : i32
      %add3A_279 = arith.constant 1 : i32
      %add3A_280 = arith.addi %while3A_275, %add3A_279 : i32
      %lt3A = arith.cmpi slt, %add3A_280, %select_n3A : i32
      %convert_element_type3A_281 = arith.extui %lt3A : i1 to i32
      %cond3A_282 = arith.constant 0 : i32
      %cond3A_283 = arith.cmpi ne, %convert_element_type3A_281, %cond3A_282 : i32
      scf.if %cond3A_283 {
        %eq3A_299 = arith.constant 0 : i32
        %eq3A_300 = arith.cmpi eq, %rem3A_278, %eq3A_299 : i32
        %convert_element_type3A_301 = arith.extui %eq3A_300 : i1 to i32
        %cond3A_302 = arith.constant 0 : i32
        %cond3A_303 = arith.cmpi ne, %convert_element_type3A_301, %cond3A_302 : i32
        scf.if %cond3A_303 {
          %add3A_309 = arith.constant 1 : i32
          %add3A_310 = arith.addi %while3A_275, %add3A_309 : i32
          %mul3A_311 = arith.constant 32 : i32
          %mul3A_312 = arith.muli %add3A_310, %mul3A_311 : i32
          %add3A_313 = arith.addi %add3A, %mul3A_312 : i32
          %mul3A_314 = arith.constant 1024 : i32
          %mul3A_315 = arith.muli %add3A_313, %mul3A_314 : i32
          %dma_start3A_316 = arith.constant 0 : i32
          %dma_start3A_317 = arith.constant 0 : i32
          %dma_start3A_318 = tpu.memref_slice %arg6[%dma_start3A_317] : memref<16384xf32, #tpu.memory_space<vmem>> -> memref<1024xf32, #tpu.memory_space<vmem>>
          %dma_start3A_319 = tpu.memref_slice %arg2[%dma_start3A_316, %mul3A_315] : memref<16x2600000xf32, #tpu.memory_space<hbm>> -> memref<1x1024xf32, #tpu.memory_space<hbm>>
          %dma_start3A_320 = tpu.memref_squeeze %dma_start3A_319 : memref<1x1024xf32, #tpu.memory_space<hbm>> -> memref<1024xf32, #tpu.memory_space<hbm>>
          %dma_start3A_321 = arith.constant 0 : i32
          %dma_start3A_322 = tpu.memref_slice %arg6[%dma_start3A_321] : memref<16384xf32, #tpu.memory_space<vmem>> -> memref<1024xf32, #tpu.memory_space<vmem>>
          %dma_start3A_323 = tpu.memref_slice %arg2[%dma_start3A_316, %mul3A_315] : memref<16x2600000xf32, #tpu.memory_space<hbm>> -> memref<1x1024xf32, #tpu.memory_space<hbm>>
          %dma_start3A_324 = tpu.memref_squeeze %dma_start3A_323 : memref<1x1024xf32, #tpu.memory_space<hbm>> -> memref<1024xf32, #tpu.memory_space<hbm>>
          tpu.enqueue_dma source(%dma_start3A_324 : memref<1024xf32, #tpu.memory_space<hbm>>) target(%dma_start3A_322 : memref<1024xf32, #tpu.memory_space<vmem>>) target_semaphore(%arg11 : memref<!tpu.dma_semaphore, #tpu.memory_space<semaphore_mem>>)
          %mul3A_325 = arith.constant 32 : i32
          %mul3A_326 = arith.muli %add3A_310, %mul3A_325 : i32
          %add3A_327 = arith.addi %add3A, %mul3A_326 : i32
          %mul3A_328 = arith.constant 1024 : i32
          %mul3A_329 = arith.muli %add3A_327, %mul3A_328 : i32
          %dma_start3A_330 = arith.constant 1 : i32
          %dma_start3A_331 = arith.constant 1024 : i32
          %dma_start3A_332 = tpu.memref_slice %arg6[%dma_start3A_331] : memref<16384xf32, #tpu.memory_space<vmem>> -> memref<1024xf32, #tpu.memory_space<vmem>>
          %dma_start3A_333 = tpu.memref_slice %arg2[%dma_start3A_330, %mul3A_329] : memref<16x2600000xf32, #tpu.memory_space<hbm>> -> memref<1x1024xf32, #tpu.memory_space<hbm>>
          %dma_start3A_334 = tpu.memref_squeeze %dma_start3A_333 : memref<1x1024xf32, #tpu.memory_space<hbm>> -> memref<1024xf32, #tpu.memory_space<hbm>>
          %dma_start3A_335 = arith.constant 1024 : i32
          %dma_start3A_336 = tpu.memref_slice %arg6[%dma_start3A_335] : memref<16384xf32, #tpu.memory_space<vmem>> -> memref<1024xf32, #tpu.memory_space<vmem>>
          %dma_start3A_337 = tpu.memref_slice %arg2[%dma_start3A_330, %mul3A_329] : memref<16x2600000xf32, #tpu.memory_space<hbm>> -> memref<1x1024xf32, #tpu.memory_space<hbm>>
          %dma_start3A_338 = tpu.memref_squeeze %dma_start3A_337 : memref<1x1024xf32, #tpu.memory_space<hbm>> -> memref<1024xf32, #tpu.memory_space<hbm>>
          tpu.enqueue_dma source(%dma_start3A_338 : memref<1024xf32, #tpu.memory_space<hbm>>) target(%dma_start3A_336 : memref<1024xf32, #tpu.memory_space<vmem>>) target_semaphore(%arg11 : memref<!tpu.dma_semaphore, #tpu.memory_space<semaphore_mem>>)
          %mul3A_339 = arith.constant 32 : i32
          %mul3A_340 = arith.muli %add3A_310, %mul3A_339 : i32
          %add3A_341 = arith.addi %add3A, %mul3A_340 : i32
          %mul3A_342 = arith.constant 1024 : i32
          %mul3A_343 = arith.muli %add3A_341, %mul3A_342 : i32
          %dma_start3A_344 = arith.constant 2 : i32
          %dma_start3A_345 = arith.constant 2048 : i32
          %dma_start3A_346 = tpu.memref_slice %arg6[%dma_start3A_345] : memref<16384xf32, #tpu.memory_space<vmem>> -> memref<1024xf32, #tpu.memory_space<vmem>>
          %dma_start3A_347 = tpu.memref_slice %arg2[%dma_start3A_344, %mul3A_343] : memref<16x2600000xf32, #tpu.memory_space<hbm>> -> memref<1x1024xf32, #tpu.memory_space<hbm>>
          %dma_start3A_348 = tpu.memref_squeeze %dma_start3A_347 : memref<1x1024xf32, #tpu.memory_space<hbm>> -> memref<1024xf32, #tpu.memory_space<hbm>>
          %dma_start3A_349 = arith.constant 2048 : i32
          %dma_start3A_350 = tpu.memref_slice %arg6[%dma_start3A_349] : memref<16384xf32, #tpu.memory_space<vmem>> -> memref<1024xf32, #tpu.memory_space<vmem>>
          %dma_start3A_351 = tpu.memref_slice %arg2[%dma_start3A_344, %mul3A_343] : memref<16x2600000xf32, #tpu.memory_space<hbm>> -> memref<1x1024xf32, #tpu.memory_space<hbm>>
          %dma_start3A_352 = tpu.memref_squeeze %dma_start3A_351 : memref<1x1024xf32, #tpu.memory_space<hbm>> -> memref<1024xf32, #tpu.memory_space<hbm>>
          tpu.enqueue_dma source(%dma_start3A_352 : memref<1024xf32, #tpu.memory_space<hbm>>) target(%dma_start3A_350 : memref<1024xf32, #tpu.memory_space<vmem>>) target_semaphore(%arg11 : memref<!tpu.dma_semaphore, #tpu.memory_space<semaphore_mem>>)
          %mul3A_353 = arith.constant 32 : i32
          %mul3A_354 = arith.muli %add3A_310, %mul3A_353 : i32
          %add3A_355 = arith.addi %add3A, %mul3A_354 : i32
          %mul3A_356 = arith.constant 1024 : i32
          %mul3A_357 = arith.muli %add3A_355, %mul3A_356 : i32
          %dma_start3A_358 = arith.constant 3 : i32
          %dma_start3A_359 = arith.constant 3072 : i32
          %dma_start3A_360 = tpu.memref_slice %arg6[%dma_start3A_359] : memref<16384xf32, #tpu.memory_space<vmem>> -> memref<1024xf32, #tpu.memory_space<vmem>>
          %dma_start3A_361 = tpu.memref_slice %arg2[%dma_start3A_358, %mul3A_357] : memref<16x2600000xf32, #tpu.memory_space<hbm>> -> memref<1x1024xf32, #tpu.memory_space<hbm>>
          %dma_start3A_362 = tpu.memref_squeeze %dma_start3A_361 : memref<1x1024xf32, #tpu.memory_space<hbm>> -> memref<1024xf32, #tpu.memory_space<hbm>>
          %dma_start3A_363 = arith.constant 3072 : i32
          %dma_start3A_364 = tpu.memref_slice %arg6[%dma_start3A_363] : memref<16384xf32, #tpu.memory_space<vmem>> -> memref<1024xf32, #tpu.memory_space<vmem>>
          %dma_start3A_365 = tpu.memref_slice %arg2[%dma_start3A_358, %mul3A_357] : memref<16x2600000xf32, #tpu.memory_space<hbm>> -> memref<1x1024xf32, #tpu.memory_space<hbm>>
          %dma_start3A_366 = tpu.memref_squeeze %dma_start3A_365 : memref<1x1024xf32, #tpu.memory_space<hbm>> -> memref<1024xf32, #tpu.memory_space<hbm>>
          tpu.enqueue_dma source(%dma_start3A_366 : memref<1024xf32, #tpu.memory_space<hbm>>) target(%dma_start3A_364 : memref<1024xf32, #tpu.memory_space<vmem>>) target_semaphore(%arg11 : memref<!tpu.dma_semaphore, #tpu.memory_space<semaphore_mem>>)
          %mul3A_367 = arith.constant 32 : i32
          %mul3A_368 = arith.muli %add3A_310, %mul3A_367 : i32
          %add3A_369 = arith.addi %add3A, %mul3A_368 : i32
          %mul3A_370 = arith.constant 1024 : i32
          %mul3A_371 = arith.muli %add3A_369, %mul3A_370 : i32
          %dma_start3A_372 = arith.constant 4 : i32
          %dma_start3A_373 = arith.constant 4096 : i32
          %dma_start3A_374 = tpu.memref_slice %arg6[%dma_start3A_373] : memref<16384xf32, #tpu.memory_space<vmem>> -> memref<1024xf32, #tpu.memory_space<vmem>>
          %dma_start3A_375 = tpu.memref_slice %arg2[%dma_start3A_372, %mul3A_371] : memref<16x2600000xf32, #tpu.memory_space<hbm>> -> memref<1x1024xf32, #tpu.memory_space<hbm>>
          %dma_start3A_376 = tpu.memref_squeeze %dma_start3A_375 : memref<1x1024xf32, #tpu.memory_space<hbm>> -> memref<1024xf32, #tpu.memory_space<hbm>>
          %dma_start3A_377 = arith.constant 4096 : i32
          %dma_start3A_378 = tpu.memref_slice %arg6[%dma_start3A_377] : memref<16384xf32, #tpu.memory_space<vmem>> -> memref<1024xf32, #tpu.memory_space<vmem>>
          %dma_start3A_379 = tpu.memref_slice %arg2[%dma_start3A_372, %mul3A_371] : memref<16x2600000xf32, #tpu.memory_space<hbm>> -> memref<1x1024xf32, #tpu.memory_space<hbm>>
          %dma_start3A_380 = tpu.memref_squeeze %dma_start3A_379 : memref<1x1024xf32, #tpu.memory_space<hbm>> -> memref<1024xf32, #tpu.memory_space<hbm>>
          tpu.enqueue_dma source(%dma_start3A_380 : memref<1024xf32, #tpu.memory_space<hbm>>) target(%dma_start3A_378 : memref<1024xf32, #tpu.memory_space<vmem>>) target_semaphore(%arg11 : memref<!tpu.dma_semaphore, #tpu.memory_space<semaphore_mem>>)
          %mul3A_381 = arith.constant 32 : i32
          %mul3A_382 = arith.muli %add3A_310, %mul3A_381 : i32
          %add3A_383 = arith.addi %add3A, %mul3A_382 : i32
          %mul3A_384 = arith.constant 1024 : i32
          %mul3A_385 = arith.muli %add3A_383, %mul3A_384 : i32
          %dma_start3A_386 = arith.constant 5 : i32
          %dma_start3A_387 = arith.constant 5120 : i32
          %dma_start3A_388 = tpu.memref_slice %arg6[%dma_start3A_387] : memref<16384xf32, #tpu.memory_space<vmem>> -> memref<1024xf32, #tpu.memory_space<vmem>>
          %dma_start3A_389 = tpu.memref_slice %arg2[%dma_start3A_386, %mul3A_385] : memref<16x2600000xf32, #tpu.memory_space<hbm>> -> memref<1x1024xf32, #tpu.memory_space<hbm>>
          %dma_start3A_390 = tpu.memref_squeeze %dma_start3A_389 : memref<1x1024xf32, #tpu.memory_space<hbm>> -> memref<1024xf32, #tpu.memory_space<hbm>>
          %dma_start3A_391 = arith.constant 5120 : i32
          %dma_start3A_392 = tpu.memref_slice %arg6[%dma_start3A_391] : memref<16384xf32, #tpu.memory_space<vmem>> -> memref<1024xf32, #tpu.memory_space<vmem>>
          %dma_start3A_393 = tpu.memref_slice %arg2[%dma_start3A_386, %mul3A_385] : memref<16x2600000xf32, #tpu.memory_space<hbm>> -> memref<1x1024xf32, #tpu.memory_space<hbm>>
          %dma_start3A_394 = tpu.memref_squeeze %dma_start3A_393 : memref<1x1024xf32, #tpu.memory_space<hbm>> -> memref<1024xf32, #tpu.memory_space<hbm>>
          tpu.enqueue_dma source(%dma_start3A_394 : memref<1024xf32, #tpu.memory_space<hbm>>) target(%dma_start3A_392 : memref<1024xf32, #tpu.memory_space<vmem>>) target_semaphore(%arg11 : memref<!tpu.dma_semaphore, #tpu.memory_space<semaphore_mem>>)
          %mul3A_395 = arith.constant 32 : i32
          %mul3A_396 = arith.muli %add3A_310, %mul3A_395 : i32
          %add3A_397 = arith.addi %add3A, %mul3A_396 : i32
          %mul3A_398 = arith.constant 1024 : i32
          %mul3A_399 = arith.muli %add3A_397, %mul3A_398 : i32
          %dma_start3A_400 = arith.constant 6 : i32
          %dma_start3A_401 = arith.constant 6144 : i32
          %dma_start3A_402 = tpu.memref_slice %arg6[%dma_start3A_401] : memref<16384xf32, #tpu.memory_space<vmem>> -> memref<1024xf32, #tpu.memory_space<vmem>>
          %dma_start3A_403 = tpu.memref_slice %arg2[%dma_start3A_400, %mul3A_399] : memref<16x2600000xf32, #tpu.memory_space<hbm>> -> memref<1x1024xf32, #tpu.memory_space<hbm>>
          %dma_start3A_404 = tpu.memref_squeeze %dma_start3A_403 : memref<1x1024xf32, #tpu.memory_space<hbm>> -> memref<1024xf32, #tpu.memory_space<hbm>>
          %dma_start3A_405 = arith.constant 6144 : i32
          %dma_start3A_406 = tpu.memref_slice %arg6[%dma_start3A_405] : memref<16384xf32, #tpu.memory_space<vmem>> -> memref<1024xf32, #tpu.memory_space<vmem>>
          %dma_start3A_407 = tpu.memref_slice %arg2[%dma_start3A_400, %mul3A_399] : memref<16x2600000xf32, #tpu.memory_space<hbm>> -> memref<1x1024xf32, #tpu.memory_space<hbm>>
          %dma_start3A_408 = tpu.memref_squeeze %dma_start3A_407 : memref<1x1024xf32, #tpu.memory_space<hbm>> -> memref<1024xf32, #tpu.memory_space<hbm>>
          tpu.enqueue_dma source(%dma_start3A_408 : memref<1024xf32, #tpu.memory_space<hbm>>) target(%dma_start3A_406 : memref<1024xf32, #tpu.memory_space<vmem>>) target_semaphore(%arg11 : memref<!tpu.dma_semaphore, #tpu.memory_space<semaphore_mem>>)
          %mul3A_409 = arith.constant 32 : i32
          %mul3A_410 = arith.muli %add3A_310, %mul3A_409 : i32
          %add3A_411 = arith.addi %add3A, %mul3A_410 : i32
          %mul3A_412 = arith.constant 1024 : i32
          %mul3A_413 = arith.muli %add3A_411, %mul3A_412 : i32
          %dma_start3A_414 = arith.constant 7 : i32
          %dma_start3A_415 = arith.constant 7168 : i32
          %dma_start3A_416 = tpu.memref_slice %arg6[%dma_start3A_415] : memref<16384xf32, #tpu.memory_space<vmem>> -> memref<1024xf32, #tpu.memory_space<vmem>>
          %dma_start3A_417 = tpu.memref_slice %arg2[%dma_start3A_414, %mul3A_413] : memref<16x2600000xf32, #tpu.memory_space<hbm>> -> memref<1x1024xf32, #tpu.memory_space<hbm>>
          %dma_start3A_418 = tpu.memref_squeeze %dma_start3A_417 : memref<1x1024xf32, #tpu.memory_space<hbm>> -> memref<1024xf32, #tpu.memory_space<hbm>>
          %dma_start3A_419 = arith.constant 7168 : i32
          %dma_start3A_420 = tpu.memref_slice %arg6[%dma_start3A_419] : memref<16384xf32, #tpu.memory_space<vmem>> -> memref<1024xf32, #tpu.memory_space<vmem>>
          %dma_start3A_421 = tpu.memref_slice %arg2[%dma_start3A_414, %mul3A_413] : memref<16x2600000xf32, #tpu.memory_space<hbm>> -> memref<1x1024xf32, #tpu.memory_space<hbm>>
          %dma_start3A_422 = tpu.memref_squeeze %dma_start3A_421 : memref<1x1024xf32, #tpu.memory_space<hbm>> -> memref<1024xf32, #tpu.memory_space<hbm>>
          tpu.enqueue_dma source(%dma_start3A_422 : memref<1024xf32, #tpu.memory_space<hbm>>) target(%dma_start3A_420 : memref<1024xf32, #tpu.memory_space<vmem>>) target_semaphore(%arg11 : memref<!tpu.dma_semaphore, #tpu.memory_space<semaphore_mem>>)
          %mul3A_423 = arith.constant 32 : i32
          %mul3A_424 = arith.muli %add3A_310, %mul3A_423 : i32
          %add3A_425 = arith.addi %add3A, %mul3A_424 : i32
          %mul3A_426 = arith.constant 1024 : i32
          %mul3A_427 = arith.muli %add3A_425, %mul3A_426 : i32
          %dma_start3A_428 = arith.constant 8 : i32
          %dma_start3A_429 = arith.constant 8192 : i32
          %dma_start3A_430 = tpu.memref_slice %arg6[%dma_start3A_429] : memref<16384xf32, #tpu.memory_space<vmem>> -> memref<1024xf32, #tpu.memory_space<vmem>>
          %dma_start3A_431 = tpu.memref_slice %arg2[%dma_start3A_428, %mul3A_427] : memref<16x2600000xf32, #tpu.memory_space<hbm>> -> memref<1x1024xf32, #tpu.memory_space<hbm>>
          %dma_start3A_432 = tpu.memref_squeeze %dma_start3A_431 : memref<1x1024xf32, #tpu.memory_space<hbm>> -> memref<1024xf32, #tpu.memory_space<hbm>>
          %dma_start3A_433 = arith.constant 8192 : i32
          %dma_start3A_434 = tpu.memref_slice %arg6[%dma_start3A_433] : memref<16384xf32, #tpu.memory_space<vmem>> -> memref<1024xf32, #tpu.memory_space<vmem>>
          %dma_start3A_435 = tpu.memref_slice %arg2[%dma_start3A_428, %mul3A_427] : memref<16x2600000xf32, #tpu.memory_space<hbm>> -> memref<1x1024xf32, #tpu.memory_space<hbm>>
          %dma_start3A_436 = tpu.memref_squeeze %dma_start3A_435 : memref<1x1024xf32, #tpu.memory_space<hbm>> -> memref<1024xf32, #tpu.memory_space<hbm>>
          tpu.enqueue_dma source(%dma_start3A_436 : memref<1024xf32, #tpu.memory_space<hbm>>) target(%dma_start3A_434 : memref<1024xf32, #tpu.memory_space<vmem>>) target_semaphore(%arg11 : memref<!tpu.dma_semaphore, #tpu.memory_space<semaphore_mem>>)
          %mul3A_437 = arith.constant 32 : i32
          %mul3A_438 = arith.muli %add3A_310, %mul3A_437 : i32
          %add3A_439 = arith.addi %add3A, %mul3A_438 : i32
          %mul3A_440 = arith.constant 1024 : i32
          %mul3A_441 = arith.muli %add3A_439, %mul3A_440 : i32
          %dma_start3A_442 = arith.constant 9 : i32
          %dma_start3A_443 = arith.constant 9216 : i32
          %dma_start3A_444 = tpu.memref_slice %arg6[%dma_start3A_443] : memref<16384xf32, #tpu.memory_space<vmem>> -> memref<1024xf32, #tpu.memory_space<vmem>>
          %dma_start3A_445 = tpu.memref_slice %arg2[%dma_start3A_442, %mul3A_441] : memref<16x2600000xf32, #tpu.memory_space<hbm>> -> memref<1x1024xf32, #tpu.memory_space<hbm>>
          %dma_start3A_446 = tpu.memref_squeeze %dma_start3A_445 : memref<1x1024xf32, #tpu.memory_space<hbm>> -> memref<1024xf32, #tpu.memory_space<hbm>>
          %dma_start3A_447 = arith.constant 9216 : i32
          %dma_start3A_448 = tpu.memref_slice %arg6[%dma_start3A_447] : memref<16384xf32, #tpu.memory_space<vmem>> -> memref<1024xf32, #tpu.memory_space<vmem>>
          %dma_start3A_449 = tpu.memref_slice %arg2[%dma_start3A_442, %mul3A_441] : memref<16x2600000xf32, #tpu.memory_space<hbm>> -> memref<1x1024xf32, #tpu.memory_space<hbm>>
          %dma_start3A_450 = tpu.memref_squeeze %dma_start3A_449 : memref<1x1024xf32, #tpu.memory_space<hbm>> -> memref<1024xf32, #tpu.memory_space<hbm>>
          tpu.enqueue_dma source(%dma_start3A_450 : memref<1024xf32, #tpu.memory_space<hbm>>) target(%dma_start3A_448 : memref<1024xf32, #tpu.memory_space<vmem>>) target_semaphore(%arg11 : memref<!tpu.dma_semaphore, #tpu.memory_space<semaphore_mem>>)
          %mul3A_451 = arith.constant 32 : i32
          %mul3A_452 = arith.muli %add3A_310, %mul3A_451 : i32
          %add3A_453 = arith.addi %add3A, %mul3A_452 : i32
          %mul3A_454 = arith.constant 1024 : i32
          %mul3A_455 = arith.muli %add3A_453, %mul3A_454 : i32
          %dma_start3A_456 = arith.constant 10 : i32
          %dma_start3A_457 = arith.constant 10240 : i32
          %dma_start3A_458 = tpu.memref_slice %arg6[%dma_start3A_457] : memref<16384xf32, #tpu.memory_space<vmem>> -> memref<1024xf32, #tpu.memory_space<vmem>>
          %dma_start3A_459 = tpu.memref_slice %arg2[%dma_start3A_456, %mul3A_455] : memref<16x2600000xf32, #tpu.memory_space<hbm>> -> memref<1x1024xf32, #tpu.memory_space<hbm>>
          %dma_start3A_460 = tpu.memref_squeeze %dma_start3A_459 : memref<1x1024xf32, #tpu.memory_space<hbm>> -> memref<1024xf32, #tpu.memory_space<hbm>>
          %dma_start3A_461 = arith.constant 10240 : i32
          %dma_start3A_462 = tpu.memref_slice %arg6[%dma_start3A_461] : memref<16384xf32, #tpu.memory_space<vmem>> -> memref<1024xf32, #tpu.memory_space<vmem>>
          %dma_start3A_463 = tpu.memref_slice %arg2[%dma_start3A_456, %mul3A_455] : memref<16x2600000xf32, #tpu.memory_space<hbm>> -> memref<1x1024xf32, #tpu.memory_space<hbm>>
          %dma_start3A_464 = tpu.memref_squeeze %dma_start3A_463 : memref<1x1024xf32, #tpu.memory_space<hbm>> -> memref<1024xf32, #tpu.memory_space<hbm>>
          tpu.enqueue_dma source(%dma_start3A_464 : memref<1024xf32, #tpu.memory_space<hbm>>) target(%dma_start3A_462 : memref<1024xf32, #tpu.memory_space<vmem>>) target_semaphore(%arg11 : memref<!tpu.dma_semaphore, #tpu.memory_space<semaphore_mem>>)
          %mul3A_465 = arith.constant 32 : i32
          %mul3A_466 = arith.muli %add3A_310, %mul3A_465 : i32
          %add3A_467 = arith.addi %add3A, %mul3A_466 : i32
          %mul3A_468 = arith.constant 1024 : i32
          %mul3A_469 = arith.muli %add3A_467, %mul3A_468 : i32
          %dma_start3A_470 = arith.constant 11 : i32
          %dma_start3A_471 = arith.constant 11264 : i32
          %dma_start3A_472 = tpu.memref_slice %arg6[%dma_start3A_471] : memref<16384xf32, #tpu.memory_space<vmem>> -> memref<1024xf32, #tpu.memory_space<vmem>>
          %dma_start3A_473 = tpu.memref_slice %arg2[%dma_start3A_470, %mul3A_469] : memref<16x2600000xf32, #tpu.memory_space<hbm>> -> memref<1x1024xf32, #tpu.memory_space<hbm>>
          %dma_start3A_474 = tpu.memref_squeeze %dma_start3A_473 : memref<1x1024xf32, #tpu.memory_space<hbm>> -> memref<1024xf32, #tpu.memory_space<hbm>>
          %dma_start3A_475 = arith.constant 11264 : i32
          %dma_start3A_476 = tpu.memref_slice %arg6[%dma_start3A_475] : memref<16384xf32, #tpu.memory_space<vmem>> -> memref<1024xf32, #tpu.memory_space<vmem>>
          %dma_start3A_477 = tpu.memref_slice %arg2[%dma_start3A_470, %mul3A_469] : memref<16x2600000xf32, #tpu.memory_space<hbm>> -> memref<1x1024xf32, #tpu.memory_space<hbm>>
          %dma_start3A_478 = tpu.memref_squeeze %dma_start3A_477 : memref<1x1024xf32, #tpu.memory_space<hbm>> -> memref<1024xf32, #tpu.memory_space<hbm>>
          tpu.enqueue_dma source(%dma_start3A_478 : memref<1024xf32, #tpu.memory_space<hbm>>) target(%dma_start3A_476 : memref<1024xf32, #tpu.memory_space<vmem>>) target_semaphore(%arg11 : memref<!tpu.dma_semaphore, #tpu.memory_space<semaphore_mem>>)
          %mul3A_479 = arith.constant 32 : i32
          %mul3A_480 = arith.muli %add3A_310, %mul3A_479 : i32
          %add3A_481 = arith.addi %add3A, %mul3A_480 : i32
          %mul3A_482 = arith.constant 1024 : i32
          %mul3A_483 = arith.muli %add3A_481, %mul3A_482 : i32
          %dma_start3A_484 = arith.constant 12 : i32
          %dma_start3A_485 = arith.constant 12288 : i32
          %dma_start3A_486 = tpu.memref_slice %arg6[%dma_start3A_485] : memref<16384xf32, #tpu.memory_space<vmem>> -> memref<1024xf32, #tpu.memory_space<vmem>>
          %dma_start3A_487 = tpu.memref_slice %arg2[%dma_start3A_484, %mul3A_483] : memref<16x2600000xf32, #tpu.memory_space<hbm>> -> memref<1x1024xf32, #tpu.memory_space<hbm>>
          %dma_start3A_488 = tpu.memref_squeeze %dma_start3A_487 : memref<1x1024xf32, #tpu.memory_space<hbm>> -> memref<1024xf32, #tpu.memory_space<hbm>>
          %dma_start3A_489 = arith.constant 12288 : i32
          %dma_start3A_490 = tpu.memref_slice %arg6[%dma_start3A_489] : memref<16384xf32, #tpu.memory_space<vmem>> -> memref<1024xf32, #tpu.memory_space<vmem>>
          %dma_start3A_491 = tpu.memref_slice %arg2[%dma_start3A_484, %mul3A_483] : memref<16x2600000xf32, #tpu.memory_space<hbm>> -> memref<1x1024xf32, #tpu.memory_space<hbm>>
          %dma_start3A_492 = tpu.memref_squeeze %dma_start3A_491 : memref<1x1024xf32, #tpu.memory_space<hbm>> -> memref<1024xf32, #tpu.memory_space<hbm>>
          tpu.enqueue_dma source(%dma_start3A_492 : memref<1024xf32, #tpu.memory_space<hbm>>) target(%dma_start3A_490 : memref<1024xf32, #tpu.memory_space<vmem>>) target_semaphore(%arg11 : memref<!tpu.dma_semaphore, #tpu.memory_space<semaphore_mem>>)
          %mul3A_493 = arith.constant 32 : i32
          %mul3A_494 = arith.muli %add3A_310, %mul3A_493 : i32
          %add3A_495 = arith.addi %add3A, %mul3A_494 : i32
          %mul3A_496 = arith.constant 1024 : i32
          %mul3A_497 = arith.muli %add3A_495, %mul3A_496 : i32
          %dma_start3A_498 = arith.constant 13 : i32
          %dma_start3A_499 = arith.constant 13312 : i32
          %dma_start3A_500 = tpu.memref_slice %arg6[%dma_start3A_499] : memref<16384xf32, #tpu.memory_space<vmem>> -> memref<1024xf32, #tpu.memory_space<vmem>>
          %dma_start3A_501 = tpu.memref_slice %arg2[%dma_start3A_498, %mul3A_497] : memref<16x2600000xf32, #tpu.memory_space<hbm>> -> memref<1x1024xf32, #tpu.memory_space<hbm>>
          %dma_start3A_502 = tpu.memref_squeeze %dma_start3A_501 : memref<1x1024xf32, #tpu.memory_space<hbm>> -> memref<1024xf32, #tpu.memory_space<hbm>>
          %dma_start3A_503 = arith.constant 13312 : i32
          %dma_start3A_504 = tpu.memref_slice %arg6[%dma_start3A_503] : memref<16384xf32, #tpu.memory_space<vmem>> -> memref<1024xf32, #tpu.memory_space<vmem>>
          %dma_start3A_505 = tpu.memref_slice %arg2[%dma_start3A_498, %mul3A_497] : memref<16x2600000xf32, #tpu.memory_space<hbm>> -> memref<1x1024xf32, #tpu.memory_space<hbm>>
          %dma_start3A_506 = tpu.memref_squeeze %dma_start3A_505 : memref<1x1024xf32, #tpu.memory_space<hbm>> -> memref<1024xf32, #tpu.memory_space<hbm>>
          tpu.enqueue_dma source(%dma_start3A_506 : memref<1024xf32, #tpu.memory_space<hbm>>) target(%dma_start3A_504 : memref<1024xf32, #tpu.memory_space<vmem>>) target_semaphore(%arg11 : memref<!tpu.dma_semaphore, #tpu.memory_space<semaphore_mem>>)
          %mul3A_507 = arith.constant 32 : i32
          %mul3A_508 = arith.muli %add3A_310, %mul3A_507 : i32
          %add3A_509 = arith.addi %add3A, %mul3A_508 : i32
          %mul3A_510 = arith.constant 1024 : i32
          %mul3A_511 = arith.muli %add3A_509, %mul3A_510 : i32
          %dma_start3A_512 = arith.constant 14 : i32
          %dma_start3A_513 = arith.constant 14336 : i32
          %dma_start3A_514 = tpu.memref_slice %arg6[%dma_start3A_513] : memref<16384xf32, #tpu.memory_space<vmem>> -> memref<1024xf32, #tpu.memory_space<vmem>>
          %dma_start3A_515 = tpu.memref_slice %arg2[%dma_start3A_512, %mul3A_511] : memref<16x2600000xf32, #tpu.memory_space<hbm>> -> memref<1x1024xf32, #tpu.memory_space<hbm>>
          %dma_start3A_516 = tpu.memref_squeeze %dma_start3A_515 : memref<1x1024xf32, #tpu.memory_space<hbm>> -> memref<1024xf32, #tpu.memory_space<hbm>>
          %dma_start3A_517 = arith.constant 14336 : i32
          %dma_start3A_518 = tpu.memref_slice %arg6[%dma_start3A_517] : memref<16384xf32, #tpu.memory_space<vmem>> -> memref<1024xf32, #tpu.memory_space<vmem>>
          %dma_start3A_519 = tpu.memref_slice %arg2[%dma_start3A_512, %mul3A_511] : memref<16x2600000xf32, #tpu.memory_space<hbm>> -> memref<1x1024xf32, #tpu.memory_space<hbm>>
          %dma_start3A_520 = tpu.memref_squeeze %dma_start3A_519 : memref<1x1024xf32, #tpu.memory_space<hbm>> -> memref<1024xf32, #tpu.memory_space<hbm>>
          tpu.enqueue_dma source(%dma_start3A_520 : memref<1024xf32, #tpu.memory_space<hbm>>) target(%dma_start3A_518 : memref<1024xf32, #tpu.memory_space<vmem>>) target_semaphore(%arg11 : memref<!tpu.dma_semaphore, #tpu.memory_space<semaphore_mem>>)
          %mul3A_521 = arith.constant 32 : i32
          %mul3A_522 = arith.muli %add3A_310, %mul3A_521 : i32
          %add3A_523 = arith.addi %add3A, %mul3A_522 : i32
          %mul3A_524 = arith.constant 1024 : i32
          %mul3A_525 = arith.muli %add3A_523, %mul3A_524 : i32
          %dma_start3A_526 = arith.constant 15 : i32
          %dma_start3A_527 = arith.constant 15360 : i32
          %dma_start3A_528 = tpu.memref_slice %arg6[%dma_start3A_527] : memref<16384xf32, #tpu.memory_space<vmem>> -> memref<1024xf32, #tpu.memory_space<vmem>>
          %dma_start3A_529 = tpu.memref_slice %arg2[%dma_start3A_526, %mul3A_525] : memref<16x2600000xf32, #tpu.memory_space<hbm>> -> memref<1x1024xf32, #tpu.memory_space<hbm>>
          %dma_start3A_530 = tpu.memref_squeeze %dma_start3A_529 : memref<1x1024xf32, #tpu.memory_space<hbm>> -> memref<1024xf32, #tpu.memory_space<hbm>>
          %dma_start3A_531 = arith.constant 15360 : i32
          %dma_start3A_532 = tpu.memref_slice %arg6[%dma_start3A_531] : memref<16384xf32, #tpu.memory_space<vmem>> -> memref<1024xf32, #tpu.memory_space<vmem>>
          %dma_start3A_533 = tpu.memref_slice %arg2[%dma_start3A_526, %mul3A_525] : memref<16x2600000xf32, #tpu.memory_space<hbm>> -> memref<1x1024xf32, #tpu.memory_space<hbm>>
          %dma_start3A_534 = tpu.memref_squeeze %dma_start3A_533 : memref<1x1024xf32, #tpu.memory_space<hbm>> -> memref<1024xf32, #tpu.memory_space<hbm>>
          tpu.enqueue_dma source(%dma_start3A_534 : memref<1024xf32, #tpu.memory_space<hbm>>) target(%dma_start3A_532 : memref<1024xf32, #tpu.memory_space<vmem>>) target_semaphore(%arg11 : memref<!tpu.dma_semaphore, #tpu.memory_space<semaphore_mem>>)
        } else {
        }
        %eq3A_304 = arith.constant 1 : i32
        %eq3A_305 = arith.cmpi eq, %rem3A_278, %eq3A_304 : i32
        %convert_element_type3A_306 = arith.extui %eq3A_305 : i1 to i32
        %cond3A_307 = arith.constant 0 : i32
        %cond3A_308 = arith.cmpi ne, %convert_element_type3A_306, %cond3A_307 : i32
        scf.if %cond3A_308 {
          %add3A_309 = arith.constant 1 : i32
          %add3A_310 = arith.addi %while3A_275, %add3A_309 : i32
          %mul3A_311 = arith.constant 32 : i32
          %mul3A_312 = arith.muli %add3A_310, %mul3A_311 : i32
          %add3A_313 = arith.addi %add3A, %mul3A_312 : i32
          %mul3A_314 = arith.constant 1024 : i32
          %mul3A_315 = arith.muli %add3A_313, %mul3A_314 : i32
          %dma_start3A_316 = arith.constant 0 : i32
          %dma_start3A_317 = arith.constant 0 : i32
          %dma_start3A_318 = tpu.memref_slice %arg5[%dma_start3A_317] : memref<16384xf32, #tpu.memory_space<vmem>> -> memref<1024xf32, #tpu.memory_space<vmem>>
          %dma_start3A_319 = tpu.memref_slice %arg2[%dma_start3A_316, %mul3A_315] : memref<16x2600000xf32, #tpu.memory_space<hbm>> -> memref<1x1024xf32, #tpu.memory_space<hbm>>
          %dma_start3A_320 = tpu.memref_squeeze %dma_start3A_319 : memref<1x1024xf32, #tpu.memory_space<hbm>> -> memref<1024xf32, #tpu.memory_space<hbm>>
          %dma_start3A_321 = arith.constant 0 : i32
          %dma_start3A_322 = tpu.memref_slice %arg5[%dma_start3A_321] : memref<16384xf32, #tpu.memory_space<vmem>> -> memref<1024xf32, #tpu.memory_space<vmem>>
          %dma_start3A_323 = tpu.memref_slice %arg2[%dma_start3A_316, %mul3A_315] : memref<16x2600000xf32, #tpu.memory_space<hbm>> -> memref<1x1024xf32, #tpu.memory_space<hbm>>
          %dma_start3A_324 = tpu.memref_squeeze %dma_start3A_323 : memref<1x1024xf32, #tpu.memory_space<hbm>> -> memref<1024xf32, #tpu.memory_space<hbm>>
          tpu.enqueue_dma source(%dma_start3A_324 : memref<1024xf32, #tpu.memory_space<hbm>>) target(%dma_start3A_322 : memref<1024xf32, #tpu.memory_space<vmem>>) target_semaphore(%arg10 : memref<!tpu.dma_semaphore, #tpu.memory_space<semaphore_mem>>)
          %mul3A_325 = arith.constant 32 : i32
          %mul3A_326 = arith.muli %add3A_310, %mul3A_325 : i32
          %add3A_327 = arith.addi %add3A, %mul3A_326 : i32
          %mul3A_328 = arith.constant 1024 : i32
          %mul3A_329 = arith.muli %add3A_327, %mul3A_328 : i32
          %dma_start3A_330 = arith.constant 1 : i32
          %dma_start3A_331 = arith.constant 1024 : i32
          %dma_start3A_332 = tpu.memref_slice %arg5[%dma_start3A_331] : memref<16384xf32, #tpu.memory_space<vmem>> -> memref<1024xf32, #tpu.memory_space<vmem>>
          %dma_start3A_333 = tpu.memref_slice %arg2[%dma_start3A_330, %mul3A_329] : memref<16x2600000xf32, #tpu.memory_space<hbm>> -> memref<1x1024xf32, #tpu.memory_space<hbm>>
          %dma_start3A_334 = tpu.memref_squeeze %dma_start3A_333 : memref<1x1024xf32, #tpu.memory_space<hbm>> -> memref<1024xf32, #tpu.memory_space<hbm>>
          %dma_start3A_335 = arith.constant 1024 : i32
          %dma_start3A_336 = tpu.memref_slice %arg5[%dma_start3A_335] : memref<16384xf32, #tpu.memory_space<vmem>> -> memref<1024xf32, #tpu.memory_space<vmem>>
          %dma_start3A_337 = tpu.memref_slice %arg2[%dma_start3A_330, %mul3A_329] : memref<16x2600000xf32, #tpu.memory_space<hbm>> -> memref<1x1024xf32, #tpu.memory_space<hbm>>
          %dma_start3A_338 = tpu.memref_squeeze %dma_start3A_337 : memref<1x1024xf32, #tpu.memory_space<hbm>> -> memref<1024xf32, #tpu.memory_space<hbm>>
          tpu.enqueue_dma source(%dma_start3A_338 : memref<1024xf32, #tpu.memory_space<hbm>>) target(%dma_start3A_336 : memref<1024xf32, #tpu.memory_space<vmem>>) target_semaphore(%arg10 : memref<!tpu.dma_semaphore, #tpu.memory_space<semaphore_mem>>)
          %mul3A_339 = arith.constant 32 : i32
          %mul3A_340 = arith.muli %add3A_310, %mul3A_339 : i32
          %add3A_341 = arith.addi %add3A, %mul3A_340 : i32
          %mul3A_342 = arith.constant 1024 : i32
          %mul3A_343 = arith.muli %add3A_341, %mul3A_342 : i32
          %dma_start3A_344 = arith.constant 2 : i32
          %dma_start3A_345 = arith.constant 2048 : i32
          %dma_start3A_346 = tpu.memref_slice %arg5[%dma_start3A_345] : memref<16384xf32, #tpu.memory_space<vmem>> -> memref<1024xf32, #tpu.memory_space<vmem>>
          %dma_start3A_347 = tpu.memref_slice %arg2[%dma_start3A_344, %mul3A_343] : memref<16x2600000xf32, #tpu.memory_space<hbm>> -> memref<1x1024xf32, #tpu.memory_space<hbm>>
          %dma_start3A_348 = tpu.memref_squeeze %dma_start3A_347 : memref<1x1024xf32, #tpu.memory_space<hbm>> -> memref<1024xf32, #tpu.memory_space<hbm>>
          %dma_start3A_349 = arith.constant 2048 : i32
          %dma_start3A_350 = tpu.memref_slice %arg5[%dma_start3A_349] : memref<16384xf32, #tpu.memory_space<vmem>> -> memref<1024xf32, #tpu.memory_space<vmem>>
          %dma_start3A_351 = tpu.memref_slice %arg2[%dma_start3A_344, %mul3A_343] : memref<16x2600000xf32, #tpu.memory_space<hbm>> -> memref<1x1024xf32, #tpu.memory_space<hbm>>
          %dma_start3A_352 = tpu.memref_squeeze %dma_start3A_351 : memref<1x1024xf32, #tpu.memory_space<hbm>> -> memref<1024xf32, #tpu.memory_space<hbm>>
          tpu.enqueue_dma source(%dma_start3A_352 : memref<1024xf32, #tpu.memory_space<hbm>>) target(%dma_start3A_350 : memref<1024xf32, #tpu.memory_space<vmem>>) target_semaphore(%arg10 : memref<!tpu.dma_semaphore, #tpu.memory_space<semaphore_mem>>)
          %mul3A_353 = arith.constant 32 : i32
          %mul3A_354 = arith.muli %add3A_310, %mul3A_353 : i32
          %add3A_355 = arith.addi %add3A, %mul3A_354 : i32
          %mul3A_356 = arith.constant 1024 : i32
          %mul3A_357 = arith.muli %add3A_355, %mul3A_356 : i32
          %dma_start3A_358 = arith.constant 3 : i32
          %dma_start3A_359 = arith.constant 3072 : i32
          %dma_start3A_360 = tpu.memref_slice %arg5[%dma_start3A_359] : memref<16384xf32, #tpu.memory_space<vmem>> -> memref<1024xf32, #tpu.memory_space<vmem>>
          %dma_start3A_361 = tpu.memref_slice %arg2[%dma_start3A_358, %mul3A_357] : memref<16x2600000xf32, #tpu.memory_space<hbm>> -> memref<1x1024xf32, #tpu.memory_space<hbm>>
          %dma_start3A_362 = tpu.memref_squeeze %dma_start3A_361 : memref<1x1024xf32, #tpu.memory_space<hbm>> -> memref<1024xf32, #tpu.memory_space<hbm>>
          %dma_start3A_363 = arith.constant 3072 : i32
          %dma_start3A_364 = tpu.memref_slice %arg5[%dma_start3A_363] : memref<16384xf32, #tpu.memory_space<vmem>> -> memref<1024xf32, #tpu.memory_space<vmem>>
          %dma_start3A_365 = tpu.memref_slice %arg2[%dma_start3A_358, %mul3A_357] : memref<16x2600000xf32, #tpu.memory_space<hbm>> -> memref<1x1024xf32, #tpu.memory_space<hbm>>
          %dma_start3A_366 = tpu.memref_squeeze %dma_start3A_365 : memref<1x1024xf32, #tpu.memory_space<hbm>> -> memref<1024xf32, #tpu.memory_space<hbm>>
          tpu.enqueue_dma source(%dma_start3A_366 : memref<1024xf32, #tpu.memory_space<hbm>>) target(%dma_start3A_364 : memref<1024xf32, #tpu.memory_space<vmem>>) target_semaphore(%arg10 : memref<!tpu.dma_semaphore, #tpu.memory_space<semaphore_mem>>)
          %mul3A_367 = arith.constant 32 : i32
          %mul3A_368 = arith.muli %add3A_310, %mul3A_367 : i32
          %add3A_369 = arith.addi %add3A, %mul3A_368 : i32
          %mul3A_370 = arith.constant 1024 : i32
          %mul3A_371 = arith.muli %add3A_369, %mul3A_370 : i32
          %dma_start3A_372 = arith.constant 4 : i32
          %dma_start3A_373 = arith.constant 4096 : i32
          %dma_start3A_374 = tpu.memref_slice %arg5[%dma_start3A_373] : memref<16384xf32, #tpu.memory_space<vmem>> -> memref<1024xf32, #tpu.memory_space<vmem>>
          %dma_start3A_375 = tpu.memref_slice %arg2[%dma_start3A_372, %mul3A_371] : memref<16x2600000xf32, #tpu.memory_space<hbm>> -> memref<1x1024xf32, #tpu.memory_space<hbm>>
          %dma_start3A_376 = tpu.memref_squeeze %dma_start3A_375 : memref<1x1024xf32, #tpu.memory_space<hbm>> -> memref<1024xf32, #tpu.memory_space<hbm>>
          %dma_start3A_377 = arith.constant 4096 : i32
          %dma_start3A_378 = tpu.memref_slice %arg5[%dma_start3A_377] : memref<16384xf32, #tpu.memory_space<vmem>> -> memref<1024xf32, #tpu.memory_space<vmem>>
          %dma_start3A_379 = tpu.memref_slice %arg2[%dma_start3A_372, %mul3A_371] : memref<16x2600000xf32, #tpu.memory_space<hbm>> -> memref<1x1024xf32, #tpu.memory_space<hbm>>
          %dma_start3A_380 = tpu.memref_squeeze %dma_start3A_379 : memref<1x1024xf32, #tpu.memory_space<hbm>> -> memref<1024xf32, #tpu.memory_space<hbm>>
          tpu.enqueue_dma source(%dma_start3A_380 : memref<1024xf32, #tpu.memory_space<hbm>>) target(%dma_start3A_378 : memref<1024xf32, #tpu.memory_space<vmem>>) target_semaphore(%arg10 : memref<!tpu.dma_semaphore, #tpu.memory_space<semaphore_mem>>)
          %mul3A_381 = arith.constant 32 : i32
          %mul3A_382 = arith.muli %add3A_310, %mul3A_381 : i32
          %add3A_383 = arith.addi %add3A, %mul3A_382 : i32
          %mul3A_384 = arith.constant 1024 : i32
          %mul3A_385 = arith.muli %add3A_383, %mul3A_384 : i32
          %dma_start3A_386 = arith.constant 5 : i32
          %dma_start3A_387 = arith.constant 5120 : i32
          %dma_start3A_388 = tpu.memref_slice %arg5[%dma_start3A_387] : memref<16384xf32, #tpu.memory_space<vmem>> -> memref<1024xf32, #tpu.memory_space<vmem>>
          %dma_start3A_389 = tpu.memref_slice %arg2[%dma_start3A_386, %mul3A_385] : memref<16x2600000xf32, #tpu.memory_space<hbm>> -> memref<1x1024xf32, #tpu.memory_space<hbm>>
          %dma_start3A_390 = tpu.memref_squeeze %dma_start3A_389 : memref<1x1024xf32, #tpu.memory_space<hbm>> -> memref<1024xf32, #tpu.memory_space<hbm>>
          %dma_start3A_391 = arith.constant 5120 : i32
          %dma_start3A_392 = tpu.memref_slice %arg5[%dma_start3A_391] : memref<16384xf32, #tpu.memory_space<vmem>> -> memref<1024xf32, #tpu.memory_space<vmem>>
          %dma_start3A_393 = tpu.memref_slice %arg2[%dma_start3A_386, %mul3A_385] : memref<16x2600000xf32, #tpu.memory_space<hbm>> -> memref<1x1024xf32, #tpu.memory_space<hbm>>
          %dma_start3A_394 = tpu.memref_squeeze %dma_start3A_393 : memref<1x1024xf32, #tpu.memory_space<hbm>> -> memref<1024xf32, #tpu.memory_space<hbm>>
          tpu.enqueue_dma source(%dma_start3A_394 : memref<1024xf32, #tpu.memory_space<hbm>>) target(%dma_start3A_392 : memref<1024xf32, #tpu.memory_space<vmem>>) target_semaphore(%arg10 : memref<!tpu.dma_semaphore, #tpu.memory_space<semaphore_mem>>)
          %mul3A_395 = arith.constant 32 : i32
          %mul3A_396 = arith.muli %add3A_310, %mul3A_395 : i32
          %add3A_397 = arith.addi %add3A, %mul3A_396 : i32
          %mul3A_398 = arith.constant 1024 : i32
          %mul3A_399 = arith.muli %add3A_397, %mul3A_398 : i32
          %dma_start3A_400 = arith.constant 6 : i32
          %dma_start3A_401 = arith.constant 6144 : i32
          %dma_start3A_402 = tpu.memref_slice %arg5[%dma_start3A_401] : memref<16384xf32, #tpu.memory_space<vmem>> -> memref<1024xf32, #tpu.memory_space<vmem>>
          %dma_start3A_403 = tpu.memref_slice %arg2[%dma_start3A_400, %mul3A_399] : memref<16x2600000xf32, #tpu.memory_space<hbm>> -> memref<1x1024xf32, #tpu.memory_space<hbm>>
          %dma_start3A_404 = tpu.memref_squeeze %dma_start3A_403 : memref<1x1024xf32, #tpu.memory_space<hbm>> -> memref<1024xf32, #tpu.memory_space<hbm>>
          %dma_start3A_405 = arith.constant 6144 : i32
          %dma_start3A_406 = tpu.memref_slice %arg5[%dma_start3A_405] : memref<16384xf32, #tpu.memory_space<vmem>> -> memref<1024xf32, #tpu.memory_space<vmem>>
          %dma_start3A_407 = tpu.memref_slice %arg2[%dma_start3A_400, %mul3A_399] : memref<16x2600000xf32, #tpu.memory_space<hbm>> -> memref<1x1024xf32, #tpu.memory_space<hbm>>
          %dma_start3A_408 = tpu.memref_squeeze %dma_start3A_407 : memref<1x1024xf32, #tpu.memory_space<hbm>> -> memref<1024xf32, #tpu.memory_space<hbm>>
          tpu.enqueue_dma source(%dma_start3A_408 : memref<1024xf32, #tpu.memory_space<hbm>>) target(%dma_start3A_406 : memref<1024xf32, #tpu.memory_space<vmem>>) target_semaphore(%arg10 : memref<!tpu.dma_semaphore, #tpu.memory_space<semaphore_mem>>)
          %mul3A_409 = arith.constant 32 : i32
          %mul3A_410 = arith.muli %add3A_310, %mul3A_409 : i32
          %add3A_411 = arith.addi %add3A, %mul3A_410 : i32
          %mul3A_412 = arith.constant 1024 : i32
          %mul3A_413 = arith.muli %add3A_411, %mul3A_412 : i32
          %dma_start3A_414 = arith.constant 7 : i32
          %dma_start3A_415 = arith.constant 7168 : i32
          %dma_start3A_416 = tpu.memref_slice %arg5[%dma_start3A_415] : memref<16384xf32, #tpu.memory_space<vmem>> -> memref<1024xf32, #tpu.memory_space<vmem>>
          %dma_start3A_417 = tpu.memref_slice %arg2[%dma_start3A_414, %mul3A_413] : memref<16x2600000xf32, #tpu.memory_space<hbm>> -> memref<1x1024xf32, #tpu.memory_space<hbm>>
          %dma_start3A_418 = tpu.memref_squeeze %dma_start3A_417 : memref<1x1024xf32, #tpu.memory_space<hbm>> -> memref<1024xf32, #tpu.memory_space<hbm>>
          %dma_start3A_419 = arith.constant 7168 : i32
          %dma_start3A_420 = tpu.memref_slice %arg5[%dma_start3A_419] : memref<16384xf32, #tpu.memory_space<vmem>> -> memref<1024xf32, #tpu.memory_space<vmem>>
          %dma_start3A_421 = tpu.memref_slice %arg2[%dma_start3A_414, %mul3A_413] : memref<16x2600000xf32, #tpu.memory_space<hbm>> -> memref<1x1024xf32, #tpu.memory_space<hbm>>
          %dma_start3A_422 = tpu.memref_squeeze %dma_start3A_421 : memref<1x1024xf32, #tpu.memory_space<hbm>> -> memref<1024xf32, #tpu.memory_space<hbm>>
          tpu.enqueue_dma source(%dma_start3A_422 : memref<1024xf32, #tpu.memory_space<hbm>>) target(%dma_start3A_420 : memref<1024xf32, #tpu.memory_space<vmem>>) target_semaphore(%arg10 : memref<!tpu.dma_semaphore, #tpu.memory_space<semaphore_mem>>)
          %mul3A_423 = arith.constant 32 : i32
          %mul3A_424 = arith.muli %add3A_310, %mul3A_423 : i32
          %add3A_425 = arith.addi %add3A, %mul3A_424 : i32
          %mul3A_426 = arith.constant 1024 : i32
          %mul3A_427 = arith.muli %add3A_425, %mul3A_426 : i32
          %dma_start3A_428 = arith.constant 8 : i32
          %dma_start3A_429 = arith.constant 8192 : i32
          %dma_start3A_430 = tpu.memref_slice %arg5[%dma_start3A_429] : memref<16384xf32, #tpu.memory_space<vmem>> -> memref<1024xf32, #tpu.memory_space<vmem>>
          %dma_start3A_431 = tpu.memref_slice %arg2[%dma_start3A_428, %mul3A_427] : memref<16x2600000xf32, #tpu.memory_space<hbm>> -> memref<1x1024xf32, #tpu.memory_space<hbm>>
          %dma_start3A_432 = tpu.memref_squeeze %dma_start3A_431 : memref<1x1024xf32, #tpu.memory_space<hbm>> -> memref<1024xf32, #tpu.memory_space<hbm>>
          %dma_start3A_433 = arith.constant 8192 : i32
          %dma_start3A_434 = tpu.memref_slice %arg5[%dma_start3A_433] : memref<16384xf32, #tpu.memory_space<vmem>> -> memref<1024xf32, #tpu.memory_space<vmem>>
          %dma_start3A_435 = tpu.memref_slice %arg2[%dma_start3A_428, %mul3A_427] : memref<16x2600000xf32, #tpu.memory_space<hbm>> -> memref<1x1024xf32, #tpu.memory_space<hbm>>
          %dma_start3A_436 = tpu.memref_squeeze %dma_start3A_435 : memref<1x1024xf32, #tpu.memory_space<hbm>> -> memref<1024xf32, #tpu.memory_space<hbm>>
          tpu.enqueue_dma source(%dma_start3A_436 : memref<1024xf32, #tpu.memory_space<hbm>>) target(%dma_start3A_434 : memref<1024xf32, #tpu.memory_space<vmem>>) target_semaphore(%arg10 : memref<!tpu.dma_semaphore, #tpu.memory_space<semaphore_mem>>)
          %mul3A_437 = arith.constant 32 : i32
          %mul3A_438 = arith.muli %add3A_310, %mul3A_437 : i32
          %add3A_439 = arith.addi %add3A, %mul3A_438 : i32
          %mul3A_440 = arith.constant 1024 : i32
          %mul3A_441 = arith.muli %add3A_439, %mul3A_440 : i32
          %dma_start3A_442 = arith.constant 9 : i32
          %dma_start3A_443 = arith.constant 9216 : i32
          %dma_start3A_444 = tpu.memref_slice %arg5[%dma_start3A_443] : memref<16384xf32, #tpu.memory_space<vmem>> -> memref<1024xf32, #tpu.memory_space<vmem>>
          %dma_start3A_445 = tpu.memref_slice %arg2[%dma_start3A_442, %mul3A_441] : memref<16x2600000xf32, #tpu.memory_space<hbm>> -> memref<1x1024xf32, #tpu.memory_space<hbm>>
          %dma_start3A_446 = tpu.memref_squeeze %dma_start3A_445 : memref<1x1024xf32, #tpu.memory_space<hbm>> -> memref<1024xf32, #tpu.memory_space<hbm>>
          %dma_start3A_447 = arith.constant 9216 : i32
          %dma_start3A_448 = tpu.memref_slice %arg5[%dma_start3A_447] : memref<16384xf32, #tpu.memory_space<vmem>> -> memref<1024xf32, #tpu.memory_space<vmem>>
          %dma_start3A_449 = tpu.memref_slice %arg2[%dma_start3A_442, %mul3A_441] : memref<16x2600000xf32, #tpu.memory_space<hbm>> -> memref<1x1024xf32, #tpu.memory_space<hbm>>
          %dma_start3A_450 = tpu.memref_squeeze %dma_start3A_449 : memref<1x1024xf32, #tpu.memory_space<hbm>> -> memref<1024xf32, #tpu.memory_space<hbm>>
          tpu.enqueue_dma source(%dma_start3A_450 : memref<1024xf32, #tpu.memory_space<hbm>>) target(%dma_start3A_448 : memref<1024xf32, #tpu.memory_space<vmem>>) target_semaphore(%arg10 : memref<!tpu.dma_semaphore, #tpu.memory_space<semaphore_mem>>)
          %mul3A_451 = arith.constant 32 : i32
          %mul3A_452 = arith.muli %add3A_310, %mul3A_451 : i32
          %add3A_453 = arith.addi %add3A, %mul3A_452 : i32
          %mul3A_454 = arith.constant 1024 : i32
          %mul3A_455 = arith.muli %add3A_453, %mul3A_454 : i32
          %dma_start3A_456 = arith.constant 10 : i32
          %dma_start3A_457 = arith.constant 10240 : i32
          %dma_start3A_458 = tpu.memref_slice %arg5[%dma_start3A_457] : memref<16384xf32, #tpu.memory_space<vmem>> -> memref<1024xf32, #tpu.memory_space<vmem>>
          %dma_start3A_459 = tpu.memref_slice %arg2[%dma_start3A_456, %mul3A_455] : memref<16x2600000xf32, #tpu.memory_space<hbm>> -> memref<1x1024xf32, #tpu.memory_space<hbm>>
          %dma_start3A_460 = tpu.memref_squeeze %dma_start3A_459 : memref<1x1024xf32, #tpu.memory_space<hbm>> -> memref<1024xf32, #tpu.memory_space<hbm>>
          %dma_start3A_461 = arith.constant 10240 : i32
          %dma_start3A_462 = tpu.memref_slice %arg5[%dma_start3A_461] : memref<16384xf32, #tpu.memory_space<vmem>> -> memref<1024xf32, #tpu.memory_space<vmem>>
          %dma_start3A_463 = tpu.memref_slice %arg2[%dma_start3A_456, %mul3A_455] : memref<16x2600000xf32, #tpu.memory_space<hbm>> -> memref<1x1024xf32, #tpu.memory_space<hbm>>
          %dma_start3A_464 = tpu.memref_squeeze %dma_start3A_463 : memref<1x1024xf32, #tpu.memory_space<hbm>> -> memref<1024xf32, #tpu.memory_space<hbm>>
          tpu.enqueue_dma source(%dma_start3A_464 : memref<1024xf32, #tpu.memory_space<hbm>>) target(%dma_start3A_462 : memref<1024xf32, #tpu.memory_space<vmem>>) target_semaphore(%arg10 : memref<!tpu.dma_semaphore, #tpu.memory_space<semaphore_mem>>)
          %mul3A_465 = arith.constant 32 : i32
          %mul3A_466 = arith.muli %add3A_310, %mul3A_465 : i32
          %add3A_467 = arith.addi %add3A, %mul3A_466 : i32
          %mul3A_468 = arith.constant 1024 : i32
          %mul3A_469 = arith.muli %add3A_467, %mul3A_468 : i32
          %dma_start3A_470 = arith.constant 11 : i32
          %dma_start3A_471 = arith.constant 11264 : i32
          %dma_start3A_472 = tpu.memref_slice %arg5[%dma_start3A_471] : memref<16384xf32, #tpu.memory_space<vmem>> -> memref<1024xf32, #tpu.memory_space<vmem>>
          %dma_start3A_473 = tpu.memref_slice %arg2[%dma_start3A_470, %mul3A_469] : memref<16x2600000xf32, #tpu.memory_space<hbm>> -> memref<1x1024xf32, #tpu.memory_space<hbm>>
          %dma_start3A_474 = tpu.memref_squeeze %dma_start3A_473 : memref<1x1024xf32, #tpu.memory_space<hbm>> -> memref<1024xf32, #tpu.memory_space<hbm>>
          %dma_start3A_475 = arith.constant 11264 : i32
          %dma_start3A_476 = tpu.memref_slice %arg5[%dma_start3A_475] : memref<16384xf32, #tpu.memory_space<vmem>> -> memref<1024xf32, #tpu.memory_space<vmem>>
          %dma_start3A_477 = tpu.memref_slice %arg2[%dma_start3A_470, %mul3A_469] : memref<16x2600000xf32, #tpu.memory_space<hbm>> -> memref<1x1024xf32, #tpu.memory_space<hbm>>
          %dma_start3A_478 = tpu.memref_squeeze %dma_start3A_477 : memref<1x1024xf32, #tpu.memory_space<hbm>> -> memref<1024xf32, #tpu.memory_space<hbm>>
          tpu.enqueue_dma source(%dma_start3A_478 : memref<1024xf32, #tpu.memory_space<hbm>>) target(%dma_start3A_476 : memref<1024xf32, #tpu.memory_space<vmem>>) target_semaphore(%arg10 : memref<!tpu.dma_semaphore, #tpu.memory_space<semaphore_mem>>)
          %mul3A_479 = arith.constant 32 : i32
          %mul3A_480 = arith.muli %add3A_310, %mul3A_479 : i32
          %add3A_481 = arith.addi %add3A, %mul3A_480 : i32
          %mul3A_482 = arith.constant 1024 : i32
          %mul3A_483 = arith.muli %add3A_481, %mul3A_482 : i32
          %dma_start3A_484 = arith.constant 12 : i32
          %dma_start3A_485 = arith.constant 12288 : i32
          %dma_start3A_486 = tpu.memref_slice %arg5[%dma_start3A_485] : memref<16384xf32, #tpu.memory_space<vmem>> -> memref<1024xf32, #tpu.memory_space<vmem>>
          %dma_start3A_487 = tpu.memref_slice %arg2[%dma_start3A_484, %mul3A_483] : memref<16x2600000xf32, #tpu.memory_space<hbm>> -> memref<1x1024xf32, #tpu.memory_space<hbm>>
          %dma_start3A_488 = tpu.memref_squeeze %dma_start3A_487 : memref<1x1024xf32, #tpu.memory_space<hbm>> -> memref<1024xf32, #tpu.memory_space<hbm>>
          %dma_start3A_489 = arith.constant 12288 : i32
          %dma_start3A_490 = tpu.memref_slice %arg5[%dma_start3A_489] : memref<16384xf32, #tpu.memory_space<vmem>> -> memref<1024xf32, #tpu.memory_space<vmem>>
          %dma_start3A_491 = tpu.memref_slice %arg2[%dma_start3A_484, %mul3A_483] : memref<16x2600000xf32, #tpu.memory_space<hbm>> -> memref<1x1024xf32, #tpu.memory_space<hbm>>
          %dma_start3A_492 = tpu.memref_squeeze %dma_start3A_491 : memref<1x1024xf32, #tpu.memory_space<hbm>> -> memref<1024xf32, #tpu.memory_space<hbm>>
          tpu.enqueue_dma source(%dma_start3A_492 : memref<1024xf32, #tpu.memory_space<hbm>>) target(%dma_start3A_490 : memref<1024xf32, #tpu.memory_space<vmem>>) target_semaphore(%arg10 : memref<!tpu.dma_semaphore, #tpu.memory_space<semaphore_mem>>)
          %mul3A_493 = arith.constant 32 : i32
          %mul3A_494 = arith.muli %add3A_310, %mul3A_493 : i32
          %add3A_495 = arith.addi %add3A, %mul3A_494 : i32
          %mul3A_496 = arith.constant 1024 : i32
          %mul3A_497 = arith.muli %add3A_495, %mul3A_496 : i32
          %dma_start3A_498 = arith.constant 13 : i32
          %dma_start3A_499 = arith.constant 13312 : i32
          %dma_start3A_500 = tpu.memref_slice %arg5[%dma_start3A_499] : memref<16384xf32, #tpu.memory_space<vmem>> -> memref<1024xf32, #tpu.memory_space<vmem>>
          %dma_start3A_501 = tpu.memref_slice %arg2[%dma_start3A_498, %mul3A_497] : memref<16x2600000xf32, #tpu.memory_space<hbm>> -> memref<1x1024xf32, #tpu.memory_space<hbm>>
          %dma_start3A_502 = tpu.memref_squeeze %dma_start3A_501 : memref<1x1024xf32, #tpu.memory_space<hbm>> -> memref<1024xf32, #tpu.memory_space<hbm>>
          %dma_start3A_503 = arith.constant 13312 : i32
          %dma_start3A_504 = tpu.memref_slice %arg5[%dma_start3A_503] : memref<16384xf32, #tpu.memory_space<vmem>> -> memref<1024xf32, #tpu.memory_space<vmem>>
          %dma_start3A_505 = tpu.memref_slice %arg2[%dma_start3A_498, %mul3A_497] : memref<16x2600000xf32, #tpu.memory_space<hbm>> -> memref<1x1024xf32, #tpu.memory_space<hbm>>
          %dma_start3A_506 = tpu.memref_squeeze %dma_start3A_505 : memref<1x1024xf32, #tpu.memory_space<hbm>> -> memref<1024xf32, #tpu.memory_space<hbm>>
          tpu.enqueue_dma source(%dma_start3A_506 : memref<1024xf32, #tpu.memory_space<hbm>>) target(%dma_start3A_504 : memref<1024xf32, #tpu.memory_space<vmem>>) target_semaphore(%arg10 : memref<!tpu.dma_semaphore, #tpu.memory_space<semaphore_mem>>)
          %mul3A_507 = arith.constant 32 : i32
          %mul3A_508 = arith.muli %add3A_310, %mul3A_507 : i32
          %add3A_509 = arith.addi %add3A, %mul3A_508 : i32
          %mul3A_510 = arith.constant 1024 : i32
          %mul3A_511 = arith.muli %add3A_509, %mul3A_510 : i32
          %dma_start3A_512 = arith.constant 14 : i32
          %dma_start3A_513 = arith.constant 14336 : i32
          %dma_start3A_514 = tpu.memref_slice %arg5[%dma_start3A_513] : memref<16384xf32, #tpu.memory_space<vmem>> -> memref<1024xf32, #tpu.memory_space<vmem>>
          %dma_start3A_515 = tpu.memref_slice %arg2[%dma_start3A_512, %mul3A_511] : memref<16x2600000xf32, #tpu.memory_space<hbm>> -> memref<1x1024xf32, #tpu.memory_space<hbm>>
          %dma_start3A_516 = tpu.memref_squeeze %dma_start3A_515 : memref<1x1024xf32, #tpu.memory_space<hbm>> -> memref<1024xf32, #tpu.memory_space<hbm>>
          %dma_start3A_517 = arith.constant 14336 : i32
          %dma_start3A_518 = tpu.memref_slice %arg5[%dma_start3A_517] : memref<16384xf32, #tpu.memory_space<vmem>> -> memref<1024xf32, #tpu.memory_space<vmem>>
          %dma_start3A_519 = tpu.memref_slice %arg2[%dma_start3A_512, %mul3A_511] : memref<16x2600000xf32, #tpu.memory_space<hbm>> -> memref<1x1024xf32, #tpu.memory_space<hbm>>
          %dma_start3A_520 = tpu.memref_squeeze %dma_start3A_519 : memref<1x1024xf32, #tpu.memory_space<hbm>> -> memref<1024xf32, #tpu.memory_space<hbm>>
          tpu.enqueue_dma source(%dma_start3A_520 : memref<1024xf32, #tpu.memory_space<hbm>>) target(%dma_start3A_518 : memref<1024xf32, #tpu.memory_space<vmem>>) target_semaphore(%arg10 : memref<!tpu.dma_semaphore, #tpu.memory_space<semaphore_mem>>)
          %mul3A_521 = arith.constant 32 : i32
          %mul3A_522 = arith.muli %add3A_310, %mul3A_521 : i32
          %add3A_523 = arith.addi %add3A, %mul3A_522 : i32
          %mul3A_524 = arith.constant 1024 : i32
          %mul3A_525 = arith.muli %add3A_523, %mul3A_524 : i32
          %dma_start3A_526 = arith.constant 15 : i32
          %dma_start3A_527 = arith.constant 15360 : i32
          %dma_start3A_528 = tpu.memref_slice %arg5[%dma_start3A_527] : memref<16384xf32, #tpu.memory_space<vmem>> -> memref<1024xf32, #tpu.memory_space<vmem>>
          %dma_start3A_529 = tpu.memref_slice %arg2[%dma_start3A_526, %mul3A_525] : memref<16x2600000xf32, #tpu.memory_space<hbm>> -> memref<1x1024xf32, #tpu.memory_space<hbm>>
          %dma_start3A_530 = tpu.memref_squeeze %dma_start3A_529 : memref<1x1024xf32, #tpu.memory_space<hbm>> -> memref<1024xf32, #tpu.memory_space<hbm>>
          %dma_start3A_531 = arith.constant 15360 : i32
          %dma_start3A_532 = tpu.memref_slice %arg5[%dma_start3A_531] : memref<16384xf32, #tpu.memory_space<vmem>> -> memref<1024xf32, #tpu.memory_space<vmem>>
          %dma_start3A_533 = tpu.memref_slice %arg2[%dma_start3A_526, %mul3A_525] : memref<16x2600000xf32, #tpu.memory_space<hbm>> -> memref<1x1024xf32, #tpu.memory_space<hbm>>
          %dma_start3A_534 = tpu.memref_squeeze %dma_start3A_533 : memref<1x1024xf32, #tpu.memory_space<hbm>> -> memref<1024xf32, #tpu.memory_space<hbm>>
          tpu.enqueue_dma source(%dma_start3A_534 : memref<1024xf32, #tpu.memory_space<hbm>>) target(%dma_start3A_532 : memref<1024xf32, #tpu.memory_space<vmem>>) target_semaphore(%arg10 : memref<!tpu.dma_semaphore, #tpu.memory_space<semaphore_mem>>)
        } else {
        }
      } else {
      }
      %ge3A = arith.constant 2 : i32
      %ge3A_284 = arith.cmpi sge, %while3A_275, %ge3A : i32
      %convert_element_type3A_285 = arith.extui %ge3A_284 : i1 to i32
      %cond3A_286 = arith.constant 0 : i32
      %cond3A_287 = arith.cmpi ne, %convert_element_type3A_285, %cond3A_286 : i32
      scf.if %cond3A_287 {
        %eq3A_299 = arith.constant 0 : i32
        %eq3A_300 = arith.cmpi eq, %rem3A_278, %eq3A_299 : i32
        %convert_element_type3A_301 = arith.extui %eq3A_300 : i1 to i32
        %cond3A_302 = arith.constant 0 : i32
        %cond3A_303 = arith.cmpi ne, %convert_element_type3A_301, %cond3A_302 : i32
        scf.if %cond3A_303 {
          %sub3A_309 = arith.constant 2 : i32
          %sub3A_310 = arith.subi %while3A_275, %sub3A_309 : i32
          %mul3A_311 = arith.constant 32 : i32
          %mul3A_312 = arith.muli %sub3A_310, %mul3A_311 : i32
          %add3A_313 = arith.addi %add3A, %mul3A_312 : i32
          %mul3A_314 = arith.constant 1024 : i32
          %mul3A_315 = arith.muli %add3A_313, %mul3A_314 : i32
          %mul3A_316 = arith.constant 16 : i32
          %mul3A_317 = arith.muli %mul3A_315, %mul3A_316 : i32
          %dma_wait3A = tpu.memref_slice %arg4[%mul3A_317] : memref<41600000xf32, #tpu.memory_space<hbm>> -> memref<16384xf32, #tpu.memory_space<hbm>>
          %dma_wait3A_318 = tpu.memref_slice %arg4[%mul3A_317] : memref<41600000xf32, #tpu.memory_space<hbm>> -> memref<16384xf32, #tpu.memory_space<hbm>>
          tpu.wait_dma2 semaphore(%arg12 : memref<!tpu.dma_semaphore, #tpu.memory_space<semaphore_mem>>) src(%arg7 : memref<16384xf32, #tpu.memory_space<vmem>>) dst(%dma_wait3A_318 : memref<16384xf32, #tpu.memory_space<hbm>>)
        } else {
        }
        %eq3A_304 = arith.constant 1 : i32
        %eq3A_305 = arith.cmpi eq, %rem3A_278, %eq3A_304 : i32
        %convert_element_type3A_306 = arith.extui %eq3A_305 : i1 to i32
        %cond3A_307 = arith.constant 0 : i32
        %cond3A_308 = arith.cmpi ne, %convert_element_type3A_306, %cond3A_307 : i32
        scf.if %cond3A_308 {
          %sub3A_309 = arith.constant 2 : i32
          %sub3A_310 = arith.subi %while3A_275, %sub3A_309 : i32
          %mul3A_311 = arith.constant 32 : i32
          %mul3A_312 = arith.muli %sub3A_310, %mul3A_311 : i32
          %add3A_313 = arith.addi %add3A, %mul3A_312 : i32
          %mul3A_314 = arith.constant 1024 : i32
          %mul3A_315 = arith.muli %add3A_313, %mul3A_314 : i32
          %mul3A_316 = arith.constant 16 : i32
          %mul3A_317 = arith.muli %mul3A_315, %mul3A_316 : i32
          %dma_wait3A = tpu.memref_slice %arg4[%mul3A_317] : memref<41600000xf32, #tpu.memory_space<hbm>> -> memref<16384xf32, #tpu.memory_space<hbm>>
          %dma_wait3A_318 = tpu.memref_slice %arg4[%mul3A_317] : memref<41600000xf32, #tpu.memory_space<hbm>> -> memref<16384xf32, #tpu.memory_space<hbm>>
          tpu.wait_dma2 semaphore(%arg13 : memref<!tpu.dma_semaphore, #tpu.memory_space<semaphore_mem>>) src(%arg8 : memref<16384xf32, #tpu.memory_space<vmem>>) dst(%dma_wait3A_318 : memref<16384xf32, #tpu.memory_space<hbm>>)
        } else {
        }
      } else {
      }
      %eq3A_288 = arith.constant 0 : i32
      %eq3A_289 = arith.cmpi eq, %rem3A_278, %eq3A_288 : i32
      %convert_element_type3A_290 = arith.extui %eq3A_289 : i1 to i32
      %cond3A_291 = arith.constant 0 : i32
      %cond3A_292 = arith.cmpi ne, %convert_element_type3A_290, %cond3A_291 : i32
      scf.if %cond3A_292 {
        %mul3A_299 = arith.constant 32 : i32
        %mul3A_300 = arith.muli %while3A_275, %mul3A_299 : i32
        %add3A_301 = arith.addi %add3A, %mul3A_300 : i32
        %mul3A_302 = arith.constant 1024 : i32
        %mul3A_303 = arith.muli %add3A_301, %mul3A_302 : i32
        %dma_wait3A = arith.constant 0 : i32
        %dma_wait3A_304 = arith.constant 0 : i32
        %dma_wait3A_305 = tpu.memref_slice %arg5[%dma_wait3A_304] : memref<16384xf32, #tpu.memory_space<vmem>> -> memref<1024xf32, #tpu.memory_space<vmem>>
        %dma_wait3A_306 = tpu.memref_slice %arg2[%dma_wait3A, %mul3A_303] : memref<16x2600000xf32, #tpu.memory_space<hbm>> -> memref<1x1024xf32, #tpu.memory_space<hbm>>
        %dma_wait3A_307 = tpu.memref_squeeze %dma_wait3A_306 : memref<1x1024xf32, #tpu.memory_space<hbm>> -> memref<1024xf32, #tpu.memory_space<hbm>>
        %dma_wait3A_308 = arith.constant 0 : i32
        %dma_wait3A_309 = tpu.memref_slice %arg5[%dma_wait3A_308] : memref<16384xf32, #tpu.memory_space<vmem>> -> memref<1024xf32, #tpu.memory_space<vmem>>
        %dma_wait3A_310 = tpu.memref_slice %arg2[%dma_wait3A, %mul3A_303] : memref<16x2600000xf32, #tpu.memory_space<hbm>> -> memref<1x1024xf32, #tpu.memory_space<hbm>>
        %dma_wait3A_311 = tpu.memref_squeeze %dma_wait3A_310 : memref<1x1024xf32, #tpu.memory_space<hbm>> -> memref<1024xf32, #tpu.memory_space<hbm>>
        tpu.wait_dma2 semaphore(%arg10 : memref<!tpu.dma_semaphore, #tpu.memory_space<semaphore_mem>>) src(%dma_wait3A_311 : memref<1024xf32, #tpu.memory_space<hbm>>) dst(%dma_wait3A_309 : memref<1024xf32, #tpu.memory_space<vmem>>)
        %mul3A_312 = arith.constant 32 : i32
        %mul3A_313 = arith.muli %while3A_275, %mul3A_312 : i32
        %add3A_314 = arith.addi %add3A, %mul3A_313 : i32
        %mul3A_315 = arith.constant 1024 : i32
        %mul3A_316 = arith.muli %add3A_314, %mul3A_315 : i32
        %dma_wait3A_317 = arith.constant 1 : i32
        %dma_wait3A_318 = arith.constant 1024 : i32
        %dma_wait3A_319 = tpu.memref_slice %arg5[%dma_wait3A_318] : memref<16384xf32, #tpu.memory_space<vmem>> -> memref<1024xf32, #tpu.memory_space<vmem>>
        %dma_wait3A_320 = tpu.memref_slice %arg2[%dma_wait3A_317, %mul3A_316] : memref<16x2600000xf32, #tpu.memory_space<hbm>> -> memref<1x1024xf32, #tpu.memory_space<hbm>>
        %dma_wait3A_321 = tpu.memref_squeeze %dma_wait3A_320 : memref<1x1024xf32, #tpu.memory_space<hbm>> -> memref<1024xf32, #tpu.memory_space<hbm>>
        %dma_wait3A_322 = arith.constant 1024 : i32
        %dma_wait3A_323 = tpu.memref_slice %arg5[%dma_wait3A_322] : memref<16384xf32, #tpu.memory_space<vmem>> -> memref<1024xf32, #tpu.memory_space<vmem>>
        %dma_wait3A_324 = tpu.memref_slice %arg2[%dma_wait3A_317, %mul3A_316] : memref<16x2600000xf32, #tpu.memory_space<hbm>> -> memref<1x1024xf32, #tpu.memory_space<hbm>>
        %dma_wait3A_325 = tpu.memref_squeeze %dma_wait3A_324 : memref<1x1024xf32, #tpu.memory_space<hbm>> -> memref<1024xf32, #tpu.memory_space<hbm>>
        tpu.wait_dma2 semaphore(%arg10 : memref<!tpu.dma_semaphore, #tpu.memory_space<semaphore_mem>>) src(%dma_wait3A_325 : memref<1024xf32, #tpu.memory_space<hbm>>) dst(%dma_wait3A_323 : memref<1024xf32, #tpu.memory_space<vmem>>)
        %mul3A_326 = arith.constant 32 : i32
        %mul3A_327 = arith.muli %while3A_275, %mul3A_326 : i32
        %add3A_328 = arith.addi %add3A, %mul3A_327 : i32
        %mul3A_329 = arith.constant 1024 : i32
        %mul3A_330 = arith.muli %add3A_328, %mul3A_329 : i32
        %dma_wait3A_331 = arith.constant 2 : i32
        %dma_wait3A_332 = arith.constant 2048 : i32
        %dma_wait3A_333 = tpu.memref_slice %arg5[%dma_wait3A_332] : memref<16384xf32, #tpu.memory_space<vmem>> -> memref<1024xf32, #tpu.memory_space<vmem>>
        %dma_wait3A_334 = tpu.memref_slice %arg2[%dma_wait3A_331, %mul3A_330] : memref<16x2600000xf32, #tpu.memory_space<hbm>> -> memref<1x1024xf32, #tpu.memory_space<hbm>>
        %dma_wait3A_335 = tpu.memref_squeeze %dma_wait3A_334 : memref<1x1024xf32, #tpu.memory_space<hbm>> -> memref<1024xf32, #tpu.memory_space<hbm>>
        %dma_wait3A_336 = arith.constant 2048 : i32
        %dma_wait3A_337 = tpu.memref_slice %arg5[%dma_wait3A_336] : memref<16384xf32, #tpu.memory_space<vmem>> -> memref<1024xf32, #tpu.memory_space<vmem>>
        %dma_wait3A_338 = tpu.memref_slice %arg2[%dma_wait3A_331, %mul3A_330] : memref<16x2600000xf32, #tpu.memory_space<hbm>> -> memref<1x1024xf32, #tpu.memory_space<hbm>>
        %dma_wait3A_339 = tpu.memref_squeeze %dma_wait3A_338 : memref<1x1024xf32, #tpu.memory_space<hbm>> -> memref<1024xf32, #tpu.memory_space<hbm>>
        tpu.wait_dma2 semaphore(%arg10 : memref<!tpu.dma_semaphore, #tpu.memory_space<semaphore_mem>>) src(%dma_wait3A_339 : memref<1024xf32, #tpu.memory_space<hbm>>) dst(%dma_wait3A_337 : memref<1024xf32, #tpu.memory_space<vmem>>)
        %mul3A_340 = arith.constant 32 : i32
        %mul3A_341 = arith.muli %while3A_275, %mul3A_340 : i32
        %add3A_342 = arith.addi %add3A, %mul3A_341 : i32
        %mul3A_343 = arith.constant 1024 : i32
        %mul3A_344 = arith.muli %add3A_342, %mul3A_343 : i32
        %dma_wait3A_345 = arith.constant 3 : i32
        %dma_wait3A_346 = arith.constant 3072 : i32
        %dma_wait3A_347 = tpu.memref_slice %arg5[%dma_wait3A_346] : memref<16384xf32, #tpu.memory_space<vmem>> -> memref<1024xf32, #tpu.memory_space<vmem>>
        %dma_wait3A_348 = tpu.memref_slice %arg2[%dma_wait3A_345, %mul3A_344] : memref<16x2600000xf32, #tpu.memory_space<hbm>> -> memref<1x1024xf32, #tpu.memory_space<hbm>>
        %dma_wait3A_349 = tpu.memref_squeeze %dma_wait3A_348 : memref<1x1024xf32, #tpu.memory_space<hbm>> -> memref<1024xf32, #tpu.memory_space<hbm>>
        %dma_wait3A_350 = arith.constant 3072 : i32
        %dma_wait3A_351 = tpu.memref_slice %arg5[%dma_wait3A_350] : memref<16384xf32, #tpu.memory_space<vmem>> -> memref<1024xf32, #tpu.memory_space<vmem>>
        %dma_wait3A_352 = tpu.memref_slice %arg2[%dma_wait3A_345, %mul3A_344] : memref<16x2600000xf32, #tpu.memory_space<hbm>> -> memref<1x1024xf32, #tpu.memory_space<hbm>>
        %dma_wait3A_353 = tpu.memref_squeeze %dma_wait3A_352 : memref<1x1024xf32, #tpu.memory_space<hbm>> -> memref<1024xf32, #tpu.memory_space<hbm>>
        tpu.wait_dma2 semaphore(%arg10 : memref<!tpu.dma_semaphore, #tpu.memory_space<semaphore_mem>>) src(%dma_wait3A_353 : memref<1024xf32, #tpu.memory_space<hbm>>) dst(%dma_wait3A_351 : memref<1024xf32, #tpu.memory_space<vmem>>)
        %mul3A_354 = arith.constant 32 : i32
        %mul3A_355 = arith.muli %while3A_275, %mul3A_354 : i32
        %add3A_356 = arith.addi %add3A, %mul3A_355 : i32
        %mul3A_357 = arith.constant 1024 : i32
        %mul3A_358 = arith.muli %add3A_356, %mul3A_357 : i32
        %dma_wait3A_359 = arith.constant 4 : i32
        %dma_wait3A_360 = arith.constant 4096 : i32
        %dma_wait3A_361 = tpu.memref_slice %arg5[%dma_wait3A_360] : memref<16384xf32, #tpu.memory_space<vmem>> -> memref<1024xf32, #tpu.memory_space<vmem>>
        %dma_wait3A_362 = tpu.memref_slice %arg2[%dma_wait3A_359, %mul3A_358] : memref<16x2600000xf32, #tpu.memory_space<hbm>> -> memref<1x1024xf32, #tpu.memory_space<hbm>>
        %dma_wait3A_363 = tpu.memref_squeeze %dma_wait3A_362 : memref<1x1024xf32, #tpu.memory_space<hbm>> -> memref<1024xf32, #tpu.memory_space<hbm>>
        %dma_wait3A_364 = arith.constant 4096 : i32
        %dma_wait3A_365 = tpu.memref_slice %arg5[%dma_wait3A_364] : memref<16384xf32, #tpu.memory_space<vmem>> -> memref<1024xf32, #tpu.memory_space<vmem>>
        %dma_wait3A_366 = tpu.memref_slice %arg2[%dma_wait3A_359, %mul3A_358] : memref<16x2600000xf32, #tpu.memory_space<hbm>> -> memref<1x1024xf32, #tpu.memory_space<hbm>>
        %dma_wait3A_367 = tpu.memref_squeeze %dma_wait3A_366 : memref<1x1024xf32, #tpu.memory_space<hbm>> -> memref<1024xf32, #tpu.memory_space<hbm>>
        tpu.wait_dma2 semaphore(%arg10 : memref<!tpu.dma_semaphore, #tpu.memory_space<semaphore_mem>>) src(%dma_wait3A_367 : memref<1024xf32, #tpu.memory_space<hbm>>) dst(%dma_wait3A_365 : memref<1024xf32, #tpu.memory_space<vmem>>)
        %mul3A_368 = arith.constant 32 : i32
        %mul3A_369 = arith.muli %while3A_275, %mul3A_368 : i32
        %add3A_370 = arith.addi %add3A, %mul3A_369 : i32
        %mul3A_371 = arith.constant 1024 : i32
        %mul3A_372 = arith.muli %add3A_370, %mul3A_371 : i32
        %dma_wait3A_373 = arith.constant 5 : i32
        %dma_wait3A_374 = arith.constant 5120 : i32
        %dma_wait3A_375 = tpu.memref_slice %arg5[%dma_wait3A_374] : memref<16384xf32, #tpu.memory_space<vmem>> -> memref<1024xf32, #tpu.memory_space<vmem>>
        %dma_wait3A_376 = tpu.memref_slice %arg2[%dma_wait3A_373, %mul3A_372] : memref<16x2600000xf32, #tpu.memory_space<hbm>> -> memref<1x1024xf32, #tpu.memory_space<hbm>>
        %dma_wait3A_377 = tpu.memref_squeeze %dma_wait3A_376 : memref<1x1024xf32, #tpu.memory_space<hbm>> -> memref<1024xf32, #tpu.memory_space<hbm>>
        %dma_wait3A_378 = arith.constant 5120 : i32
        %dma_wait3A_379 = tpu.memref_slice %arg5[%dma_wait3A_378] : memref<16384xf32, #tpu.memory_space<vmem>> -> memref<1024xf32, #tpu.memory_space<vmem>>
        %dma_wait3A_380 = tpu.memref_slice %arg2[%dma_wait3A_373, %mul3A_372] : memref<16x2600000xf32, #tpu.memory_space<hbm>> -> memref<1x1024xf32, #tpu.memory_space<hbm>>
        %dma_wait3A_381 = tpu.memref_squeeze %dma_wait3A_380 : memref<1x1024xf32, #tpu.memory_space<hbm>> -> memref<1024xf32, #tpu.memory_space<hbm>>
        tpu.wait_dma2 semaphore(%arg10 : memref<!tpu.dma_semaphore, #tpu.memory_space<semaphore_mem>>) src(%dma_wait3A_381 : memref<1024xf32, #tpu.memory_space<hbm>>) dst(%dma_wait3A_379 : memref<1024xf32, #tpu.memory_space<vmem>>)
        %mul3A_382 = arith.constant 32 : i32
        %mul3A_383 = arith.muli %while3A_275, %mul3A_382 : i32
        %add3A_384 = arith.addi %add3A, %mul3A_383 : i32
        %mul3A_385 = arith.constant 1024 : i32
        %mul3A_386 = arith.muli %add3A_384, %mul3A_385 : i32
        %dma_wait3A_387 = arith.constant 6 : i32
        %dma_wait3A_388 = arith.constant 6144 : i32
        %dma_wait3A_389 = tpu.memref_slice %arg5[%dma_wait3A_388] : memref<16384xf32, #tpu.memory_space<vmem>> -> memref<1024xf32, #tpu.memory_space<vmem>>
        %dma_wait3A_390 = tpu.memref_slice %arg2[%dma_wait3A_387, %mul3A_386] : memref<16x2600000xf32, #tpu.memory_space<hbm>> -> memref<1x1024xf32, #tpu.memory_space<hbm>>
        %dma_wait3A_391 = tpu.memref_squeeze %dma_wait3A_390 : memref<1x1024xf32, #tpu.memory_space<hbm>> -> memref<1024xf32, #tpu.memory_space<hbm>>
        %dma_wait3A_392 = arith.constant 6144 : i32
        %dma_wait3A_393 = tpu.memref_slice %arg5[%dma_wait3A_392] : memref<16384xf32, #tpu.memory_space<vmem>> -> memref<1024xf32, #tpu.memory_space<vmem>>
        %dma_wait3A_394 = tpu.memref_slice %arg2[%dma_wait3A_387, %mul3A_386] : memref<16x2600000xf32, #tpu.memory_space<hbm>> -> memref<1x1024xf32, #tpu.memory_space<hbm>>
        %dma_wait3A_395 = tpu.memref_squeeze %dma_wait3A_394 : memref<1x1024xf32, #tpu.memory_space<hbm>> -> memref<1024xf32, #tpu.memory_space<hbm>>
        tpu.wait_dma2 semaphore(%arg10 : memref<!tpu.dma_semaphore, #tpu.memory_space<semaphore_mem>>) src(%dma_wait3A_395 : memref<1024xf32, #tpu.memory_space<hbm>>) dst(%dma_wait3A_393 : memref<1024xf32, #tpu.memory_space<vmem>>)
        %mul3A_396 = arith.constant 32 : i32
        %mul3A_397 = arith.muli %while3A_275, %mul3A_396 : i32
        %add3A_398 = arith.addi %add3A, %mul3A_397 : i32
        %mul3A_399 = arith.constant 1024 : i32
        %mul3A_400 = arith.muli %add3A_398, %mul3A_399 : i32
        %dma_wait3A_401 = arith.constant 7 : i32
        %dma_wait3A_402 = arith.constant 7168 : i32
        %dma_wait3A_403 = tpu.memref_slice %arg5[%dma_wait3A_402] : memref<16384xf32, #tpu.memory_space<vmem>> -> memref<1024xf32, #tpu.memory_space<vmem>>
        %dma_wait3A_404 = tpu.memref_slice %arg2[%dma_wait3A_401, %mul3A_400] : memref<16x2600000xf32, #tpu.memory_space<hbm>> -> memref<1x1024xf32, #tpu.memory_space<hbm>>
        %dma_wait3A_405 = tpu.memref_squeeze %dma_wait3A_404 : memref<1x1024xf32, #tpu.memory_space<hbm>> -> memref<1024xf32, #tpu.memory_space<hbm>>
        %dma_wait3A_406 = arith.constant 7168 : i32
        %dma_wait3A_407 = tpu.memref_slice %arg5[%dma_wait3A_406] : memref<16384xf32, #tpu.memory_space<vmem>> -> memref<1024xf32, #tpu.memory_space<vmem>>
        %dma_wait3A_408 = tpu.memref_slice %arg2[%dma_wait3A_401, %mul3A_400] : memref<16x2600000xf32, #tpu.memory_space<hbm>> -> memref<1x1024xf32, #tpu.memory_space<hbm>>
        %dma_wait3A_409 = tpu.memref_squeeze %dma_wait3A_408 : memref<1x1024xf32, #tpu.memory_space<hbm>> -> memref<1024xf32, #tpu.memory_space<hbm>>
        tpu.wait_dma2 semaphore(%arg10 : memref<!tpu.dma_semaphore, #tpu.memory_space<semaphore_mem>>) src(%dma_wait3A_409 : memref<1024xf32, #tpu.memory_space<hbm>>) dst(%dma_wait3A_407 : memref<1024xf32, #tpu.memory_space<vmem>>)
        %mul3A_410 = arith.constant 32 : i32
        %mul3A_411 = arith.muli %while3A_275, %mul3A_410 : i32
        %add3A_412 = arith.addi %add3A, %mul3A_411 : i32
        %mul3A_413 = arith.constant 1024 : i32
        %mul3A_414 = arith.muli %add3A_412, %mul3A_413 : i32
        %dma_wait3A_415 = arith.constant 8 : i32
        %dma_wait3A_416 = arith.constant 8192 : i32
        %dma_wait3A_417 = tpu.memref_slice %arg5[%dma_wait3A_416] : memref<16384xf32, #tpu.memory_space<vmem>> -> memref<1024xf32, #tpu.memory_space<vmem>>
        %dma_wait3A_418 = tpu.memref_slice %arg2[%dma_wait3A_415, %mul3A_414] : memref<16x2600000xf32, #tpu.memory_space<hbm>> -> memref<1x1024xf32, #tpu.memory_space<hbm>>
        %dma_wait3A_419 = tpu.memref_squeeze %dma_wait3A_418 : memref<1x1024xf32, #tpu.memory_space<hbm>> -> memref<1024xf32, #tpu.memory_space<hbm>>
        %dma_wait3A_420 = arith.constant 8192 : i32
        %dma_wait3A_421 = tpu.memref_slice %arg5[%dma_wait3A_420] : memref<16384xf32, #tpu.memory_space<vmem>> -> memref<1024xf32, #tpu.memory_space<vmem>>
        %dma_wait3A_422 = tpu.memref_slice %arg2[%dma_wait3A_415, %mul3A_414] : memref<16x2600000xf32, #tpu.memory_space<hbm>> -> memref<1x1024xf32, #tpu.memory_space<hbm>>
        %dma_wait3A_423 = tpu.memref_squeeze %dma_wait3A_422 : memref<1x1024xf32, #tpu.memory_space<hbm>> -> memref<1024xf32, #tpu.memory_space<hbm>>
        tpu.wait_dma2 semaphore(%arg10 : memref<!tpu.dma_semaphore, #tpu.memory_space<semaphore_mem>>) src(%dma_wait3A_423 : memref<1024xf32, #tpu.memory_space<hbm>>) dst(%dma_wait3A_421 : memref<1024xf32, #tpu.memory_space<vmem>>)
        %mul3A_424 = arith.constant 32 : i32
        %mul3A_425 = arith.muli %while3A_275, %mul3A_424 : i32
        %add3A_426 = arith.addi %add3A, %mul3A_425 : i32
        %mul3A_427 = arith.constant 1024 : i32
        %mul3A_428 = arith.muli %add3A_426, %mul3A_427 : i32
        %dma_wait3A_429 = arith.constant 9 : i32
        %dma_wait3A_430 = arith.constant 9216 : i32
        %dma_wait3A_431 = tpu.memref_slice %arg5[%dma_wait3A_430] : memref<16384xf32, #tpu.memory_space<vmem>> -> memref<1024xf32, #tpu.memory_space<vmem>>
        %dma_wait3A_432 = tpu.memref_slice %arg2[%dma_wait3A_429, %mul3A_428] : memref<16x2600000xf32, #tpu.memory_space<hbm>> -> memref<1x1024xf32, #tpu.memory_space<hbm>>
        %dma_wait3A_433 = tpu.memref_squeeze %dma_wait3A_432 : memref<1x1024xf32, #tpu.memory_space<hbm>> -> memref<1024xf32, #tpu.memory_space<hbm>>
        %dma_wait3A_434 = arith.constant 9216 : i32
        %dma_wait3A_435 = tpu.memref_slice %arg5[%dma_wait3A_434] : memref<16384xf32, #tpu.memory_space<vmem>> -> memref<1024xf32, #tpu.memory_space<vmem>>
        %dma_wait3A_436 = tpu.memref_slice %arg2[%dma_wait3A_429, %mul3A_428] : memref<16x2600000xf32, #tpu.memory_space<hbm>> -> memref<1x1024xf32, #tpu.memory_space<hbm>>
        %dma_wait3A_437 = tpu.memref_squeeze %dma_wait3A_436 : memref<1x1024xf32, #tpu.memory_space<hbm>> -> memref<1024xf32, #tpu.memory_space<hbm>>
        tpu.wait_dma2 semaphore(%arg10 : memref<!tpu.dma_semaphore, #tpu.memory_space<semaphore_mem>>) src(%dma_wait3A_437 : memref<1024xf32, #tpu.memory_space<hbm>>) dst(%dma_wait3A_435 : memref<1024xf32, #tpu.memory_space<vmem>>)
        %mul3A_438 = arith.constant 32 : i32
        %mul3A_439 = arith.muli %while3A_275, %mul3A_438 : i32
        %add3A_440 = arith.addi %add3A, %mul3A_439 : i32
        %mul3A_441 = arith.constant 1024 : i32
        %mul3A_442 = arith.muli %add3A_440, %mul3A_441 : i32
        %dma_wait3A_443 = arith.constant 10 : i32
        %dma_wait3A_444 = arith.constant 10240 : i32
        %dma_wait3A_445 = tpu.memref_slice %arg5[%dma_wait3A_444] : memref<16384xf32, #tpu.memory_space<vmem>> -> memref<1024xf32, #tpu.memory_space<vmem>>
        %dma_wait3A_446 = tpu.memref_slice %arg2[%dma_wait3A_443, %mul3A_442] : memref<16x2600000xf32, #tpu.memory_space<hbm>> -> memref<1x1024xf32, #tpu.memory_space<hbm>>
        %dma_wait3A_447 = tpu.memref_squeeze %dma_wait3A_446 : memref<1x1024xf32, #tpu.memory_space<hbm>> -> memref<1024xf32, #tpu.memory_space<hbm>>
        %dma_wait3A_448 = arith.constant 10240 : i32
        %dma_wait3A_449 = tpu.memref_slice %arg5[%dma_wait3A_448] : memref<16384xf32, #tpu.memory_space<vmem>> -> memref<1024xf32, #tpu.memory_space<vmem>>
        %dma_wait3A_450 = tpu.memref_slice %arg2[%dma_wait3A_443, %mul3A_442] : memref<16x2600000xf32, #tpu.memory_space<hbm>> -> memref<1x1024xf32, #tpu.memory_space<hbm>>
        %dma_wait3A_451 = tpu.memref_squeeze %dma_wait3A_450 : memref<1x1024xf32, #tpu.memory_space<hbm>> -> memref<1024xf32, #tpu.memory_space<hbm>>
        tpu.wait_dma2 semaphore(%arg10 : memref<!tpu.dma_semaphore, #tpu.memory_space<semaphore_mem>>) src(%dma_wait3A_451 : memref<1024xf32, #tpu.memory_space<hbm>>) dst(%dma_wait3A_449 : memref<1024xf32, #tpu.memory_space<vmem>>)
        %mul3A_452 = arith.constant 32 : i32
        %mul3A_453 = arith.muli %while3A_275, %mul3A_452 : i32
        %add3A_454 = arith.addi %add3A, %mul3A_453 : i32
        %mul3A_455 = arith.constant 1024 : i32
        %mul3A_456 = arith.muli %add3A_454, %mul3A_455 : i32
        %dma_wait3A_457 = arith.constant 11 : i32
        %dma_wait3A_458 = arith.constant 11264 : i32
        %dma_wait3A_459 = tpu.memref_slice %arg5[%dma_wait3A_458] : memref<16384xf32, #tpu.memory_space<vmem>> -> memref<1024xf32, #tpu.memory_space<vmem>>
        %dma_wait3A_460 = tpu.memref_slice %arg2[%dma_wait3A_457, %mul3A_456] : memref<16x2600000xf32, #tpu.memory_space<hbm>> -> memref<1x1024xf32, #tpu.memory_space<hbm>>
        %dma_wait3A_461 = tpu.memref_squeeze %dma_wait3A_460 : memref<1x1024xf32, #tpu.memory_space<hbm>> -> memref<1024xf32, #tpu.memory_space<hbm>>
        %dma_wait3A_462 = arith.constant 11264 : i32
        %dma_wait3A_463 = tpu.memref_slice %arg5[%dma_wait3A_462] : memref<16384xf32, #tpu.memory_space<vmem>> -> memref<1024xf32, #tpu.memory_space<vmem>>
        %dma_wait3A_464 = tpu.memref_slice %arg2[%dma_wait3A_457, %mul3A_456] : memref<16x2600000xf32, #tpu.memory_space<hbm>> -> memref<1x1024xf32, #tpu.memory_space<hbm>>
        %dma_wait3A_465 = tpu.memref_squeeze %dma_wait3A_464 : memref<1x1024xf32, #tpu.memory_space<hbm>> -> memref<1024xf32, #tpu.memory_space<hbm>>
        tpu.wait_dma2 semaphore(%arg10 : memref<!tpu.dma_semaphore, #tpu.memory_space<semaphore_mem>>) src(%dma_wait3A_465 : memref<1024xf32, #tpu.memory_space<hbm>>) dst(%dma_wait3A_463 : memref<1024xf32, #tpu.memory_space<vmem>>)
        %mul3A_466 = arith.constant 32 : i32
        %mul3A_467 = arith.muli %while3A_275, %mul3A_466 : i32
        %add3A_468 = arith.addi %add3A, %mul3A_467 : i32
        %mul3A_469 = arith.constant 1024 : i32
        %mul3A_470 = arith.muli %add3A_468, %mul3A_469 : i32
        %dma_wait3A_471 = arith.constant 12 : i32
        %dma_wait3A_472 = arith.constant 12288 : i32
        %dma_wait3A_473 = tpu.memref_slice %arg5[%dma_wait3A_472] : memref<16384xf32, #tpu.memory_space<vmem>> -> memref<1024xf32, #tpu.memory_space<vmem>>
        %dma_wait3A_474 = tpu.memref_slice %arg2[%dma_wait3A_471, %mul3A_470] : memref<16x2600000xf32, #tpu.memory_space<hbm>> -> memref<1x1024xf32, #tpu.memory_space<hbm>>
        %dma_wait3A_475 = tpu.memref_squeeze %dma_wait3A_474 : memref<1x1024xf32, #tpu.memory_space<hbm>> -> memref<1024xf32, #tpu.memory_space<hbm>>
        %dma_wait3A_476 = arith.constant 12288 : i32
        %dma_wait3A_477 = tpu.memref_slice %arg5[%dma_wait3A_476] : memref<16384xf32, #tpu.memory_space<vmem>> -> memref<1024xf32, #tpu.memory_space<vmem>>
        %dma_wait3A_478 = tpu.memref_slice %arg2[%dma_wait3A_471, %mul3A_470] : memref<16x2600000xf32, #tpu.memory_space<hbm>> -> memref<1x1024xf32, #tpu.memory_space<hbm>>
        %dma_wait3A_479 = tpu.memref_squeeze %dma_wait3A_478 : memref<1x1024xf32, #tpu.memory_space<hbm>> -> memref<1024xf32, #tpu.memory_space<hbm>>
        tpu.wait_dma2 semaphore(%arg10 : memref<!tpu.dma_semaphore, #tpu.memory_space<semaphore_mem>>) src(%dma_wait3A_479 : memref<1024xf32, #tpu.memory_space<hbm>>) dst(%dma_wait3A_477 : memref<1024xf32, #tpu.memory_space<vmem>>)
        %mul3A_480 = arith.constant 32 : i32
        %mul3A_481 = arith.muli %while3A_275, %mul3A_480 : i32
        %add3A_482 = arith.addi %add3A, %mul3A_481 : i32
        %mul3A_483 = arith.constant 1024 : i32
        %mul3A_484 = arith.muli %add3A_482, %mul3A_483 : i32
        %dma_wait3A_485 = arith.constant 13 : i32
        %dma_wait3A_486 = arith.constant 13312 : i32
        %dma_wait3A_487 = tpu.memref_slice %arg5[%dma_wait3A_486] : memref<16384xf32, #tpu.memory_space<vmem>> -> memref<1024xf32, #tpu.memory_space<vmem>>
        %dma_wait3A_488 = tpu.memref_slice %arg2[%dma_wait3A_485, %mul3A_484] : memref<16x2600000xf32, #tpu.memory_space<hbm>> -> memref<1x1024xf32, #tpu.memory_space<hbm>>
        %dma_wait3A_489 = tpu.memref_squeeze %dma_wait3A_488 : memref<1x1024xf32, #tpu.memory_space<hbm>> -> memref<1024xf32, #tpu.memory_space<hbm>>
        %dma_wait3A_490 = arith.constant 13312 : i32
        %dma_wait3A_491 = tpu.memref_slice %arg5[%dma_wait3A_490] : memref<16384xf32, #tpu.memory_space<vmem>> -> memref<1024xf32, #tpu.memory_space<vmem>>
        %dma_wait3A_492 = tpu.memref_slice %arg2[%dma_wait3A_485, %mul3A_484] : memref<16x2600000xf32, #tpu.memory_space<hbm>> -> memref<1x1024xf32, #tpu.memory_space<hbm>>
        %dma_wait3A_493 = tpu.memref_squeeze %dma_wait3A_492 : memref<1x1024xf32, #tpu.memory_space<hbm>> -> memref<1024xf32, #tpu.memory_space<hbm>>
        tpu.wait_dma2 semaphore(%arg10 : memref<!tpu.dma_semaphore, #tpu.memory_space<semaphore_mem>>) src(%dma_wait3A_493 : memref<1024xf32, #tpu.memory_space<hbm>>) dst(%dma_wait3A_491 : memref<1024xf32, #tpu.memory_space<vmem>>)
        %mul3A_494 = arith.constant 32 : i32
        %mul3A_495 = arith.muli %while3A_275, %mul3A_494 : i32
        %add3A_496 = arith.addi %add3A, %mul3A_495 : i32
        %mul3A_497 = arith.constant 1024 : i32
        %mul3A_498 = arith.muli %add3A_496, %mul3A_497 : i32
        %dma_wait3A_499 = arith.constant 14 : i32
        %dma_wait3A_500 = arith.constant 14336 : i32
        %dma_wait3A_501 = tpu.memref_slice %arg5[%dma_wait3A_500] : memref<16384xf32, #tpu.memory_space<vmem>> -> memref<1024xf32, #tpu.memory_space<vmem>>
        %dma_wait3A_502 = tpu.memref_slice %arg2[%dma_wait3A_499, %mul3A_498] : memref<16x2600000xf32, #tpu.memory_space<hbm>> -> memref<1x1024xf32, #tpu.memory_space<hbm>>
        %dma_wait3A_503 = tpu.memref_squeeze %dma_wait3A_502 : memref<1x1024xf32, #tpu.memory_space<hbm>> -> memref<1024xf32, #tpu.memory_space<hbm>>
        %dma_wait3A_504 = arith.constant 14336 : i32
        %dma_wait3A_505 = tpu.memref_slice %arg5[%dma_wait3A_504] : memref<16384xf32, #tpu.memory_space<vmem>> -> memref<1024xf32, #tpu.memory_space<vmem>>
        %dma_wait3A_506 = tpu.memref_slice %arg2[%dma_wait3A_499, %mul3A_498] : memref<16x2600000xf32, #tpu.memory_space<hbm>> -> memref<1x1024xf32, #tpu.memory_space<hbm>>
        %dma_wait3A_507 = tpu.memref_squeeze %dma_wait3A_506 : memref<1x1024xf32, #tpu.memory_space<hbm>> -> memref<1024xf32, #tpu.memory_space<hbm>>
        tpu.wait_dma2 semaphore(%arg10 : memref<!tpu.dma_semaphore, #tpu.memory_space<semaphore_mem>>) src(%dma_wait3A_507 : memref<1024xf32, #tpu.memory_space<hbm>>) dst(%dma_wait3A_505 : memref<1024xf32, #tpu.memory_space<vmem>>)
        %mul3A_508 = arith.constant 32 : i32
        %mul3A_509 = arith.muli %while3A_275, %mul3A_508 : i32
        %add3A_510 = arith.addi %add3A, %mul3A_509 : i32
        %mul3A_511 = arith.constant 1024 : i32
        %mul3A_512 = arith.muli %add3A_510, %mul3A_511 : i32
        %dma_wait3A_513 = arith.constant 15 : i32
        %dma_wait3A_514 = arith.constant 15360 : i32
        %dma_wait3A_515 = tpu.memref_slice %arg5[%dma_wait3A_514] : memref<16384xf32, #tpu.memory_space<vmem>> -> memref<1024xf32, #tpu.memory_space<vmem>>
        %dma_wait3A_516 = tpu.memref_slice %arg2[%dma_wait3A_513, %mul3A_512] : memref<16x2600000xf32, #tpu.memory_space<hbm>> -> memref<1x1024xf32, #tpu.memory_space<hbm>>
        %dma_wait3A_517 = tpu.memref_squeeze %dma_wait3A_516 : memref<1x1024xf32, #tpu.memory_space<hbm>> -> memref<1024xf32, #tpu.memory_space<hbm>>
        %dma_wait3A_518 = arith.constant 15360 : i32
        %dma_wait3A_519 = tpu.memref_slice %arg5[%dma_wait3A_518] : memref<16384xf32, #tpu.memory_space<vmem>> -> memref<1024xf32, #tpu.memory_space<vmem>>
        %dma_wait3A_520 = tpu.memref_slice %arg2[%dma_wait3A_513, %mul3A_512] : memref<16x2600000xf32, #tpu.memory_space<hbm>> -> memref<1x1024xf32, #tpu.memory_space<hbm>>
        %dma_wait3A_521 = tpu.memref_squeeze %dma_wait3A_520 : memref<1x1024xf32, #tpu.memory_space<hbm>> -> memref<1024xf32, #tpu.memory_space<hbm>>
        tpu.wait_dma2 semaphore(%arg10 : memref<!tpu.dma_semaphore, #tpu.memory_space<semaphore_mem>>) src(%dma_wait3A_521 : memref<1024xf32, #tpu.memory_space<hbm>>) dst(%dma_wait3A_519 : memref<1024xf32, #tpu.memory_space<vmem>>)
        %mul3A_522 = arith.constant 1024 : i32
        %mul3A_523 = vector.broadcast %mul3A_522 : i32 to vector<16xi32>
        %mul3A_524 = arith.muli %iota3A, %mul3A_523 : vector<16xi32>
        %parallel_loop3A = arith.constant 0 : i32
        %parallel_loop3A_525 = arith.constant 1024 : i32
        %parallel_loop3A_526 = arith.constant 1 : i32
        scf.for %parallel_loop3A_536 = %parallel_loop3A to %parallel_loop3A_525 step %parallel_loop3A_526  : i32 {
          %parallel_loop3A_537 = vector.broadcast %parallel_loop3A_536 : i32 to vector<16xi32>
          %parallel_loop3A_538 = arith.addi %mul3A_524, %parallel_loop3A_537 : vector<16xi32>
          %parallel_loop3A_539 = tpu.vector_load_idx %arg5[%parallel_loop3A_538] : memref<16384xf32, #tpu.memory_space<vmem>>[vector<16xi32>], vector<16xf32>,
          %parallel_loop3A_540 = arith.constant 16 : i32
          %parallel_loop3A_541 = arith.muli %parallel_loop3A_536, %parallel_loop3A_540 : i32
          %parallel_loop3A_542 = arith.index_cast %parallel_loop3A_541 : i32 to index
          %parallel_loop3A_543 = tpu.vector_load %arg7[%parallel_loop3A_542] {strides = array<i32>} : memref<16384xf32, #tpu.memory_space<vmem>>, vector<16xf32>,
          tpu.vector_store %arg7[%parallel_loop3A_542], %parallel_loop3A_539 {strides = array<i32>} : memref<16384xf32, #tpu.memory_space<vmem>>, vector<16xf32>,
        } {sc.loop_unroll_factor = 8 : i64, sc.parallel_access}
        %mul3A_527 = arith.constant 32 : i32
        %mul3A_528 = arith.muli %while3A_275, %mul3A_527 : i32
        %add3A_529 = arith.addi %add3A, %mul3A_528 : i32
        %mul3A_530 = arith.constant 1024 : i32
        %mul3A_531 = arith.muli %add3A_529, %mul3A_530 : i32
        %mul3A_532 = arith.constant 16 : i32
        %mul3A_533 = arith.muli %mul3A_531, %mul3A_532 : i32
        %dma_start3A_534 = tpu.memref_slice %arg4[%mul3A_533] : memref<41600000xf32, #tpu.memory_space<hbm>> -> memref<16384xf32, #tpu.memory_space<hbm>>
        %dma_start3A_535 = tpu.memref_slice %arg4[%mul3A_533] : memref<41600000xf32, #tpu.memory_space<hbm>> -> memref<16384xf32, #tpu.memory_space<hbm>>
        tpu.enqueue_dma source(%arg7 : memref<16384xf32, #tpu.memory_space<vmem>>) target(%dma_start3A_535 : memref<16384xf32, #tpu.memory_space<hbm>>) target_semaphore(%arg12 : memref<!tpu.dma_semaphore, #tpu.memory_space<semaphore_mem>>)
      } else {
      }
      %eq3A_293 = arith.constant 1 : i32
      %eq3A_294 = arith.cmpi eq, %rem3A_278, %eq3A_293 : i32
      %convert_element_type3A_295 = arith.extui %eq3A_294 : i1 to i32
      %cond3A_296 = arith.constant 0 : i32
      %cond3A_297 = arith.cmpi ne, %convert_element_type3A_295, %cond3A_296 : i32
      scf.if %cond3A_297 {
        %mul3A_299 = arith.constant 32 : i32
        %mul3A_300 = arith.muli %while3A_275, %mul3A_299 : i32
        %add3A_301 = arith.addi %add3A, %mul3A_300 : i32
        %mul3A_302 = arith.constant 1024 : i32
        %mul3A_303 = arith.muli %add3A_301, %mul3A_302 : i32
        %dma_wait3A = arith.constant 0 : i32
        %dma_wait3A_304 = arith.constant 0 : i32
        %dma_wait3A_305 = tpu.memref_slice %arg6[%dma_wait3A_304] : memref<16384xf32, #tpu.memory_space<vmem>> -> memref<1024xf32, #tpu.memory_space<vmem>>
        %dma_wait3A_306 = tpu.memref_slice %arg2[%dma_wait3A, %mul3A_303] : memref<16x2600000xf32, #tpu.memory_space<hbm>> -> memref<1x1024xf32, #tpu.memory_space<hbm>>
        %dma_wait3A_307 = tpu.memref_squeeze %dma_wait3A_306 : memref<1x1024xf32, #tpu.memory_space<hbm>> -> memref<1024xf32, #tpu.memory_space<hbm>>
        %dma_wait3A_308 = arith.constant 0 : i32
        %dma_wait3A_309 = tpu.memref_slice %arg6[%dma_wait3A_308] : memref<16384xf32, #tpu.memory_space<vmem>> -> memref<1024xf32, #tpu.memory_space<vmem>>
        %dma_wait3A_310 = tpu.memref_slice %arg2[%dma_wait3A, %mul3A_303] : memref<16x2600000xf32, #tpu.memory_space<hbm>> -> memref<1x1024xf32, #tpu.memory_space<hbm>>
        %dma_wait3A_311 = tpu.memref_squeeze %dma_wait3A_310 : memref<1x1024xf32, #tpu.memory_space<hbm>> -> memref<1024xf32, #tpu.memory_space<hbm>>
        tpu.wait_dma2 semaphore(%arg11 : memref<!tpu.dma_semaphore, #tpu.memory_space<semaphore_mem>>) src(%dma_wait3A_311 : memref<1024xf32, #tpu.memory_space<hbm>>) dst(%dma_wait3A_309 : memref<1024xf32, #tpu.memory_space<vmem>>)
        %mul3A_312 = arith.constant 32 : i32
        %mul3A_313 = arith.muli %while3A_275, %mul3A_312 : i32
        %add3A_314 = arith.addi %add3A, %mul3A_313 : i32
        %mul3A_315 = arith.constant 1024 : i32
        %mul3A_316 = arith.muli %add3A_314, %mul3A_315 : i32
        %dma_wait3A_317 = arith.constant 1 : i32
        %dma_wait3A_318 = arith.constant 1024 : i32
        %dma_wait3A_319 = tpu.memref_slice %arg6[%dma_wait3A_318] : memref<16384xf32, #tpu.memory_space<vmem>> -> memref<1024xf32, #tpu.memory_space<vmem>>
        %dma_wait3A_320 = tpu.memref_slice %arg2[%dma_wait3A_317, %mul3A_316] : memref<16x2600000xf32, #tpu.memory_space<hbm>> -> memref<1x1024xf32, #tpu.memory_space<hbm>>
        %dma_wait3A_321 = tpu.memref_squeeze %dma_wait3A_320 : memref<1x1024xf32, #tpu.memory_space<hbm>> -> memref<1024xf32, #tpu.memory_space<hbm>>
        %dma_wait3A_322 = arith.constant 1024 : i32
        %dma_wait3A_323 = tpu.memref_slice %arg6[%dma_wait3A_322] : memref<16384xf32, #tpu.memory_space<vmem>> -> memref<1024xf32, #tpu.memory_space<vmem>>
        %dma_wait3A_324 = tpu.memref_slice %arg2[%dma_wait3A_317, %mul3A_316] : memref<16x2600000xf32, #tpu.memory_space<hbm>> -> memref<1x1024xf32, #tpu.memory_space<hbm>>
        %dma_wait3A_325 = tpu.memref_squeeze %dma_wait3A_324 : memref<1x1024xf32, #tpu.memory_space<hbm>> -> memref<1024xf32, #tpu.memory_space<hbm>>
        tpu.wait_dma2 semaphore(%arg11 : memref<!tpu.dma_semaphore, #tpu.memory_space<semaphore_mem>>) src(%dma_wait3A_325 : memref<1024xf32, #tpu.memory_space<hbm>>) dst(%dma_wait3A_323 : memref<1024xf32, #tpu.memory_space<vmem>>)
        %mul3A_326 = arith.constant 32 : i32
        %mul3A_327 = arith.muli %while3A_275, %mul3A_326 : i32
        %add3A_328 = arith.addi %add3A, %mul3A_327 : i32
        %mul3A_329 = arith.constant 1024 : i32
        %mul3A_330 = arith.muli %add3A_328, %mul3A_329 : i32
        %dma_wait3A_331 = arith.constant 2 : i32
        %dma_wait3A_332 = arith.constant 2048 : i32
        %dma_wait3A_333 = tpu.memref_slice %arg6[%dma_wait3A_332] : memref<16384xf32, #tpu.memory_space<vmem>> -> memref<1024xf32, #tpu.memory_space<vmem>>
        %dma_wait3A_334 = tpu.memref_slice %arg2[%dma_wait3A_331, %mul3A_330] : memref<16x2600000xf32, #tpu.memory_space<hbm>> -> memref<1x1024xf32, #tpu.memory_space<hbm>>
        %dma_wait3A_335 = tpu.memref_squeeze %dma_wait3A_334 : memref<1x1024xf32, #tpu.memory_space<hbm>> -> memref<1024xf32, #tpu.memory_space<hbm>>
        %dma_wait3A_336 = arith.constant 2048 : i32
        %dma_wait3A_337 = tpu.memref_slice %arg6[%dma_wait3A_336] : memref<16384xf32, #tpu.memory_space<vmem>> -> memref<1024xf32, #tpu.memory_space<vmem>>
        %dma_wait3A_338 = tpu.memref_slice %arg2[%dma_wait3A_331, %mul3A_330] : memref<16x2600000xf32, #tpu.memory_space<hbm>> -> memref<1x1024xf32, #tpu.memory_space<hbm>>
        %dma_wait3A_339 = tpu.memref_squeeze %dma_wait3A_338 : memref<1x1024xf32, #tpu.memory_space<hbm>> -> memref<1024xf32, #tpu.memory_space<hbm>>
        tpu.wait_dma2 semaphore(%arg11 : memref<!tpu.dma_semaphore, #tpu.memory_space<semaphore_mem>>) src(%dma_wait3A_339 : memref<1024xf32, #tpu.memory_space<hbm>>) dst(%dma_wait3A_337 : memref<1024xf32, #tpu.memory_space<vmem>>)
        %mul3A_340 = arith.constant 32 : i32
        %mul3A_341 = arith.muli %while3A_275, %mul3A_340 : i32
        %add3A_342 = arith.addi %add3A, %mul3A_341 : i32
        %mul3A_343 = arith.constant 1024 : i32
        %mul3A_344 = arith.muli %add3A_342, %mul3A_343 : i32
        %dma_wait3A_345 = arith.constant 3 : i32
        %dma_wait3A_346 = arith.constant 3072 : i32
        %dma_wait3A_347 = tpu.memref_slice %arg6[%dma_wait3A_346] : memref<16384xf32, #tpu.memory_space<vmem>> -> memref<1024xf32, #tpu.memory_space<vmem>>
        %dma_wait3A_348 = tpu.memref_slice %arg2[%dma_wait3A_345, %mul3A_344] : memref<16x2600000xf32, #tpu.memory_space<hbm>> -> memref<1x1024xf32, #tpu.memory_space<hbm>>
        %dma_wait3A_349 = tpu.memref_squeeze %dma_wait3A_348 : memref<1x1024xf32, #tpu.memory_space<hbm>> -> memref<1024xf32, #tpu.memory_space<hbm>>
        %dma_wait3A_350 = arith.constant 3072 : i32
        %dma_wait3A_351 = tpu.memref_slice %arg6[%dma_wait3A_350] : memref<16384xf32, #tpu.memory_space<vmem>> -> memref<1024xf32, #tpu.memory_space<vmem>>
        %dma_wait3A_352 = tpu.memref_slice %arg2[%dma_wait3A_345, %mul3A_344] : memref<16x2600000xf32, #tpu.memory_space<hbm>> -> memref<1x1024xf32, #tpu.memory_space<hbm>>
        %dma_wait3A_353 = tpu.memref_squeeze %dma_wait3A_352 : memref<1x1024xf32, #tpu.memory_space<hbm>> -> memref<1024xf32, #tpu.memory_space<hbm>>
        tpu.wait_dma2 semaphore(%arg11 : memref<!tpu.dma_semaphore, #tpu.memory_space<semaphore_mem>>) src(%dma_wait3A_353 : memref<1024xf32, #tpu.memory_space<hbm>>) dst(%dma_wait3A_351 : memref<1024xf32, #tpu.memory_space<vmem>>)
        %mul3A_354 = arith.constant 32 : i32
        %mul3A_355 = arith.muli %while3A_275, %mul3A_354 : i32
        %add3A_356 = arith.addi %add3A, %mul3A_355 : i32
        %mul3A_357 = arith.constant 1024 : i32
        %mul3A_358 = arith.muli %add3A_356, %mul3A_357 : i32
        %dma_wait3A_359 = arith.constant 4 : i32
        %dma_wait3A_360 = arith.constant 4096 : i32
        %dma_wait3A_361 = tpu.memref_slice %arg6[%dma_wait3A_360] : memref<16384xf32, #tpu.memory_space<vmem>> -> memref<1024xf32, #tpu.memory_space<vmem>>
        %dma_wait3A_362 = tpu.memref_slice %arg2[%dma_wait3A_359, %mul3A_358] : memref<16x2600000xf32, #tpu.memory_space<hbm>> -> memref<1x1024xf32, #tpu.memory_space<hbm>>
        %dma_wait3A_363 = tpu.memref_squeeze %dma_wait3A_362 : memref<1x1024xf32, #tpu.memory_space<hbm>> -> memref<1024xf32, #tpu.memory_space<hbm>>
        %dma_wait3A_364 = arith.constant 4096 : i32
        %dma_wait3A_365 = tpu.memref_slice %arg6[%dma_wait3A_364] : memref<16384xf32, #tpu.memory_space<vmem>> -> memref<1024xf32, #tpu.memory_space<vmem>>
        %dma_wait3A_366 = tpu.memref_slice %arg2[%dma_wait3A_359, %mul3A_358] : memref<16x2600000xf32, #tpu.memory_space<hbm>> -> memref<1x1024xf32, #tpu.memory_space<hbm>>
        %dma_wait3A_367 = tpu.memref_squeeze %dma_wait3A_366 : memref<1x1024xf32, #tpu.memory_space<hbm>> -> memref<1024xf32, #tpu.memory_space<hbm>>
        tpu.wait_dma2 semaphore(%arg11 : memref<!tpu.dma_semaphore, #tpu.memory_space<semaphore_mem>>) src(%dma_wait3A_367 : memref<1024xf32, #tpu.memory_space<hbm>>) dst(%dma_wait3A_365 : memref<1024xf32, #tpu.memory_space<vmem>>)
        %mul3A_368 = arith.constant 32 : i32
        %mul3A_369 = arith.muli %while3A_275, %mul3A_368 : i32
        %add3A_370 = arith.addi %add3A, %mul3A_369 : i32
        %mul3A_371 = arith.constant 1024 : i32
        %mul3A_372 = arith.muli %add3A_370, %mul3A_371 : i32
        %dma_wait3A_373 = arith.constant 5 : i32
        %dma_wait3A_374 = arith.constant 5120 : i32
        %dma_wait3A_375 = tpu.memref_slice %arg6[%dma_wait3A_374] : memref<16384xf32, #tpu.memory_space<vmem>> -> memref<1024xf32, #tpu.memory_space<vmem>>
        %dma_wait3A_376 = tpu.memref_slice %arg2[%dma_wait3A_373, %mul3A_372] : memref<16x2600000xf32, #tpu.memory_space<hbm>> -> memref<1x1024xf32, #tpu.memory_space<hbm>>
        %dma_wait3A_377 = tpu.memref_squeeze %dma_wait3A_376 : memref<1x1024xf32, #tpu.memory_space<hbm>> -> memref<1024xf32, #tpu.memory_space<hbm>>
        %dma_wait3A_378 = arith.constant 5120 : i32
        %dma_wait3A_379 = tpu.memref_slice %arg6[%dma_wait3A_378] : memref<16384xf32, #tpu.memory_space<vmem>> -> memref<1024xf32, #tpu.memory_space<vmem>>
        %dma_wait3A_380 = tpu.memref_slice %arg2[%dma_wait3A_373, %mul3A_372] : memref<16x2600000xf32, #tpu.memory_space<hbm>> -> memref<1x1024xf32, #tpu.memory_space<hbm>>
        %dma_wait3A_381 = tpu.memref_squeeze %dma_wait3A_380 : memref<1x1024xf32, #tpu.memory_space<hbm>> -> memref<1024xf32, #tpu.memory_space<hbm>>
        tpu.wait_dma2 semaphore(%arg11 : memref<!tpu.dma_semaphore, #tpu.memory_space<semaphore_mem>>) src(%dma_wait3A_381 : memref<1024xf32, #tpu.memory_space<hbm>>) dst(%dma_wait3A_379 : memref<1024xf32, #tpu.memory_space<vmem>>)
        %mul3A_382 = arith.constant 32 : i32
        %mul3A_383 = arith.muli %while3A_275, %mul3A_382 : i32
        %add3A_384 = arith.addi %add3A, %mul3A_383 : i32
        %mul3A_385 = arith.constant 1024 : i32
        %mul3A_386 = arith.muli %add3A_384, %mul3A_385 : i32
        %dma_wait3A_387 = arith.constant 6 : i32
        %dma_wait3A_388 = arith.constant 6144 : i32
        %dma_wait3A_389 = tpu.memref_slice %arg6[%dma_wait3A_388] : memref<16384xf32, #tpu.memory_space<vmem>> -> memref<1024xf32, #tpu.memory_space<vmem>>
        %dma_wait3A_390 = tpu.memref_slice %arg2[%dma_wait3A_387, %mul3A_386] : memref<16x2600000xf32, #tpu.memory_space<hbm>> -> memref<1x1024xf32, #tpu.memory_space<hbm>>
        %dma_wait3A_391 = tpu.memref_squeeze %dma_wait3A_390 : memref<1x1024xf32, #tpu.memory_space<hbm>> -> memref<1024xf32, #tpu.memory_space<hbm>>
        %dma_wait3A_392 = arith.constant 6144 : i32
        %dma_wait3A_393 = tpu.memref_slice %arg6[%dma_wait3A_392] : memref<16384xf32, #tpu.memory_space<vmem>> -> memref<1024xf32, #tpu.memory_space<vmem>>
        %dma_wait3A_394 = tpu.memref_slice %arg2[%dma_wait3A_387, %mul3A_386] : memref<16x2600000xf32, #tpu.memory_space<hbm>> -> memref<1x1024xf32, #tpu.memory_space<hbm>>
        %dma_wait3A_395 = tpu.memref_squeeze %dma_wait3A_394 : memref<1x1024xf32, #tpu.memory_space<hbm>> -> memref<1024xf32, #tpu.memory_space<hbm>>
        tpu.wait_dma2 semaphore(%arg11 : memref<!tpu.dma_semaphore, #tpu.memory_space<semaphore_mem>>) src(%dma_wait3A_395 : memref<1024xf32, #tpu.memory_space<hbm>>) dst(%dma_wait3A_393 : memref<1024xf32, #tpu.memory_space<vmem>>)
        %mul3A_396 = arith.constant 32 : i32
        %mul3A_397 = arith.muli %while3A_275, %mul3A_396 : i32
        %add3A_398 = arith.addi %add3A, %mul3A_397 : i32
        %mul3A_399 = arith.constant 1024 : i32
        %mul3A_400 = arith.muli %add3A_398, %mul3A_399 : i32
        %dma_wait3A_401 = arith.constant 7 : i32
        %dma_wait3A_402 = arith.constant 7168 : i32
        %dma_wait3A_403 = tpu.memref_slice %arg6[%dma_wait3A_402] : memref<16384xf32, #tpu.memory_space<vmem>> -> memref<1024xf32, #tpu.memory_space<vmem>>
        %dma_wait3A_404 = tpu.memref_slice %arg2[%dma_wait3A_401, %mul3A_400] : memref<16x2600000xf32, #tpu.memory_space<hbm>> -> memref<1x1024xf32, #tpu.memory_space<hbm>>
        %dma_wait3A_405 = tpu.memref_squeeze %dma_wait3A_404 : memref<1x1024xf32, #tpu.memory_space<hbm>> -> memref<1024xf32, #tpu.memory_space<hbm>>
        %dma_wait3A_406 = arith.constant 7168 : i32
        %dma_wait3A_407 = tpu.memref_slice %arg6[%dma_wait3A_406] : memref<16384xf32, #tpu.memory_space<vmem>> -> memref<1024xf32, #tpu.memory_space<vmem>>
        %dma_wait3A_408 = tpu.memref_slice %arg2[%dma_wait3A_401, %mul3A_400] : memref<16x2600000xf32, #tpu.memory_space<hbm>> -> memref<1x1024xf32, #tpu.memory_space<hbm>>
        %dma_wait3A_409 = tpu.memref_squeeze %dma_wait3A_408 : memref<1x1024xf32, #tpu.memory_space<hbm>> -> memref<1024xf32, #tpu.memory_space<hbm>>
        tpu.wait_dma2 semaphore(%arg11 : memref<!tpu.dma_semaphore, #tpu.memory_space<semaphore_mem>>) src(%dma_wait3A_409 : memref<1024xf32, #tpu.memory_space<hbm>>) dst(%dma_wait3A_407 : memref<1024xf32, #tpu.memory_space<vmem>>)
        %mul3A_410 = arith.constant 32 : i32
        %mul3A_411 = arith.muli %while3A_275, %mul3A_410 : i32
        %add3A_412 = arith.addi %add3A, %mul3A_411 : i32
        %mul3A_413 = arith.constant 1024 : i32
        %mul3A_414 = arith.muli %add3A_412, %mul3A_413 : i32
        %dma_wait3A_415 = arith.constant 8 : i32
        %dma_wait3A_416 = arith.constant 8192 : i32
        %dma_wait3A_417 = tpu.memref_slice %arg6[%dma_wait3A_416] : memref<16384xf32, #tpu.memory_space<vmem>> -> memref<1024xf32, #tpu.memory_space<vmem>>
        %dma_wait3A_418 = tpu.memref_slice %arg2[%dma_wait3A_415, %mul3A_414] : memref<16x2600000xf32, #tpu.memory_space<hbm>> -> memref<1x1024xf32, #tpu.memory_space<hbm>>
        %dma_wait3A_419 = tpu.memref_squeeze %dma_wait3A_418 : memref<1x1024xf32, #tpu.memory_space<hbm>> -> memref<1024xf32, #tpu.memory_space<hbm>>
        %dma_wait3A_420 = arith.constant 8192 : i32
        %dma_wait3A_421 = tpu.memref_slice %arg6[%dma_wait3A_420] : memref<16384xf32, #tpu.memory_space<vmem>> -> memref<1024xf32, #tpu.memory_space<vmem>>
        %dma_wait3A_422 = tpu.memref_slice %arg2[%dma_wait3A_415, %mul3A_414] : memref<16x2600000xf32, #tpu.memory_space<hbm>> -> memref<1x1024xf32, #tpu.memory_space<hbm>>
        %dma_wait3A_423 = tpu.memref_squeeze %dma_wait3A_422 : memref<1x1024xf32, #tpu.memory_space<hbm>> -> memref<1024xf32, #tpu.memory_space<hbm>>
        tpu.wait_dma2 semaphore(%arg11 : memref<!tpu.dma_semaphore, #tpu.memory_space<semaphore_mem>>) src(%dma_wait3A_423 : memref<1024xf32, #tpu.memory_space<hbm>>) dst(%dma_wait3A_421 : memref<1024xf32, #tpu.memory_space<vmem>>)
        %mul3A_424 = arith.constant 32 : i32
        %mul3A_425 = arith.muli %while3A_275, %mul3A_424 : i32
        %add3A_426 = arith.addi %add3A, %mul3A_425 : i32
        %mul3A_427 = arith.constant 1024 : i32
        %mul3A_428 = arith.muli %add3A_426, %mul3A_427 : i32
        %dma_wait3A_429 = arith.constant 9 : i32
        %dma_wait3A_430 = arith.constant 9216 : i32
        %dma_wait3A_431 = tpu.memref_slice %arg6[%dma_wait3A_430] : memref<16384xf32, #tpu.memory_space<vmem>> -> memref<1024xf32, #tpu.memory_space<vmem>>
        %dma_wait3A_432 = tpu.memref_slice %arg2[%dma_wait3A_429, %mul3A_428] : memref<16x2600000xf32, #tpu.memory_space<hbm>> -> memref<1x1024xf32, #tpu.memory_space<hbm>>
        %dma_wait3A_433 = tpu.memref_squeeze %dma_wait3A_432 : memref<1x1024xf32, #tpu.memory_space<hbm>> -> memref<1024xf32, #tpu.memory_space<hbm>>
        %dma_wait3A_434 = arith.constant 9216 : i32
        %dma_wait3A_435 = tpu.memref_slice %arg6[%dma_wait3A_434] : memref<16384xf32, #tpu.memory_space<vmem>> -> memref<1024xf32, #tpu.memory_space<vmem>>
        %dma_wait3A_436 = tpu.memref_slice %arg2[%dma_wait3A_429, %mul3A_428] : memref<16x2600000xf32, #tpu.memory_space<hbm>> -> memref<1x1024xf32, #tpu.memory_space<hbm>>
        %dma_wait3A_437 = tpu.memref_squeeze %dma_wait3A_436 : memref<1x1024xf32, #tpu.memory_space<hbm>> -> memref<1024xf32, #tpu.memory_space<hbm>>
        tpu.wait_dma2 semaphore(%arg11 : memref<!tpu.dma_semaphore, #tpu.memory_space<semaphore_mem>>) src(%dma_wait3A_437 : memref<1024xf32, #tpu.memory_space<hbm>>) dst(%dma_wait3A_435 : memref<1024xf32, #tpu.memory_space<vmem>>)
        %mul3A_438 = arith.constant 32 : i32
        %mul3A_439 = arith.muli %while3A_275, %mul3A_438 : i32
        %add3A_440 = arith.addi %add3A, %mul3A_439 : i32
        %mul3A_441 = arith.constant 1024 : i32
        %mul3A_442 = arith.muli %add3A_440, %mul3A_441 : i32
        %dma_wait3A_443 = arith.constant 10 : i32
        %dma_wait3A_444 = arith.constant 10240 : i32
        %dma_wait3A_445 = tpu.memref_slice %arg6[%dma_wait3A_444] : memref<16384xf32, #tpu.memory_space<vmem>> -> memref<1024xf32, #tpu.memory_space<vmem>>
        %dma_wait3A_446 = tpu.memref_slice %arg2[%dma_wait3A_443, %mul3A_442] : memref<16x2600000xf32, #tpu.memory_space<hbm>> -> memref<1x1024xf32, #tpu.memory_space<hbm>>
        %dma_wait3A_447 = tpu.memref_squeeze %dma_wait3A_446 : memref<1x1024xf32, #tpu.memory_space<hbm>> -> memref<1024xf32, #tpu.memory_space<hbm>>
        %dma_wait3A_448 = arith.constant 10240 : i32
        %dma_wait3A_449 = tpu.memref_slice %arg6[%dma_wait3A_448] : memref<16384xf32, #tpu.memory_space<vmem>> -> memref<1024xf32, #tpu.memory_space<vmem>>
        %dma_wait3A_450 = tpu.memref_slice %arg2[%dma_wait3A_443, %mul3A_442] : memref<16x2600000xf32, #tpu.memory_space<hbm>> -> memref<1x1024xf32, #tpu.memory_space<hbm>>
        %dma_wait3A_451 = tpu.memref_squeeze %dma_wait3A_450 : memref<1x1024xf32, #tpu.memory_space<hbm>> -> memref<1024xf32, #tpu.memory_space<hbm>>
        tpu.wait_dma2 semaphore(%arg11 : memref<!tpu.dma_semaphore, #tpu.memory_space<semaphore_mem>>) src(%dma_wait3A_451 : memref<1024xf32, #tpu.memory_space<hbm>>) dst(%dma_wait3A_449 : memref<1024xf32, #tpu.memory_space<vmem>>)
        %mul3A_452 = arith.constant 32 : i32
        %mul3A_453 = arith.muli %while3A_275, %mul3A_452 : i32
        %add3A_454 = arith.addi %add3A, %mul3A_453 : i32
        %mul3A_455 = arith.constant 1024 : i32
        %mul3A_456 = arith.muli %add3A_454, %mul3A_455 : i32
        %dma_wait3A_457 = arith.constant 11 : i32
        %dma_wait3A_458 = arith.constant 11264 : i32
        %dma_wait3A_459 = tpu.memref_slice %arg6[%dma_wait3A_458] : memref<16384xf32, #tpu.memory_space<vmem>> -> memref<1024xf32, #tpu.memory_space<vmem>>
        %dma_wait3A_460 = tpu.memref_slice %arg2[%dma_wait3A_457, %mul3A_456] : memref<16x2600000xf32, #tpu.memory_space<hbm>> -> memref<1x1024xf32, #tpu.memory_space<hbm>>
        %dma_wait3A_461 = tpu.memref_squeeze %dma_wait3A_460 : memref<1x1024xf32, #tpu.memory_space<hbm>> -> memref<1024xf32, #tpu.memory_space<hbm>>
        %dma_wait3A_462 = arith.constant 11264 : i32
        %dma_wait3A_463 = tpu.memref_slice %arg6[%dma_wait3A_462] : memref<16384xf32, #tpu.memory_space<vmem>> -> memref<1024xf32, #tpu.memory_space<vmem>>
        %dma_wait3A_464 = tpu.memref_slice %arg2[%dma_wait3A_457, %mul3A_456] : memref<16x2600000xf32, #tpu.memory_space<hbm>> -> memref<1x1024xf32, #tpu.memory_space<hbm>>
        %dma_wait3A_465 = tpu.memref_squeeze %dma_wait3A_464 : memref<1x1024xf32, #tpu.memory_space<hbm>> -> memref<1024xf32, #tpu.memory_space<hbm>>
        tpu.wait_dma2 semaphore(%arg11 : memref<!tpu.dma_semaphore, #tpu.memory_space<semaphore_mem>>) src(%dma_wait3A_465 : memref<1024xf32, #tpu.memory_space<hbm>>) dst(%dma_wait3A_463 : memref<1024xf32, #tpu.memory_space<vmem>>)
        %mul3A_466 = arith.constant 32 : i32
        %mul3A_467 = arith.muli %while3A_275, %mul3A_466 : i32
        %add3A_468 = arith.addi %add3A, %mul3A_467 : i32
        %mul3A_469 = arith.constant 1024 : i32
        %mul3A_470 = arith.muli %add3A_468, %mul3A_469 : i32
        %dma_wait3A_471 = arith.constant 12 : i32
        %dma_wait3A_472 = arith.constant 12288 : i32
        %dma_wait3A_473 = tpu.memref_slice %arg6[%dma_wait3A_472] : memref<16384xf32, #tpu.memory_space<vmem>> -> memref<1024xf32, #tpu.memory_space<vmem>>
        %dma_wait3A_474 = tpu.memref_slice %arg2[%dma_wait3A_471, %mul3A_470] : memref<16x2600000xf32, #tpu.memory_space<hbm>> -> memref<1x1024xf32, #tpu.memory_space<hbm>>
        %dma_wait3A_475 = tpu.memref_squeeze %dma_wait3A_474 : memref<1x1024xf32, #tpu.memory_space<hbm>> -> memref<1024xf32, #tpu.memory_space<hbm>>
        %dma_wait3A_476 = arith.constant 12288 : i32
        %dma_wait3A_477 = tpu.memref_slice %arg6[%dma_wait3A_476] : memref<16384xf32, #tpu.memory_space<vmem>> -> memref<1024xf32, #tpu.memory_space<vmem>>
        %dma_wait3A_478 = tpu.memref_slice %arg2[%dma_wait3A_471, %mul3A_470] : memref<16x2600000xf32, #tpu.memory_space<hbm>> -> memref<1x1024xf32, #tpu.memory_space<hbm>>
        %dma_wait3A_479 = tpu.memref_squeeze %dma_wait3A_478 : memref<1x1024xf32, #tpu.memory_space<hbm>> -> memref<1024xf32, #tpu.memory_space<hbm>>
        tpu.wait_dma2 semaphore(%arg11 : memref<!tpu.dma_semaphore, #tpu.memory_space<semaphore_mem>>) src(%dma_wait3A_479 : memref<1024xf32, #tpu.memory_space<hbm>>) dst(%dma_wait3A_477 : memref<1024xf32, #tpu.memory_space<vmem>>)
        %mul3A_480 = arith.constant 32 : i32
        %mul3A_481 = arith.muli %while3A_275, %mul3A_480 : i32
        %add3A_482 = arith.addi %add3A, %mul3A_481 : i32
        %mul3A_483 = arith.constant 1024 : i32
        %mul3A_484 = arith.muli %add3A_482, %mul3A_483 : i32
        %dma_wait3A_485 = arith.constant 13 : i32
        %dma_wait3A_486 = arith.constant 13312 : i32
        %dma_wait3A_487 = tpu.memref_slice %arg6[%dma_wait3A_486] : memref<16384xf32, #tpu.memory_space<vmem>> -> memref<1024xf32, #tpu.memory_space<vmem>>
        %dma_wait3A_488 = tpu.memref_slice %arg2[%dma_wait3A_485, %mul3A_484] : memref<16x2600000xf32, #tpu.memory_space<hbm>> -> memref<1x1024xf32, #tpu.memory_space<hbm>>
        %dma_wait3A_489 = tpu.memref_squeeze %dma_wait3A_488 : memref<1x1024xf32, #tpu.memory_space<hbm>> -> memref<1024xf32, #tpu.memory_space<hbm>>
        %dma_wait3A_490 = arith.constant 13312 : i32
        %dma_wait3A_491 = tpu.memref_slice %arg6[%dma_wait3A_490] : memref<16384xf32, #tpu.memory_space<vmem>> -> memref<1024xf32, #tpu.memory_space<vmem>>
        %dma_wait3A_492 = tpu.memref_slice %arg2[%dma_wait3A_485, %mul3A_484] : memref<16x2600000xf32, #tpu.memory_space<hbm>> -> memref<1x1024xf32, #tpu.memory_space<hbm>>
        %dma_wait3A_493 = tpu.memref_squeeze %dma_wait3A_492 : memref<1x1024xf32, #tpu.memory_space<hbm>> -> memref<1024xf32, #tpu.memory_space<hbm>>
        tpu.wait_dma2 semaphore(%arg11 : memref<!tpu.dma_semaphore, #tpu.memory_space<semaphore_mem>>) src(%dma_wait3A_493 : memref<1024xf32, #tpu.memory_space<hbm>>) dst(%dma_wait3A_491 : memref<1024xf32, #tpu.memory_space<vmem>>)
        %mul3A_494 = arith.constant 32 : i32
        %mul3A_495 = arith.muli %while3A_275, %mul3A_494 : i32
        %add3A_496 = arith.addi %add3A, %mul3A_495 : i32
        %mul3A_497 = arith.constant 1024 : i32
        %mul3A_498 = arith.muli %add3A_496, %mul3A_497 : i32
        %dma_wait3A_499 = arith.constant 14 : i32
        %dma_wait3A_500 = arith.constant 14336 : i32
        %dma_wait3A_501 = tpu.memref_slice %arg6[%dma_wait3A_500] : memref<16384xf32, #tpu.memory_space<vmem>> -> memref<1024xf32, #tpu.memory_space<vmem>>
        %dma_wait3A_502 = tpu.memref_slice %arg2[%dma_wait3A_499, %mul3A_498] : memref<16x2600000xf32, #tpu.memory_space<hbm>> -> memref<1x1024xf32, #tpu.memory_space<hbm>>
        %dma_wait3A_503 = tpu.memref_squeeze %dma_wait3A_502 : memref<1x1024xf32, #tpu.memory_space<hbm>> -> memref<1024xf32, #tpu.memory_space<hbm>>
        %dma_wait3A_504 = arith.constant 14336 : i32
        %dma_wait3A_505 = tpu.memref_slice %arg6[%dma_wait3A_504] : memref<16384xf32, #tpu.memory_space<vmem>> -> memref<1024xf32, #tpu.memory_space<vmem>>
        %dma_wait3A_506 = tpu.memref_slice %arg2[%dma_wait3A_499, %mul3A_498] : memref<16x2600000xf32, #tpu.memory_space<hbm>> -> memref<1x1024xf32, #tpu.memory_space<hbm>>
        %dma_wait3A_507 = tpu.memref_squeeze %dma_wait3A_506 : memref<1x1024xf32, #tpu.memory_space<hbm>> -> memref<1024xf32, #tpu.memory_space<hbm>>
        tpu.wait_dma2 semaphore(%arg11 : memref<!tpu.dma_semaphore, #tpu.memory_space<semaphore_mem>>) src(%dma_wait3A_507 : memref<1024xf32, #tpu.memory_space<hbm>>) dst(%dma_wait3A_505 : memref<1024xf32, #tpu.memory_space<vmem>>)
        %mul3A_508 = arith.constant 32 : i32
        %mul3A_509 = arith.muli %while3A_275, %mul3A_508 : i32
        %add3A_510 = arith.addi %add3A, %mul3A_509 : i32
        %mul3A_511 = arith.constant 1024 : i32
        %mul3A_512 = arith.muli %add3A_510, %mul3A_511 : i32
        %dma_wait3A_513 = arith.constant 15 : i32
        %dma_wait3A_514 = arith.constant 15360 : i32
        %dma_wait3A_515 = tpu.memref_slice %arg6[%dma_wait3A_514] : memref<16384xf32, #tpu.memory_space<vmem>> -> memref<1024xf32, #tpu.memory_space<vmem>>
        %dma_wait3A_516 = tpu.memref_slice %arg2[%dma_wait3A_513, %mul3A_512] : memref<16x2600000xf32, #tpu.memory_space<hbm>> -> memref<1x1024xf32, #tpu.memory_space<hbm>>
        %dma_wait3A_517 = tpu.memref_squeeze %dma_wait3A_516 : memref<1x1024xf32, #tpu.memory_space<hbm>> -> memref<1024xf32, #tpu.memory_space<hbm>>
        %dma_wait3A_518 = arith.constant 15360 : i32
        %dma_wait3A_519 = tpu.memref_slice %arg6[%dma_wait3A_518] : memref<16384xf32, #tpu.memory_space<vmem>> -> memref<1024xf32, #tpu.memory_space<vmem>>
        %dma_wait3A_520 = tpu.memref_slice %arg2[%dma_wait3A_513, %mul3A_512] : memref<16x2600000xf32, #tpu.memory_space<hbm>> -> memref<1x1024xf32, #tpu.memory_space<hbm>>
        %dma_wait3A_521 = tpu.memref_squeeze %dma_wait3A_520 : memref<1x1024xf32, #tpu.memory_space<hbm>> -> memref<1024xf32, #tpu.memory_space<hbm>>
        tpu.wait_dma2 semaphore(%arg11 : memref<!tpu.dma_semaphore, #tpu.memory_space<semaphore_mem>>) src(%dma_wait3A_521 : memref<1024xf32, #tpu.memory_space<hbm>>) dst(%dma_wait3A_519 : memref<1024xf32, #tpu.memory_space<vmem>>)
        %mul3A_522 = arith.constant 1024 : i32
        %mul3A_523 = vector.broadcast %mul3A_522 : i32 to vector<16xi32>
        %mul3A_524 = arith.muli %iota3A, %mul3A_523 : vector<16xi32>
        %parallel_loop3A = arith.constant 0 : i32
        %parallel_loop3A_525 = arith.constant 1024 : i32
        %parallel_loop3A_526 = arith.constant 1 : i32
        scf.for %parallel_loop3A_536 = %parallel_loop3A to %parallel_loop3A_525 step %parallel_loop3A_526  : i32 {
          %parallel_loop3A_537 = vector.broadcast %parallel_loop3A_536 : i32 to vector<16xi32>
          %parallel_loop3A_538 = arith.addi %mul3A_524, %parallel_loop3A_537 : vector<16xi32>
          %parallel_loop3A_539 = tpu.vector_load_idx %arg6[%parallel_loop3A_538] : memref<16384xf32, #tpu.memory_space<vmem>>[vector<16xi32>], vector<16xf32>,
          %parallel_loop3A_540 = arith.constant 16 : i32
          %parallel_loop3A_541 = arith.muli %parallel_loop3A_536, %parallel_loop3A_540 : i32
          %parallel_loop3A_542 = arith.index_cast %parallel_loop3A_541 : i32 to index
          %parallel_loop3A_543 = tpu.vector_load %arg8[%parallel_loop3A_542] {strides = array<i32>} : memref<16384xf32, #tpu.memory_space<vmem>>, vector<16xf32>,
          tpu.vector_store %arg8[%parallel_loop3A_542], %parallel_loop3A_539 {strides = array<i32>} : memref<16384xf32, #tpu.memory_space<vmem>>, vector<16xf32>,
        } {sc.loop_unroll_factor = 8 : i64, sc.parallel_access}
        %mul3A_527 = arith.constant 32 : i32
        %mul3A_528 = arith.muli %while3A_275, %mul3A_527 : i32
        %add3A_529 = arith.addi %add3A, %mul3A_528 : i32
        %mul3A_530 = arith.constant 1024 : i32
        %mul3A_531 = arith.muli %add3A_529, %mul3A_530 : i32
        %mul3A_532 = arith.constant 16 : i32
        %mul3A_533 = arith.muli %mul3A_531, %mul3A_532 : i32
        %dma_start3A_534 = tpu.memref_slice %arg4[%mul3A_533] : memref<41600000xf32, #tpu.memory_space<hbm>> -> memref<16384xf32, #tpu.memory_space<hbm>>
        %dma_start3A_535 = tpu.memref_slice %arg4[%mul3A_533] : memref<41600000xf32, #tpu.memory_space<hbm>> -> memref<16384xf32, #tpu.memory_space<hbm>>
        tpu.enqueue_dma source(%arg8 : memref<16384xf32, #tpu.memory_space<vmem>>) target(%dma_start3A_535 : memref<16384xf32, #tpu.memory_space<hbm>>) target_semaphore(%arg13 : memref<!tpu.dma_semaphore, #tpu.memory_space<semaphore_mem>>)
      } else {
      }
      %while3A_298 = arith.constant 0 : i32
      scf.yield %while3A_298 : i32
    }
    %while3A_239 = arith.constant 1 : i32
    %while3A_240 = scf.for %while3A_275 = %while3A_236 to %while3A_232 step %while3A_239 iter_args(%while3A_276 = %while3A_238) -> (i32)  : i32 {
      %rem3A_277 = arith.constant 2 : i32
      %rem3A_278 = arith.remsi %while3A_275, %rem3A_277 : i32
      %add3A_279 = arith.constant 1 : i32
      %add3A_280 = arith.addi %while3A_275, %add3A_279 : i32
      %lt3A = arith.cmpi slt, %add3A_280, %select_n3A : i32
      %convert_element_type3A_281 = arith.extui %lt3A : i1 to i32
      %cond3A_282 = arith.constant 0 : i32
      %cond3A_283 = arith.cmpi ne, %convert_element_type3A_281, %cond3A_282 : i32
      scf.if %cond3A_283 {
        %eq3A_299 = arith.constant 0 : i32
        %eq3A_300 = arith.cmpi eq, %rem3A_278, %eq3A_299 : i32
        %convert_element_type3A_301 = arith.extui %eq3A_300 : i1 to i32
        %cond3A_302 = arith.constant 0 : i32
        %cond3A_303 = arith.cmpi ne, %convert_element_type3A_301, %cond3A_302 : i32
        scf.if %cond3A_303 {
          %add3A_309 = arith.constant 1 : i32
          %add3A_310 = arith.addi %while3A_275, %add3A_309 : i32
          %mul3A_311 = arith.constant 32 : i32
          %mul3A_312 = arith.muli %add3A_310, %mul3A_311 : i32
          %add3A_313 = arith.addi %add3A, %mul3A_312 : i32
          %mul3A_314 = arith.constant 1024 : i32
          %mul3A_315 = arith.muli %add3A_313, %mul3A_314 : i32
          %dma_start3A_316 = arith.constant 0 : i32
          %dma_start3A_317 = arith.constant 0 : i32
          %dma_start3A_318 = tpu.memref_slice %arg6[%dma_start3A_317] : memref<16384xf32, #tpu.memory_space<vmem>> -> memref<1024xf32, #tpu.memory_space<vmem>>
          %dma_start3A_319 = tpu.memref_slice %arg2[%dma_start3A_316, %mul3A_315] : memref<16x2600000xf32, #tpu.memory_space<hbm>> -> memref<1x1024xf32, #tpu.memory_space<hbm>>
          %dma_start3A_320 = tpu.memref_squeeze %dma_start3A_319 : memref<1x1024xf32, #tpu.memory_space<hbm>> -> memref<1024xf32, #tpu.memory_space<hbm>>
          %dma_start3A_321 = arith.constant 0 : i32
          %dma_start3A_322 = tpu.memref_slice %arg6[%dma_start3A_321] : memref<16384xf32, #tpu.memory_space<vmem>> -> memref<1024xf32, #tpu.memory_space<vmem>>
          %dma_start3A_323 = tpu.memref_slice %arg2[%dma_start3A_316, %mul3A_315] : memref<16x2600000xf32, #tpu.memory_space<hbm>> -> memref<1x1024xf32, #tpu.memory_space<hbm>>
          %dma_start3A_324 = tpu.memref_squeeze %dma_start3A_323 : memref<1x1024xf32, #tpu.memory_space<hbm>> -> memref<1024xf32, #tpu.memory_space<hbm>>
          tpu.enqueue_dma source(%dma_start3A_324 : memref<1024xf32, #tpu.memory_space<hbm>>) target(%dma_start3A_322 : memref<1024xf32, #tpu.memory_space<vmem>>) target_semaphore(%arg11 : memref<!tpu.dma_semaphore, #tpu.memory_space<semaphore_mem>>)
          %mul3A_325 = arith.constant 32 : i32
          %mul3A_326 = arith.muli %add3A_310, %mul3A_325 : i32
          %add3A_327 = arith.addi %add3A, %mul3A_326 : i32
          %mul3A_328 = arith.constant 1024 : i32
          %mul3A_329 = arith.muli %add3A_327, %mul3A_328 : i32
          %dma_start3A_330 = arith.constant 1 : i32
          %dma_start3A_331 = arith.constant 1024 : i32
          %dma_start3A_332 = tpu.memref_slice %arg6[%dma_start3A_331] : memref<16384xf32, #tpu.memory_space<vmem>> -> memref<1024xf32, #tpu.memory_space<vmem>>
          %dma_start3A_333 = tpu.memref_slice %arg2[%dma_start3A_330, %mul3A_329] : memref<16x2600000xf32, #tpu.memory_space<hbm>> -> memref<1x1024xf32, #tpu.memory_space<hbm>>
          %dma_start3A_334 = tpu.memref_squeeze %dma_start3A_333 : memref<1x1024xf32, #tpu.memory_space<hbm>> -> memref<1024xf32, #tpu.memory_space<hbm>>
          %dma_start3A_335 = arith.constant 1024 : i32
          %dma_start3A_336 = tpu.memref_slice %arg6[%dma_start3A_335] : memref<16384xf32, #tpu.memory_space<vmem>> -> memref<1024xf32, #tpu.memory_space<vmem>>
          %dma_start3A_337 = tpu.memref_slice %arg2[%dma_start3A_330, %mul3A_329] : memref<16x2600000xf32, #tpu.memory_space<hbm>> -> memref<1x1024xf32, #tpu.memory_space<hbm>>
          %dma_start3A_338 = tpu.memref_squeeze %dma_start3A_337 : memref<1x1024xf32, #tpu.memory_space<hbm>> -> memref<1024xf32, #tpu.memory_space<hbm>>
          tpu.enqueue_dma source(%dma_start3A_338 : memref<1024xf32, #tpu.memory_space<hbm>>) target(%dma_start3A_336 : memref<1024xf32, #tpu.memory_space<vmem>>) target_semaphore(%arg11 : memref<!tpu.dma_semaphore, #tpu.memory_space<semaphore_mem>>)
          %mul3A_339 = arith.constant 32 : i32
          %mul3A_340 = arith.muli %add3A_310, %mul3A_339 : i32
          %add3A_341 = arith.addi %add3A, %mul3A_340 : i32
          %mul3A_342 = arith.constant 1024 : i32
          %mul3A_343 = arith.muli %add3A_341, %mul3A_342 : i32
          %dma_start3A_344 = arith.constant 2 : i32
          %dma_start3A_345 = arith.constant 2048 : i32
          %dma_start3A_346 = tpu.memref_slice %arg6[%dma_start3A_345] : memref<16384xf32, #tpu.memory_space<vmem>> -> memref<1024xf32, #tpu.memory_space<vmem>>
          %dma_start3A_347 = tpu.memref_slice %arg2[%dma_start3A_344, %mul3A_343] : memref<16x2600000xf32, #tpu.memory_space<hbm>> -> memref<1x1024xf32, #tpu.memory_space<hbm>>
          %dma_start3A_348 = tpu.memref_squeeze %dma_start3A_347 : memref<1x1024xf32, #tpu.memory_space<hbm>> -> memref<1024xf32, #tpu.memory_space<hbm>>
          %dma_start3A_349 = arith.constant 2048 : i32
          %dma_start3A_350 = tpu.memref_slice %arg6[%dma_start3A_349] : memref<16384xf32, #tpu.memory_space<vmem>> -> memref<1024xf32, #tpu.memory_space<vmem>>
          %dma_start3A_351 = tpu.memref_slice %arg2[%dma_start3A_344, %mul3A_343] : memref<16x2600000xf32, #tpu.memory_space<hbm>> -> memref<1x1024xf32, #tpu.memory_space<hbm>>
          %dma_start3A_352 = tpu.memref_squeeze %dma_start3A_351 : memref<1x1024xf32, #tpu.memory_space<hbm>> -> memref<1024xf32, #tpu.memory_space<hbm>>
          tpu.enqueue_dma source(%dma_start3A_352 : memref<1024xf32, #tpu.memory_space<hbm>>) target(%dma_start3A_350 : memref<1024xf32, #tpu.memory_space<vmem>>) target_semaphore(%arg11 : memref<!tpu.dma_semaphore, #tpu.memory_space<semaphore_mem>>)
          %mul3A_353 = arith.constant 32 : i32
          %mul3A_354 = arith.muli %add3A_310, %mul3A_353 : i32
          %add3A_355 = arith.addi %add3A, %mul3A_354 : i32
          %mul3A_356 = arith.constant 1024 : i32
          %mul3A_357 = arith.muli %add3A_355, %mul3A_356 : i32
          %dma_start3A_358 = arith.constant 3 : i32
          %dma_start3A_359 = arith.constant 3072 : i32
          %dma_start3A_360 = tpu.memref_slice %arg6[%dma_start3A_359] : memref<16384xf32, #tpu.memory_space<vmem>> -> memref<1024xf32, #tpu.memory_space<vmem>>
          %dma_start3A_361 = tpu.memref_slice %arg2[%dma_start3A_358, %mul3A_357] : memref<16x2600000xf32, #tpu.memory_space<hbm>> -> memref<1x1024xf32, #tpu.memory_space<hbm>>
          %dma_start3A_362 = tpu.memref_squeeze %dma_start3A_361 : memref<1x1024xf32, #tpu.memory_space<hbm>> -> memref<1024xf32, #tpu.memory_space<hbm>>
          %dma_start3A_363 = arith.constant 3072 : i32
          %dma_start3A_364 = tpu.memref_slice %arg6[%dma_start3A_363] : memref<16384xf32, #tpu.memory_space<vmem>> -> memref<1024xf32, #tpu.memory_space<vmem>>
          %dma_start3A_365 = tpu.memref_slice %arg2[%dma_start3A_358, %mul3A_357] : memref<16x2600000xf32, #tpu.memory_space<hbm>> -> memref<1x1024xf32, #tpu.memory_space<hbm>>
          %dma_start3A_366 = tpu.memref_squeeze %dma_start3A_365 : memref<1x1024xf32, #tpu.memory_space<hbm>> -> memref<1024xf32, #tpu.memory_space<hbm>>
          tpu.enqueue_dma source(%dma_start3A_366 : memref<1024xf32, #tpu.memory_space<hbm>>) target(%dma_start3A_364 : memref<1024xf32, #tpu.memory_space<vmem>>) target_semaphore(%arg11 : memref<!tpu.dma_semaphore, #tpu.memory_space<semaphore_mem>>)
          %mul3A_367 = arith.constant 32 : i32
          %mul3A_368 = arith.muli %add3A_310, %mul3A_367 : i32
          %add3A_369 = arith.addi %add3A, %mul3A_368 : i32
          %mul3A_370 = arith.constant 1024 : i32
          %mul3A_371 = arith.muli %add3A_369, %mul3A_370 : i32
          %dma_start3A_372 = arith.constant 4 : i32
          %dma_start3A_373 = arith.constant 4096 : i32
          %dma_start3A_374 = tpu.memref_slice %arg6[%dma_start3A_373] : memref<16384xf32, #tpu.memory_space<vmem>> -> memref<1024xf32, #tpu.memory_space<vmem>>
          %dma_start3A_375 = tpu.memref_slice %arg2[%dma_start3A_372, %mul3A_371] : memref<16x2600000xf32, #tpu.memory_space<hbm>> -> memref<1x1024xf32, #tpu.memory_space<hbm>>
          %dma_start3A_376 = tpu.memref_squeeze %dma_start3A_375 : memref<1x1024xf32, #tpu.memory_space<hbm>> -> memref<1024xf32, #tpu.memory_space<hbm>>
          %dma_start3A_377 = arith.constant 4096 : i32
          %dma_start3A_378 = tpu.memref_slice %arg6[%dma_start3A_377] : memref<16384xf32, #tpu.memory_space<vmem>> -> memref<1024xf32, #tpu.memory_space<vmem>>
          %dma_start3A_379 = tpu.memref_slice %arg2[%dma_start3A_372, %mul3A_371] : memref<16x2600000xf32, #tpu.memory_space<hbm>> -> memref<1x1024xf32, #tpu.memory_space<hbm>>
          %dma_start3A_380 = tpu.memref_squeeze %dma_start3A_379 : memref<1x1024xf32, #tpu.memory_space<hbm>> -> memref<1024xf32, #tpu.memory_space<hbm>>
          tpu.enqueue_dma source(%dma_start3A_380 : memref<1024xf32, #tpu.memory_space<hbm>>) target(%dma_start3A_378 : memref<1024xf32, #tpu.memory_space<vmem>>) target_semaphore(%arg11 : memref<!tpu.dma_semaphore, #tpu.memory_space<semaphore_mem>>)
          %mul3A_381 = arith.constant 32 : i32
          %mul3A_382 = arith.muli %add3A_310, %mul3A_381 : i32
          %add3A_383 = arith.addi %add3A, %mul3A_382 : i32
          %mul3A_384 = arith.constant 1024 : i32
          %mul3A_385 = arith.muli %add3A_383, %mul3A_384 : i32
          %dma_start3A_386 = arith.constant 5 : i32
          %dma_start3A_387 = arith.constant 5120 : i32
          %dma_start3A_388 = tpu.memref_slice %arg6[%dma_start3A_387] : memref<16384xf32, #tpu.memory_space<vmem>> -> memref<1024xf32, #tpu.memory_space<vmem>>
          %dma_start3A_389 = tpu.memref_slice %arg2[%dma_start3A_386, %mul3A_385] : memref<16x2600000xf32, #tpu.memory_space<hbm>> -> memref<1x1024xf32, #tpu.memory_space<hbm>>
          %dma_start3A_390 = tpu.memref_squeeze %dma_start3A_389 : memref<1x1024xf32, #tpu.memory_space<hbm>> -> memref<1024xf32, #tpu.memory_space<hbm>>
          %dma_start3A_391 = arith.constant 5120 : i32
          %dma_start3A_392 = tpu.memref_slice %arg6[%dma_start3A_391] : memref<16384xf32, #tpu.memory_space<vmem>> -> memref<1024xf32, #tpu.memory_space<vmem>>
          %dma_start3A_393 = tpu.memref_slice %arg2[%dma_start3A_386, %mul3A_385] : memref<16x2600000xf32, #tpu.memory_space<hbm>> -> memref<1x1024xf32, #tpu.memory_space<hbm>>
          %dma_start3A_394 = tpu.memref_squeeze %dma_start3A_393 : memref<1x1024xf32, #tpu.memory_space<hbm>> -> memref<1024xf32, #tpu.memory_space<hbm>>
          tpu.enqueue_dma source(%dma_start3A_394 : memref<1024xf32, #tpu.memory_space<hbm>>) target(%dma_start3A_392 : memref<1024xf32, #tpu.memory_space<vmem>>) target_semaphore(%arg11 : memref<!tpu.dma_semaphore, #tpu.memory_space<semaphore_mem>>)
          %mul3A_395 = arith.constant 32 : i32
          %mul3A_396 = arith.muli %add3A_310, %mul3A_395 : i32
          %add3A_397 = arith.addi %add3A, %mul3A_396 : i32
          %mul3A_398 = arith.constant 1024 : i32
          %mul3A_399 = arith.muli %add3A_397, %mul3A_398 : i32
          %dma_start3A_400 = arith.constant 6 : i32
          %dma_start3A_401 = arith.constant 6144 : i32
          %dma_start3A_402 = tpu.memref_slice %arg6[%dma_start3A_401] : memref<16384xf32, #tpu.memory_space<vmem>> -> memref<1024xf32, #tpu.memory_space<vmem>>
          %dma_start3A_403 = tpu.memref_slice %arg2[%dma_start3A_400, %mul3A_399] : memref<16x2600000xf32, #tpu.memory_space<hbm>> -> memref<1x1024xf32, #tpu.memory_space<hbm>>
          %dma_start3A_404 = tpu.memref_squeeze %dma_start3A_403 : memref<1x1024xf32, #tpu.memory_space<hbm>> -> memref<1024xf32, #tpu.memory_space<hbm>>
          %dma_start3A_405 = arith.constant 6144 : i32
          %dma_start3A_406 = tpu.memref_slice %arg6[%dma_start3A_405] : memref<16384xf32, #tpu.memory_space<vmem>> -> memref<1024xf32, #tpu.memory_space<vmem>>
          %dma_start3A_407 = tpu.memref_slice %arg2[%dma_start3A_400, %mul3A_399] : memref<16x2600000xf32, #tpu.memory_space<hbm>> -> memref<1x1024xf32, #tpu.memory_space<hbm>>
          %dma_start3A_408 = tpu.memref_squeeze %dma_start3A_407 : memref<1x1024xf32, #tpu.memory_space<hbm>> -> memref<1024xf32, #tpu.memory_space<hbm>>
          tpu.enqueue_dma source(%dma_start3A_408 : memref<1024xf32, #tpu.memory_space<hbm>>) target(%dma_start3A_406 : memref<1024xf32, #tpu.memory_space<vmem>>) target_semaphore(%arg11 : memref<!tpu.dma_semaphore, #tpu.memory_space<semaphore_mem>>)
          %mul3A_409 = arith.constant 32 : i32
          %mul3A_410 = arith.muli %add3A_310, %mul3A_409 : i32
          %add3A_411 = arith.addi %add3A, %mul3A_410 : i32
          %mul3A_412 = arith.constant 1024 : i32
          %mul3A_413 = arith.muli %add3A_411, %mul3A_412 : i32
          %dma_start3A_414 = arith.constant 7 : i32
          %dma_start3A_415 = arith.constant 7168 : i32
          %dma_start3A_416 = tpu.memref_slice %arg6[%dma_start3A_415] : memref<16384xf32, #tpu.memory_space<vmem>> -> memref<1024xf32, #tpu.memory_space<vmem>>
          %dma_start3A_417 = tpu.memref_slice %arg2[%dma_start3A_414, %mul3A_413] : memref<16x2600000xf32, #tpu.memory_space<hbm>> -> memref<1x1024xf32, #tpu.memory_space<hbm>>
          %dma_start3A_418 = tpu.memref_squeeze %dma_start3A_417 : memref<1x1024xf32, #tpu.memory_space<hbm>> -> memref<1024xf32, #tpu.memory_space<hbm>>
          %dma_start3A_419 = arith.constant 7168 : i32
          %dma_start3A_420 = tpu.memref_slice %arg6[%dma_start3A_419] : memref<16384xf32, #tpu.memory_space<vmem>> -> memref<1024xf32, #tpu.memory_space<vmem>>
          %dma_start3A_421 = tpu.memref_slice %arg2[%dma_start3A_414, %mul3A_413] : memref<16x2600000xf32, #tpu.memory_space<hbm>> -> memref<1x1024xf32, #tpu.memory_space<hbm>>
          %dma_start3A_422 = tpu.memref_squeeze %dma_start3A_421 : memref<1x1024xf32, #tpu.memory_space<hbm>> -> memref<1024xf32, #tpu.memory_space<hbm>>
          tpu.enqueue_dma source(%dma_start3A_422 : memref<1024xf32, #tpu.memory_space<hbm>>) target(%dma_start3A_420 : memref<1024xf32, #tpu.memory_space<vmem>>) target_semaphore(%arg11 : memref<!tpu.dma_semaphore, #tpu.memory_space<semaphore_mem>>)
          %mul3A_423 = arith.constant 32 : i32
          %mul3A_424 = arith.muli %add3A_310, %mul3A_423 : i32
          %add3A_425 = arith.addi %add3A, %mul3A_424 : i32
          %mul3A_426 = arith.constant 1024 : i32
          %mul3A_427 = arith.muli %add3A_425, %mul3A_426 : i32
          %dma_start3A_428 = arith.constant 8 : i32
          %dma_start3A_429 = arith.constant 8192 : i32
          %dma_start3A_430 = tpu.memref_slice %arg6[%dma_start3A_429] : memref<16384xf32, #tpu.memory_space<vmem>> -> memref<1024xf32, #tpu.memory_space<vmem>>
          %dma_start3A_431 = tpu.memref_slice %arg2[%dma_start3A_428, %mul3A_427] : memref<16x2600000xf32, #tpu.memory_space<hbm>> -> memref<1x1024xf32, #tpu.memory_space<hbm>>
          %dma_start3A_432 = tpu.memref_squeeze %dma_start3A_431 : memref<1x1024xf32, #tpu.memory_space<hbm>> -> memref<1024xf32, #tpu.memory_space<hbm>>
          %dma_start3A_433 = arith.constant 8192 : i32
          %dma_start3A_434 = tpu.memref_slice %arg6[%dma_start3A_433] : memref<16384xf32, #tpu.memory_space<vmem>> -> memref<1024xf32, #tpu.memory_space<vmem>>
          %dma_start3A_435 = tpu.memref_slice %arg2[%dma_start3A_428, %mul3A_427] : memref<16x2600000xf32, #tpu.memory_space<hbm>> -> memref<1x1024xf32, #tpu.memory_space<hbm>>
          %dma_start3A_436 = tpu.memref_squeeze %dma_start3A_435 : memref<1x1024xf32, #tpu.memory_space<hbm>> -> memref<1024xf32, #tpu.memory_space<hbm>>
          tpu.enqueue_dma source(%dma_start3A_436 : memref<1024xf32, #tpu.memory_space<hbm>>) target(%dma_start3A_434 : memref<1024xf32, #tpu.memory_space<vmem>>) target_semaphore(%arg11 : memref<!tpu.dma_semaphore, #tpu.memory_space<semaphore_mem>>)
          %mul3A_437 = arith.constant 32 : i32
          %mul3A_438 = arith.muli %add3A_310, %mul3A_437 : i32
          %add3A_439 = arith.addi %add3A, %mul3A_438 : i32
          %mul3A_440 = arith.constant 1024 : i32
          %mul3A_441 = arith.muli %add3A_439, %mul3A_440 : i32
          %dma_start3A_442 = arith.constant 9 : i32
          %dma_start3A_443 = arith.constant 9216 : i32
          %dma_start3A_444 = tpu.memref_slice %arg6[%dma_start3A_443] : memref<16384xf32, #tpu.memory_space<vmem>> -> memref<1024xf32, #tpu.memory_space<vmem>>
          %dma_start3A_445 = tpu.memref_slice %arg2[%dma_start3A_442, %mul3A_441] : memref<16x2600000xf32, #tpu.memory_space<hbm>> -> memref<1x1024xf32, #tpu.memory_space<hbm>>
          %dma_start3A_446 = tpu.memref_squeeze %dma_start3A_445 : memref<1x1024xf32, #tpu.memory_space<hbm>> -> memref<1024xf32, #tpu.memory_space<hbm>>
          %dma_start3A_447 = arith.constant 9216 : i32
          %dma_start3A_448 = tpu.memref_slice %arg6[%dma_start3A_447] : memref<16384xf32, #tpu.memory_space<vmem>> -> memref<1024xf32, #tpu.memory_space<vmem>>
          %dma_start3A_449 = tpu.memref_slice %arg2[%dma_start3A_442, %mul3A_441] : memref<16x2600000xf32, #tpu.memory_space<hbm>> -> memref<1x1024xf32, #tpu.memory_space<hbm>>
          %dma_start3A_450 = tpu.memref_squeeze %dma_start3A_449 : memref<1x1024xf32, #tpu.memory_space<hbm>> -> memref<1024xf32, #tpu.memory_space<hbm>>
          tpu.enqueue_dma source(%dma_start3A_450 : memref<1024xf32, #tpu.memory_space<hbm>>) target(%dma_start3A_448 : memref<1024xf32, #tpu.memory_space<vmem>>) target_semaphore(%arg11 : memref<!tpu.dma_semaphore, #tpu.memory_space<semaphore_mem>>)
          %mul3A_451 = arith.constant 32 : i32
          %mul3A_452 = arith.muli %add3A_310, %mul3A_451 : i32
          %add3A_453 = arith.addi %add3A, %mul3A_452 : i32
          %mul3A_454 = arith.constant 1024 : i32
          %mul3A_455 = arith.muli %add3A_453, %mul3A_454 : i32
          %dma_start3A_456 = arith.constant 10 : i32
          %dma_start3A_457 = arith.constant 10240 : i32
          %dma_start3A_458 = tpu.memref_slice %arg6[%dma_start3A_457] : memref<16384xf32, #tpu.memory_space<vmem>> -> memref<1024xf32, #tpu.memory_space<vmem>>
          %dma_start3A_459 = tpu.memref_slice %arg2[%dma_start3A_456, %mul3A_455] : memref<16x2600000xf32, #tpu.memory_space<hbm>> -> memref<1x1024xf32, #tpu.memory_space<hbm>>
          %dma_start3A_460 = tpu.memref_squeeze %dma_start3A_459 : memref<1x1024xf32, #tpu.memory_space<hbm>> -> memref<1024xf32, #tpu.memory_space<hbm>>
          %dma_start3A_461 = arith.constant 10240 : i32
          %dma_start3A_462 = tpu.memref_slice %arg6[%dma_start3A_461] : memref<16384xf32, #tpu.memory_space<vmem>> -> memref<1024xf32, #tpu.memory_space<vmem>>
          %dma_start3A_463 = tpu.memref_slice %arg2[%dma_start3A_456, %mul3A_455] : memref<16x2600000xf32, #tpu.memory_space<hbm>> -> memref<1x1024xf32, #tpu.memory_space<hbm>>
          %dma_start3A_464 = tpu.memref_squeeze %dma_start3A_463 : memref<1x1024xf32, #tpu.memory_space<hbm>> -> memref<1024xf32, #tpu.memory_space<hbm>>
          tpu.enqueue_dma source(%dma_start3A_464 : memref<1024xf32, #tpu.memory_space<hbm>>) target(%dma_start3A_462 : memref<1024xf32, #tpu.memory_space<vmem>>) target_semaphore(%arg11 : memref<!tpu.dma_semaphore, #tpu.memory_space<semaphore_mem>>)
          %mul3A_465 = arith.constant 32 : i32
          %mul3A_466 = arith.muli %add3A_310, %mul3A_465 : i32
          %add3A_467 = arith.addi %add3A, %mul3A_466 : i32
          %mul3A_468 = arith.constant 1024 : i32
          %mul3A_469 = arith.muli %add3A_467, %mul3A_468 : i32
          %dma_start3A_470 = arith.constant 11 : i32
          %dma_start3A_471 = arith.constant 11264 : i32
          %dma_start3A_472 = tpu.memref_slice %arg6[%dma_start3A_471] : memref<16384xf32, #tpu.memory_space<vmem>> -> memref<1024xf32, #tpu.memory_space<vmem>>
          %dma_start3A_473 = tpu.memref_slice %arg2[%dma_start3A_470, %mul3A_469] : memref<16x2600000xf32, #tpu.memory_space<hbm>> -> memref<1x1024xf32, #tpu.memory_space<hbm>>
          %dma_start3A_474 = tpu.memref_squeeze %dma_start3A_473 : memref<1x1024xf32, #tpu.memory_space<hbm>> -> memref<1024xf32, #tpu.memory_space<hbm>>
          %dma_start3A_475 = arith.constant 11264 : i32
          %dma_start3A_476 = tpu.memref_slice %arg6[%dma_start3A_475] : memref<16384xf32, #tpu.memory_space<vmem>> -> memref<1024xf32, #tpu.memory_space<vmem>>
          %dma_start3A_477 = tpu.memref_slice %arg2[%dma_start3A_470, %mul3A_469] : memref<16x2600000xf32, #tpu.memory_space<hbm>> -> memref<1x1024xf32, #tpu.memory_space<hbm>>
          %dma_start3A_478 = tpu.memref_squeeze %dma_start3A_477 : memref<1x1024xf32, #tpu.memory_space<hbm>> -> memref<1024xf32, #tpu.memory_space<hbm>>
          tpu.enqueue_dma source(%dma_start3A_478 : memref<1024xf32, #tpu.memory_space<hbm>>) target(%dma_start3A_476 : memref<1024xf32, #tpu.memory_space<vmem>>) target_semaphore(%arg11 : memref<!tpu.dma_semaphore, #tpu.memory_space<semaphore_mem>>)
          %mul3A_479 = arith.constant 32 : i32
          %mul3A_480 = arith.muli %add3A_310, %mul3A_479 : i32
          %add3A_481 = arith.addi %add3A, %mul3A_480 : i32
          %mul3A_482 = arith.constant 1024 : i32
          %mul3A_483 = arith.muli %add3A_481, %mul3A_482 : i32
          %dma_start3A_484 = arith.constant 12 : i32
          %dma_start3A_485 = arith.constant 12288 : i32
          %dma_start3A_486 = tpu.memref_slice %arg6[%dma_start3A_485] : memref<16384xf32, #tpu.memory_space<vmem>> -> memref<1024xf32, #tpu.memory_space<vmem>>
          %dma_start3A_487 = tpu.memref_slice %arg2[%dma_start3A_484, %mul3A_483] : memref<16x2600000xf32, #tpu.memory_space<hbm>> -> memref<1x1024xf32, #tpu.memory_space<hbm>>
          %dma_start3A_488 = tpu.memref_squeeze %dma_start3A_487 : memref<1x1024xf32, #tpu.memory_space<hbm>> -> memref<1024xf32, #tpu.memory_space<hbm>>
          %dma_start3A_489 = arith.constant 12288 : i32
          %dma_start3A_490 = tpu.memref_slice %arg6[%dma_start3A_489] : memref<16384xf32, #tpu.memory_space<vmem>> -> memref<1024xf32, #tpu.memory_space<vmem>>
          %dma_start3A_491 = tpu.memref_slice %arg2[%dma_start3A_484, %mul3A_483] : memref<16x2600000xf32, #tpu.memory_space<hbm>> -> memref<1x1024xf32, #tpu.memory_space<hbm>>
          %dma_start3A_492 = tpu.memref_squeeze %dma_start3A_491 : memref<1x1024xf32, #tpu.memory_space<hbm>> -> memref<1024xf32, #tpu.memory_space<hbm>>
          tpu.enqueue_dma source(%dma_start3A_492 : memref<1024xf32, #tpu.memory_space<hbm>>) target(%dma_start3A_490 : memref<1024xf32, #tpu.memory_space<vmem>>) target_semaphore(%arg11 : memref<!tpu.dma_semaphore, #tpu.memory_space<semaphore_mem>>)
          %mul3A_493 = arith.constant 32 : i32
          %mul3A_494 = arith.muli %add3A_310, %mul3A_493 : i32
          %add3A_495 = arith.addi %add3A, %mul3A_494 : i32
          %mul3A_496 = arith.constant 1024 : i32
          %mul3A_497 = arith.muli %add3A_495, %mul3A_496 : i32
          %dma_start3A_498 = arith.constant 13 : i32
          %dma_start3A_499 = arith.constant 13312 : i32
          %dma_start3A_500 = tpu.memref_slice %arg6[%dma_start3A_499] : memref<16384xf32, #tpu.memory_space<vmem>> -> memref<1024xf32, #tpu.memory_space<vmem>>
          %dma_start3A_501 = tpu.memref_slice %arg2[%dma_start3A_498, %mul3A_497] : memref<16x2600000xf32, #tpu.memory_space<hbm>> -> memref<1x1024xf32, #tpu.memory_space<hbm>>
          %dma_start3A_502 = tpu.memref_squeeze %dma_start3A_501 : memref<1x1024xf32, #tpu.memory_space<hbm>> -> memref<1024xf32, #tpu.memory_space<hbm>>
          %dma_start3A_503 = arith.constant 13312 : i32
          %dma_start3A_504 = tpu.memref_slice %arg6[%dma_start3A_503] : memref<16384xf32, #tpu.memory_space<vmem>> -> memref<1024xf32, #tpu.memory_space<vmem>>
          %dma_start3A_505 = tpu.memref_slice %arg2[%dma_start3A_498, %mul3A_497] : memref<16x2600000xf32, #tpu.memory_space<hbm>> -> memref<1x1024xf32, #tpu.memory_space<hbm>>
          %dma_start3A_506 = tpu.memref_squeeze %dma_start3A_505 : memref<1x1024xf32, #tpu.memory_space<hbm>> -> memref<1024xf32, #tpu.memory_space<hbm>>
          tpu.enqueue_dma source(%dma_start3A_506 : memref<1024xf32, #tpu.memory_space<hbm>>) target(%dma_start3A_504 : memref<1024xf32, #tpu.memory_space<vmem>>) target_semaphore(%arg11 : memref<!tpu.dma_semaphore, #tpu.memory_space<semaphore_mem>>)
          %mul3A_507 = arith.constant 32 : i32
          %mul3A_508 = arith.muli %add3A_310, %mul3A_507 : i32
          %add3A_509 = arith.addi %add3A, %mul3A_508 : i32
          %mul3A_510 = arith.constant 1024 : i32
          %mul3A_511 = arith.muli %add3A_509, %mul3A_510 : i32
          %dma_start3A_512 = arith.constant 14 : i32
          %dma_start3A_513 = arith.constant 14336 : i32
          %dma_start3A_514 = tpu.memref_slice %arg6[%dma_start3A_513] : memref<16384xf32, #tpu.memory_space<vmem>> -> memref<1024xf32, #tpu.memory_space<vmem>>
          %dma_start3A_515 = tpu.memref_slice %arg2[%dma_start3A_512, %mul3A_511] : memref<16x2600000xf32, #tpu.memory_space<hbm>> -> memref<1x1024xf32, #tpu.memory_space<hbm>>
          %dma_start3A_516 = tpu.memref_squeeze %dma_start3A_515 : memref<1x1024xf32, #tpu.memory_space<hbm>> -> memref<1024xf32, #tpu.memory_space<hbm>>
          %dma_start3A_517 = arith.constant 14336 : i32
          %dma_start3A_518 = tpu.memref_slice %arg6[%dma_start3A_517] : memref<16384xf32, #tpu.memory_space<vmem>> -> memref<1024xf32, #tpu.memory_space<vmem>>
          %dma_start3A_519 = tpu.memref_slice %arg2[%dma_start3A_512, %mul3A_511] : memref<16x2600000xf32, #tpu.memory_space<hbm>> -> memref<1x1024xf32, #tpu.memory_space<hbm>>
          %dma_start3A_520 = tpu.memref_squeeze %dma_start3A_519 : memref<1x1024xf32, #tpu.memory_space<hbm>> -> memref<1024xf32, #tpu.memory_space<hbm>>
          tpu.enqueue_dma source(%dma_start3A_520 : memref<1024xf32, #tpu.memory_space<hbm>>) target(%dma_start3A_518 : memref<1024xf32, #tpu.memory_space<vmem>>) target_semaphore(%arg11 : memref<!tpu.dma_semaphore, #tpu.memory_space<semaphore_mem>>)
          %mul3A_521 = arith.constant 32 : i32
          %mul3A_522 = arith.muli %add3A_310, %mul3A_521 : i32
          %add3A_523 = arith.addi %add3A, %mul3A_522 : i32
          %mul3A_524 = arith.constant 1024 : i32
          %mul3A_525 = arith.muli %add3A_523, %mul3A_524 : i32
          %dma_start3A_526 = arith.constant 15 : i32
          %dma_start3A_527 = arith.constant 15360 : i32
          %dma_start3A_528 = tpu.memref_slice %arg6[%dma_start3A_527] : memref<16384xf32, #tpu.memory_space<vmem>> -> memref<1024xf32, #tpu.memory_space<vmem>>
          %dma_start3A_529 = tpu.memref_slice %arg2[%dma_start3A_526, %mul3A_525] : memref<16x2600000xf32, #tpu.memory_space<hbm>> -> memref<1x1024xf32, #tpu.memory_space<hbm>>
          %dma_start3A_530 = tpu.memref_squeeze %dma_start3A_529 : memref<1x1024xf32, #tpu.memory_space<hbm>> -> memref<1024xf32, #tpu.memory_space<hbm>>
          %dma_start3A_531 = arith.constant 15360 : i32
          %dma_start3A_532 = tpu.memref_slice %arg6[%dma_start3A_531] : memref<16384xf32, #tpu.memory_space<vmem>> -> memref<1024xf32, #tpu.memory_space<vmem>>
          %dma_start3A_533 = tpu.memref_slice %arg2[%dma_start3A_526, %mul3A_525] : memref<16x2600000xf32, #tpu.memory_space<hbm>> -> memref<1x1024xf32, #tpu.memory_space<hbm>>
          %dma_start3A_534 = tpu.memref_squeeze %dma_start3A_533 : memref<1x1024xf32, #tpu.memory_space<hbm>> -> memref<1024xf32, #tpu.memory_space<hbm>>
          tpu.enqueue_dma source(%dma_start3A_534 : memref<1024xf32, #tpu.memory_space<hbm>>) target(%dma_start3A_532 : memref<1024xf32, #tpu.memory_space<vmem>>) target_semaphore(%arg11 : memref<!tpu.dma_semaphore, #tpu.memory_space<semaphore_mem>>)
        } else {
        }
        %eq3A_304 = arith.constant 1 : i32
        %eq3A_305 = arith.cmpi eq, %rem3A_278, %eq3A_304 : i32
        %convert_element_type3A_306 = arith.extui %eq3A_305 : i1 to i32
        %cond3A_307 = arith.constant 0 : i32
        %cond3A_308 = arith.cmpi ne, %convert_element_type3A_306, %cond3A_307 : i32
        scf.if %cond3A_308 {
          %add3A_309 = arith.constant 1 : i32
          %add3A_310 = arith.addi %while3A_275, %add3A_309 : i32
          %mul3A_311 = arith.constant 32 : i32
          %mul3A_312 = arith.muli %add3A_310, %mul3A_311 : i32
          %add3A_313 = arith.addi %add3A, %mul3A_312 : i32
          %mul3A_314 = arith.constant 1024 : i32
          %mul3A_315 = arith.muli %add3A_313, %mul3A_314 : i32
          %dma_start3A_316 = arith.constant 0 : i32
          %dma_start3A_317 = arith.constant 0 : i32
          %dma_start3A_318 = tpu.memref_slice %arg5[%dma_start3A_317] : memref<16384xf32, #tpu.memory_space<vmem>> -> memref<1024xf32, #tpu.memory_space<vmem>>
          %dma_start3A_319 = tpu.memref_slice %arg2[%dma_start3A_316, %mul3A_315] : memref<16x2600000xf32, #tpu.memory_space<hbm>> -> memref<1x1024xf32, #tpu.memory_space<hbm>>
          %dma_start3A_320 = tpu.memref_squeeze %dma_start3A_319 : memref<1x1024xf32, #tpu.memory_space<hbm>> -> memref<1024xf32, #tpu.memory_space<hbm>>
          %dma_start3A_321 = arith.constant 0 : i32
          %dma_start3A_322 = tpu.memref_slice %arg5[%dma_start3A_321] : memref<16384xf32, #tpu.memory_space<vmem>> -> memref<1024xf32, #tpu.memory_space<vmem>>
          %dma_start3A_323 = tpu.memref_slice %arg2[%dma_start3A_316, %mul3A_315] : memref<16x2600000xf32, #tpu.memory_space<hbm>> -> memref<1x1024xf32, #tpu.memory_space<hbm>>
          %dma_start3A_324 = tpu.memref_squeeze %dma_start3A_323 : memref<1x1024xf32, #tpu.memory_space<hbm>> -> memref<1024xf32, #tpu.memory_space<hbm>>
          tpu.enqueue_dma source(%dma_start3A_324 : memref<1024xf32, #tpu.memory_space<hbm>>) target(%dma_start3A_322 : memref<1024xf32, #tpu.memory_space<vmem>>) target_semaphore(%arg10 : memref<!tpu.dma_semaphore, #tpu.memory_space<semaphore_mem>>)
          %mul3A_325 = arith.constant 32 : i32
          %mul3A_326 = arith.muli %add3A_310, %mul3A_325 : i32
          %add3A_327 = arith.addi %add3A, %mul3A_326 : i32
          %mul3A_328 = arith.constant 1024 : i32
          %mul3A_329 = arith.muli %add3A_327, %mul3A_328 : i32
          %dma_start3A_330 = arith.constant 1 : i32
          %dma_start3A_331 = arith.constant 1024 : i32
          %dma_start3A_332 = tpu.memref_slice %arg5[%dma_start3A_331] : memref<16384xf32, #tpu.memory_space<vmem>> -> memref<1024xf32, #tpu.memory_space<vmem>>
          %dma_start3A_333 = tpu.memref_slice %arg2[%dma_start3A_330, %mul3A_329] : memref<16x2600000xf32, #tpu.memory_space<hbm>> -> memref<1x1024xf32, #tpu.memory_space<hbm>>
          %dma_start3A_334 = tpu.memref_squeeze %dma_start3A_333 : memref<1x1024xf32, #tpu.memory_space<hbm>> -> memref<1024xf32, #tpu.memory_space<hbm>>
          %dma_start3A_335 = arith.constant 1024 : i32
          %dma_start3A_336 = tpu.memref_slice %arg5[%dma_start3A_335] : memref<16384xf32, #tpu.memory_space<vmem>> -> memref<1024xf32, #tpu.memory_space<vmem>>
          %dma_start3A_337 = tpu.memref_slice %arg2[%dma_start3A_330, %mul3A_329] : memref<16x2600000xf32, #tpu.memory_space<hbm>> -> memref<1x1024xf32, #tpu.memory_space<hbm>>
          %dma_start3A_338 = tpu.memref_squeeze %dma_start3A_337 : memref<1x1024xf32, #tpu.memory_space<hbm>> -> memref<1024xf32, #tpu.memory_space<hbm>>
          tpu.enqueue_dma source(%dma_start3A_338 : memref<1024xf32, #tpu.memory_space<hbm>>) target(%dma_start3A_336 : memref<1024xf32, #tpu.memory_space<vmem>>) target_semaphore(%arg10 : memref<!tpu.dma_semaphore, #tpu.memory_space<semaphore_mem>>)
          %mul3A_339 = arith.constant 32 : i32
          %mul3A_340 = arith.muli %add3A_310, %mul3A_339 : i32
          %add3A_341 = arith.addi %add3A, %mul3A_340 : i32
          %mul3A_342 = arith.constant 1024 : i32
          %mul3A_343 = arith.muli %add3A_341, %mul3A_342 : i32
          %dma_start3A_344 = arith.constant 2 : i32
          %dma_start3A_345 = arith.constant 2048 : i32
          %dma_start3A_346 = tpu.memref_slice %arg5[%dma_start3A_345] : memref<16384xf32, #tpu.memory_space<vmem>> -> memref<1024xf32, #tpu.memory_space<vmem>>
          %dma_start3A_347 = tpu.memref_slice %arg2[%dma_start3A_344, %mul3A_343] : memref<16x2600000xf32, #tpu.memory_space<hbm>> -> memref<1x1024xf32, #tpu.memory_space<hbm>>
          %dma_start3A_348 = tpu.memref_squeeze %dma_start3A_347 : memref<1x1024xf32, #tpu.memory_space<hbm>> -> memref<1024xf32, #tpu.memory_space<hbm>>
          %dma_start3A_349 = arith.constant 2048 : i32
          %dma_start3A_350 = tpu.memref_slice %arg5[%dma_start3A_349] : memref<16384xf32, #tpu.memory_space<vmem>> -> memref<1024xf32, #tpu.memory_space<vmem>>
          %dma_start3A_351 = tpu.memref_slice %arg2[%dma_start3A_344, %mul3A_343] : memref<16x2600000xf32, #tpu.memory_space<hbm>> -> memref<1x1024xf32, #tpu.memory_space<hbm>>
          %dma_start3A_352 = tpu.memref_squeeze %dma_start3A_351 : memref<1x1024xf32, #tpu.memory_space<hbm>> -> memref<1024xf32, #tpu.memory_space<hbm>>
          tpu.enqueue_dma source(%dma_start3A_352 : memref<1024xf32, #tpu.memory_space<hbm>>) target(%dma_start3A_350 : memref<1024xf32, #tpu.memory_space<vmem>>) target_semaphore(%arg10 : memref<!tpu.dma_semaphore, #tpu.memory_space<semaphore_mem>>)
          %mul3A_353 = arith.constant 32 : i32
          %mul3A_354 = arith.muli %add3A_310, %mul3A_353 : i32
          %add3A_355 = arith.addi %add3A, %mul3A_354 : i32
          %mul3A_356 = arith.constant 1024 : i32
          %mul3A_357 = arith.muli %add3A_355, %mul3A_356 : i32
          %dma_start3A_358 = arith.constant 3 : i32
          %dma_start3A_359 = arith.constant 3072 : i32
          %dma_start3A_360 = tpu.memref_slice %arg5[%dma_start3A_359] : memref<16384xf32, #tpu.memory_space<vmem>> -> memref<1024xf32, #tpu.memory_space<vmem>>
          %dma_start3A_361 = tpu.memref_slice %arg2[%dma_start3A_358, %mul3A_357] : memref<16x2600000xf32, #tpu.memory_space<hbm>> -> memref<1x1024xf32, #tpu.memory_space<hbm>>
          %dma_start3A_362 = tpu.memref_squeeze %dma_start3A_361 : memref<1x1024xf32, #tpu.memory_space<hbm>> -> memref<1024xf32, #tpu.memory_space<hbm>>
          %dma_start3A_363 = arith.constant 3072 : i32
          %dma_start3A_364 = tpu.memref_slice %arg5[%dma_start3A_363] : memref<16384xf32, #tpu.memory_space<vmem>> -> memref<1024xf32, #tpu.memory_space<vmem>>
          %dma_start3A_365 = tpu.memref_slice %arg2[%dma_start3A_358, %mul3A_357] : memref<16x2600000xf32, #tpu.memory_space<hbm>> -> memref<1x1024xf32, #tpu.memory_space<hbm>>
          %dma_start3A_366 = tpu.memref_squeeze %dma_start3A_365 : memref<1x1024xf32, #tpu.memory_space<hbm>> -> memref<1024xf32, #tpu.memory_space<hbm>>
          tpu.enqueue_dma source(%dma_start3A_366 : memref<1024xf32, #tpu.memory_space<hbm>>) target(%dma_start3A_364 : memref<1024xf32, #tpu.memory_space<vmem>>) target_semaphore(%arg10 : memref<!tpu.dma_semaphore, #tpu.memory_space<semaphore_mem>>)
          %mul3A_367 = arith.constant 32 : i32
          %mul3A_368 = arith.muli %add3A_310, %mul3A_367 : i32
          %add3A_369 = arith.addi %add3A, %mul3A_368 : i32
          %mul3A_370 = arith.constant 1024 : i32
          %mul3A_371 = arith.muli %add3A_369, %mul3A_370 : i32
          %dma_start3A_372 = arith.constant 4 : i32
          %dma_start3A_373 = arith.constant 4096 : i32
          %dma_start3A_374 = tpu.memref_slice %arg5[%dma_start3A_373] : memref<16384xf32, #tpu.memory_space<vmem>> -> memref<1024xf32, #tpu.memory_space<vmem>>
          %dma_start3A_375 = tpu.memref_slice %arg2[%dma_start3A_372, %mul3A_371] : memref<16x2600000xf32, #tpu.memory_space<hbm>> -> memref<1x1024xf32, #tpu.memory_space<hbm>>
          %dma_start3A_376 = tpu.memref_squeeze %dma_start3A_375 : memref<1x1024xf32, #tpu.memory_space<hbm>> -> memref<1024xf32, #tpu.memory_space<hbm>>
          %dma_start3A_377 = arith.constant 4096 : i32
          %dma_start3A_378 = tpu.memref_slice %arg5[%dma_start3A_377] : memref<16384xf32, #tpu.memory_space<vmem>> -> memref<1024xf32, #tpu.memory_space<vmem>>
          %dma_start3A_379 = tpu.memref_slice %arg2[%dma_start3A_372, %mul3A_371] : memref<16x2600000xf32, #tpu.memory_space<hbm>> -> memref<1x1024xf32, #tpu.memory_space<hbm>>
          %dma_start3A_380 = tpu.memref_squeeze %dma_start3A_379 : memref<1x1024xf32, #tpu.memory_space<hbm>> -> memref<1024xf32, #tpu.memory_space<hbm>>
          tpu.enqueue_dma source(%dma_start3A_380 : memref<1024xf32, #tpu.memory_space<hbm>>) target(%dma_start3A_378 : memref<1024xf32, #tpu.memory_space<vmem>>) target_semaphore(%arg10 : memref<!tpu.dma_semaphore, #tpu.memory_space<semaphore_mem>>)
          %mul3A_381 = arith.constant 32 : i32
          %mul3A_382 = arith.muli %add3A_310, %mul3A_381 : i32
          %add3A_383 = arith.addi %add3A, %mul3A_382 : i32
          %mul3A_384 = arith.constant 1024 : i32
          %mul3A_385 = arith.muli %add3A_383, %mul3A_384 : i32
          %dma_start3A_386 = arith.constant 5 : i32
          %dma_start3A_387 = arith.constant 5120 : i32
          %dma_start3A_388 = tpu.memref_slice %arg5[%dma_start3A_387] : memref<16384xf32, #tpu.memory_space<vmem>> -> memref<1024xf32, #tpu.memory_space<vmem>>
          %dma_start3A_389 = tpu.memref_slice %arg2[%dma_start3A_386, %mul3A_385] : memref<16x2600000xf32, #tpu.memory_space<hbm>> -> memref<1x1024xf32, #tpu.memory_space<hbm>>
          %dma_start3A_390 = tpu.memref_squeeze %dma_start3A_389 : memref<1x1024xf32, #tpu.memory_space<hbm>> -> memref<1024xf32, #tpu.memory_space<hbm>>
          %dma_start3A_391 = arith.constant 5120 : i32
          %dma_start3A_392 = tpu.memref_slice %arg5[%dma_start3A_391] : memref<16384xf32, #tpu.memory_space<vmem>> -> memref<1024xf32, #tpu.memory_space<vmem>>
          %dma_start3A_393 = tpu.memref_slice %arg2[%dma_start3A_386, %mul3A_385] : memref<16x2600000xf32, #tpu.memory_space<hbm>> -> memref<1x1024xf32, #tpu.memory_space<hbm>>
          %dma_start3A_394 = tpu.memref_squeeze %dma_start3A_393 : memref<1x1024xf32, #tpu.memory_space<hbm>> -> memref<1024xf32, #tpu.memory_space<hbm>>
          tpu.enqueue_dma source(%dma_start3A_394 : memref<1024xf32, #tpu.memory_space<hbm>>) target(%dma_start3A_392 : memref<1024xf32, #tpu.memory_space<vmem>>) target_semaphore(%arg10 : memref<!tpu.dma_semaphore, #tpu.memory_space<semaphore_mem>>)
          %mul3A_395 = arith.constant 32 : i32
          %mul3A_396 = arith.muli %add3A_310, %mul3A_395 : i32
          %add3A_397 = arith.addi %add3A, %mul3A_396 : i32
          %mul3A_398 = arith.constant 1024 : i32
          %mul3A_399 = arith.muli %add3A_397, %mul3A_398 : i32
          %dma_start3A_400 = arith.constant 6 : i32
          %dma_start3A_401 = arith.constant 6144 : i32
          %dma_start3A_402 = tpu.memref_slice %arg5[%dma_start3A_401] : memref<16384xf32, #tpu.memory_space<vmem>> -> memref<1024xf32, #tpu.memory_space<vmem>>
          %dma_start3A_403 = tpu.memref_slice %arg2[%dma_start3A_400, %mul3A_399] : memref<16x2600000xf32, #tpu.memory_space<hbm>> -> memref<1x1024xf32, #tpu.memory_space<hbm>>
          %dma_start3A_404 = tpu.memref_squeeze %dma_start3A_403 : memref<1x1024xf32, #tpu.memory_space<hbm>> -> memref<1024xf32, #tpu.memory_space<hbm>>
          %dma_start3A_405 = arith.constant 6144 : i32
          %dma_start3A_406 = tpu.memref_slice %arg5[%dma_start3A_405] : memref<16384xf32, #tpu.memory_space<vmem>> -> memref<1024xf32, #tpu.memory_space<vmem>>
          %dma_start3A_407 = tpu.memref_slice %arg2[%dma_start3A_400, %mul3A_399] : memref<16x2600000xf32, #tpu.memory_space<hbm>> -> memref<1x1024xf32, #tpu.memory_space<hbm>>
          %dma_start3A_408 = tpu.memref_squeeze %dma_start3A_407 : memref<1x1024xf32, #tpu.memory_space<hbm>> -> memref<1024xf32, #tpu.memory_space<hbm>>
          tpu.enqueue_dma source(%dma_start3A_408 : memref<1024xf32, #tpu.memory_space<hbm>>) target(%dma_start3A_406 : memref<1024xf32, #tpu.memory_space<vmem>>) target_semaphore(%arg10 : memref<!tpu.dma_semaphore, #tpu.memory_space<semaphore_mem>>)
          %mul3A_409 = arith.constant 32 : i32
          %mul3A_410 = arith.muli %add3A_310, %mul3A_409 : i32
          %add3A_411 = arith.addi %add3A, %mul3A_410 : i32
          %mul3A_412 = arith.constant 1024 : i32
          %mul3A_413 = arith.muli %add3A_411, %mul3A_412 : i32
          %dma_start3A_414 = arith.constant 7 : i32
          %dma_start3A_415 = arith.constant 7168 : i32
          %dma_start3A_416 = tpu.memref_slice %arg5[%dma_start3A_415] : memref<16384xf32, #tpu.memory_space<vmem>> -> memref<1024xf32, #tpu.memory_space<vmem>>
          %dma_start3A_417 = tpu.memref_slice %arg2[%dma_start3A_414, %mul3A_413] : memref<16x2600000xf32, #tpu.memory_space<hbm>> -> memref<1x1024xf32, #tpu.memory_space<hbm>>
          %dma_start3A_418 = tpu.memref_squeeze %dma_start3A_417 : memref<1x1024xf32, #tpu.memory_space<hbm>> -> memref<1024xf32, #tpu.memory_space<hbm>>
          %dma_start3A_419 = arith.constant 7168 : i32
          %dma_start3A_420 = tpu.memref_slice %arg5[%dma_start3A_419] : memref<16384xf32, #tpu.memory_space<vmem>> -> memref<1024xf32, #tpu.memory_space<vmem>>
          %dma_start3A_421 = tpu.memref_slice %arg2[%dma_start3A_414, %mul3A_413] : memref<16x2600000xf32, #tpu.memory_space<hbm>> -> memref<1x1024xf32, #tpu.memory_space<hbm>>
          %dma_start3A_422 = tpu.memref_squeeze %dma_start3A_421 : memref<1x1024xf32, #tpu.memory_space<hbm>> -> memref<1024xf32, #tpu.memory_space<hbm>>
          tpu.enqueue_dma source(%dma_start3A_422 : memref<1024xf32, #tpu.memory_space<hbm>>) target(%dma_start3A_420 : memref<1024xf32, #tpu.memory_space<vmem>>) target_semaphore(%arg10 : memref<!tpu.dma_semaphore, #tpu.memory_space<semaphore_mem>>)
          %mul3A_423 = arith.constant 32 : i32
          %mul3A_424 = arith.muli %add3A_310, %mul3A_423 : i32
          %add3A_425 = arith.addi %add3A, %mul3A_424 : i32
          %mul3A_426 = arith.constant 1024 : i32
          %mul3A_427 = arith.muli %add3A_425, %mul3A_426 : i32
          %dma_start3A_428 = arith.constant 8 : i32
          %dma_start3A_429 = arith.constant 8192 : i32
          %dma_start3A_430 = tpu.memref_slice %arg5[%dma_start3A_429] : memref<16384xf32, #tpu.memory_space<vmem>> -> memref<1024xf32, #tpu.memory_space<vmem>>
          %dma_start3A_431 = tpu.memref_slice %arg2[%dma_start3A_428, %mul3A_427] : memref<16x2600000xf32, #tpu.memory_space<hbm>> -> memref<1x1024xf32, #tpu.memory_space<hbm>>
          %dma_start3A_432 = tpu.memref_squeeze %dma_start3A_431 : memref<1x1024xf32, #tpu.memory_space<hbm>> -> memref<1024xf32, #tpu.memory_space<hbm>>
          %dma_start3A_433 = arith.constant 8192 : i32
          %dma_start3A_434 = tpu.memref_slice %arg5[%dma_start3A_433] : memref<16384xf32, #tpu.memory_space<vmem>> -> memref<1024xf32, #tpu.memory_space<vmem>>
          %dma_start3A_435 = tpu.memref_slice %arg2[%dma_start3A_428, %mul3A_427] : memref<16x2600000xf32, #tpu.memory_space<hbm>> -> memref<1x1024xf32, #tpu.memory_space<hbm>>
          %dma_start3A_436 = tpu.memref_squeeze %dma_start3A_435 : memref<1x1024xf32, #tpu.memory_space<hbm>> -> memref<1024xf32, #tpu.memory_space<hbm>>
          tpu.enqueue_dma source(%dma_start3A_436 : memref<1024xf32, #tpu.memory_space<hbm>>) target(%dma_start3A_434 : memref<1024xf32, #tpu.memory_space<vmem>>) target_semaphore(%arg10 : memref<!tpu.dma_semaphore, #tpu.memory_space<semaphore_mem>>)
          %mul3A_437 = arith.constant 32 : i32
          %mul3A_438 = arith.muli %add3A_310, %mul3A_437 : i32
          %add3A_439 = arith.addi %add3A, %mul3A_438 : i32
          %mul3A_440 = arith.constant 1024 : i32
          %mul3A_441 = arith.muli %add3A_439, %mul3A_440 : i32
          %dma_start3A_442 = arith.constant 9 : i32
          %dma_start3A_443 = arith.constant 9216 : i32
          %dma_start3A_444 = tpu.memref_slice %arg5[%dma_start3A_443] : memref<16384xf32, #tpu.memory_space<vmem>> -> memref<1024xf32, #tpu.memory_space<vmem>>
          %dma_start3A_445 = tpu.memref_slice %arg2[%dma_start3A_442, %mul3A_441] : memref<16x2600000xf32, #tpu.memory_space<hbm>> -> memref<1x1024xf32, #tpu.memory_space<hbm>>
          %dma_start3A_446 = tpu.memref_squeeze %dma_start3A_445 : memref<1x1024xf32, #tpu.memory_space<hbm>> -> memref<1024xf32, #tpu.memory_space<hbm>>
          %dma_start3A_447 = arith.constant 9216 : i32
          %dma_start3A_448 = tpu.memref_slice %arg5[%dma_start3A_447] : memref<16384xf32, #tpu.memory_space<vmem>> -> memref<1024xf32, #tpu.memory_space<vmem>>
          %dma_start3A_449 = tpu.memref_slice %arg2[%dma_start3A_442, %mul3A_441] : memref<16x2600000xf32, #tpu.memory_space<hbm>> -> memref<1x1024xf32, #tpu.memory_space<hbm>>
          %dma_start3A_450 = tpu.memref_squeeze %dma_start3A_449 : memref<1x1024xf32, #tpu.memory_space<hbm>> -> memref<1024xf32, #tpu.memory_space<hbm>>
          tpu.enqueue_dma source(%dma_start3A_450 : memref<1024xf32, #tpu.memory_space<hbm>>) target(%dma_start3A_448 : memref<1024xf32, #tpu.memory_space<vmem>>) target_semaphore(%arg10 : memref<!tpu.dma_semaphore, #tpu.memory_space<semaphore_mem>>)
          %mul3A_451 = arith.constant 32 : i32
          %mul3A_452 = arith.muli %add3A_310, %mul3A_451 : i32
          %add3A_453 = arith.addi %add3A, %mul3A_452 : i32
          %mul3A_454 = arith.constant 1024 : i32
          %mul3A_455 = arith.muli %add3A_453, %mul3A_454 : i32
          %dma_start3A_456 = arith.constant 10 : i32
          %dma_start3A_457 = arith.constant 10240 : i32
          %dma_start3A_458 = tpu.memref_slice %arg5[%dma_start3A_457] : memref<16384xf32, #tpu.memory_space<vmem>> -> memref<1024xf32, #tpu.memory_space<vmem>>
          %dma_start3A_459 = tpu.memref_slice %arg2[%dma_start3A_456, %mul3A_455] : memref<16x2600000xf32, #tpu.memory_space<hbm>> -> memref<1x1024xf32, #tpu.memory_space<hbm>>
          %dma_start3A_460 = tpu.memref_squeeze %dma_start3A_459 : memref<1x1024xf32, #tpu.memory_space<hbm>> -> memref<1024xf32, #tpu.memory_space<hbm>>
          %dma_start3A_461 = arith.constant 10240 : i32
          %dma_start3A_462 = tpu.memref_slice %arg5[%dma_start3A_461] : memref<16384xf32, #tpu.memory_space<vmem>> -> memref<1024xf32, #tpu.memory_space<vmem>>
          %dma_start3A_463 = tpu.memref_slice %arg2[%dma_start3A_456, %mul3A_455] : memref<16x2600000xf32, #tpu.memory_space<hbm>> -> memref<1x1024xf32, #tpu.memory_space<hbm>>
          %dma_start3A_464 = tpu.memref_squeeze %dma_start3A_463 : memref<1x1024xf32, #tpu.memory_space<hbm>> -> memref<1024xf32, #tpu.memory_space<hbm>>
          tpu.enqueue_dma source(%dma_start3A_464 : memref<1024xf32, #tpu.memory_space<hbm>>) target(%dma_start3A_462 : memref<1024xf32, #tpu.memory_space<vmem>>) target_semaphore(%arg10 : memref<!tpu.dma_semaphore, #tpu.memory_space<semaphore_mem>>)
          %mul3A_465 = arith.constant 32 : i32
          %mul3A_466 = arith.muli %add3A_310, %mul3A_465 : i32
          %add3A_467 = arith.addi %add3A, %mul3A_466 : i32
          %mul3A_468 = arith.constant 1024 : i32
          %mul3A_469 = arith.muli %add3A_467, %mul3A_468 : i32
          %dma_start3A_470 = arith.constant 11 : i32
          %dma_start3A_471 = arith.constant 11264 : i32
          %dma_start3A_472 = tpu.memref_slice %arg5[%dma_start3A_471] : memref<16384xf32, #tpu.memory_space<vmem>> -> memref<1024xf32, #tpu.memory_space<vmem>>
          %dma_start3A_473 = tpu.memref_slice %arg2[%dma_start3A_470, %mul3A_469] : memref<16x2600000xf32, #tpu.memory_space<hbm>> -> memref<1x1024xf32, #tpu.memory_space<hbm>>
          %dma_start3A_474 = tpu.memref_squeeze %dma_start3A_473 : memref<1x1024xf32, #tpu.memory_space<hbm>> -> memref<1024xf32, #tpu.memory_space<hbm>>
          %dma_start3A_475 = arith.constant 11264 : i32
          %dma_start3A_476 = tpu.memref_slice %arg5[%dma_start3A_475] : memref<16384xf32, #tpu.memory_space<vmem>> -> memref<1024xf32, #tpu.memory_space<vmem>>
          %dma_start3A_477 = tpu.memref_slice %arg2[%dma_start3A_470, %mul3A_469] : memref<16x2600000xf32, #tpu.memory_space<hbm>> -> memref<1x1024xf32, #tpu.memory_space<hbm>>
          %dma_start3A_478 = tpu.memref_squeeze %dma_start3A_477 : memref<1x1024xf32, #tpu.memory_space<hbm>> -> memref<1024xf32, #tpu.memory_space<hbm>>
          tpu.enqueue_dma source(%dma_start3A_478 : memref<1024xf32, #tpu.memory_space<hbm>>) target(%dma_start3A_476 : memref<1024xf32, #tpu.memory_space<vmem>>) target_semaphore(%arg10 : memref<!tpu.dma_semaphore, #tpu.memory_space<semaphore_mem>>)
          %mul3A_479 = arith.constant 32 : i32
          %mul3A_480 = arith.muli %add3A_310, %mul3A_479 : i32
          %add3A_481 = arith.addi %add3A, %mul3A_480 : i32
          %mul3A_482 = arith.constant 1024 : i32
          %mul3A_483 = arith.muli %add3A_481, %mul3A_482 : i32
          %dma_start3A_484 = arith.constant 12 : i32
          %dma_start3A_485 = arith.constant 12288 : i32
          %dma_start3A_486 = tpu.memref_slice %arg5[%dma_start3A_485] : memref<16384xf32, #tpu.memory_space<vmem>> -> memref<1024xf32, #tpu.memory_space<vmem>>
          %dma_start3A_487 = tpu.memref_slice %arg2[%dma_start3A_484, %mul3A_483] : memref<16x2600000xf32, #tpu.memory_space<hbm>> -> memref<1x1024xf32, #tpu.memory_space<hbm>>
          %dma_start3A_488 = tpu.memref_squeeze %dma_start3A_487 : memref<1x1024xf32, #tpu.memory_space<hbm>> -> memref<1024xf32, #tpu.memory_space<hbm>>
          %dma_start3A_489 = arith.constant 12288 : i32
          %dma_start3A_490 = tpu.memref_slice %arg5[%dma_start3A_489] : memref<16384xf32, #tpu.memory_space<vmem>> -> memref<1024xf32, #tpu.memory_space<vmem>>
          %dma_start3A_491 = tpu.memref_slice %arg2[%dma_start3A_484, %mul3A_483] : memref<16x2600000xf32, #tpu.memory_space<hbm>> -> memref<1x1024xf32, #tpu.memory_space<hbm>>
          %dma_start3A_492 = tpu.memref_squeeze %dma_start3A_491 : memref<1x1024xf32, #tpu.memory_space<hbm>> -> memref<1024xf32, #tpu.memory_space<hbm>>
          tpu.enqueue_dma source(%dma_start3A_492 : memref<1024xf32, #tpu.memory_space<hbm>>) target(%dma_start3A_490 : memref<1024xf32, #tpu.memory_space<vmem>>) target_semaphore(%arg10 : memref<!tpu.dma_semaphore, #tpu.memory_space<semaphore_mem>>)
          %mul3A_493 = arith.constant 32 : i32
          %mul3A_494 = arith.muli %add3A_310, %mul3A_493 : i32
          %add3A_495 = arith.addi %add3A, %mul3A_494 : i32
          %mul3A_496 = arith.constant 1024 : i32
          %mul3A_497 = arith.muli %add3A_495, %mul3A_496 : i32
          %dma_start3A_498 = arith.constant 13 : i32
          %dma_start3A_499 = arith.constant 13312 : i32
          %dma_start3A_500 = tpu.memref_slice %arg5[%dma_start3A_499] : memref<16384xf32, #tpu.memory_space<vmem>> -> memref<1024xf32, #tpu.memory_space<vmem>>
          %dma_start3A_501 = tpu.memref_slice %arg2[%dma_start3A_498, %mul3A_497] : memref<16x2600000xf32, #tpu.memory_space<hbm>> -> memref<1x1024xf32, #tpu.memory_space<hbm>>
          %dma_start3A_502 = tpu.memref_squeeze %dma_start3A_501 : memref<1x1024xf32, #tpu.memory_space<hbm>> -> memref<1024xf32, #tpu.memory_space<hbm>>
          %dma_start3A_503 = arith.constant 13312 : i32
          %dma_start3A_504 = tpu.memref_slice %arg5[%dma_start3A_503] : memref<16384xf32, #tpu.memory_space<vmem>> -> memref<1024xf32, #tpu.memory_space<vmem>>
          %dma_start3A_505 = tpu.memref_slice %arg2[%dma_start3A_498, %mul3A_497] : memref<16x2600000xf32, #tpu.memory_space<hbm>> -> memref<1x1024xf32, #tpu.memory_space<hbm>>
          %dma_start3A_506 = tpu.memref_squeeze %dma_start3A_505 : memref<1x1024xf32, #tpu.memory_space<hbm>> -> memref<1024xf32, #tpu.memory_space<hbm>>
          tpu.enqueue_dma source(%dma_start3A_506 : memref<1024xf32, #tpu.memory_space<hbm>>) target(%dma_start3A_504 : memref<1024xf32, #tpu.memory_space<vmem>>) target_semaphore(%arg10 : memref<!tpu.dma_semaphore, #tpu.memory_space<semaphore_mem>>)
          %mul3A_507 = arith.constant 32 : i32
          %mul3A_508 = arith.muli %add3A_310, %mul3A_507 : i32
          %add3A_509 = arith.addi %add3A, %mul3A_508 : i32
          %mul3A_510 = arith.constant 1024 : i32
          %mul3A_511 = arith.muli %add3A_509, %mul3A_510 : i32
          %dma_start3A_512 = arith.constant 14 : i32
          %dma_start3A_513 = arith.constant 14336 : i32
          %dma_start3A_514 = tpu.memref_slice %arg5[%dma_start3A_513] : memref<16384xf32, #tpu.memory_space<vmem>> -> memref<1024xf32, #tpu.memory_space<vmem>>
          %dma_start3A_515 = tpu.memref_slice %arg2[%dma_start3A_512, %mul3A_511] : memref<16x2600000xf32, #tpu.memory_space<hbm>> -> memref<1x1024xf32, #tpu.memory_space<hbm>>
          %dma_start3A_516 = tpu.memref_squeeze %dma_start3A_515 : memref<1x1024xf32, #tpu.memory_space<hbm>> -> memref<1024xf32, #tpu.memory_space<hbm>>
          %dma_start3A_517 = arith.constant 14336 : i32
          %dma_start3A_518 = tpu.memref_slice %arg5[%dma_start3A_517] : memref<16384xf32, #tpu.memory_space<vmem>> -> memref<1024xf32, #tpu.memory_space<vmem>>
          %dma_start3A_519 = tpu.memref_slice %arg2[%dma_start3A_512, %mul3A_511] : memref<16x2600000xf32, #tpu.memory_space<hbm>> -> memref<1x1024xf32, #tpu.memory_space<hbm>>
          %dma_start3A_520 = tpu.memref_squeeze %dma_start3A_519 : memref<1x1024xf32, #tpu.memory_space<hbm>> -> memref<1024xf32, #tpu.memory_space<hbm>>
          tpu.enqueue_dma source(%dma_start3A_520 : memref<1024xf32, #tpu.memory_space<hbm>>) target(%dma_start3A_518 : memref<1024xf32, #tpu.memory_space<vmem>>) target_semaphore(%arg10 : memref<!tpu.dma_semaphore, #tpu.memory_space<semaphore_mem>>)
          %mul3A_521 = arith.constant 32 : i32
          %mul3A_522 = arith.muli %add3A_310, %mul3A_521 : i32
          %add3A_523 = arith.addi %add3A, %mul3A_522 : i32
          %mul3A_524 = arith.constant 1024 : i32
          %mul3A_525 = arith.muli %add3A_523, %mul3A_524 : i32
          %dma_start3A_526 = arith.constant 15 : i32
          %dma_start3A_527 = arith.constant 15360 : i32
          %dma_start3A_528 = tpu.memref_slice %arg5[%dma_start3A_527] : memref<16384xf32, #tpu.memory_space<vmem>> -> memref<1024xf32, #tpu.memory_space<vmem>>
          %dma_start3A_529 = tpu.memref_slice %arg2[%dma_start3A_526, %mul3A_525] : memref<16x2600000xf32, #tpu.memory_space<hbm>> -> memref<1x1024xf32, #tpu.memory_space<hbm>>
          %dma_start3A_530 = tpu.memref_squeeze %dma_start3A_529 : memref<1x1024xf32, #tpu.memory_space<hbm>> -> memref<1024xf32, #tpu.memory_space<hbm>>
          %dma_start3A_531 = arith.constant 15360 : i32
          %dma_start3A_532 = tpu.memref_slice %arg5[%dma_start3A_531] : memref<16384xf32, #tpu.memory_space<vmem>> -> memref<1024xf32, #tpu.memory_space<vmem>>
          %dma_start3A_533 = tpu.memref_slice %arg2[%dma_start3A_526, %mul3A_525] : memref<16x2600000xf32, #tpu.memory_space<hbm>> -> memref<1x1024xf32, #tpu.memory_space<hbm>>
          %dma_start3A_534 = tpu.memref_squeeze %dma_start3A_533 : memref<1x1024xf32, #tpu.memory_space<hbm>> -> memref<1024xf32, #tpu.memory_space<hbm>>
          tpu.enqueue_dma source(%dma_start3A_534 : memref<1024xf32, #tpu.memory_space<hbm>>) target(%dma_start3A_532 : memref<1024xf32, #tpu.memory_space<vmem>>) target_semaphore(%arg10 : memref<!tpu.dma_semaphore, #tpu.memory_space<semaphore_mem>>)
        } else {
        }
      } else {
      }
      %ge3A = arith.constant 2 : i32
      %ge3A_284 = arith.cmpi sge, %while3A_275, %ge3A : i32
      %convert_element_type3A_285 = arith.extui %ge3A_284 : i1 to i32
      %cond3A_286 = arith.constant 0 : i32
      %cond3A_287 = arith.cmpi ne, %convert_element_type3A_285, %cond3A_286 : i32
      scf.if %cond3A_287 {
        %eq3A_299 = arith.constant 0 : i32
        %eq3A_300 = arith.cmpi eq, %rem3A_278, %eq3A_299 : i32
        %convert_element_type3A_301 = arith.extui %eq3A_300 : i1 to i32
        %cond3A_302 = arith.constant 0 : i32
        %cond3A_303 = arith.cmpi ne, %convert_element_type3A_301, %cond3A_302 : i32
        scf.if %cond3A_303 {
          %sub3A_309 = arith.constant 2 : i32
          %sub3A_310 = arith.subi %while3A_275, %sub3A_309 : i32
          %mul3A_311 = arith.constant 32 : i32
          %mul3A_312 = arith.muli %sub3A_310, %mul3A_311 : i32
          %add3A_313 = arith.addi %add3A, %mul3A_312 : i32
          %mul3A_314 = arith.constant 1024 : i32
          %mul3A_315 = arith.muli %add3A_313, %mul3A_314 : i32
          %mul3A_316 = arith.constant 16 : i32
          %mul3A_317 = arith.muli %mul3A_315, %mul3A_316 : i32
          %dma_wait3A = tpu.memref_slice %arg4[%mul3A_317] : memref<41600000xf32, #tpu.memory_space<hbm>> -> memref<16384xf32, #tpu.memory_space<hbm>>
          %dma_wait3A_318 = tpu.memref_slice %arg4[%mul3A_317] : memref<41600000xf32, #tpu.memory_space<hbm>> -> memref<16384xf32, #tpu.memory_space<hbm>>
          tpu.wait_dma2 semaphore(%arg12 : memref<!tpu.dma_semaphore, #tpu.memory_space<semaphore_mem>>) src(%arg7 : memref<16384xf32, #tpu.memory_space<vmem>>) dst(%dma_wait3A_318 : memref<16384xf32, #tpu.memory_space<hbm>>)
        } else {
        }
        %eq3A_304 = arith.constant 1 : i32
        %eq3A_305 = arith.cmpi eq, %rem3A_278, %eq3A_304 : i32
        %convert_element_type3A_306 = arith.extui %eq3A_305 : i1 to i32
        %cond3A_307 = arith.constant 0 : i32
        %cond3A_308 = arith.cmpi ne, %convert_element_type3A_306, %cond3A_307 : i32
        scf.if %cond3A_308 {
          %sub3A_309 = arith.constant 2 : i32
          %sub3A_310 = arith.subi %while3A_275, %sub3A_309 : i32
          %mul3A_311 = arith.constant 32 : i32
          %mul3A_312 = arith.muli %sub3A_310, %mul3A_311 : i32
          %add3A_313 = arith.addi %add3A, %mul3A_312 : i32
          %mul3A_314 = arith.constant 1024 : i32
          %mul3A_315 = arith.muli %add3A_313, %mul3A_314 : i32
          %mul3A_316 = arith.constant 16 : i32
          %mul3A_317 = arith.muli %mul3A_315, %mul3A_316 : i32
          %dma_wait3A = tpu.memref_slice %arg4[%mul3A_317] : memref<41600000xf32, #tpu.memory_space<hbm>> -> memref<16384xf32, #tpu.memory_space<hbm>>
          %dma_wait3A_318 = tpu.memref_slice %arg4[%mul3A_317] : memref<41600000xf32, #tpu.memory_space<hbm>> -> memref<16384xf32, #tpu.memory_space<hbm>>
          tpu.wait_dma2 semaphore(%arg13 : memref<!tpu.dma_semaphore, #tpu.memory_space<semaphore_mem>>) src(%arg8 : memref<16384xf32, #tpu.memory_space<vmem>>) dst(%dma_wait3A_318 : memref<16384xf32, #tpu.memory_space<hbm>>)
        } else {
        }
      } else {
      }
      %eq3A_288 = arith.constant 0 : i32
      %eq3A_289 = arith.cmpi eq, %rem3A_278, %eq3A_288 : i32
      %convert_element_type3A_290 = arith.extui %eq3A_289 : i1 to i32
      %cond3A_291 = arith.constant 0 : i32
      %cond3A_292 = arith.cmpi ne, %convert_element_type3A_290, %cond3A_291 : i32
      scf.if %cond3A_292 {
        %mul3A_299 = arith.constant 32 : i32
        %mul3A_300 = arith.muli %while3A_275, %mul3A_299 : i32
        %add3A_301 = arith.addi %add3A, %mul3A_300 : i32
        %mul3A_302 = arith.constant 1024 : i32
        %mul3A_303 = arith.muli %add3A_301, %mul3A_302 : i32
        %dma_wait3A = arith.constant 0 : i32
        %dma_wait3A_304 = arith.constant 0 : i32
        %dma_wait3A_305 = tpu.memref_slice %arg5[%dma_wait3A_304] : memref<16384xf32, #tpu.memory_space<vmem>> -> memref<1024xf32, #tpu.memory_space<vmem>>
        %dma_wait3A_306 = tpu.memref_slice %arg2[%dma_wait3A, %mul3A_303] : memref<16x2600000xf32, #tpu.memory_space<hbm>> -> memref<1x1024xf32, #tpu.memory_space<hbm>>
        %dma_wait3A_307 = tpu.memref_squeeze %dma_wait3A_306 : memref<1x1024xf32, #tpu.memory_space<hbm>> -> memref<1024xf32, #tpu.memory_space<hbm>>
        %dma_wait3A_308 = arith.constant 0 : i32
        %dma_wait3A_309 = tpu.memref_slice %arg5[%dma_wait3A_308] : memref<16384xf32, #tpu.memory_space<vmem>> -> memref<1024xf32, #tpu.memory_space<vmem>>
        %dma_wait3A_310 = tpu.memref_slice %arg2[%dma_wait3A, %mul3A_303] : memref<16x2600000xf32, #tpu.memory_space<hbm>> -> memref<1x1024xf32, #tpu.memory_space<hbm>>
        %dma_wait3A_311 = tpu.memref_squeeze %dma_wait3A_310 : memref<1x1024xf32, #tpu.memory_space<hbm>> -> memref<1024xf32, #tpu.memory_space<hbm>>
        tpu.wait_dma2 semaphore(%arg10 : memref<!tpu.dma_semaphore, #tpu.memory_space<semaphore_mem>>) src(%dma_wait3A_311 : memref<1024xf32, #tpu.memory_space<hbm>>) dst(%dma_wait3A_309 : memref<1024xf32, #tpu.memory_space<vmem>>)
        %mul3A_312 = arith.constant 32 : i32
        %mul3A_313 = arith.muli %while3A_275, %mul3A_312 : i32
        %add3A_314 = arith.addi %add3A, %mul3A_313 : i32
        %mul3A_315 = arith.constant 1024 : i32
        %mul3A_316 = arith.muli %add3A_314, %mul3A_315 : i32
        %dma_wait3A_317 = arith.constant 1 : i32
        %dma_wait3A_318 = arith.constant 1024 : i32
        %dma_wait3A_319 = tpu.memref_slice %arg5[%dma_wait3A_318] : memref<16384xf32, #tpu.memory_space<vmem>> -> memref<1024xf32, #tpu.memory_space<vmem>>
        %dma_wait3A_320 = tpu.memref_slice %arg2[%dma_wait3A_317, %mul3A_316] : memref<16x2600000xf32, #tpu.memory_space<hbm>> -> memref<1x1024xf32, #tpu.memory_space<hbm>>
        %dma_wait3A_321 = tpu.memref_squeeze %dma_wait3A_320 : memref<1x1024xf32, #tpu.memory_space<hbm>> -> memref<1024xf32, #tpu.memory_space<hbm>>
        %dma_wait3A_322 = arith.constant 1024 : i32
        %dma_wait3A_323 = tpu.memref_slice %arg5[%dma_wait3A_322] : memref<16384xf32, #tpu.memory_space<vmem>> -> memref<1024xf32, #tpu.memory_space<vmem>>
        %dma_wait3A_324 = tpu.memref_slice %arg2[%dma_wait3A_317, %mul3A_316] : memref<16x2600000xf32, #tpu.memory_space<hbm>> -> memref<1x1024xf32, #tpu.memory_space<hbm>>
        %dma_wait3A_325 = tpu.memref_squeeze %dma_wait3A_324 : memref<1x1024xf32, #tpu.memory_space<hbm>> -> memref<1024xf32, #tpu.memory_space<hbm>>
        tpu.wait_dma2 semaphore(%arg10 : memref<!tpu.dma_semaphore, #tpu.memory_space<semaphore_mem>>) src(%dma_wait3A_325 : memref<1024xf32, #tpu.memory_space<hbm>>) dst(%dma_wait3A_323 : memref<1024xf32, #tpu.memory_space<vmem>>)
        %mul3A_326 = arith.constant 32 : i32
        %mul3A_327 = arith.muli %while3A_275, %mul3A_326 : i32
        %add3A_328 = arith.addi %add3A, %mul3A_327 : i32
        %mul3A_329 = arith.constant 1024 : i32
        %mul3A_330 = arith.muli %add3A_328, %mul3A_329 : i32
        %dma_wait3A_331 = arith.constant 2 : i32
        %dma_wait3A_332 = arith.constant 2048 : i32
        %dma_wait3A_333 = tpu.memref_slice %arg5[%dma_wait3A_332] : memref<16384xf32, #tpu.memory_space<vmem>> -> memref<1024xf32, #tpu.memory_space<vmem>>
        %dma_wait3A_334 = tpu.memref_slice %arg2[%dma_wait3A_331, %mul3A_330] : memref<16x2600000xf32, #tpu.memory_space<hbm>> -> memref<1x1024xf32, #tpu.memory_space<hbm>>
        %dma_wait3A_335 = tpu.memref_squeeze %dma_wait3A_334 : memref<1x1024xf32, #tpu.memory_space<hbm>> -> memref<1024xf32, #tpu.memory_space<hbm>>
        %dma_wait3A_336 = arith.constant 2048 : i32
        %dma_wait3A_337 = tpu.memref_slice %arg5[%dma_wait3A_336] : memref<16384xf32, #tpu.memory_space<vmem>> -> memref<1024xf32, #tpu.memory_space<vmem>>
        %dma_wait3A_338 = tpu.memref_slice %arg2[%dma_wait3A_331, %mul3A_330] : memref<16x2600000xf32, #tpu.memory_space<hbm>> -> memref<1x1024xf32, #tpu.memory_space<hbm>>
        %dma_wait3A_339 = tpu.memref_squeeze %dma_wait3A_338 : memref<1x1024xf32, #tpu.memory_space<hbm>> -> memref<1024xf32, #tpu.memory_space<hbm>>
        tpu.wait_dma2 semaphore(%arg10 : memref<!tpu.dma_semaphore, #tpu.memory_space<semaphore_mem>>) src(%dma_wait3A_339 : memref<1024xf32, #tpu.memory_space<hbm>>) dst(%dma_wait3A_337 : memref<1024xf32, #tpu.memory_space<vmem>>)
        %mul3A_340 = arith.constant 32 : i32
        %mul3A_341 = arith.muli %while3A_275, %mul3A_340 : i32
        %add3A_342 = arith.addi %add3A, %mul3A_341 : i32
        %mul3A_343 = arith.constant 1024 : i32
        %mul3A_344 = arith.muli %add3A_342, %mul3A_343 : i32
        %dma_wait3A_345 = arith.constant 3 : i32
        %dma_wait3A_346 = arith.constant 3072 : i32
        %dma_wait3A_347 = tpu.memref_slice %arg5[%dma_wait3A_346] : memref<16384xf32, #tpu.memory_space<vmem>> -> memref<1024xf32, #tpu.memory_space<vmem>>
        %dma_wait3A_348 = tpu.memref_slice %arg2[%dma_wait3A_345, %mul3A_344] : memref<16x2600000xf32, #tpu.memory_space<hbm>> -> memref<1x1024xf32, #tpu.memory_space<hbm>>
        %dma_wait3A_349 = tpu.memref_squeeze %dma_wait3A_348 : memref<1x1024xf32, #tpu.memory_space<hbm>> -> memref<1024xf32, #tpu.memory_space<hbm>>
        %dma_wait3A_350 = arith.constant 3072 : i32
        %dma_wait3A_351 = tpu.memref_slice %arg5[%dma_wait3A_350] : memref<16384xf32, #tpu.memory_space<vmem>> -> memref<1024xf32, #tpu.memory_space<vmem>>
        %dma_wait3A_352 = tpu.memref_slice %arg2[%dma_wait3A_345, %mul3A_344] : memref<16x2600000xf32, #tpu.memory_space<hbm>> -> memref<1x1024xf32, #tpu.memory_space<hbm>>
        %dma_wait3A_353 = tpu.memref_squeeze %dma_wait3A_352 : memref<1x1024xf32, #tpu.memory_space<hbm>> -> memref<1024xf32, #tpu.memory_space<hbm>>
        tpu.wait_dma2 semaphore(%arg10 : memref<!tpu.dma_semaphore, #tpu.memory_space<semaphore_mem>>) src(%dma_wait3A_353 : memref<1024xf32, #tpu.memory_space<hbm>>) dst(%dma_wait3A_351 : memref<1024xf32, #tpu.memory_space<vmem>>)
        %mul3A_354 = arith.constant 32 : i32
        %mul3A_355 = arith.muli %while3A_275, %mul3A_354 : i32
        %add3A_356 = arith.addi %add3A, %mul3A_355 : i32
        %mul3A_357 = arith.constant 1024 : i32
        %mul3A_358 = arith.muli %add3A_356, %mul3A_357 : i32
        %dma_wait3A_359 = arith.constant 4 : i32
        %dma_wait3A_360 = arith.constant 4096 : i32
        %dma_wait3A_361 = tpu.memref_slice %arg5[%dma_wait3A_360] : memref<16384xf32, #tpu.memory_space<vmem>> -> memref<1024xf32, #tpu.memory_space<vmem>>
        %dma_wait3A_362 = tpu.memref_slice %arg2[%dma_wait3A_359, %mul3A_358] : memref<16x2600000xf32, #tpu.memory_space<hbm>> -> memref<1x1024xf32, #tpu.memory_space<hbm>>
        %dma_wait3A_363 = tpu.memref_squeeze %dma_wait3A_362 : memref<1x1024xf32, #tpu.memory_space<hbm>> -> memref<1024xf32, #tpu.memory_space<hbm>>
        %dma_wait3A_364 = arith.constant 4096 : i32
        %dma_wait3A_365 = tpu.memref_slice %arg5[%dma_wait3A_364] : memref<16384xf32, #tpu.memory_space<vmem>> -> memref<1024xf32, #tpu.memory_space<vmem>>
        %dma_wait3A_366 = tpu.memref_slice %arg2[%dma_wait3A_359, %mul3A_358] : memref<16x2600000xf32, #tpu.memory_space<hbm>> -> memref<1x1024xf32, #tpu.memory_space<hbm>>
        %dma_wait3A_367 = tpu.memref_squeeze %dma_wait3A_366 : memref<1x1024xf32, #tpu.memory_space<hbm>> -> memref<1024xf32, #tpu.memory_space<hbm>>
        tpu.wait_dma2 semaphore(%arg10 : memref<!tpu.dma_semaphore, #tpu.memory_space<semaphore_mem>>) src(%dma_wait3A_367 : memref<1024xf32, #tpu.memory_space<hbm>>) dst(%dma_wait3A_365 : memref<1024xf32, #tpu.memory_space<vmem>>)
        %mul3A_368 = arith.constant 32 : i32
        %mul3A_369 = arith.muli %while3A_275, %mul3A_368 : i32
        %add3A_370 = arith.addi %add3A, %mul3A_369 : i32
        %mul3A_371 = arith.constant 1024 : i32
        %mul3A_372 = arith.muli %add3A_370, %mul3A_371 : i32
        %dma_wait3A_373 = arith.constant 5 : i32
        %dma_wait3A_374 = arith.constant 5120 : i32
        %dma_wait3A_375 = tpu.memref_slice %arg5[%dma_wait3A_374] : memref<16384xf32, #tpu.memory_space<vmem>> -> memref<1024xf32, #tpu.memory_space<vmem>>
        %dma_wait3A_376 = tpu.memref_slice %arg2[%dma_wait3A_373, %mul3A_372] : memref<16x2600000xf32, #tpu.memory_space<hbm>> -> memref<1x1024xf32, #tpu.memory_space<hbm>>
        %dma_wait3A_377 = tpu.memref_squeeze %dma_wait3A_376 : memref<1x1024xf32, #tpu.memory_space<hbm>> -> memref<1024xf32, #tpu.memory_space<hbm>>
        %dma_wait3A_378 = arith.constant 5120 : i32
        %dma_wait3A_379 = tpu.memref_slice %arg5[%dma_wait3A_378] : memref<16384xf32, #tpu.memory_space<vmem>> -> memref<1024xf32, #tpu.memory_space<vmem>>
        %dma_wait3A_380 = tpu.memref_slice %arg2[%dma_wait3A_373, %mul3A_372] : memref<16x2600000xf32, #tpu.memory_space<hbm>> -> memref<1x1024xf32, #tpu.memory_space<hbm>>
        %dma_wait3A_381 = tpu.memref_squeeze %dma_wait3A_380 : memref<1x1024xf32, #tpu.memory_space<hbm>> -> memref<1024xf32, #tpu.memory_space<hbm>>
        tpu.wait_dma2 semaphore(%arg10 : memref<!tpu.dma_semaphore, #tpu.memory_space<semaphore_mem>>) src(%dma_wait3A_381 : memref<1024xf32, #tpu.memory_space<hbm>>) dst(%dma_wait3A_379 : memref<1024xf32, #tpu.memory_space<vmem>>)
        %mul3A_382 = arith.constant 32 : i32
        %mul3A_383 = arith.muli %while3A_275, %mul3A_382 : i32
        %add3A_384 = arith.addi %add3A, %mul3A_383 : i32
        %mul3A_385 = arith.constant 1024 : i32
        %mul3A_386 = arith.muli %add3A_384, %mul3A_385 : i32
        %dma_wait3A_387 = arith.constant 6 : i32
        %dma_wait3A_388 = arith.constant 6144 : i32
        %dma_wait3A_389 = tpu.memref_slice %arg5[%dma_wait3A_388] : memref<16384xf32, #tpu.memory_space<vmem>> -> memref<1024xf32, #tpu.memory_space<vmem>>
        %dma_wait3A_390 = tpu.memref_slice %arg2[%dma_wait3A_387, %mul3A_386] : memref<16x2600000xf32, #tpu.memory_space<hbm>> -> memref<1x1024xf32, #tpu.memory_space<hbm>>
        %dma_wait3A_391 = tpu.memref_squeeze %dma_wait3A_390 : memref<1x1024xf32, #tpu.memory_space<hbm>> -> memref<1024xf32, #tpu.memory_space<hbm>>
        %dma_wait3A_392 = arith.constant 6144 : i32
        %dma_wait3A_393 = tpu.memref_slice %arg5[%dma_wait3A_392] : memref<16384xf32, #tpu.memory_space<vmem>> -> memref<1024xf32, #tpu.memory_space<vmem>>
        %dma_wait3A_394 = tpu.memref_slice %arg2[%dma_wait3A_387, %mul3A_386] : memref<16x2600000xf32, #tpu.memory_space<hbm>> -> memref<1x1024xf32, #tpu.memory_space<hbm>>
        %dma_wait3A_395 = tpu.memref_squeeze %dma_wait3A_394 : memref<1x1024xf32, #tpu.memory_space<hbm>> -> memref<1024xf32, #tpu.memory_space<hbm>>
        tpu.wait_dma2 semaphore(%arg10 : memref<!tpu.dma_semaphore, #tpu.memory_space<semaphore_mem>>) src(%dma_wait3A_395 : memref<1024xf32, #tpu.memory_space<hbm>>) dst(%dma_wait3A_393 : memref<1024xf32, #tpu.memory_space<vmem>>)
        %mul3A_396 = arith.constant 32 : i32
        %mul3A_397 = arith.muli %while3A_275, %mul3A_396 : i32
        %add3A_398 = arith.addi %add3A, %mul3A_397 : i32
        %mul3A_399 = arith.constant 1024 : i32
        %mul3A_400 = arith.muli %add3A_398, %mul3A_399 : i32
        %dma_wait3A_401 = arith.constant 7 : i32
        %dma_wait3A_402 = arith.constant 7168 : i32
        %dma_wait3A_403 = tpu.memref_slice %arg5[%dma_wait3A_402] : memref<16384xf32, #tpu.memory_space<vmem>> -> memref<1024xf32, #tpu.memory_space<vmem>>
        %dma_wait3A_404 = tpu.memref_slice %arg2[%dma_wait3A_401, %mul3A_400] : memref<16x2600000xf32, #tpu.memory_space<hbm>> -> memref<1x1024xf32, #tpu.memory_space<hbm>>
        %dma_wait3A_405 = tpu.memref_squeeze %dma_wait3A_404 : memref<1x1024xf32, #tpu.memory_space<hbm>> -> memref<1024xf32, #tpu.memory_space<hbm>>
        %dma_wait3A_406 = arith.constant 7168 : i32
        %dma_wait3A_407 = tpu.memref_slice %arg5[%dma_wait3A_406] : memref<16384xf32, #tpu.memory_space<vmem>> -> memref<1024xf32, #tpu.memory_space<vmem>>
        %dma_wait3A_408 = tpu.memref_slice %arg2[%dma_wait3A_401, %mul3A_400] : memref<16x2600000xf32, #tpu.memory_space<hbm>> -> memref<1x1024xf32, #tpu.memory_space<hbm>>
        %dma_wait3A_409 = tpu.memref_squeeze %dma_wait3A_408 : memref<1x1024xf32, #tpu.memory_space<hbm>> -> memref<1024xf32, #tpu.memory_space<hbm>>
        tpu.wait_dma2 semaphore(%arg10 : memref<!tpu.dma_semaphore, #tpu.memory_space<semaphore_mem>>) src(%dma_wait3A_409 : memref<1024xf32, #tpu.memory_space<hbm>>) dst(%dma_wait3A_407 : memref<1024xf32, #tpu.memory_space<vmem>>)
        %mul3A_410 = arith.constant 32 : i32
        %mul3A_411 = arith.muli %while3A_275, %mul3A_410 : i32
        %add3A_412 = arith.addi %add3A, %mul3A_411 : i32
        %mul3A_413 = arith.constant 1024 : i32
        %mul3A_414 = arith.muli %add3A_412, %mul3A_413 : i32
        %dma_wait3A_415 = arith.constant 8 : i32
        %dma_wait3A_416 = arith.constant 8192 : i32
        %dma_wait3A_417 = tpu.memref_slice %arg5[%dma_wait3A_416] : memref<16384xf32, #tpu.memory_space<vmem>> -> memref<1024xf32, #tpu.memory_space<vmem>>
        %dma_wait3A_418 = tpu.memref_slice %arg2[%dma_wait3A_415, %mul3A_414] : memref<16x2600000xf32, #tpu.memory_space<hbm>> -> memref<1x1024xf32, #tpu.memory_space<hbm>>
        %dma_wait3A_419 = tpu.memref_squeeze %dma_wait3A_418 : memref<1x1024xf32, #tpu.memory_space<hbm>> -> memref<1024xf32, #tpu.memory_space<hbm>>
        %dma_wait3A_420 = arith.constant 8192 : i32
        %dma_wait3A_421 = tpu.memref_slice %arg5[%dma_wait3A_420] : memref<16384xf32, #tpu.memory_space<vmem>> -> memref<1024xf32, #tpu.memory_space<vmem>>
        %dma_wait3A_422 = tpu.memref_slice %arg2[%dma_wait3A_415, %mul3A_414] : memref<16x2600000xf32, #tpu.memory_space<hbm>> -> memref<1x1024xf32, #tpu.memory_space<hbm>>
        %dma_wait3A_423 = tpu.memref_squeeze %dma_wait3A_422 : memref<1x1024xf32, #tpu.memory_space<hbm>> -> memref<1024xf32, #tpu.memory_space<hbm>>
        tpu.wait_dma2 semaphore(%arg10 : memref<!tpu.dma_semaphore, #tpu.memory_space<semaphore_mem>>) src(%dma_wait3A_423 : memref<1024xf32, #tpu.memory_space<hbm>>) dst(%dma_wait3A_421 : memref<1024xf32, #tpu.memory_space<vmem>>)
        %mul3A_424 = arith.constant 32 : i32
        %mul3A_425 = arith.muli %while3A_275, %mul3A_424 : i32
        %add3A_426 = arith.addi %add3A, %mul3A_425 : i32
        %mul3A_427 = arith.constant 1024 : i32
        %mul3A_428 = arith.muli %add3A_426, %mul3A_427 : i32
        %dma_wait3A_429 = arith.constant 9 : i32
        %dma_wait3A_430 = arith.constant 9216 : i32
        %dma_wait3A_431 = tpu.memref_slice %arg5[%dma_wait3A_430] : memref<16384xf32, #tpu.memory_space<vmem>> -> memref<1024xf32, #tpu.memory_space<vmem>>
        %dma_wait3A_432 = tpu.memref_slice %arg2[%dma_wait3A_429, %mul3A_428] : memref<16x2600000xf32, #tpu.memory_space<hbm>> -> memref<1x1024xf32, #tpu.memory_space<hbm>>
        %dma_wait3A_433 = tpu.memref_squeeze %dma_wait3A_432 : memref<1x1024xf32, #tpu.memory_space<hbm>> -> memref<1024xf32, #tpu.memory_space<hbm>>
        %dma_wait3A_434 = arith.constant 9216 : i32
        %dma_wait3A_435 = tpu.memref_slice %arg5[%dma_wait3A_434] : memref<16384xf32, #tpu.memory_space<vmem>> -> memref<1024xf32, #tpu.memory_space<vmem>>
        %dma_wait3A_436 = tpu.memref_slice %arg2[%dma_wait3A_429, %mul3A_428] : memref<16x2600000xf32, #tpu.memory_space<hbm>> -> memref<1x1024xf32, #tpu.memory_space<hbm>>
        %dma_wait3A_437 = tpu.memref_squeeze %dma_wait3A_436 : memref<1x1024xf32, #tpu.memory_space<hbm>> -> memref<1024xf32, #tpu.memory_space<hbm>>
        tpu.wait_dma2 semaphore(%arg10 : memref<!tpu.dma_semaphore, #tpu.memory_space<semaphore_mem>>) src(%dma_wait3A_437 : memref<1024xf32, #tpu.memory_space<hbm>>) dst(%dma_wait3A_435 : memref<1024xf32, #tpu.memory_space<vmem>>)
        %mul3A_438 = arith.constant 32 : i32
        %mul3A_439 = arith.muli %while3A_275, %mul3A_438 : i32
        %add3A_440 = arith.addi %add3A, %mul3A_439 : i32
        %mul3A_441 = arith.constant 1024 : i32
        %mul3A_442 = arith.muli %add3A_440, %mul3A_441 : i32
        %dma_wait3A_443 = arith.constant 10 : i32
        %dma_wait3A_444 = arith.constant 10240 : i32
        %dma_wait3A_445 = tpu.memref_slice %arg5[%dma_wait3A_444] : memref<16384xf32, #tpu.memory_space<vmem>> -> memref<1024xf32, #tpu.memory_space<vmem>>
        %dma_wait3A_446 = tpu.memref_slice %arg2[%dma_wait3A_443, %mul3A_442] : memref<16x2600000xf32, #tpu.memory_space<hbm>> -> memref<1x1024xf32, #tpu.memory_space<hbm>>
        %dma_wait3A_447 = tpu.memref_squeeze %dma_wait3A_446 : memref<1x1024xf32, #tpu.memory_space<hbm>> -> memref<1024xf32, #tpu.memory_space<hbm>>
        %dma_wait3A_448 = arith.constant 10240 : i32
        %dma_wait3A_449 = tpu.memref_slice %arg5[%dma_wait3A_448] : memref<16384xf32, #tpu.memory_space<vmem>> -> memref<1024xf32, #tpu.memory_space<vmem>>
        %dma_wait3A_450 = tpu.memref_slice %arg2[%dma_wait3A_443, %mul3A_442] : memref<16x2600000xf32, #tpu.memory_space<hbm>> -> memref<1x1024xf32, #tpu.memory_space<hbm>>
        %dma_wait3A_451 = tpu.memref_squeeze %dma_wait3A_450 : memref<1x1024xf32, #tpu.memory_space<hbm>> -> memref<1024xf32, #tpu.memory_space<hbm>>
        tpu.wait_dma2 semaphore(%arg10 : memref<!tpu.dma_semaphore, #tpu.memory_space<semaphore_mem>>) src(%dma_wait3A_451 : memref<1024xf32, #tpu.memory_space<hbm>>) dst(%dma_wait3A_449 : memref<1024xf32, #tpu.memory_space<vmem>>)
        %mul3A_452 = arith.constant 32 : i32
        %mul3A_453 = arith.muli %while3A_275, %mul3A_452 : i32
        %add3A_454 = arith.addi %add3A, %mul3A_453 : i32
        %mul3A_455 = arith.constant 1024 : i32
        %mul3A_456 = arith.muli %add3A_454, %mul3A_455 : i32
        %dma_wait3A_457 = arith.constant 11 : i32
        %dma_wait3A_458 = arith.constant 11264 : i32
        %dma_wait3A_459 = tpu.memref_slice %arg5[%dma_wait3A_458] : memref<16384xf32, #tpu.memory_space<vmem>> -> memref<1024xf32, #tpu.memory_space<vmem>>
        %dma_wait3A_460 = tpu.memref_slice %arg2[%dma_wait3A_457, %mul3A_456] : memref<16x2600000xf32, #tpu.memory_space<hbm>> -> memref<1x1024xf32, #tpu.memory_space<hbm>>
        %dma_wait3A_461 = tpu.memref_squeeze %dma_wait3A_460 : memref<1x1024xf32, #tpu.memory_space<hbm>> -> memref<1024xf32, #tpu.memory_space<hbm>>
        %dma_wait3A_462 = arith.constant 11264 : i32
        %dma_wait3A_463 = tpu.memref_slice %arg5[%dma_wait3A_462] : memref<16384xf32, #tpu.memory_space<vmem>> -> memref<1024xf32, #tpu.memory_space<vmem>>
        %dma_wait3A_464 = tpu.memref_slice %arg2[%dma_wait3A_457, %mul3A_456] : memref<16x2600000xf32, #tpu.memory_space<hbm>> -> memref<1x1024xf32, #tpu.memory_space<hbm>>
        %dma_wait3A_465 = tpu.memref_squeeze %dma_wait3A_464 : memref<1x1024xf32, #tpu.memory_space<hbm>> -> memref<1024xf32, #tpu.memory_space<hbm>>
        tpu.wait_dma2 semaphore(%arg10 : memref<!tpu.dma_semaphore, #tpu.memory_space<semaphore_mem>>) src(%dma_wait3A_465 : memref<1024xf32, #tpu.memory_space<hbm>>) dst(%dma_wait3A_463 : memref<1024xf32, #tpu.memory_space<vmem>>)
        %mul3A_466 = arith.constant 32 : i32
        %mul3A_467 = arith.muli %while3A_275, %mul3A_466 : i32
        %add3A_468 = arith.addi %add3A, %mul3A_467 : i32
        %mul3A_469 = arith.constant 1024 : i32
        %mul3A_470 = arith.muli %add3A_468, %mul3A_469 : i32
        %dma_wait3A_471 = arith.constant 12 : i32
        %dma_wait3A_472 = arith.constant 12288 : i32
        %dma_wait3A_473 = tpu.memref_slice %arg5[%dma_wait3A_472] : memref<16384xf32, #tpu.memory_space<vmem>> -> memref<1024xf32, #tpu.memory_space<vmem>>
        %dma_wait3A_474 = tpu.memref_slice %arg2[%dma_wait3A_471, %mul3A_470] : memref<16x2600000xf32, #tpu.memory_space<hbm>> -> memref<1x1024xf32, #tpu.memory_space<hbm>>
        %dma_wait3A_475 = tpu.memref_squeeze %dma_wait3A_474 : memref<1x1024xf32, #tpu.memory_space<hbm>> -> memref<1024xf32, #tpu.memory_space<hbm>>
        %dma_wait3A_476 = arith.constant 12288 : i32
        %dma_wait3A_477 = tpu.memref_slice %arg5[%dma_wait3A_476] : memref<16384xf32, #tpu.memory_space<vmem>> -> memref<1024xf32, #tpu.memory_space<vmem>>
        %dma_wait3A_478 = tpu.memref_slice %arg2[%dma_wait3A_471, %mul3A_470] : memref<16x2600000xf32, #tpu.memory_space<hbm>> -> memref<1x1024xf32, #tpu.memory_space<hbm>>
        %dma_wait3A_479 = tpu.memref_squeeze %dma_wait3A_478 : memref<1x1024xf32, #tpu.memory_space<hbm>> -> memref<1024xf32, #tpu.memory_space<hbm>>
        tpu.wait_dma2 semaphore(%arg10 : memref<!tpu.dma_semaphore, #tpu.memory_space<semaphore_mem>>) src(%dma_wait3A_479 : memref<1024xf32, #tpu.memory_space<hbm>>) dst(%dma_wait3A_477 : memref<1024xf32, #tpu.memory_space<vmem>>)
        %mul3A_480 = arith.constant 32 : i32
        %mul3A_481 = arith.muli %while3A_275, %mul3A_480 : i32
        %add3A_482 = arith.addi %add3A, %mul3A_481 : i32
        %mul3A_483 = arith.constant 1024 : i32
        %mul3A_484 = arith.muli %add3A_482, %mul3A_483 : i32
        %dma_wait3A_485 = arith.constant 13 : i32
        %dma_wait3A_486 = arith.constant 13312 : i32
        %dma_wait3A_487 = tpu.memref_slice %arg5[%dma_wait3A_486] : memref<16384xf32, #tpu.memory_space<vmem>> -> memref<1024xf32, #tpu.memory_space<vmem>>
        %dma_wait3A_488 = tpu.memref_slice %arg2[%dma_wait3A_485, %mul3A_484] : memref<16x2600000xf32, #tpu.memory_space<hbm>> -> memref<1x1024xf32, #tpu.memory_space<hbm>>
        %dma_wait3A_489 = tpu.memref_squeeze %dma_wait3A_488 : memref<1x1024xf32, #tpu.memory_space<hbm>> -> memref<1024xf32, #tpu.memory_space<hbm>>
        %dma_wait3A_490 = arith.constant 13312 : i32
        %dma_wait3A_491 = tpu.memref_slice %arg5[%dma_wait3A_490] : memref<16384xf32, #tpu.memory_space<vmem>> -> memref<1024xf32, #tpu.memory_space<vmem>>
        %dma_wait3A_492 = tpu.memref_slice %arg2[%dma_wait3A_485, %mul3A_484] : memref<16x2600000xf32, #tpu.memory_space<hbm>> -> memref<1x1024xf32, #tpu.memory_space<hbm>>
        %dma_wait3A_493 = tpu.memref_squeeze %dma_wait3A_492 : memref<1x1024xf32, #tpu.memory_space<hbm>> -> memref<1024xf32, #tpu.memory_space<hbm>>
        tpu.wait_dma2 semaphore(%arg10 : memref<!tpu.dma_semaphore, #tpu.memory_space<semaphore_mem>>) src(%dma_wait3A_493 : memref<1024xf32, #tpu.memory_space<hbm>>) dst(%dma_wait3A_491 : memref<1024xf32, #tpu.memory_space<vmem>>)
        %mul3A_494 = arith.constant 32 : i32
        %mul3A_495 = arith.muli %while3A_275, %mul3A_494 : i32
        %add3A_496 = arith.addi %add3A, %mul3A_495 : i32
        %mul3A_497 = arith.constant 1024 : i32
        %mul3A_498 = arith.muli %add3A_496, %mul3A_497 : i32
        %dma_wait3A_499 = arith.constant 14 : i32
        %dma_wait3A_500 = arith.constant 14336 : i32
        %dma_wait3A_501 = tpu.memref_slice %arg5[%dma_wait3A_500] : memref<16384xf32, #tpu.memory_space<vmem>> -> memref<1024xf32, #tpu.memory_space<vmem>>
        %dma_wait3A_502 = tpu.memref_slice %arg2[%dma_wait3A_499, %mul3A_498] : memref<16x2600000xf32, #tpu.memory_space<hbm>> -> memref<1x1024xf32, #tpu.memory_space<hbm>>
        %dma_wait3A_503 = tpu.memref_squeeze %dma_wait3A_502 : memref<1x1024xf32, #tpu.memory_space<hbm>> -> memref<1024xf32, #tpu.memory_space<hbm>>
        %dma_wait3A_504 = arith.constant 14336 : i32
        %dma_wait3A_505 = tpu.memref_slice %arg5[%dma_wait3A_504] : memref<16384xf32, #tpu.memory_space<vmem>> -> memref<1024xf32, #tpu.memory_space<vmem>>
        %dma_wait3A_506 = tpu.memref_slice %arg2[%dma_wait3A_499, %mul3A_498] : memref<16x2600000xf32, #tpu.memory_space<hbm>> -> memref<1x1024xf32, #tpu.memory_space<hbm>>
        %dma_wait3A_507 = tpu.memref_squeeze %dma_wait3A_506 : memref<1x1024xf32, #tpu.memory_space<hbm>> -> memref<1024xf32, #tpu.memory_space<hbm>>
        tpu.wait_dma2 semaphore(%arg10 : memref<!tpu.dma_semaphore, #tpu.memory_space<semaphore_mem>>) src(%dma_wait3A_507 : memref<1024xf32, #tpu.memory_space<hbm>>) dst(%dma_wait3A_505 : memref<1024xf32, #tpu.memory_space<vmem>>)
        %mul3A_508 = arith.constant 32 : i32
        %mul3A_509 = arith.muli %while3A_275, %mul3A_508 : i32
        %add3A_510 = arith.addi %add3A, %mul3A_509 : i32
        %mul3A_511 = arith.constant 1024 : i32
        %mul3A_512 = arith.muli %add3A_510, %mul3A_511 : i32
        %dma_wait3A_513 = arith.constant 15 : i32
        %dma_wait3A_514 = arith.constant 15360 : i32
        %dma_wait3A_515 = tpu.memref_slice %arg5[%dma_wait3A_514] : memref<16384xf32, #tpu.memory_space<vmem>> -> memref<1024xf32, #tpu.memory_space<vmem>>
        %dma_wait3A_516 = tpu.memref_slice %arg2[%dma_wait3A_513, %mul3A_512] : memref<16x2600000xf32, #tpu.memory_space<hbm>> -> memref<1x1024xf32, #tpu.memory_space<hbm>>
        %dma_wait3A_517 = tpu.memref_squeeze %dma_wait3A_516 : memref<1x1024xf32, #tpu.memory_space<hbm>> -> memref<1024xf32, #tpu.memory_space<hbm>>
        %dma_wait3A_518 = arith.constant 15360 : i32
        %dma_wait3A_519 = tpu.memref_slice %arg5[%dma_wait3A_518] : memref<16384xf32, #tpu.memory_space<vmem>> -> memref<1024xf32, #tpu.memory_space<vmem>>
        %dma_wait3A_520 = tpu.memref_slice %arg2[%dma_wait3A_513, %mul3A_512] : memref<16x2600000xf32, #tpu.memory_space<hbm>> -> memref<1x1024xf32, #tpu.memory_space<hbm>>
        %dma_wait3A_521 = tpu.memref_squeeze %dma_wait3A_520 : memref<1x1024xf32, #tpu.memory_space<hbm>> -> memref<1024xf32, #tpu.memory_space<hbm>>
        tpu.wait_dma2 semaphore(%arg10 : memref<!tpu.dma_semaphore, #tpu.memory_space<semaphore_mem>>) src(%dma_wait3A_521 : memref<1024xf32, #tpu.memory_space<hbm>>) dst(%dma_wait3A_519 : memref<1024xf32, #tpu.memory_space<vmem>>)
        %mul3A_522 = arith.constant 1024 : i32
        %mul3A_523 = vector.broadcast %mul3A_522 : i32 to vector<16xi32>
        %mul3A_524 = arith.muli %iota3A, %mul3A_523 : vector<16xi32>
        %parallel_loop3A = arith.constant 0 : i32
        %parallel_loop3A_525 = arith.constant 1024 : i32
        %parallel_loop3A_526 = arith.constant 1 : i32
        scf.for %parallel_loop3A_536 = %parallel_loop3A to %parallel_loop3A_525 step %parallel_loop3A_526  : i32 {
          %parallel_loop3A_537 = vector.broadcast %parallel_loop3A_536 : i32 to vector<16xi32>
          %parallel_loop3A_538 = arith.addi %mul3A_524, %parallel_loop3A_537 : vector<16xi32>
          %parallel_loop3A_539 = tpu.vector_load_idx %arg5[%parallel_loop3A_538] : memref<16384xf32, #tpu.memory_space<vmem>>[vector<16xi32>], vector<16xf32>,
          %parallel_loop3A_540 = arith.constant 16 : i32
          %parallel_loop3A_541 = arith.muli %parallel_loop3A_536, %parallel_loop3A_540 : i32
          %parallel_loop3A_542 = arith.index_cast %parallel_loop3A_541 : i32 to index
          %parallel_loop3A_543 = tpu.vector_load %arg7[%parallel_loop3A_542] {strides = array<i32>} : memref<16384xf32, #tpu.memory_space<vmem>>, vector<16xf32>,
          tpu.vector_store %arg7[%parallel_loop3A_542], %parallel_loop3A_539 {strides = array<i32>} : memref<16384xf32, #tpu.memory_space<vmem>>, vector<16xf32>,
        } {sc.loop_unroll_factor = 8 : i64, sc.parallel_access}
        %mul3A_527 = arith.constant 32 : i32
        %mul3A_528 = arith.muli %while3A_275, %mul3A_527 : i32
        %add3A_529 = arith.addi %add3A, %mul3A_528 : i32
        %mul3A_530 = arith.constant 1024 : i32
        %mul3A_531 = arith.muli %add3A_529, %mul3A_530 : i32
        %mul3A_532 = arith.constant 16 : i32
        %mul3A_533 = arith.muli %mul3A_531, %mul3A_532 : i32
        %dma_start3A_534 = tpu.memref_slice %arg4[%mul3A_533] : memref<41600000xf32, #tpu.memory_space<hbm>> -> memref<16384xf32, #tpu.memory_space<hbm>>
        %dma_start3A_535 = tpu.memref_slice %arg4[%mul3A_533] : memref<41600000xf32, #tpu.memory_space<hbm>> -> memref<16384xf32, #tpu.memory_space<hbm>>
        tpu.enqueue_dma source(%arg7 : memref<16384xf32, #tpu.memory_space<vmem>>) target(%dma_start3A_535 : memref<16384xf32, #tpu.memory_space<hbm>>) target_semaphore(%arg12 : memref<!tpu.dma_semaphore, #tpu.memory_space<semaphore_mem>>)
      } else {
      }
      %eq3A_293 = arith.constant 1 : i32
      %eq3A_294 = arith.cmpi eq, %rem3A_278, %eq3A_293 : i32
      %convert_element_type3A_295 = arith.extui %eq3A_294 : i1 to i32
      %cond3A_296 = arith.constant 0 : i32
      %cond3A_297 = arith.cmpi ne, %convert_element_type3A_295, %cond3A_296 : i32
      scf.if %cond3A_297 {
        %mul3A_299 = arith.constant 32 : i32
        %mul3A_300 = arith.muli %while3A_275, %mul3A_299 : i32
        %add3A_301 = arith.addi %add3A, %mul3A_300 : i32
        %mul3A_302 = arith.constant 1024 : i32
        %mul3A_303 = arith.muli %add3A_301, %mul3A_302 : i32
        %dma_wait3A = arith.constant 0 : i32
        %dma_wait3A_304 = arith.constant 0 : i32
        %dma_wait3A_305 = tpu.memref_slice %arg6[%dma_wait3A_304] : memref<16384xf32, #tpu.memory_space<vmem>> -> memref<1024xf32, #tpu.memory_space<vmem>>
        %dma_wait3A_306 = tpu.memref_slice %arg2[%dma_wait3A, %mul3A_303] : memref<16x2600000xf32, #tpu.memory_space<hbm>> -> memref<1x1024xf32, #tpu.memory_space<hbm>>
        %dma_wait3A_307 = tpu.memref_squeeze %dma_wait3A_306 : memref<1x1024xf32, #tpu.memory_space<hbm>> -> memref<1024xf32, #tpu.memory_space<hbm>>
        %dma_wait3A_308 = arith.constant 0 : i32
        %dma_wait3A_309 = tpu.memref_slice %arg6[%dma_wait3A_308] : memref<16384xf32, #tpu.memory_space<vmem>> -> memref<1024xf32, #tpu.memory_space<vmem>>
        %dma_wait3A_310 = tpu.memref_slice %arg2[%dma_wait3A, %mul3A_303] : memref<16x2600000xf32, #tpu.memory_space<hbm>> -> memref<1x1024xf32, #tpu.memory_space<hbm>>
        %dma_wait3A_311 = tpu.memref_squeeze %dma_wait3A_310 : memref<1x1024xf32, #tpu.memory_space<hbm>> -> memref<1024xf32, #tpu.memory_space<hbm>>
        tpu.wait_dma2 semaphore(%arg11 : memref<!tpu.dma_semaphore, #tpu.memory_space<semaphore_mem>>) src(%dma_wait3A_311 : memref<1024xf32, #tpu.memory_space<hbm>>) dst(%dma_wait3A_309 : memref<1024xf32, #tpu.memory_space<vmem>>)
        %mul3A_312 = arith.constant 32 : i32
        %mul3A_313 = arith.muli %while3A_275, %mul3A_312 : i32
        %add3A_314 = arith.addi %add3A, %mul3A_313 : i32
        %mul3A_315 = arith.constant 1024 : i32
        %mul3A_316 = arith.muli %add3A_314, %mul3A_315 : i32
        %dma_wait3A_317 = arith.constant 1 : i32
        %dma_wait3A_318 = arith.constant 1024 : i32
        %dma_wait3A_319 = tpu.memref_slice %arg6[%dma_wait3A_318] : memref<16384xf32, #tpu.memory_space<vmem>> -> memref<1024xf32, #tpu.memory_space<vmem>>
        %dma_wait3A_320 = tpu.memref_slice %arg2[%dma_wait3A_317, %mul3A_316] : memref<16x2600000xf32, #tpu.memory_space<hbm>> -> memref<1x1024xf32, #tpu.memory_space<hbm>>
        %dma_wait3A_321 = tpu.memref_squeeze %dma_wait3A_320 : memref<1x1024xf32, #tpu.memory_space<hbm>> -> memref<1024xf32, #tpu.memory_space<hbm>>
        %dma_wait3A_322 = arith.constant 1024 : i32
        %dma_wait3A_323 = tpu.memref_slice %arg6[%dma_wait3A_322] : memref<16384xf32, #tpu.memory_space<vmem>> -> memref<1024xf32, #tpu.memory_space<vmem>>
        %dma_wait3A_324 = tpu.memref_slice %arg2[%dma_wait3A_317, %mul3A_316] : memref<16x2600000xf32, #tpu.memory_space<hbm>> -> memref<1x1024xf32, #tpu.memory_space<hbm>>
        %dma_wait3A_325 = tpu.memref_squeeze %dma_wait3A_324 : memref<1x1024xf32, #tpu.memory_space<hbm>> -> memref<1024xf32, #tpu.memory_space<hbm>>
        tpu.wait_dma2 semaphore(%arg11 : memref<!tpu.dma_semaphore, #tpu.memory_space<semaphore_mem>>) src(%dma_wait3A_325 : memref<1024xf32, #tpu.memory_space<hbm>>) dst(%dma_wait3A_323 : memref<1024xf32, #tpu.memory_space<vmem>>)
        %mul3A_326 = arith.constant 32 : i32
        %mul3A_327 = arith.muli %while3A_275, %mul3A_326 : i32
        %add3A_328 = arith.addi %add3A, %mul3A_327 : i32
        %mul3A_329 = arith.constant 1024 : i32
        %mul3A_330 = arith.muli %add3A_328, %mul3A_329 : i32
        %dma_wait3A_331 = arith.constant 2 : i32
        %dma_wait3A_332 = arith.constant 2048 : i32
        %dma_wait3A_333 = tpu.memref_slice %arg6[%dma_wait3A_332] : memref<16384xf32, #tpu.memory_space<vmem>> -> memref<1024xf32, #tpu.memory_space<vmem>>
        %dma_wait3A_334 = tpu.memref_slice %arg2[%dma_wait3A_331, %mul3A_330] : memref<16x2600000xf32, #tpu.memory_space<hbm>> -> memref<1x1024xf32, #tpu.memory_space<hbm>>
        %dma_wait3A_335 = tpu.memref_squeeze %dma_wait3A_334 : memref<1x1024xf32, #tpu.memory_space<hbm>> -> memref<1024xf32, #tpu.memory_space<hbm>>
        %dma_wait3A_336 = arith.constant 2048 : i32
        %dma_wait3A_337 = tpu.memref_slice %arg6[%dma_wait3A_336] : memref<16384xf32, #tpu.memory_space<vmem>> -> memref<1024xf32, #tpu.memory_space<vmem>>
        %dma_wait3A_338 = tpu.memref_slice %arg2[%dma_wait3A_331, %mul3A_330] : memref<16x2600000xf32, #tpu.memory_space<hbm>> -> memref<1x1024xf32, #tpu.memory_space<hbm>>
        %dma_wait3A_339 = tpu.memref_squeeze %dma_wait3A_338 : memref<1x1024xf32, #tpu.memory_space<hbm>> -> memref<1024xf32, #tpu.memory_space<hbm>>
        tpu.wait_dma2 semaphore(%arg11 : memref<!tpu.dma_semaphore, #tpu.memory_space<semaphore_mem>>) src(%dma_wait3A_339 : memref<1024xf32, #tpu.memory_space<hbm>>) dst(%dma_wait3A_337 : memref<1024xf32, #tpu.memory_space<vmem>>)
        %mul3A_340 = arith.constant 32 : i32
        %mul3A_341 = arith.muli %while3A_275, %mul3A_340 : i32
        %add3A_342 = arith.addi %add3A, %mul3A_341 : i32
        %mul3A_343 = arith.constant 1024 : i32
        %mul3A_344 = arith.muli %add3A_342, %mul3A_343 : i32
        %dma_wait3A_345 = arith.constant 3 : i32
        %dma_wait3A_346 = arith.constant 3072 : i32
        %dma_wait3A_347 = tpu.memref_slice %arg6[%dma_wait3A_346] : memref<16384xf32, #tpu.memory_space<vmem>> -> memref<1024xf32, #tpu.memory_space<vmem>>
        %dma_wait3A_348 = tpu.memref_slice %arg2[%dma_wait3A_345, %mul3A_344] : memref<16x2600000xf32, #tpu.memory_space<hbm>> -> memref<1x1024xf32, #tpu.memory_space<hbm>>
        %dma_wait3A_349 = tpu.memref_squeeze %dma_wait3A_348 : memref<1x1024xf32, #tpu.memory_space<hbm>> -> memref<1024xf32, #tpu.memory_space<hbm>>
        %dma_wait3A_350 = arith.constant 3072 : i32
        %dma_wait3A_351 = tpu.memref_slice %arg6[%dma_wait3A_350] : memref<16384xf32, #tpu.memory_space<vmem>> -> memref<1024xf32, #tpu.memory_space<vmem>>
        %dma_wait3A_352 = tpu.memref_slice %arg2[%dma_wait3A_345, %mul3A_344] : memref<16x2600000xf32, #tpu.memory_space<hbm>> -> memref<1x1024xf32, #tpu.memory_space<hbm>>
        %dma_wait3A_353 = tpu.memref_squeeze %dma_wait3A_352 : memref<1x1024xf32, #tpu.memory_space<hbm>> -> memref<1024xf32, #tpu.memory_space<hbm>>
        tpu.wait_dma2 semaphore(%arg11 : memref<!tpu.dma_semaphore, #tpu.memory_space<semaphore_mem>>) src(%dma_wait3A_353 : memref<1024xf32, #tpu.memory_space<hbm>>) dst(%dma_wait3A_351 : memref<1024xf32, #tpu.memory_space<vmem>>)
        %mul3A_354 = arith.constant 32 : i32
        %mul3A_355 = arith.muli %while3A_275, %mul3A_354 : i32
        %add3A_356 = arith.addi %add3A, %mul3A_355 : i32
        %mul3A_357 = arith.constant 1024 : i32
        %mul3A_358 = arith.muli %add3A_356, %mul3A_357 : i32
        %dma_wait3A_359 = arith.constant 4 : i32
        %dma_wait3A_360 = arith.constant 4096 : i32
        %dma_wait3A_361 = tpu.memref_slice %arg6[%dma_wait3A_360] : memref<16384xf32, #tpu.memory_space<vmem>> -> memref<1024xf32, #tpu.memory_space<vmem>>
        %dma_wait3A_362 = tpu.memref_slice %arg2[%dma_wait3A_359, %mul3A_358] : memref<16x2600000xf32, #tpu.memory_space<hbm>> -> memref<1x1024xf32, #tpu.memory_space<hbm>>
        %dma_wait3A_363 = tpu.memref_squeeze %dma_wait3A_362 : memref<1x1024xf32, #tpu.memory_space<hbm>> -> memref<1024xf32, #tpu.memory_space<hbm>>
        %dma_wait3A_364 = arith.constant 4096 : i32
        %dma_wait3A_365 = tpu.memref_slice %arg6[%dma_wait3A_364] : memref<16384xf32, #tpu.memory_space<vmem>> -> memref<1024xf32, #tpu.memory_space<vmem>>
        %dma_wait3A_366 = tpu.memref_slice %arg2[%dma_wait3A_359, %mul3A_358] : memref<16x2600000xf32, #tpu.memory_space<hbm>> -> memref<1x1024xf32, #tpu.memory_space<hbm>>
        %dma_wait3A_367 = tpu.memref_squeeze %dma_wait3A_366 : memref<1x1024xf32, #tpu.memory_space<hbm>> -> memref<1024xf32, #tpu.memory_space<hbm>>
        tpu.wait_dma2 semaphore(%arg11 : memref<!tpu.dma_semaphore, #tpu.memory_space<semaphore_mem>>) src(%dma_wait3A_367 : memref<1024xf32, #tpu.memory_space<hbm>>) dst(%dma_wait3A_365 : memref<1024xf32, #tpu.memory_space<vmem>>)
        %mul3A_368 = arith.constant 32 : i32
        %mul3A_369 = arith.muli %while3A_275, %mul3A_368 : i32
        %add3A_370 = arith.addi %add3A, %mul3A_369 : i32
        %mul3A_371 = arith.constant 1024 : i32
        %mul3A_372 = arith.muli %add3A_370, %mul3A_371 : i32
        %dma_wait3A_373 = arith.constant 5 : i32
        %dma_wait3A_374 = arith.constant 5120 : i32
        %dma_wait3A_375 = tpu.memref_slice %arg6[%dma_wait3A_374] : memref<16384xf32, #tpu.memory_space<vmem>> -> memref<1024xf32, #tpu.memory_space<vmem>>
        %dma_wait3A_376 = tpu.memref_slice %arg2[%dma_wait3A_373, %mul3A_372] : memref<16x2600000xf32, #tpu.memory_space<hbm>> -> memref<1x1024xf32, #tpu.memory_space<hbm>>
        %dma_wait3A_377 = tpu.memref_squeeze %dma_wait3A_376 : memref<1x1024xf32, #tpu.memory_space<hbm>> -> memref<1024xf32, #tpu.memory_space<hbm>>
        %dma_wait3A_378 = arith.constant 5120 : i32
        %dma_wait3A_379 = tpu.memref_slice %arg6[%dma_wait3A_378] : memref<16384xf32, #tpu.memory_space<vmem>> -> memref<1024xf32, #tpu.memory_space<vmem>>
        %dma_wait3A_380 = tpu.memref_slice %arg2[%dma_wait3A_373, %mul3A_372] : memref<16x2600000xf32, #tpu.memory_space<hbm>> -> memref<1x1024xf32, #tpu.memory_space<hbm>>
        %dma_wait3A_381 = tpu.memref_squeeze %dma_wait3A_380 : memref<1x1024xf32, #tpu.memory_space<hbm>> -> memref<1024xf32, #tpu.memory_space<hbm>>
        tpu.wait_dma2 semaphore(%arg11 : memref<!tpu.dma_semaphore, #tpu.memory_space<semaphore_mem>>) src(%dma_wait3A_381 : memref<1024xf32, #tpu.memory_space<hbm>>) dst(%dma_wait3A_379 : memref<1024xf32, #tpu.memory_space<vmem>>)
        %mul3A_382 = arith.constant 32 : i32
        %mul3A_383 = arith.muli %while3A_275, %mul3A_382 : i32
        %add3A_384 = arith.addi %add3A, %mul3A_383 : i32
        %mul3A_385 = arith.constant 1024 : i32
        %mul3A_386 = arith.muli %add3A_384, %mul3A_385 : i32
        %dma_wait3A_387 = arith.constant 6 : i32
        %dma_wait3A_388 = arith.constant 6144 : i32
        %dma_wait3A_389 = tpu.memref_slice %arg6[%dma_wait3A_388] : memref<16384xf32, #tpu.memory_space<vmem>> -> memref<1024xf32, #tpu.memory_space<vmem>>
        %dma_wait3A_390 = tpu.memref_slice %arg2[%dma_wait3A_387, %mul3A_386] : memref<16x2600000xf32, #tpu.memory_space<hbm>> -> memref<1x1024xf32, #tpu.memory_space<hbm>>
        %dma_wait3A_391 = tpu.memref_squeeze %dma_wait3A_390 : memref<1x1024xf32, #tpu.memory_space<hbm>> -> memref<1024xf32, #tpu.memory_space<hbm>>
        %dma_wait3A_392 = arith.constant 6144 : i32
        %dma_wait3A_393 = tpu.memref_slice %arg6[%dma_wait3A_392] : memref<16384xf32, #tpu.memory_space<vmem>> -> memref<1024xf32, #tpu.memory_space<vmem>>
        %dma_wait3A_394 = tpu.memref_slice %arg2[%dma_wait3A_387, %mul3A_386] : memref<16x2600000xf32, #tpu.memory_space<hbm>> -> memref<1x1024xf32, #tpu.memory_space<hbm>>
        %dma_wait3A_395 = tpu.memref_squeeze %dma_wait3A_394 : memref<1x1024xf32, #tpu.memory_space<hbm>> -> memref<1024xf32, #tpu.memory_space<hbm>>
        tpu.wait_dma2 semaphore(%arg11 : memref<!tpu.dma_semaphore, #tpu.memory_space<semaphore_mem>>) src(%dma_wait3A_395 : memref<1024xf32, #tpu.memory_space<hbm>>) dst(%dma_wait3A_393 : memref<1024xf32, #tpu.memory_space<vmem>>)
        %mul3A_396 = arith.constant 32 : i32
        %mul3A_397 = arith.muli %while3A_275, %mul3A_396 : i32
        %add3A_398 = arith.addi %add3A, %mul3A_397 : i32
        %mul3A_399 = arith.constant 1024 : i32
        %mul3A_400 = arith.muli %add3A_398, %mul3A_399 : i32
        %dma_wait3A_401 = arith.constant 7 : i32
        %dma_wait3A_402 = arith.constant 7168 : i32
        %dma_wait3A_403 = tpu.memref_slice %arg6[%dma_wait3A_402] : memref<16384xf32, #tpu.memory_space<vmem>> -> memref<1024xf32, #tpu.memory_space<vmem>>
        %dma_wait3A_404 = tpu.memref_slice %arg2[%dma_wait3A_401, %mul3A_400] : memref<16x2600000xf32, #tpu.memory_space<hbm>> -> memref<1x1024xf32, #tpu.memory_space<hbm>>
        %dma_wait3A_405 = tpu.memref_squeeze %dma_wait3A_404 : memref<1x1024xf32, #tpu.memory_space<hbm>> -> memref<1024xf32, #tpu.memory_space<hbm>>
        %dma_wait3A_406 = arith.constant 7168 : i32
        %dma_wait3A_407 = tpu.memref_slice %arg6[%dma_wait3A_406] : memref<16384xf32, #tpu.memory_space<vmem>> -> memref<1024xf32, #tpu.memory_space<vmem>>
        %dma_wait3A_408 = tpu.memref_slice %arg2[%dma_wait3A_401, %mul3A_400] : memref<16x2600000xf32, #tpu.memory_space<hbm>> -> memref<1x1024xf32, #tpu.memory_space<hbm>>
        %dma_wait3A_409 = tpu.memref_squeeze %dma_wait3A_408 : memref<1x1024xf32, #tpu.memory_space<hbm>> -> memref<1024xf32, #tpu.memory_space<hbm>>
        tpu.wait_dma2 semaphore(%arg11 : memref<!tpu.dma_semaphore, #tpu.memory_space<semaphore_mem>>) src(%dma_wait3A_409 : memref<1024xf32, #tpu.memory_space<hbm>>) dst(%dma_wait3A_407 : memref<1024xf32, #tpu.memory_space<vmem>>)
        %mul3A_410 = arith.constant 32 : i32
        %mul3A_411 = arith.muli %while3A_275, %mul3A_410 : i32
        %add3A_412 = arith.addi %add3A, %mul3A_411 : i32
        %mul3A_413 = arith.constant 1024 : i32
        %mul3A_414 = arith.muli %add3A_412, %mul3A_413 : i32
        %dma_wait3A_415 = arith.constant 8 : i32
        %dma_wait3A_416 = arith.constant 8192 : i32
        %dma_wait3A_417 = tpu.memref_slice %arg6[%dma_wait3A_416] : memref<16384xf32, #tpu.memory_space<vmem>> -> memref<1024xf32, #tpu.memory_space<vmem>>
        %dma_wait3A_418 = tpu.memref_slice %arg2[%dma_wait3A_415, %mul3A_414] : memref<16x2600000xf32, #tpu.memory_space<hbm>> -> memref<1x1024xf32, #tpu.memory_space<hbm>>
        %dma_wait3A_419 = tpu.memref_squeeze %dma_wait3A_418 : memref<1x1024xf32, #tpu.memory_space<hbm>> -> memref<1024xf32, #tpu.memory_space<hbm>>
        %dma_wait3A_420 = arith.constant 8192 : i32
        %dma_wait3A_421 = tpu.memref_slice %arg6[%dma_wait3A_420] : memref<16384xf32, #tpu.memory_space<vmem>> -> memref<1024xf32, #tpu.memory_space<vmem>>
        %dma_wait3A_422 = tpu.memref_slice %arg2[%dma_wait3A_415, %mul3A_414] : memref<16x2600000xf32, #tpu.memory_space<hbm>> -> memref<1x1024xf32, #tpu.memory_space<hbm>>
        %dma_wait3A_423 = tpu.memref_squeeze %dma_wait3A_422 : memref<1x1024xf32, #tpu.memory_space<hbm>> -> memref<1024xf32, #tpu.memory_space<hbm>>
        tpu.wait_dma2 semaphore(%arg11 : memref<!tpu.dma_semaphore, #tpu.memory_space<semaphore_mem>>) src(%dma_wait3A_423 : memref<1024xf32, #tpu.memory_space<hbm>>) dst(%dma_wait3A_421 : memref<1024xf32, #tpu.memory_space<vmem>>)
        %mul3A_424 = arith.constant 32 : i32
        %mul3A_425 = arith.muli %while3A_275, %mul3A_424 : i32
        %add3A_426 = arith.addi %add3A, %mul3A_425 : i32
        %mul3A_427 = arith.constant 1024 : i32
        %mul3A_428 = arith.muli %add3A_426, %mul3A_427 : i32
        %dma_wait3A_429 = arith.constant 9 : i32
        %dma_wait3A_430 = arith.constant 9216 : i32
        %dma_wait3A_431 = tpu.memref_slice %arg6[%dma_wait3A_430] : memref<16384xf32, #tpu.memory_space<vmem>> -> memref<1024xf32, #tpu.memory_space<vmem>>
        %dma_wait3A_432 = tpu.memref_slice %arg2[%dma_wait3A_429, %mul3A_428] : memref<16x2600000xf32, #tpu.memory_space<hbm>> -> memref<1x1024xf32, #tpu.memory_space<hbm>>
        %dma_wait3A_433 = tpu.memref_squeeze %dma_wait3A_432 : memref<1x1024xf32, #tpu.memory_space<hbm>> -> memref<1024xf32, #tpu.memory_space<hbm>>
        %dma_wait3A_434 = arith.constant 9216 : i32
        %dma_wait3A_435 = tpu.memref_slice %arg6[%dma_wait3A_434] : memref<16384xf32, #tpu.memory_space<vmem>> -> memref<1024xf32, #tpu.memory_space<vmem>>
        %dma_wait3A_436 = tpu.memref_slice %arg2[%dma_wait3A_429, %mul3A_428] : memref<16x2600000xf32, #tpu.memory_space<hbm>> -> memref<1x1024xf32, #tpu.memory_space<hbm>>
        %dma_wait3A_437 = tpu.memref_squeeze %dma_wait3A_436 : memref<1x1024xf32, #tpu.memory_space<hbm>> -> memref<1024xf32, #tpu.memory_space<hbm>>
        tpu.wait_dma2 semaphore(%arg11 : memref<!tpu.dma_semaphore, #tpu.memory_space<semaphore_mem>>) src(%dma_wait3A_437 : memref<1024xf32, #tpu.memory_space<hbm>>) dst(%dma_wait3A_435 : memref<1024xf32, #tpu.memory_space<vmem>>)
        %mul3A_438 = arith.constant 32 : i32
        %mul3A_439 = arith.muli %while3A_275, %mul3A_438 : i32
        %add3A_440 = arith.addi %add3A, %mul3A_439 : i32
        %mul3A_441 = arith.constant 1024 : i32
        %mul3A_442 = arith.muli %add3A_440, %mul3A_441 : i32
        %dma_wait3A_443 = arith.constant 10 : i32
        %dma_wait3A_444 = arith.constant 10240 : i32
        %dma_wait3A_445 = tpu.memref_slice %arg6[%dma_wait3A_444] : memref<16384xf32, #tpu.memory_space<vmem>> -> memref<1024xf32, #tpu.memory_space<vmem>>
        %dma_wait3A_446 = tpu.memref_slice %arg2[%dma_wait3A_443, %mul3A_442] : memref<16x2600000xf32, #tpu.memory_space<hbm>> -> memref<1x1024xf32, #tpu.memory_space<hbm>>
        %dma_wait3A_447 = tpu.memref_squeeze %dma_wait3A_446 : memref<1x1024xf32, #tpu.memory_space<hbm>> -> memref<1024xf32, #tpu.memory_space<hbm>>
        %dma_wait3A_448 = arith.constant 10240 : i32
        %dma_wait3A_449 = tpu.memref_slice %arg6[%dma_wait3A_448] : memref<16384xf32, #tpu.memory_space<vmem>> -> memref<1024xf32, #tpu.memory_space<vmem>>
        %dma_wait3A_450 = tpu.memref_slice %arg2[%dma_wait3A_443, %mul3A_442] : memref<16x2600000xf32, #tpu.memory_space<hbm>> -> memref<1x1024xf32, #tpu.memory_space<hbm>>
        %dma_wait3A_451 = tpu.memref_squeeze %dma_wait3A_450 : memref<1x1024xf32, #tpu.memory_space<hbm>> -> memref<1024xf32, #tpu.memory_space<hbm>>
        tpu.wait_dma2 semaphore(%arg11 : memref<!tpu.dma_semaphore, #tpu.memory_space<semaphore_mem>>) src(%dma_wait3A_451 : memref<1024xf32, #tpu.memory_space<hbm>>) dst(%dma_wait3A_449 : memref<1024xf32, #tpu.memory_space<vmem>>)
        %mul3A_452 = arith.constant 32 : i32
        %mul3A_453 = arith.muli %while3A_275, %mul3A_452 : i32
        %add3A_454 = arith.addi %add3A, %mul3A_453 : i32
        %mul3A_455 = arith.constant 1024 : i32
        %mul3A_456 = arith.muli %add3A_454, %mul3A_455 : i32
        %dma_wait3A_457 = arith.constant 11 : i32
        %dma_wait3A_458 = arith.constant 11264 : i32
        %dma_wait3A_459 = tpu.memref_slice %arg6[%dma_wait3A_458] : memref<16384xf32, #tpu.memory_space<vmem>> -> memref<1024xf32, #tpu.memory_space<vmem>>
        %dma_wait3A_460 = tpu.memref_slice %arg2[%dma_wait3A_457, %mul3A_456] : memref<16x2600000xf32, #tpu.memory_space<hbm>> -> memref<1x1024xf32, #tpu.memory_space<hbm>>
        %dma_wait3A_461 = tpu.memref_squeeze %dma_wait3A_460 : memref<1x1024xf32, #tpu.memory_space<hbm>> -> memref<1024xf32, #tpu.memory_space<hbm>>
        %dma_wait3A_462 = arith.constant 11264 : i32
        %dma_wait3A_463 = tpu.memref_slice %arg6[%dma_wait3A_462] : memref<16384xf32, #tpu.memory_space<vmem>> -> memref<1024xf32, #tpu.memory_space<vmem>>
        %dma_wait3A_464 = tpu.memref_slice %arg2[%dma_wait3A_457, %mul3A_456] : memref<16x2600000xf32, #tpu.memory_space<hbm>> -> memref<1x1024xf32, #tpu.memory_space<hbm>>
        %dma_wait3A_465 = tpu.memref_squeeze %dma_wait3A_464 : memref<1x1024xf32, #tpu.memory_space<hbm>> -> memref<1024xf32, #tpu.memory_space<hbm>>
        tpu.wait_dma2 semaphore(%arg11 : memref<!tpu.dma_semaphore, #tpu.memory_space<semaphore_mem>>) src(%dma_wait3A_465 : memref<1024xf32, #tpu.memory_space<hbm>>) dst(%dma_wait3A_463 : memref<1024xf32, #tpu.memory_space<vmem>>)
        %mul3A_466 = arith.constant 32 : i32
        %mul3A_467 = arith.muli %while3A_275, %mul3A_466 : i32
        %add3A_468 = arith.addi %add3A, %mul3A_467 : i32
        %mul3A_469 = arith.constant 1024 : i32
        %mul3A_470 = arith.muli %add3A_468, %mul3A_469 : i32
        %dma_wait3A_471 = arith.constant 12 : i32
        %dma_wait3A_472 = arith.constant 12288 : i32
        %dma_wait3A_473 = tpu.memref_slice %arg6[%dma_wait3A_472] : memref<16384xf32, #tpu.memory_space<vmem>> -> memref<1024xf32, #tpu.memory_space<vmem>>
        %dma_wait3A_474 = tpu.memref_slice %arg2[%dma_wait3A_471, %mul3A_470] : memref<16x2600000xf32, #tpu.memory_space<hbm>> -> memref<1x1024xf32, #tpu.memory_space<hbm>>
        %dma_wait3A_475 = tpu.memref_squeeze %dma_wait3A_474 : memref<1x1024xf32, #tpu.memory_space<hbm>> -> memref<1024xf32, #tpu.memory_space<hbm>>
        %dma_wait3A_476 = arith.constant 12288 : i32
        %dma_wait3A_477 = tpu.memref_slice %arg6[%dma_wait3A_476] : memref<16384xf32, #tpu.memory_space<vmem>> -> memref<1024xf32, #tpu.memory_space<vmem>>
        %dma_wait3A_478 = tpu.memref_slice %arg2[%dma_wait3A_471, %mul3A_470] : memref<16x2600000xf32, #tpu.memory_space<hbm>> -> memref<1x1024xf32, #tpu.memory_space<hbm>>
        %dma_wait3A_479 = tpu.memref_squeeze %dma_wait3A_478 : memref<1x1024xf32, #tpu.memory_space<hbm>> -> memref<1024xf32, #tpu.memory_space<hbm>>
        tpu.wait_dma2 semaphore(%arg11 : memref<!tpu.dma_semaphore, #tpu.memory_space<semaphore_mem>>) src(%dma_wait3A_479 : memref<1024xf32, #tpu.memory_space<hbm>>) dst(%dma_wait3A_477 : memref<1024xf32, #tpu.memory_space<vmem>>)
        %mul3A_480 = arith.constant 32 : i32
        %mul3A_481 = arith.muli %while3A_275, %mul3A_480 : i32
        %add3A_482 = arith.addi %add3A, %mul3A_481 : i32
        %mul3A_483 = arith.constant 1024 : i32
        %mul3A_484 = arith.muli %add3A_482, %mul3A_483 : i32
        %dma_wait3A_485 = arith.constant 13 : i32
        %dma_wait3A_486 = arith.constant 13312 : i32
        %dma_wait3A_487 = tpu.memref_slice %arg6[%dma_wait3A_486] : memref<16384xf32, #tpu.memory_space<vmem>> -> memref<1024xf32, #tpu.memory_space<vmem>>
        %dma_wait3A_488 = tpu.memref_slice %arg2[%dma_wait3A_485, %mul3A_484] : memref<16x2600000xf32, #tpu.memory_space<hbm>> -> memref<1x1024xf32, #tpu.memory_space<hbm>>
        %dma_wait3A_489 = tpu.memref_squeeze %dma_wait3A_488 : memref<1x1024xf32, #tpu.memory_space<hbm>> -> memref<1024xf32, #tpu.memory_space<hbm>>
        %dma_wait3A_490 = arith.constant 13312 : i32
        %dma_wait3A_491 = tpu.memref_slice %arg6[%dma_wait3A_490] : memref<16384xf32, #tpu.memory_space<vmem>> -> memref<1024xf32, #tpu.memory_space<vmem>>
        %dma_wait3A_492 = tpu.memref_slice %arg2[%dma_wait3A_485, %mul3A_484] : memref<16x2600000xf32, #tpu.memory_space<hbm>> -> memref<1x1024xf32, #tpu.memory_space<hbm>>
        %dma_wait3A_493 = tpu.memref_squeeze %dma_wait3A_492 : memref<1x1024xf32, #tpu.memory_space<hbm>> -> memref<1024xf32, #tpu.memory_space<hbm>>
        tpu.wait_dma2 semaphore(%arg11 : memref<!tpu.dma_semaphore, #tpu.memory_space<semaphore_mem>>) src(%dma_wait3A_493 : memref<1024xf32, #tpu.memory_space<hbm>>) dst(%dma_wait3A_491 : memref<1024xf32, #tpu.memory_space<vmem>>)
        %mul3A_494 = arith.constant 32 : i32
        %mul3A_495 = arith.muli %while3A_275, %mul3A_494 : i32
        %add3A_496 = arith.addi %add3A, %mul3A_495 : i32
        %mul3A_497 = arith.constant 1024 : i32
        %mul3A_498 = arith.muli %add3A_496, %mul3A_497 : i32
        %dma_wait3A_499 = arith.constant 14 : i32
        %dma_wait3A_500 = arith.constant 14336 : i32
        %dma_wait3A_501 = tpu.memref_slice %arg6[%dma_wait3A_500] : memref<16384xf32, #tpu.memory_space<vmem>> -> memref<1024xf32, #tpu.memory_space<vmem>>
        %dma_wait3A_502 = tpu.memref_slice %arg2[%dma_wait3A_499, %mul3A_498] : memref<16x2600000xf32, #tpu.memory_space<hbm>> -> memref<1x1024xf32, #tpu.memory_space<hbm>>
        %dma_wait3A_503 = tpu.memref_squeeze %dma_wait3A_502 : memref<1x1024xf32, #tpu.memory_space<hbm>> -> memref<1024xf32, #tpu.memory_space<hbm>>
        %dma_wait3A_504 = arith.constant 14336 : i32
        %dma_wait3A_505 = tpu.memref_slice %arg6[%dma_wait3A_504] : memref<16384xf32, #tpu.memory_space<vmem>> -> memref<1024xf32, #tpu.memory_space<vmem>>
        %dma_wait3A_506 = tpu.memref_slice %arg2[%dma_wait3A_499, %mul3A_498] : memref<16x2600000xf32, #tpu.memory_space<hbm>> -> memref<1x1024xf32, #tpu.memory_space<hbm>>
        %dma_wait3A_507 = tpu.memref_squeeze %dma_wait3A_506 : memref<1x1024xf32, #tpu.memory_space<hbm>> -> memref<1024xf32, #tpu.memory_space<hbm>>
        tpu.wait_dma2 semaphore(%arg11 : memref<!tpu.dma_semaphore, #tpu.memory_space<semaphore_mem>>) src(%dma_wait3A_507 : memref<1024xf32, #tpu.memory_space<hbm>>) dst(%dma_wait3A_505 : memref<1024xf32, #tpu.memory_space<vmem>>)
        %mul3A_508 = arith.constant 32 : i32
        %mul3A_509 = arith.muli %while3A_275, %mul3A_508 : i32
        %add3A_510 = arith.addi %add3A, %mul3A_509 : i32
        %mul3A_511 = arith.constant 1024 : i32
        %mul3A_512 = arith.muli %add3A_510, %mul3A_511 : i32
        %dma_wait3A_513 = arith.constant 15 : i32
        %dma_wait3A_514 = arith.constant 15360 : i32
        %dma_wait3A_515 = tpu.memref_slice %arg6[%dma_wait3A_514] : memref<16384xf32, #tpu.memory_space<vmem>> -> memref<1024xf32, #tpu.memory_space<vmem>>
        %dma_wait3A_516 = tpu.memref_slice %arg2[%dma_wait3A_513, %mul3A_512] : memref<16x2600000xf32, #tpu.memory_space<hbm>> -> memref<1x1024xf32, #tpu.memory_space<hbm>>
        %dma_wait3A_517 = tpu.memref_squeeze %dma_wait3A_516 : memref<1x1024xf32, #tpu.memory_space<hbm>> -> memref<1024xf32, #tpu.memory_space<hbm>>
        %dma_wait3A_518 = arith.constant 15360 : i32
        %dma_wait3A_519 = tpu.memref_slice %arg6[%dma_wait3A_518] : memref<16384xf32, #tpu.memory_space<vmem>> -> memref<1024xf32, #tpu.memory_space<vmem>>
        %dma_wait3A_520 = tpu.memref_slice %arg2[%dma_wait3A_513, %mul3A_512] : memref<16x2600000xf32, #tpu.memory_space<hbm>> -> memref<1x1024xf32, #tpu.memory_space<hbm>>
        %dma_wait3A_521 = tpu.memref_squeeze %dma_wait3A_520 : memref<1x1024xf32, #tpu.memory_space<hbm>> -> memref<1024xf32, #tpu.memory_space<hbm>>
        tpu.wait_dma2 semaphore(%arg11 : memref<!tpu.dma_semaphore, #tpu.memory_space<semaphore_mem>>) src(%dma_wait3A_521 : memref<1024xf32, #tpu.memory_space<hbm>>) dst(%dma_wait3A_519 : memref<1024xf32, #tpu.memory_space<vmem>>)
        %mul3A_522 = arith.constant 1024 : i32
        %mul3A_523 = vector.broadcast %mul3A_522 : i32 to vector<16xi32>
        %mul3A_524 = arith.muli %iota3A, %mul3A_523 : vector<16xi32>
        %parallel_loop3A = arith.constant 0 : i32
        %parallel_loop3A_525 = arith.constant 1024 : i32
        %parallel_loop3A_526 = arith.constant 1 : i32
        scf.for %parallel_loop3A_536 = %parallel_loop3A to %parallel_loop3A_525 step %parallel_loop3A_526  : i32 {
          %parallel_loop3A_537 = vector.broadcast %parallel_loop3A_536 : i32 to vector<16xi32>
          %parallel_loop3A_538 = arith.addi %mul3A_524, %parallel_loop3A_537 : vector<16xi32>
          %parallel_loop3A_539 = tpu.vector_load_idx %arg6[%parallel_loop3A_538] : memref<16384xf32, #tpu.memory_space<vmem>>[vector<16xi32>], vector<16xf32>,
          %parallel_loop3A_540 = arith.constant 16 : i32
          %parallel_loop3A_541 = arith.muli %parallel_loop3A_536, %parallel_loop3A_540 : i32
          %parallel_loop3A_542 = arith.index_cast %parallel_loop3A_541 : i32 to index
          %parallel_loop3A_543 = tpu.vector_load %arg8[%parallel_loop3A_542] {strides = array<i32>} : memref<16384xf32, #tpu.memory_space<vmem>>, vector<16xf32>,
          tpu.vector_store %arg8[%parallel_loop3A_542], %parallel_loop3A_539 {strides = array<i32>} : memref<16384xf32, #tpu.memory_space<vmem>>, vector<16xf32>,
        } {sc.loop_unroll_factor = 8 : i64, sc.parallel_access}
        %mul3A_527 = arith.constant 32 : i32
        %mul3A_528 = arith.muli %while3A_275, %mul3A_527 : i32
        %add3A_529 = arith.addi %add3A, %mul3A_528 : i32
        %mul3A_530 = arith.constant 1024 : i32
        %mul3A_531 = arith.muli %add3A_529, %mul3A_530 : i32
        %mul3A_532 = arith.constant 16 : i32
        %mul3A_533 = arith.muli %mul3A_531, %mul3A_532 : i32
        %dma_start3A_534 = tpu.memref_slice %arg4[%mul3A_533] : memref<41600000xf32, #tpu.memory_space<hbm>> -> memref<16384xf32, #tpu.memory_space<hbm>>
        %dma_start3A_535 = tpu.memref_slice %arg4[%mul3A_533] : memref<41600000xf32, #tpu.memory_space<hbm>> -> memref<16384xf32, #tpu.memory_space<hbm>>
        tpu.enqueue_dma source(%arg8 : memref<16384xf32, #tpu.memory_space<vmem>>) target(%dma_start3A_535 : memref<16384xf32, #tpu.memory_space<hbm>>) target_semaphore(%arg13 : memref<!tpu.dma_semaphore, #tpu.memory_space<semaphore_mem>>)
      } else {
      }
      %while3A_298 = arith.constant 0 : i32
      scf.yield %while3A_298 : i32
    }
    %sub3A_241 = arith.constant 2 : i32
    %sub3A_242 = arith.subi %select_n3A, %sub3A_241 : i32
    %rem3A_243 = arith.constant 2 : i32
    %rem3A_244 = arith.remsi %sub3A_242, %rem3A_243 : i32
    %eq3A = arith.constant 0 : i32
    %eq3A_245 = arith.cmpi eq, %rem3A_244, %eq3A : i32
    %convert_element_type3A = arith.extui %eq3A_245 : i1 to i32
    %cond3A = arith.constant 0 : i32
    %cond3A_246 = arith.cmpi ne, %convert_element_type3A, %cond3A : i32
    scf.if %cond3A_246 {
      %mul3A_275 = arith.constant 32 : i32
      %mul3A_276 = arith.muli %sub3A_242, %mul3A_275 : i32
      %add3A_277 = arith.addi %add3A, %mul3A_276 : i32
      %mul3A_278 = arith.constant 1024 : i32
      %mul3A_279 = arith.muli %add3A_277, %mul3A_278 : i32
      %mul3A_280 = arith.constant 16 : i32
      %mul3A_281 = arith.muli %mul3A_279, %mul3A_280 : i32
      %dma_wait3A = tpu.memref_slice %arg4[%mul3A_281] : memref<41600000xf32, #tpu.memory_space<hbm>> -> memref<16384xf32, #tpu.memory_space<hbm>>
      %dma_wait3A_282 = tpu.memref_slice %arg4[%mul3A_281] : memref<41600000xf32, #tpu.memory_space<hbm>> -> memref<16384xf32, #tpu.memory_space<hbm>>
      tpu.wait_dma2 semaphore(%arg12 : memref<!tpu.dma_semaphore, #tpu.memory_space<semaphore_mem>>) src(%arg7 : memref<16384xf32, #tpu.memory_space<vmem>>) dst(%dma_wait3A_282 : memref<16384xf32, #tpu.memory_space<hbm>>)
    } else {
    }
    %rem3A_247 = arith.constant 2 : i32
    %rem3A_248 = arith.remsi %sub3A_242, %rem3A_247 : i32
    %eq3A_249 = arith.constant 1 : i32
    %eq3A_250 = arith.cmpi eq, %rem3A_248, %eq3A_249 : i32
    %convert_element_type3A_251 = arith.extui %eq3A_250 : i1 to i32
    %cond3A_252 = arith.constant 0 : i32
    %cond3A_253 = arith.cmpi ne, %convert_element_type3A_251, %cond3A_252 : i32
    scf.if %cond3A_253 {
      %mul3A_275 = arith.constant 32 : i32
      %mul3A_276 = arith.muli %sub3A_242, %mul3A_275 : i32
      %add3A_277 = arith.addi %add3A, %mul3A_276 : i32
      %mul3A_278 = arith.constant 1024 : i32
      %mul3A_279 = arith.muli %add3A_277, %mul3A_278 : i32
      %mul3A_280 = arith.constant 16 : i32
      %mul3A_281 = arith.muli %mul3A_279, %mul3A_280 : i32
      %dma_wait3A = tpu.memref_slice %arg4[%mul3A_281] : memref<41600000xf32, #tpu.memory_space<hbm>> -> memref<16384xf32, #tpu.memory_space<hbm>>
      %dma_wait3A_282 = tpu.memref_slice %arg4[%mul3A_281] : memref<41600000xf32, #tpu.memory_space<hbm>> -> memref<16384xf32, #tpu.memory_space<hbm>>
      tpu.wait_dma2 semaphore(%arg13 : memref<!tpu.dma_semaphore, #tpu.memory_space<semaphore_mem>>) src(%arg8 : memref<16384xf32, #tpu.memory_space<vmem>>) dst(%dma_wait3A_282 : memref<16384xf32, #tpu.memory_space<hbm>>)
    } else {
    }
    %sub3A_254 = arith.constant 1 : i32
    %sub3A_255 = arith.subi %select_n3A, %sub3A_254 : i32
    %rem3A_256 = arith.constant 2 : i32
    %rem3A_257 = arith.remsi %sub3A_255, %rem3A_256 : i32
    %eq3A_258 = arith.constant 0 : i32
    %eq3A_259 = arith.cmpi eq, %rem3A_257, %eq3A_258 : i32
    %convert_element_type3A_260 = arith.extui %eq3A_259 : i1 to i32
    %cond3A_261 = arith.constant 0 : i32
    %cond3A_262 = arith.cmpi ne, %convert_element_type3A_260, %cond3A_261 : i32
    scf.if %cond3A_262 {
      %mul3A_275 = arith.constant 32 : i32
      %mul3A_276 = arith.muli %sub3A_255, %mul3A_275 : i32
      %add3A_277 = arith.addi %add3A, %mul3A_276 : i32
      %mul3A_278 = arith.constant 1024 : i32
      %mul3A_279 = arith.muli %add3A_277, %mul3A_278 : i32
      %mul3A_280 = arith.constant 16 : i32
      %mul3A_281 = arith.muli %mul3A_279, %mul3A_280 : i32
      %dma_wait3A = tpu.memref_slice %arg4[%mul3A_281] : memref<41600000xf32, #tpu.memory_space<hbm>> -> memref<16384xf32, #tpu.memory_space<hbm>>
      %dma_wait3A_282 = tpu.memref_slice %arg4[%mul3A_281] : memref<41600000xf32, #tpu.memory_space<hbm>> -> memref<16384xf32, #tpu.memory_space<hbm>>
      tpu.wait_dma2 semaphore(%arg12 : memref<!tpu.dma_semaphore, #tpu.memory_space<semaphore_mem>>) src(%arg7 : memref<16384xf32, #tpu.memory_space<vmem>>) dst(%dma_wait3A_282 : memref<16384xf32, #tpu.memory_space<hbm>>)
    } else {
    }
    %rem3A_263 = arith.constant 2 : i32
    %rem3A_264 = arith.remsi %sub3A_255, %rem3A_263 : i32
    %eq3A_265 = arith.constant 1 : i32
    %eq3A_266 = arith.cmpi eq, %rem3A_264, %eq3A_265 : i32
    %convert_element_type3A_267 = arith.extui %eq3A_266 : i1 to i32
    %cond3A_268 = arith.constant 0 : i32
    %cond3A_269 = arith.cmpi ne, %convert_element_type3A_267, %cond3A_268 : i32
    scf.if %cond3A_269 {
      %mul3A_275 = arith.constant 32 : i32
      %mul3A_276 = arith.muli %sub3A_255, %mul3A_275 : i32
      %add3A_277 = arith.addi %add3A, %mul3A_276 : i32
      %mul3A_278 = arith.constant 1024 : i32
      %mul3A_279 = arith.muli %add3A_277, %mul3A_278 : i32
      %mul3A_280 = arith.constant 16 : i32
      %mul3A_281 = arith.muli %mul3A_279, %mul3A_280 : i32
      %dma_wait3A = tpu.memref_slice %arg4[%mul3A_281] : memref<41600000xf32, #tpu.memory_space<hbm>> -> memref<16384xf32, #tpu.memory_space<hbm>>
      %dma_wait3A_282 = tpu.memref_slice %arg4[%mul3A_281] : memref<41600000xf32, #tpu.memory_space<hbm>> -> memref<16384xf32, #tpu.memory_space<hbm>>
      tpu.wait_dma2 semaphore(%arg13 : memref<!tpu.dma_semaphore, #tpu.memory_space<semaphore_mem>>) src(%arg8 : memref<16384xf32, #tpu.memory_space<vmem>>) dst(%dma_wait3A_282 : memref<16384xf32, #tpu.memory_space<hbm>>)
    } else {
    }
    %eq3A_270 = arith.constant 31 : i32
    %eq3A_271 = arith.cmpi eq, %add3A, %eq3A_270 : i32
    %convert_element_type3A_272 = arith.extui %eq3A_271 : i1 to i32
    %cond3A_273 = arith.constant 0 : i32
    %cond3A_274 = arith.cmpi ne, %convert_element_type3A_272, %cond3A_273 : i32
    scf.if %cond3A_274 {
      "tpu.region"() ({
        %run_scoped3A = tpu.sem_alloc : memref<!tpu.dma_semaphore, #tpu.memory_space<semaphore_mem>>
        tpu.enqueue_dma source(%arg3 : memref<1024xf32, #tpu.memory_space<hbm>>) target(%arg9 : memref<1024xf32, #tpu.memory_space<vmem>>) target_semaphore(%run_scoped3A : memref<!tpu.dma_semaphore, #tpu.memory_space<semaphore_mem>>)
        tpu.wait_dma2 semaphore(%run_scoped3A : memref<!tpu.dma_semaphore, #tpu.memory_space<semaphore_mem>>) src(%arg3 : memref<1024xf32, #tpu.memory_space<hbm>>) dst(%arg9 : memref<1024xf32, #tpu.memory_space<vmem>>)
        tpu.yield
      }) : () -> ()
      "tpu.region"() ({
        %run_scoped3A = tpu.sem_alloc : memref<!tpu.dma_semaphore, #tpu.memory_space<semaphore_mem>>
        %dma_start3A_275 = arith.constant 41598976 : i32
        %dma_start3A_276 = tpu.memref_slice %arg4[%dma_start3A_275] : memref<41600000xf32, #tpu.memory_space<hbm>> -> memref<1024xf32, #tpu.memory_space<hbm>>
        %dma_start3A_277 = arith.constant 41598976 : i32
        %dma_start3A_278 = tpu.memref_slice %arg4[%dma_start3A_277] : memref<41600000xf32, #tpu.memory_space<hbm>> -> memref<1024xf32, #tpu.memory_space<hbm>>
        tpu.enqueue_dma source(%arg9 : memref<1024xf32, #tpu.memory_space<vmem>>) target(%dma_start3A_278 : memref<1024xf32, #tpu.memory_space<hbm>>) target_semaphore(%run_scoped3A : memref<!tpu.dma_semaphore, #tpu.memory_space<semaphore_mem>>)
        %dma_wait3A = arith.constant 41598976 : i32
        %dma_wait3A_279 = tpu.memref_slice %arg4[%dma_wait3A] : memref<41600000xf32, #tpu.memory_space<hbm>> -> memref<1024xf32, #tpu.memory_space<hbm>>
        %dma_wait3A_280 = arith.constant 41598976 : i32
        %dma_wait3A_281 = tpu.memref_slice %arg4[%dma_wait3A_280] : memref<41600000xf32, #tpu.memory_space<hbm>> -> memref<1024xf32, #tpu.memory_space<hbm>>
        tpu.wait_dma2 semaphore(%run_scoped3A : memref<!tpu.dma_semaphore, #tpu.memory_space<semaphore_mem>>) src(%arg9 : memref<1024xf32, #tpu.memory_space<vmem>>) dst(%dma_wait3A_281 : memref<1024xf32, #tpu.memory_space<hbm>>)
        tpu.yield
      }) : () -> ()
    } else {
    }
    return
  }
}

#map = affine_map<(d0, d1) -> (0)>
#map1 = affine_map<(d0, d1) -> (0, 0)>
module attributes {stable_mosaic.version = 14 : i64} {
  func.func @_fm_body(%arg0: i32, %arg1: i32, %arg2: memref<425984xi32, #tpu.memory_space<hbm>>, %arg3: memref<2600000x16xf32, #tpu.memory_space<hbm>>, %arg4: memref<2600000xf32, #tpu.memory_space<hbm>>, %arg5: memref<16384xf32, #tpu.memory_space<hbm>>, %arg6: memref<3328xi32, #tpu.memory_space<vmem>>, %arg7: memref<3328x16xf32, #tpu.memory_space<vmem>>, %arg8: memref<3328xf32, #tpu.memory_space<vmem>>, %arg9: memref<128xf32, #tpu.memory_space<vmem>>, %arg10: memref<!tpu.dma_semaphore, #tpu.memory_space<semaphore_mem>>, %arg11: memref<!tpu.dma_semaphore, #tpu.memory_space<semaphore_mem>>) attributes {dimension_semantics = [#tpu.dimension_semantics<core_parallel>, #tpu.dimension_semantics<subcore_parallel>], iteration_bounds = array<i64: 2, 16>, scalar_prefetch = 0 : i64, scratch_operands = 6 : i64, tpu.core_type = #tpu.core_type<sc_vector_subcore>, window_params = [{transform_indices = #map}, {transform_indices = #map1}, {transform_indices = #map}, {transform_indices = #map}]} {
    %mul3A = arith.constant 2 : i32
    %mul3A_0 = arith.muli %arg1, %mul3A : i32
    %add3A = arith.addi %mul3A_0, %arg0 : i32
    %mul3A_1 = arith.constant 512 : i32
    %mul3A_2 = arith.muli %add3A, %mul3A_1 : i32
    %scan3A = arith.constant 0 : i32
    %scan3A_3 = arith.constant 0 : i32
    %scan3A_4 = arith.constant 4 : i32
    %scan3A_5 = arith.addi %scan3A_3, %scan3A_4 : i32
    %scan3A_6 = arith.constant 1 : i32
    %scan3A_7 = scf.for %scan3A_9 = %scan3A_3 to %scan3A_5 step %scan3A_6 iter_args(%scan3A_10 = %scan3A) -> (i32)  : i32 {
      %mul3A_11 = arith.constant 128 : i32
      %mul3A_12 = arith.muli %scan3A_9, %mul3A_11 : i32
      %add3A_13 = arith.addi %mul3A_2, %mul3A_12 : i32
      %mul3A_14 = arith.constant 26 : i32
      %mul3A_15 = arith.muli %add3A_13, %mul3A_14 : i32
      "tpu.region"() ({
        %run_scoped3A = tpu.sem_alloc : memref<!tpu.dma_semaphore, #tpu.memory_space<semaphore_mem>>
        %dma_start3A = tpu.memref_slice %arg2[%mul3A_15] : memref<425984xi32, #tpu.memory_space<hbm>> -> memref<3328xi32, #tpu.memory_space<hbm>>
        %dma_start3A_47 = tpu.memref_slice %arg2[%mul3A_15] : memref<425984xi32, #tpu.memory_space<hbm>> -> memref<3328xi32, #tpu.memory_space<hbm>>
        tpu.enqueue_dma source(%dma_start3A_47 : memref<3328xi32, #tpu.memory_space<hbm>>) target(%arg6 : memref<3328xi32, #tpu.memory_space<vmem>>) target_semaphore(%run_scoped3A : memref<!tpu.dma_semaphore, #tpu.memory_space<semaphore_mem>>)
        %dma_wait3A = tpu.memref_slice %arg2[%mul3A_15] : memref<425984xi32, #tpu.memory_space<hbm>> -> memref<3328xi32, #tpu.memory_space<hbm>>
        %dma_wait3A_48 = tpu.memref_slice %arg2[%mul3A_15] : memref<425984xi32, #tpu.memory_space<hbm>> -> memref<3328xi32, #tpu.memory_space<hbm>>
        tpu.wait_dma2 semaphore(%run_scoped3A : memref<!tpu.dma_semaphore, #tpu.memory_space<semaphore_mem>>) src(%dma_wait3A_48 : memref<3328xi32, #tpu.memory_space<hbm>>) dst(%arg6 : memref<3328xi32, #tpu.memory_space<vmem>>)
        tpu.yield
      }) : () -> ()
      %parallel_loop3A = arith.constant 0 : i32
      %parallel_loop3A_16 = arith.constant 208 : i32
      %parallel_loop3A_17 = arith.constant 1 : i32
      scf.for %parallel_loop3A_47 = %parallel_loop3A to %parallel_loop3A_16 step %parallel_loop3A_17  : i32 {
        %parallel_loop3A_48 = arith.constant 16 : i32
        %parallel_loop3A_49 = arith.muli %parallel_loop3A_47, %parallel_loop3A_48 : i32
        %parallel_loop3A_50 = tpu.iota {dimensions = array<i32: 0>} : vector<16xi32>
        %parallel_loop3A_51 = vector.broadcast %parallel_loop3A_49 : i32 to vector<16xi32>
        %parallel_loop3A_52 = arith.addi %parallel_loop3A_51, %parallel_loop3A_50 : vector<16xi32>
        %parallel_loop3A_53 = arith.constant 26 : i32
        %parallel_loop3A_54 = vector.broadcast %parallel_loop3A_53 : i32 to vector<16xi32>
        %parallel_loop3A_55 = arith.remsi %parallel_loop3A_52, %parallel_loop3A_54 : vector<16xi32>
        %parallel_loop3A_56 = arith.constant 16 : i32
        %parallel_loop3A_57 = arith.muli %parallel_loop3A_47, %parallel_loop3A_56 : i32
        %parallel_loop3A_58 = arith.index_cast %parallel_loop3A_57 : i32 to index
        %parallel_loop3A_59 = tpu.vector_load %arg6[%parallel_loop3A_58] {strides = array<i32>} : memref<3328xi32, #tpu.memory_space<vmem>>, vector<16xi32>,
        %parallel_loop3A_60 = arith.constant 100000 : i32
        %parallel_loop3A_61 = vector.broadcast %parallel_loop3A_60 : i32 to vector<16xi32>
        %parallel_loop3A_62 = arith.muli %parallel_loop3A_55, %parallel_loop3A_61 : vector<16xi32>
        %parallel_loop3A_63 = arith.addi %parallel_loop3A_59, %parallel_loop3A_62 : vector<16xi32>
        %parallel_loop3A_64 = arith.constant 16 : i32
        %parallel_loop3A_65 = arith.muli %parallel_loop3A_47, %parallel_loop3A_64 : i32
        %parallel_loop3A_66 = arith.index_cast %parallel_loop3A_65 : i32 to index
        %parallel_loop3A_67 = tpu.vector_load %arg6[%parallel_loop3A_66] {strides = array<i32>} : memref<3328xi32, #tpu.memory_space<vmem>>, vector<16xi32>,
        tpu.vector_store %arg6[%parallel_loop3A_66], %parallel_loop3A_63 {strides = array<i32>} : memref<3328xi32, #tpu.memory_space<vmem>>, vector<16xi32>,
      } {sc.loop_unroll_factor = 8 : i64, sc.parallel_access}
      %scan3A_18 = arith.constant 0 : i32
      %scan3A_19 = arith.constant 0 : i32
      %scan3A_20 = arith.constant 26 : i32
      %scan3A_21 = arith.addi %scan3A_19, %scan3A_20 : i32
      %scan3A_22 = arith.constant 1 : i32
      %scan3A_23 = scf.for %scan3A_47 = %scan3A_19 to %scan3A_21 step %scan3A_22 iter_args(%scan3A_48 = %scan3A_18) -> (i32)  : i32 {
        %mul3A_49 = arith.constant 128 : i32
        %mul3A_50 = arith.muli %scan3A_47, %mul3A_49 : i32
        %mul3A_51 = arith.constant 128 : i32
        %mul3A_52 = arith.muli %scan3A_47, %mul3A_51 : i32
        %dma_start3A = arith.constant 0 : i32
        %dma_start3A_53 = tpu.memref_slice %arg7[%mul3A_52, %dma_start3A] : memref<3328x16xf32, #tpu.memory_space<vmem>> -> memref<128x16xf32, #tpu.memory_space<vmem>>
        %dma_start3A_54 = tpu.memref_slice %arg6[%mul3A_50] : memref<3328xi32, #tpu.memory_space<vmem>> -> memref<128xi32, #tpu.memory_space<vmem>>
        %dma_start3A_55 = arith.constant 0 : i32
        %dma_start3A_56 = arith.constant 0 : i32
        %dma_start3A_57 = tpu.memref_slice %arg3[%dma_start3A_55, %dma_start3A_56] : memref<2600000x16xf32, #tpu.memory_space<hbm>> -> memref<2600000x16xf32, #tpu.memory_space<hbm>>
        tpu.enqueue_indirect_dma source(%dma_start3A_57 : memref<2600000x16xf32, #tpu.memory_space<hbm>>) target(%dma_start3A_53 : memref<128x16xf32, #tpu.memory_space<vmem>>) offsets(%dma_start3A_54 : memref<128xi32, #tpu.memory_space<vmem>>) semaphore(%arg10 : memref<!tpu.dma_semaphore, #tpu.memory_space<semaphore_mem>>)
        %mul3A_58 = arith.constant 128 : i32
        %mul3A_59 = arith.muli %scan3A_47, %mul3A_58 : i32
        %mul3A_60 = arith.constant 128 : i32
        %mul3A_61 = arith.muli %scan3A_47, %mul3A_60 : i32
        %dma_start3A_62 = tpu.memref_slice %arg8[%mul3A_61] : memref<3328xf32, #tpu.memory_space<vmem>> -> memref<128xf32, #tpu.memory_space<vmem>>
        %dma_start3A_63 = tpu.memref_slice %arg6[%mul3A_59] : memref<3328xi32, #tpu.memory_space<vmem>> -> memref<128xi32, #tpu.memory_space<vmem>>
        %dma_start3A_64 = arith.constant 0 : i32
        %dma_start3A_65 = tpu.memref_slice %arg4[%dma_start3A_64] : memref<2600000xf32, #tpu.memory_space<hbm>> -> memref<2600000xf32, #tpu.memory_space<hbm>>
        tpu.enqueue_indirect_dma source(%dma_start3A_65 : memref<2600000xf32, #tpu.memory_space<hbm>>) target(%dma_start3A_62 : memref<128xf32, #tpu.memory_space<vmem>>) offsets(%dma_start3A_63 : memref<128xi32, #tpu.memory_space<vmem>>) semaphore(%arg11 : memref<!tpu.dma_semaphore, #tpu.memory_space<semaphore_mem>>)
        %scan3A_66 = arith.constant 0 : i32
        scf.yield %scan3A_66 : i32
      }
      %scan3A_24 = arith.constant 26 : i32
      %broadcast_in_dim3A = arith.constant 0.000000e+00 : f32
      %broadcast_in_dim3A_25 = vector.broadcast %broadcast_in_dim3A : f32 to vector<16xf32>
      %parallel_loop3A_26 = arith.constant 0 : i32
      %parallel_loop3A_27 = arith.constant 8 : i32
      %parallel_loop3A_28 = arith.constant 1 : i32
      scf.for %parallel_loop3A_47 = %parallel_loop3A_26 to %parallel_loop3A_27 step %parallel_loop3A_28  : i32 {
        %parallel_loop3A_48 = arith.constant 16 : i32
        %parallel_loop3A_49 = arith.muli %parallel_loop3A_47, %parallel_loop3A_48 : i32
        %parallel_loop3A_50 = arith.index_cast %parallel_loop3A_49 : i32 to index
        %parallel_loop3A_51 = tpu.vector_load %arg9[%parallel_loop3A_50] {strides = array<i32>} : memref<128xf32, #tpu.memory_space<vmem>>, vector<16xf32>,
        tpu.vector_store %arg9[%parallel_loop3A_50], %broadcast_in_dim3A_25 {strides = array<i32>} : memref<128xf32, #tpu.memory_space<vmem>>, vector<16xf32>,
      } {sc.loop_unroll_factor = 1 : i64, sc.parallel_access}
      %scan3A_29 = arith.constant 0 : i32
      %scan3A_30 = arith.constant 0 : i32
      %scan3A_31 = arith.constant 26 : i32
      %scan3A_32 = arith.addi %scan3A_30, %scan3A_31 : i32
      %scan3A_33 = arith.constant 1 : i32
      %scan3A_34 = scf.for %scan3A_47 = %scan3A_30 to %scan3A_32 step %scan3A_33 iter_args(%scan3A_48 = %scan3A_29) -> (i32)  : i32 {
        %mul3A_49 = arith.constant 128 : i32
        %mul3A_50 = arith.muli %scan3A_47, %mul3A_49 : i32
        %mul3A_51 = arith.constant 128 : i32
        %mul3A_52 = arith.muli %scan3A_47, %mul3A_51 : i32
        %dma_wait3A = arith.constant 0 : i32
        %dma_wait3A_53 = tpu.memref_slice %arg7[%mul3A_52, %dma_wait3A] : memref<3328x16xf32, #tpu.memory_space<vmem>> -> memref<128x16xf32, #tpu.memory_space<vmem>>
        %dma_wait3A_54 = tpu.memref_slice %arg6[%mul3A_50] : memref<3328xi32, #tpu.memory_space<vmem>> -> memref<128xi32, #tpu.memory_space<vmem>>
        %dma_wait3A_55 = arith.constant 0 : i32
        %dma_wait3A_56 = arith.constant 0 : i32
        %dma_wait3A_57 = tpu.memref_slice %arg3[%dma_wait3A_55, %dma_wait3A_56] : memref<2600000x16xf32, #tpu.memory_space<hbm>> -> memref<2600000x16xf32, #tpu.memory_space<hbm>>
        tpu.wait_indirect_dma semaphore(%arg10 : memref<!tpu.dma_semaphore, #tpu.memory_space<semaphore_mem>>) src(%dma_wait3A_57 : memref<2600000x16xf32, #tpu.memory_space<hbm>>) dst(%dma_wait3A_53 : memref<128x16xf32, #tpu.memory_space<vmem>>)
        %mul3A_58 = arith.constant 128 : i32
        %mul3A_59 = arith.muli %scan3A_47, %mul3A_58 : i32
        %mul3A_60 = arith.constant 128 : i32
        %mul3A_61 = arith.muli %scan3A_47, %mul3A_60 : i32
        %dma_wait3A_62 = tpu.memref_slice %arg8[%mul3A_61] : memref<3328xf32, #tpu.memory_space<vmem>> -> memref<128xf32, #tpu.memory_space<vmem>>
        %dma_wait3A_63 = tpu.memref_slice %arg6[%mul3A_59] : memref<3328xi32, #tpu.memory_space<vmem>> -> memref<128xi32, #tpu.memory_space<vmem>>
        %dma_wait3A_64 = arith.constant 0 : i32
        %dma_wait3A_65 = tpu.memref_slice %arg4[%dma_wait3A_64] : memref<2600000xf32, #tpu.memory_space<hbm>> -> memref<2600000xf32, #tpu.memory_space<hbm>>
        tpu.wait_indirect_dma semaphore(%arg11 : memref<!tpu.dma_semaphore, #tpu.memory_space<semaphore_mem>>) src(%dma_wait3A_65 : memref<2600000xf32, #tpu.memory_space<hbm>>) dst(%dma_wait3A_62 : memref<128xf32, #tpu.memory_space<vmem>>)
        %scan3A_66 = arith.constant 0 : i32
        scf.yield %scan3A_66 : i32
      }
      %scan3A_35 = arith.constant 26 : i32
      %scan3A_36 = arith.constant 0 : i32
      %scan3A_37 = arith.constant 0 : i32
      %scan3A_38 = arith.constant 208 : i32
      %scan3A_39 = arith.addi %scan3A_37, %scan3A_38 : i32
      %scan3A_40 = arith.constant 1 : i32
      %scan3A_41 = scf.for %scan3A_47 = %scan3A_37 to %scan3A_39 step %scan3A_40 iter_args(%scan3A_48 = %scan3A_36) -> (i32)  : i32 {
        %mul3A_49 = arith.constant 16 : i32
        %mul3A_50 = arith.muli %scan3A_47, %mul3A_49 : i32
        %iota3A = tpu.iota {dimensions = array<i32: 0>} : vector<16xi32>
        %add3A_51 = vector.broadcast %mul3A_50 : i32 to vector<16xi32>
        %add3A_52 = arith.addi %add3A_51, %iota3A : vector<16xi32>
        %div3A = arith.constant 26 : i32
        %div3A_53 = vector.broadcast %div3A : i32 to vector<16xi32>
        %div3A_54 = arith.divsi %add3A_52, %div3A_53 : vector<16xi32>
        %mul3A_55 = arith.constant 16 : i32
        %mul3A_56 = arith.muli %scan3A_47, %mul3A_55 : i32
        %get3A = arith.index_cast %mul3A_56 : i32 to index
        %get3A_57 = tpu.vector_load %arg8[%get3A] {strides = array<i32>} : memref<3328xf32, #tpu.memory_space<vmem>>, vector<16xf32>,
        tpu.vector_store_idx %arg9[%div3A_54], %get3A_57 {add = true} : memref<128xf32, #tpu.memory_space<vmem>>[vector<16xi32>], vector<16xf32>,
        %scan3A_58 = arith.constant 0 : i32
        scf.yield %scan3A_58 : i32
      }
      %scan3A_42 = arith.constant 208 : i32
      %parallel_loop3A_43 = arith.constant 0 : i32
      %parallel_loop3A_44 = arith.constant 128 : i32
      %parallel_loop3A_45 = arith.constant 1 : i32
      scf.for %parallel_loop3A_47 = %parallel_loop3A_43 to %parallel_loop3A_44 step %parallel_loop3A_45  : i32 {
        %parallel_loop3A_48 = arith.constant 0.000000e+00 : f32
        %parallel_loop3A_49 = vector.broadcast %parallel_loop3A_48 : f32 to vector<16xf32>
        %parallel_loop3A_50 = arith.constant 0.000000e+00 : f32
        %parallel_loop3A_51 = vector.broadcast %parallel_loop3A_50 : f32 to vector<16xf32>
        %parallel_loop3A_52 = arith.constant 26 : i32
        %parallel_loop3A_53 = arith.muli %parallel_loop3A_47, %parallel_loop3A_52 : i32
        %parallel_loop3A_54 = arith.constant 0 : i32
        %parallel_loop3A_55 = arith.addi %parallel_loop3A_53, %parallel_loop3A_54 : i32
        %parallel_loop3A_56 = arith.index_cast %parallel_loop3A_55 : i32 to index
        %parallel_loop3A_57 = arith.constant 0 : index
        %parallel_loop3A_58 = tpu.vector_load %arg7[%parallel_loop3A_56, %parallel_loop3A_57] {strides = array<i32>} : memref<3328x16xf32, #tpu.memory_space<vmem>>, vector<16xf32>,
        %parallel_loop3A_59 = arith.addf %parallel_loop3A_49, %parallel_loop3A_58 : vector<16xf32>
        %parallel_loop3A_60 = arith.mulf %parallel_loop3A_58, %parallel_loop3A_58 : vector<16xf32>
        %parallel_loop3A_61 = arith.addf %parallel_loop3A_51, %parallel_loop3A_60 : vector<16xf32>
        %parallel_loop3A_62 = arith.constant 26 : i32
        %parallel_loop3A_63 = arith.muli %parallel_loop3A_47, %parallel_loop3A_62 : i32
        %parallel_loop3A_64 = arith.constant 1 : i32
        %parallel_loop3A_65 = arith.addi %parallel_loop3A_63, %parallel_loop3A_64 : i32
        %parallel_loop3A_66 = arith.index_cast %parallel_loop3A_65 : i32 to index
        %parallel_loop3A_67 = arith.constant 0 : index
        %parallel_loop3A_68 = tpu.vector_load %arg7[%parallel_loop3A_66, %parallel_loop3A_67] {strides = array<i32>} : memref<3328x16xf32, #tpu.memory_space<vmem>>, vector<16xf32>,
        %parallel_loop3A_69 = arith.addf %parallel_loop3A_59, %parallel_loop3A_68 : vector<16xf32>
        %parallel_loop3A_70 = arith.mulf %parallel_loop3A_68, %parallel_loop3A_68 : vector<16xf32>
        %parallel_loop3A_71 = arith.addf %parallel_loop3A_61, %parallel_loop3A_70 : vector<16xf32>
        %parallel_loop3A_72 = arith.constant 26 : i32
        %parallel_loop3A_73 = arith.muli %parallel_loop3A_47, %parallel_loop3A_72 : i32
        %parallel_loop3A_74 = arith.constant 2 : i32
        %parallel_loop3A_75 = arith.addi %parallel_loop3A_73, %parallel_loop3A_74 : i32
        %parallel_loop3A_76 = arith.index_cast %parallel_loop3A_75 : i32 to index
        %parallel_loop3A_77 = arith.constant 0 : index
        %parallel_loop3A_78 = tpu.vector_load %arg7[%parallel_loop3A_76, %parallel_loop3A_77] {strides = array<i32>} : memref<3328x16xf32, #tpu.memory_space<vmem>>, vector<16xf32>,
        %parallel_loop3A_79 = arith.addf %parallel_loop3A_69, %parallel_loop3A_78 : vector<16xf32>
        %parallel_loop3A_80 = arith.mulf %parallel_loop3A_78, %parallel_loop3A_78 : vector<16xf32>
        %parallel_loop3A_81 = arith.addf %parallel_loop3A_71, %parallel_loop3A_80 : vector<16xf32>
        %parallel_loop3A_82 = arith.constant 26 : i32
        %parallel_loop3A_83 = arith.muli %parallel_loop3A_47, %parallel_loop3A_82 : i32
        %parallel_loop3A_84 = arith.constant 3 : i32
        %parallel_loop3A_85 = arith.addi %parallel_loop3A_83, %parallel_loop3A_84 : i32
        %parallel_loop3A_86 = arith.index_cast %parallel_loop3A_85 : i32 to index
        %parallel_loop3A_87 = arith.constant 0 : index
        %parallel_loop3A_88 = tpu.vector_load %arg7[%parallel_loop3A_86, %parallel_loop3A_87] {strides = array<i32>} : memref<3328x16xf32, #tpu.memory_space<vmem>>, vector<16xf32>,
        %parallel_loop3A_89 = arith.addf %parallel_loop3A_79, %parallel_loop3A_88 : vector<16xf32>
        %parallel_loop3A_90 = arith.mulf %parallel_loop3A_88, %parallel_loop3A_88 : vector<16xf32>
        %parallel_loop3A_91 = arith.addf %parallel_loop3A_81, %parallel_loop3A_90 : vector<16xf32>
        %parallel_loop3A_92 = arith.constant 26 : i32
        %parallel_loop3A_93 = arith.muli %parallel_loop3A_47, %parallel_loop3A_92 : i32
        %parallel_loop3A_94 = arith.constant 4 : i32
        %parallel_loop3A_95 = arith.addi %parallel_loop3A_93, %parallel_loop3A_94 : i32
        %parallel_loop3A_96 = arith.index_cast %parallel_loop3A_95 : i32 to index
        %parallel_loop3A_97 = arith.constant 0 : index
        %parallel_loop3A_98 = tpu.vector_load %arg7[%parallel_loop3A_96, %parallel_loop3A_97] {strides = array<i32>} : memref<3328x16xf32, #tpu.memory_space<vmem>>, vector<16xf32>,
        %parallel_loop3A_99 = arith.addf %parallel_loop3A_89, %parallel_loop3A_98 : vector<16xf32>
        %parallel_loop3A_100 = arith.mulf %parallel_loop3A_98, %parallel_loop3A_98 : vector<16xf32>
        %parallel_loop3A_101 = arith.addf %parallel_loop3A_91, %parallel_loop3A_100 : vector<16xf32>
        %parallel_loop3A_102 = arith.constant 26 : i32
        %parallel_loop3A_103 = arith.muli %parallel_loop3A_47, %parallel_loop3A_102 : i32
        %parallel_loop3A_104 = arith.constant 5 : i32
        %parallel_loop3A_105 = arith.addi %parallel_loop3A_103, %parallel_loop3A_104 : i32
        %parallel_loop3A_106 = arith.index_cast %parallel_loop3A_105 : i32 to index
        %parallel_loop3A_107 = arith.constant 0 : index
        %parallel_loop3A_108 = tpu.vector_load %arg7[%parallel_loop3A_106, %parallel_loop3A_107] {strides = array<i32>} : memref<3328x16xf32, #tpu.memory_space<vmem>>, vector<16xf32>,
        %parallel_loop3A_109 = arith.addf %parallel_loop3A_99, %parallel_loop3A_108 : vector<16xf32>
        %parallel_loop3A_110 = arith.mulf %parallel_loop3A_108, %parallel_loop3A_108 : vector<16xf32>
        %parallel_loop3A_111 = arith.addf %parallel_loop3A_101, %parallel_loop3A_110 : vector<16xf32>
        %parallel_loop3A_112 = arith.constant 26 : i32
        %parallel_loop3A_113 = arith.muli %parallel_loop3A_47, %parallel_loop3A_112 : i32
        %parallel_loop3A_114 = arith.constant 6 : i32
        %parallel_loop3A_115 = arith.addi %parallel_loop3A_113, %parallel_loop3A_114 : i32
        %parallel_loop3A_116 = arith.index_cast %parallel_loop3A_115 : i32 to index
        %parallel_loop3A_117 = arith.constant 0 : index
        %parallel_loop3A_118 = tpu.vector_load %arg7[%parallel_loop3A_116, %parallel_loop3A_117] {strides = array<i32>} : memref<3328x16xf32, #tpu.memory_space<vmem>>, vector<16xf32>,
        %parallel_loop3A_119 = arith.addf %parallel_loop3A_109, %parallel_loop3A_118 : vector<16xf32>
        %parallel_loop3A_120 = arith.mulf %parallel_loop3A_118, %parallel_loop3A_118 : vector<16xf32>
        %parallel_loop3A_121 = arith.addf %parallel_loop3A_111, %parallel_loop3A_120 : vector<16xf32>
        %parallel_loop3A_122 = arith.constant 26 : i32
        %parallel_loop3A_123 = arith.muli %parallel_loop3A_47, %parallel_loop3A_122 : i32
        %parallel_loop3A_124 = arith.constant 7 : i32
        %parallel_loop3A_125 = arith.addi %parallel_loop3A_123, %parallel_loop3A_124 : i32
        %parallel_loop3A_126 = arith.index_cast %parallel_loop3A_125 : i32 to index
        %parallel_loop3A_127 = arith.constant 0 : index
        %parallel_loop3A_128 = tpu.vector_load %arg7[%parallel_loop3A_126, %parallel_loop3A_127] {strides = array<i32>} : memref<3328x16xf32, #tpu.memory_space<vmem>>, vector<16xf32>,
        %parallel_loop3A_129 = arith.addf %parallel_loop3A_119, %parallel_loop3A_128 : vector<16xf32>
        %parallel_loop3A_130 = arith.mulf %parallel_loop3A_128, %parallel_loop3A_128 : vector<16xf32>
        %parallel_loop3A_131 = arith.addf %parallel_loop3A_121, %parallel_loop3A_130 : vector<16xf32>
        %parallel_loop3A_132 = arith.constant 26 : i32
        %parallel_loop3A_133 = arith.muli %parallel_loop3A_47, %parallel_loop3A_132 : i32
        %parallel_loop3A_134 = arith.constant 8 : i32
        %parallel_loop3A_135 = arith.addi %parallel_loop3A_133, %parallel_loop3A_134 : i32
        %parallel_loop3A_136 = arith.index_cast %parallel_loop3A_135 : i32 to index
        %parallel_loop3A_137 = arith.constant 0 : index
        %parallel_loop3A_138 = tpu.vector_load %arg7[%parallel_loop3A_136, %parallel_loop3A_137] {strides = array<i32>} : memref<3328x16xf32, #tpu.memory_space<vmem>>, vector<16xf32>,
        %parallel_loop3A_139 = arith.addf %parallel_loop3A_129, %parallel_loop3A_138 : vector<16xf32>
        %parallel_loop3A_140 = arith.mulf %parallel_loop3A_138, %parallel_loop3A_138 : vector<16xf32>
        %parallel_loop3A_141 = arith.addf %parallel_loop3A_131, %parallel_loop3A_140 : vector<16xf32>
        %parallel_loop3A_142 = arith.constant 26 : i32
        %parallel_loop3A_143 = arith.muli %parallel_loop3A_47, %parallel_loop3A_142 : i32
        %parallel_loop3A_144 = arith.constant 9 : i32
        %parallel_loop3A_145 = arith.addi %parallel_loop3A_143, %parallel_loop3A_144 : i32
        %parallel_loop3A_146 = arith.index_cast %parallel_loop3A_145 : i32 to index
        %parallel_loop3A_147 = arith.constant 0 : index
        %parallel_loop3A_148 = tpu.vector_load %arg7[%parallel_loop3A_146, %parallel_loop3A_147] {strides = array<i32>} : memref<3328x16xf32, #tpu.memory_space<vmem>>, vector<16xf32>,
        %parallel_loop3A_149 = arith.addf %parallel_loop3A_139, %parallel_loop3A_148 : vector<16xf32>
        %parallel_loop3A_150 = arith.mulf %parallel_loop3A_148, %parallel_loop3A_148 : vector<16xf32>
        %parallel_loop3A_151 = arith.addf %parallel_loop3A_141, %parallel_loop3A_150 : vector<16xf32>
        %parallel_loop3A_152 = arith.constant 26 : i32
        %parallel_loop3A_153 = arith.muli %parallel_loop3A_47, %parallel_loop3A_152 : i32
        %parallel_loop3A_154 = arith.constant 10 : i32
        %parallel_loop3A_155 = arith.addi %parallel_loop3A_153, %parallel_loop3A_154 : i32
        %parallel_loop3A_156 = arith.index_cast %parallel_loop3A_155 : i32 to index
        %parallel_loop3A_157 = arith.constant 0 : index
        %parallel_loop3A_158 = tpu.vector_load %arg7[%parallel_loop3A_156, %parallel_loop3A_157] {strides = array<i32>} : memref<3328x16xf32, #tpu.memory_space<vmem>>, vector<16xf32>,
        %parallel_loop3A_159 = arith.addf %parallel_loop3A_149, %parallel_loop3A_158 : vector<16xf32>
        %parallel_loop3A_160 = arith.mulf %parallel_loop3A_158, %parallel_loop3A_158 : vector<16xf32>
        %parallel_loop3A_161 = arith.addf %parallel_loop3A_151, %parallel_loop3A_160 : vector<16xf32>
        %parallel_loop3A_162 = arith.constant 26 : i32
        %parallel_loop3A_163 = arith.muli %parallel_loop3A_47, %parallel_loop3A_162 : i32
        %parallel_loop3A_164 = arith.constant 11 : i32
        %parallel_loop3A_165 = arith.addi %parallel_loop3A_163, %parallel_loop3A_164 : i32
        %parallel_loop3A_166 = arith.index_cast %parallel_loop3A_165 : i32 to index
        %parallel_loop3A_167 = arith.constant 0 : index
        %parallel_loop3A_168 = tpu.vector_load %arg7[%parallel_loop3A_166, %parallel_loop3A_167] {strides = array<i32>} : memref<3328x16xf32, #tpu.memory_space<vmem>>, vector<16xf32>,
        %parallel_loop3A_169 = arith.addf %parallel_loop3A_159, %parallel_loop3A_168 : vector<16xf32>
        %parallel_loop3A_170 = arith.mulf %parallel_loop3A_168, %parallel_loop3A_168 : vector<16xf32>
        %parallel_loop3A_171 = arith.addf %parallel_loop3A_161, %parallel_loop3A_170 : vector<16xf32>
        %parallel_loop3A_172 = arith.constant 26 : i32
        %parallel_loop3A_173 = arith.muli %parallel_loop3A_47, %parallel_loop3A_172 : i32
        %parallel_loop3A_174 = arith.constant 12 : i32
        %parallel_loop3A_175 = arith.addi %parallel_loop3A_173, %parallel_loop3A_174 : i32
        %parallel_loop3A_176 = arith.index_cast %parallel_loop3A_175 : i32 to index
        %parallel_loop3A_177 = arith.constant 0 : index
        %parallel_loop3A_178 = tpu.vector_load %arg7[%parallel_loop3A_176, %parallel_loop3A_177] {strides = array<i32>} : memref<3328x16xf32, #tpu.memory_space<vmem>>, vector<16xf32>,
        %parallel_loop3A_179 = arith.addf %parallel_loop3A_169, %parallel_loop3A_178 : vector<16xf32>
        %parallel_loop3A_180 = arith.mulf %parallel_loop3A_178, %parallel_loop3A_178 : vector<16xf32>
        %parallel_loop3A_181 = arith.addf %parallel_loop3A_171, %parallel_loop3A_180 : vector<16xf32>
        %parallel_loop3A_182 = arith.constant 26 : i32
        %parallel_loop3A_183 = arith.muli %parallel_loop3A_47, %parallel_loop3A_182 : i32
        %parallel_loop3A_184 = arith.constant 13 : i32
        %parallel_loop3A_185 = arith.addi %parallel_loop3A_183, %parallel_loop3A_184 : i32
        %parallel_loop3A_186 = arith.index_cast %parallel_loop3A_185 : i32 to index
        %parallel_loop3A_187 = arith.constant 0 : index
        %parallel_loop3A_188 = tpu.vector_load %arg7[%parallel_loop3A_186, %parallel_loop3A_187] {strides = array<i32>} : memref<3328x16xf32, #tpu.memory_space<vmem>>, vector<16xf32>,
        %parallel_loop3A_189 = arith.addf %parallel_loop3A_179, %parallel_loop3A_188 : vector<16xf32>
        %parallel_loop3A_190 = arith.mulf %parallel_loop3A_188, %parallel_loop3A_188 : vector<16xf32>
        %parallel_loop3A_191 = arith.addf %parallel_loop3A_181, %parallel_loop3A_190 : vector<16xf32>
        %parallel_loop3A_192 = arith.constant 26 : i32
        %parallel_loop3A_193 = arith.muli %parallel_loop3A_47, %parallel_loop3A_192 : i32
        %parallel_loop3A_194 = arith.constant 14 : i32
        %parallel_loop3A_195 = arith.addi %parallel_loop3A_193, %parallel_loop3A_194 : i32
        %parallel_loop3A_196 = arith.index_cast %parallel_loop3A_195 : i32 to index
        %parallel_loop3A_197 = arith.constant 0 : index
        %parallel_loop3A_198 = tpu.vector_load %arg7[%parallel_loop3A_196, %parallel_loop3A_197] {strides = array<i32>} : memref<3328x16xf32, #tpu.memory_space<vmem>>, vector<16xf32>,
        %parallel_loop3A_199 = arith.addf %parallel_loop3A_189, %parallel_loop3A_198 : vector<16xf32>
        %parallel_loop3A_200 = arith.mulf %parallel_loop3A_198, %parallel_loop3A_198 : vector<16xf32>
        %parallel_loop3A_201 = arith.addf %parallel_loop3A_191, %parallel_loop3A_200 : vector<16xf32>
        %parallel_loop3A_202 = arith.constant 26 : i32
        %parallel_loop3A_203 = arith.muli %parallel_loop3A_47, %parallel_loop3A_202 : i32
        %parallel_loop3A_204 = arith.constant 15 : i32
        %parallel_loop3A_205 = arith.addi %parallel_loop3A_203, %parallel_loop3A_204 : i32
        %parallel_loop3A_206 = arith.index_cast %parallel_loop3A_205 : i32 to index
        %parallel_loop3A_207 = arith.constant 0 : index
        %parallel_loop3A_208 = tpu.vector_load %arg7[%parallel_loop3A_206, %parallel_loop3A_207] {strides = array<i32>} : memref<3328x16xf32, #tpu.memory_space<vmem>>, vector<16xf32>,
        %parallel_loop3A_209 = arith.addf %parallel_loop3A_199, %parallel_loop3A_208 : vector<16xf32>
        %parallel_loop3A_210 = arith.mulf %parallel_loop3A_208, %parallel_loop3A_208 : vector<16xf32>
        %parallel_loop3A_211 = arith.addf %parallel_loop3A_201, %parallel_loop3A_210 : vector<16xf32>
        %parallel_loop3A_212 = arith.constant 26 : i32
        %parallel_loop3A_213 = arith.muli %parallel_loop3A_47, %parallel_loop3A_212 : i32
        %parallel_loop3A_214 = arith.constant 16 : i32
        %parallel_loop3A_215 = arith.addi %parallel_loop3A_213, %parallel_loop3A_214 : i32
        %parallel_loop3A_216 = arith.index_cast %parallel_loop3A_215 : i32 to index
        %parallel_loop3A_217 = arith.constant 0 : index
        %parallel_loop3A_218 = tpu.vector_load %arg7[%parallel_loop3A_216, %parallel_loop3A_217] {strides = array<i32>} : memref<3328x16xf32, #tpu.memory_space<vmem>>, vector<16xf32>,
        %parallel_loop3A_219 = arith.addf %parallel_loop3A_209, %parallel_loop3A_218 : vector<16xf32>
        %parallel_loop3A_220 = arith.mulf %parallel_loop3A_218, %parallel_loop3A_218 : vector<16xf32>
        %parallel_loop3A_221 = arith.addf %parallel_loop3A_211, %parallel_loop3A_220 : vector<16xf32>
        %parallel_loop3A_222 = arith.constant 26 : i32
        %parallel_loop3A_223 = arith.muli %parallel_loop3A_47, %parallel_loop3A_222 : i32
        %parallel_loop3A_224 = arith.constant 17 : i32
        %parallel_loop3A_225 = arith.addi %parallel_loop3A_223, %parallel_loop3A_224 : i32
        %parallel_loop3A_226 = arith.index_cast %parallel_loop3A_225 : i32 to index
        %parallel_loop3A_227 = arith.constant 0 : index
        %parallel_loop3A_228 = tpu.vector_load %arg7[%parallel_loop3A_226, %parallel_loop3A_227] {strides = array<i32>} : memref<3328x16xf32, #tpu.memory_space<vmem>>, vector<16xf32>,
        %parallel_loop3A_229 = arith.addf %parallel_loop3A_219, %parallel_loop3A_228 : vector<16xf32>
        %parallel_loop3A_230 = arith.mulf %parallel_loop3A_228, %parallel_loop3A_228 : vector<16xf32>
        %parallel_loop3A_231 = arith.addf %parallel_loop3A_221, %parallel_loop3A_230 : vector<16xf32>
        %parallel_loop3A_232 = arith.constant 26 : i32
        %parallel_loop3A_233 = arith.muli %parallel_loop3A_47, %parallel_loop3A_232 : i32
        %parallel_loop3A_234 = arith.constant 18 : i32
        %parallel_loop3A_235 = arith.addi %parallel_loop3A_233, %parallel_loop3A_234 : i32
        %parallel_loop3A_236 = arith.index_cast %parallel_loop3A_235 : i32 to index
        %parallel_loop3A_237 = arith.constant 0 : index
        %parallel_loop3A_238 = tpu.vector_load %arg7[%parallel_loop3A_236, %parallel_loop3A_237] {strides = array<i32>} : memref<3328x16xf32, #tpu.memory_space<vmem>>, vector<16xf32>,
        %parallel_loop3A_239 = arith.addf %parallel_loop3A_229, %parallel_loop3A_238 : vector<16xf32>
        %parallel_loop3A_240 = arith.mulf %parallel_loop3A_238, %parallel_loop3A_238 : vector<16xf32>
        %parallel_loop3A_241 = arith.addf %parallel_loop3A_231, %parallel_loop3A_240 : vector<16xf32>
        %parallel_loop3A_242 = arith.constant 26 : i32
        %parallel_loop3A_243 = arith.muli %parallel_loop3A_47, %parallel_loop3A_242 : i32
        %parallel_loop3A_244 = arith.constant 19 : i32
        %parallel_loop3A_245 = arith.addi %parallel_loop3A_243, %parallel_loop3A_244 : i32
        %parallel_loop3A_246 = arith.index_cast %parallel_loop3A_245 : i32 to index
        %parallel_loop3A_247 = arith.constant 0 : index
        %parallel_loop3A_248 = tpu.vector_load %arg7[%parallel_loop3A_246, %parallel_loop3A_247] {strides = array<i32>} : memref<3328x16xf32, #tpu.memory_space<vmem>>, vector<16xf32>,
        %parallel_loop3A_249 = arith.addf %parallel_loop3A_239, %parallel_loop3A_248 : vector<16xf32>
        %parallel_loop3A_250 = arith.mulf %parallel_loop3A_248, %parallel_loop3A_248 : vector<16xf32>
        %parallel_loop3A_251 = arith.addf %parallel_loop3A_241, %parallel_loop3A_250 : vector<16xf32>
        %parallel_loop3A_252 = arith.constant 26 : i32
        %parallel_loop3A_253 = arith.muli %parallel_loop3A_47, %parallel_loop3A_252 : i32
        %parallel_loop3A_254 = arith.constant 20 : i32
        %parallel_loop3A_255 = arith.addi %parallel_loop3A_253, %parallel_loop3A_254 : i32
        %parallel_loop3A_256 = arith.index_cast %parallel_loop3A_255 : i32 to index
        %parallel_loop3A_257 = arith.constant 0 : index
        %parallel_loop3A_258 = tpu.vector_load %arg7[%parallel_loop3A_256, %parallel_loop3A_257] {strides = array<i32>} : memref<3328x16xf32, #tpu.memory_space<vmem>>, vector<16xf32>,
        %parallel_loop3A_259 = arith.addf %parallel_loop3A_249, %parallel_loop3A_258 : vector<16xf32>
        %parallel_loop3A_260 = arith.mulf %parallel_loop3A_258, %parallel_loop3A_258 : vector<16xf32>
        %parallel_loop3A_261 = arith.addf %parallel_loop3A_251, %parallel_loop3A_260 : vector<16xf32>
        %parallel_loop3A_262 = arith.constant 26 : i32
        %parallel_loop3A_263 = arith.muli %parallel_loop3A_47, %parallel_loop3A_262 : i32
        %parallel_loop3A_264 = arith.constant 21 : i32
        %parallel_loop3A_265 = arith.addi %parallel_loop3A_263, %parallel_loop3A_264 : i32
        %parallel_loop3A_266 = arith.index_cast %parallel_loop3A_265 : i32 to index
        %parallel_loop3A_267 = arith.constant 0 : index
        %parallel_loop3A_268 = tpu.vector_load %arg7[%parallel_loop3A_266, %parallel_loop3A_267] {strides = array<i32>} : memref<3328x16xf32, #tpu.memory_space<vmem>>, vector<16xf32>,
        %parallel_loop3A_269 = arith.addf %parallel_loop3A_259, %parallel_loop3A_268 : vector<16xf32>
        %parallel_loop3A_270 = arith.mulf %parallel_loop3A_268, %parallel_loop3A_268 : vector<16xf32>
        %parallel_loop3A_271 = arith.addf %parallel_loop3A_261, %parallel_loop3A_270 : vector<16xf32>
        %parallel_loop3A_272 = arith.constant 26 : i32
        %parallel_loop3A_273 = arith.muli %parallel_loop3A_47, %parallel_loop3A_272 : i32
        %parallel_loop3A_274 = arith.constant 22 : i32
        %parallel_loop3A_275 = arith.addi %parallel_loop3A_273, %parallel_loop3A_274 : i32
        %parallel_loop3A_276 = arith.index_cast %parallel_loop3A_275 : i32 to index
        %parallel_loop3A_277 = arith.constant 0 : index
        %parallel_loop3A_278 = tpu.vector_load %arg7[%parallel_loop3A_276, %parallel_loop3A_277] {strides = array<i32>} : memref<3328x16xf32, #tpu.memory_space<vmem>>, vector<16xf32>,
        %parallel_loop3A_279 = arith.addf %parallel_loop3A_269, %parallel_loop3A_278 : vector<16xf32>
        %parallel_loop3A_280 = arith.mulf %parallel_loop3A_278, %parallel_loop3A_278 : vector<16xf32>
        %parallel_loop3A_281 = arith.addf %parallel_loop3A_271, %parallel_loop3A_280 : vector<16xf32>
        %parallel_loop3A_282 = arith.constant 26 : i32
        %parallel_loop3A_283 = arith.muli %parallel_loop3A_47, %parallel_loop3A_282 : i32
        %parallel_loop3A_284 = arith.constant 23 : i32
        %parallel_loop3A_285 = arith.addi %parallel_loop3A_283, %parallel_loop3A_284 : i32
        %parallel_loop3A_286 = arith.index_cast %parallel_loop3A_285 : i32 to index
        %parallel_loop3A_287 = arith.constant 0 : index
        %parallel_loop3A_288 = tpu.vector_load %arg7[%parallel_loop3A_286, %parallel_loop3A_287] {strides = array<i32>} : memref<3328x16xf32, #tpu.memory_space<vmem>>, vector<16xf32>,
        %parallel_loop3A_289 = arith.addf %parallel_loop3A_279, %parallel_loop3A_288 : vector<16xf32>
        %parallel_loop3A_290 = arith.mulf %parallel_loop3A_288, %parallel_loop3A_288 : vector<16xf32>
        %parallel_loop3A_291 = arith.addf %parallel_loop3A_281, %parallel_loop3A_290 : vector<16xf32>
        %parallel_loop3A_292 = arith.constant 26 : i32
        %parallel_loop3A_293 = arith.muli %parallel_loop3A_47, %parallel_loop3A_292 : i32
        %parallel_loop3A_294 = arith.constant 24 : i32
        %parallel_loop3A_295 = arith.addi %parallel_loop3A_293, %parallel_loop3A_294 : i32
        %parallel_loop3A_296 = arith.index_cast %parallel_loop3A_295 : i32 to index
        %parallel_loop3A_297 = arith.constant 0 : index
        %parallel_loop3A_298 = tpu.vector_load %arg7[%parallel_loop3A_296, %parallel_loop3A_297] {strides = array<i32>} : memref<3328x16xf32, #tpu.memory_space<vmem>>, vector<16xf32>,
        %parallel_loop3A_299 = arith.addf %parallel_loop3A_289, %parallel_loop3A_298 : vector<16xf32>
        %parallel_loop3A_300 = arith.mulf %parallel_loop3A_298, %parallel_loop3A_298 : vector<16xf32>
        %parallel_loop3A_301 = arith.addf %parallel_loop3A_291, %parallel_loop3A_300 : vector<16xf32>
        %parallel_loop3A_302 = arith.constant 26 : i32
        %parallel_loop3A_303 = arith.muli %parallel_loop3A_47, %parallel_loop3A_302 : i32
        %parallel_loop3A_304 = arith.constant 25 : i32
        %parallel_loop3A_305 = arith.addi %parallel_loop3A_303, %parallel_loop3A_304 : i32
        %parallel_loop3A_306 = arith.index_cast %parallel_loop3A_305 : i32 to index
        %parallel_loop3A_307 = arith.constant 0 : index
        %parallel_loop3A_308 = tpu.vector_load %arg7[%parallel_loop3A_306, %parallel_loop3A_307] {strides = array<i32>} : memref<3328x16xf32, #tpu.memory_space<vmem>>, vector<16xf32>,
        %parallel_loop3A_309 = arith.addf %parallel_loop3A_299, %parallel_loop3A_308 : vector<16xf32>
        %parallel_loop3A_310 = arith.mulf %parallel_loop3A_308, %parallel_loop3A_308 : vector<16xf32>
        %parallel_loop3A_311 = arith.addf %parallel_loop3A_301, %parallel_loop3A_310 : vector<16xf32>
        %parallel_loop3A_312 = arith.mulf %parallel_loop3A_309, %parallel_loop3A_309 : vector<16xf32>
        %parallel_loop3A_313 = arith.subf %parallel_loop3A_312, %parallel_loop3A_311 : vector<16xf32>
        %parallel_loop3A_314 = arith.constant 5.000000e-01 : f32
        %parallel_loop3A_315 = vector.broadcast %parallel_loop3A_314 : f32 to vector<16xf32>
        %parallel_loop3A_316 = arith.mulf %parallel_loop3A_313, %parallel_loop3A_315 : vector<16xf32>
        %parallel_loop3A_317 = arith.constant 0 : i32
        %parallel_loop3A_318 = vector.broadcast %parallel_loop3A_317 : i32 to vector<16xi32>
        %parallel_loop3A_319 = vector.broadcast %parallel_loop3A_47 : i32 to vector<16xi32>
        %parallel_loop3A_320 = arith.addi %parallel_loop3A_318, %parallel_loop3A_319 : vector<16xi32>
        tpu.vector_store_idx %arg9[%parallel_loop3A_320], %parallel_loop3A_316 {add = true} : memref<128xf32, #tpu.memory_space<vmem>>[vector<16xi32>], vector<16xf32>,
      } {sc.loop_unroll_factor = 2 : i64, sc.parallel_access}
      "tpu.region"() ({
        %run_scoped3A = tpu.sem_alloc : memref<!tpu.dma_semaphore, #tpu.memory_space<semaphore_mem>>
        %dma_start3A = tpu.memref_slice %arg5[%add3A_13] : memref<16384xf32, #tpu.memory_space<hbm>> -> memref<128xf32, #tpu.memory_space<hbm>>
        %dma_start3A_47 = tpu.memref_slice %arg5[%add3A_13] : memref<16384xf32, #tpu.memory_space<hbm>> -> memref<128xf32, #tpu.memory_space<hbm>>
        tpu.enqueue_dma source(%arg9 : memref<128xf32, #tpu.memory_space<vmem>>) target(%dma_start3A_47 : memref<128xf32, #tpu.memory_space<hbm>>) target_semaphore(%run_scoped3A : memref<!tpu.dma_semaphore, #tpu.memory_space<semaphore_mem>>)
        %dma_wait3A = tpu.memref_slice %arg5[%add3A_13] : memref<16384xf32, #tpu.memory_space<hbm>> -> memref<128xf32, #tpu.memory_space<hbm>>
        %dma_wait3A_48 = tpu.memref_slice %arg5[%add3A_13] : memref<16384xf32, #tpu.memory_space<hbm>> -> memref<128xf32, #tpu.memory_space<hbm>>
        tpu.wait_dma2 semaphore(%run_scoped3A : memref<!tpu.dma_semaphore, #tpu.memory_space<semaphore_mem>>) src(%arg9 : memref<128xf32, #tpu.memory_space<vmem>>) dst(%dma_wait3A_48 : memref<128xf32, #tpu.memory_space<hbm>>)
        tpu.yield
      }) : () -> ()
      %scan3A_46 = arith.constant 0 : i32
      scf.yield %scan3A_46 : i32
    }
    %scan3A_8 = arith.constant 4 : i32
    return
  }
}

</mosaic_0001>

<sc_bundles>
// kernel: kernel.4.cloned.1.call-start
scs
__scs_entry_jumppad:
0x0: {  	(pc) =	sbr.rel $0x88, $3  }
0x1: {  	(tag) =	ssettag $0x0;
	lr =	simm.s32 $0x1  }
0x2: {  	[smem:$0x3F9D] =	sst lr;
	_ =	strace $0xD0000000  }
0x3: {  	_ = 	snop  }
0x4: {  	_ = 	snop  }
0x5: {  	_ = 	snop  }
0x6: {  	_ = 	snop  }
0x7: {  	_ = 	snop  }
__scs_overlays_trampoline_lowered:
0x8: {  	[smem:$0x3FAC] =	sst s0  }
0x9: {  	[smem:$0x3FAD] =	sst s1  }
0xa: {  	[smem:$0x3FAE] =	sst s2  }
0xb: {  	[smem:$0x3FAF] =	sst s3  }
0xc: {  	[smem:$0x3FB0] =	sst s4  }
0xd: {  	[smem:$0x3FB1] =	sst s5  }
0xe: {  	[smem:$0x3FB2] =	sst s6  }
0xf: {  	[smem:$0x3FB3] =	sst s7  }
0x10: {  	[smem:$0x3FB4] =	sst s8  }
0x11: {  	[smem:$0x3FB5] =	sst s9;
	s0 =	simm.s32 @!p0 $0x0  }
0x12: {  	s1 =	sld [smem:$0x3F9B];
	s0 =	simm.s32 @p0 $0x1  }
0x13: {  	[smem:$0x3FB6] =	sst s0;
	s0 =	simm.s32 @!p1 $0x0  }
0x14: {  	s2 =	sld [smem:$0x3F9A];
	s0 =	simm.s32 @p1 $0x1  }
0x15: {  	[smem:$0x3FB7] =	sst s0;
	s0 =	simm.s32 @!p2 $0x0  }
0x16: {  	s3 =	sld [smem:$0x3FDB];
	s0 =	simm.s32 @p2 $0x1  }
0x17: {  	s4 =	simm.s32 $0x1BF5;
	[smem:$0x3FB9] =	sst s0  }
0x18: {  	s0 =	sld [smem:$0x3F9C];
	_ =	swait.ge [sflag:s4], $0x0  }
0x19: {  	s7 =	sld [smem:$0x3F9D]  }
0x1a: {  	s8 =	sadd.s32 $0xFFFFE003, lr  }
0x1b: {  	s9 =	sadd.s32 $0xFFFFFEF7, lr;
	s5 =	simm.s32 $0xFFFFFFFF;
	p2 =	slt.u32 s8, $0xFFFFF086  }
0x1c: {  	p1 =	slt.u32 s9, $0xF7A;
	s5 =	simm.s32 @!p2 $0x0  }
0x1d: {  	s5 =	simm.s32 @p1 $0x1;
	p0 =	seq.s32 s7, s2  }
0x1e: {  	s7 =	smul.u32 @!p0 $0xF7A, s2;
	p2 =	seq.s32 @!p0 s5, $0x0  }
0x1f: {  	s9 =	smul.u32 $0xF7A, s1;
	s8 =	simm.s32 @!p0 $0x1BF5;
	p2 =	por !p2, p0  }
0x20: {  	[sflag:s8] =	ssyncset.s32 @!p0 $0xFFFFF086;
	s6 =	sadd.s32 @!p0 s3, s7;
	s7 =	simm.s32 @!p0 $0x108  }
0x21: {  	s3 =	sadd.s32 s3, s9;
	s6 =	sadd.s32 @!p0 $0x88, s6;
	s7 =	simm.s32 @p2 $0x1082  }
0x22: {  	[simem:s7], [sflag:s8] =	dma.local @!p0 [hbm:s6], $0xF7A  }
0x23: {  	s9 =	sor.u32 $0xD0000000, s2;
	s6 =	simm.s32 $0x108;
	_ =	swait.ge @!p0 [sflag:s8], $0x0  }
0x24: {  	s3 =	sadd.s32 $0x88, s3;
	s6 =	simm.s32 @!p1 $0x1082;
	[sflag:s4] =	ssyncset.s32 $0xFFFFF086  }
0x25: {  	[simem:s6], [sflag:s4] =	dma.local [hbm:s3], $0xF7A  }
0x26: {  	[smem:$0x3F9D] =	sst s1;
	(tag) =	ssettag s2;
	_ =	strace s9  }
0x27: {  	s1 =	sld [smem:$0x3FAD]  }
0x28: {  	s2 =	sld [smem:$0x3FAE]  }
0x29: {  	s4 =	sld [smem:$0x3FB0]  }
0x2a: {  	p0 =	seq.s32 s5, $0x0;
	s5 =	sld [smem:$0x3FB1]  }
0x2b: {  	s6 =	sld [smem:$0x3FB2]  }
0x2c: {  	s7 =	sld [smem:$0x3FB3]  }
0x2d: {  	s3 =	simm.s32 $0x108;
	s8 =	sld [smem:$0x3FB4]  }
0x2e: {  	s3 =	simm.s32 @!p0 $0x1082;
	s9 =	sld [smem:$0x3FB5]  }
0x2f: {  	lr =	sadd.s32 s0, s3;
	s0 =	sld [smem:$0x3FAC]  }
0x30: {  	s3 =	sld [smem:$0x3FAF]  }
0x31: {  	[smem:$0x3FB8] =	sst s10  }
0x32: {  	s10 =	sld [smem:$0x3FB6];
	_ =	sdelay $0x3  }
0x33: {  	p0 =	seq.s32 s10, $0x1;
	s10 =	sld [smem:$0x3FB8];
	_ =	sdelay $0x3  }
0x34: {  	[smem:$0x3FB8] =	sst s10  }
0x35: {  	s10 =	sld [smem:$0x3FB7];
	_ =	sdelay $0x3  }
0x36: {  	p1 =	seq.s32 s10, $0x1;
	s10 =	sld [smem:$0x3FB8];
	_ =	sdelay $0x3  }
0x37: {  	[smem:$0x3FB8] =	sst s10  }
0x38: {  	s10 =	sld [smem:$0x3FB9]  }
0x39: {  	_ = 	snop;
	(pc) =	sbr.ind lr, $3  }
0x3a: {  	_ = 	snop  }
0x3b: {  	_ = 	snop  }
0x3c: {  	p2 =	seq.s32 s10, $0x1;
	s10 =	sld [smem:$0x3FB8]  }
0x3d: {  	_ =	shalt  }
0x3e: {  	_ =	shalt  }
0x3f: {  	_ =	shalt  }
0x40: {  	_ =	shalt  }
0x41: {  	_ =	shalt  }
0x42: {  	_ =	shalt  }
0x43: {  	_ =	shalt  }
0x44: {  	_ =	shalt  }
0x45: {  	_ =	shalt  }
0x46: {  	_ =	shalt  }
0x47: {  	_ =	shalt  }
0x48: {  	_ =	shalt  }
0x49: {  	_ =	shalt  }
0x4a: {  	_ =	shalt  }
0x4b: {  	_ =	shalt  }
0x4c: {  	_ =	shalt  }
0x4d: {  	_ =	shalt  }
0x4e: {  	_ =	shalt  }
0x4f: {  	_ =	shalt  }
0x50: {  	_ =	shalt  }
0x51: {  	_ =	shalt  }
0x52: {  	_ =	shalt  }
0x53: {  	_ =	shalt  }
0x54: {  	_ =	shalt  }
0x55: {  	_ =	shalt  }
0x56: {  	_ =	shalt  }
0x57: {  	_ =	shalt  }
0x58: {  	_ =	shalt  }
0x59: {  	_ =	shalt  }
0x5a: {  	_ =	shalt  }
0x5b: {  	_ =	shalt  }
0x5c: {  	_ =	shalt  }
0x5d: {  	_ =	shalt  }
0x5e: {  	_ =	shalt  }
0x5f: {  	_ =	shalt  }
0x60: {  	_ =	shalt  }
0x61: {  	_ =	shalt  }
0x62: {  	_ =	shalt  }
0x63: {  	_ =	shalt  }
0x64: {  	_ =	shalt  }
0x65: {  	_ =	shalt  }
0x66: {  	_ =	shalt  }
0x67: {  	_ =	shalt  }
0x68: {  	_ =	shalt  }
0x69: {  	_ =	shalt  }
0x6a: {  	_ =	shalt  }
0x6b: {  	_ =	shalt  }
0x6c: {  	_ =	shalt  }
0x6d: {  	_ =	shalt  }
0x6e: {  	_ =	shalt  }
0x6f: {  	_ =	shalt  }
0x70: {  	_ =	shalt  }
0x71: {  	_ =	shalt  }
0x72: {  	_ =	shalt  }
0x73: {  	_ =	shalt  }
0x74: {  	_ =	shalt  }
0x75: {  	_ =	shalt  }
0x76: {  	_ =	shalt  }
0x77: {  	_ =	shalt  }
0x78: {  	_ =	shalt  }
0x79: {  	_ =	shalt  }
0x7a: {  	_ =	shalt  }
0x7b: {  	_ =	shalt  }
0x7c: {  	_ =	shalt  }
0x7d: {  	_ =	shalt  }
0x7e: {  	_ =	shalt  }
0x7f: {  	_ =	shalt  }
0x80: {  	_ =	shalt  }
0x81: {  	_ =	shalt  }
0x82: {  	_ =	shalt  }
0x83: {  	_ =	shalt  }
0x84: {  	_ =	shalt  }
0x85: {  	_ =	shalt  }
0x86: {  	_ =	shalt  }
0x87: {  	_ =	shalt  }
.Lfunc_end0:
.L_simem_size_0:
called_computation_lowered:
.L_overlay_start_0:
0x88: {  	s2 =	sld [smem:$0x3FD9]  }
0x89: {  	s3 =	sld [smem:$0x3FFE];
	_ =	sdelay $0x1  }
0x8a: {  	s1 =	srdreg.scid  }
0x8b: {  	s0 =	sand.u32 $0x1, s1  }
0x8c: {  	s17 =	sshll.u32 s0, $0xA;
	s2 =	sadd.s32 s3, s2  }
0x8d: {  	s2 =	sadd.s32 s2, s17  }
0x8e: {  	[smem:$0x3FC4] =	sst s2  }
0x8f: {  	_ = 	snop  }
0x90: {  	s2 =	sld [smem:$0x3FC8]  }
0x91: {  	s18 =	sld [smem:$0x3FD0];
	(tm) =	ssettm $0x1  }
0x92: {  	s4 =	sld [smem:$0x3FFB];
	_ =	sdelay $0x3  }
0x93: {  	_ =	strace s4  }
0x94: {  	s4 =	sld [smem:$0x3FFC];
	_ =	sdelay $0x3  }
0x95: {  	_ =	strace s4  }
0x96: {  	s4 =	sld [smem:$0x3FFD];
	_ =	sdelay $0x3  }
0x97: {  	_ =	strace s4  }
0x98: {  	_ =	strace $0x8FFFFFFF  }
0x99: {  	s19 =	sld [smem:$0x3FDB];
	_ =	sdelay $0x1  }
0x9a: {  	s5 =	simm.s32 $_scs_section_size  }
0x9b: {  	s6 =	simm.s32 $_size__tile_overlayer_lowered;
	s7 =	simm.s32 $_tile_overlayer_lowered  }
0x9c: {  	s22 =	simm.s32 $0x1BFF;
	s21 =	sshll.u32 s7, $0x1;
	s4 =	sadd.s32 s5, s19  }
0x9d: {  	s8 =	simm.s32 $0x0;
	s20 =	sshll.u32 s6, $0x1;
	s6 =	sadd.s32 s21, s4  }
0x9e: {  	[timem:s8], [sflag:s22] =	dma.local [hbm:s6], s20  }
0x9f: {  	_ =	swait.ge [sflag:s22], s20  }
0xa0: {  	s5 =	ssub.s32 $0x0, s20;
	[sflag:s22] =	ssyncset.done $0x0  }
0xa1: {  	[sflag:s22] =	ssyncadd.s32 s5;
	_ =	sdelay $0x1  }
0xa2: {  	s23 =	simm.s32 $0x1B8B  }
0xa3: {  	_ =	swait.ge [sflag:s23], $0x1  }
0xa4: {  	[sflag:s23] =	ssyncset.done $0x0  }
0xa5: {  	s25 =	simm.s32 $0x1B8E;
	s24 =	sld [smem:$0x3FFE];
	[sflag:s23] =	ssyncadd.s32 $0xFFFFFFFF  }
0xa6: {  	s26 =	simm.s32 $execute0_lowered;
	[smem:$0x3FD2] =	sst s25  }
0xa7: {  	s6 =	sshll.u32 s26, $0x1;
	_ =	strace $0x80000046;
	[dreg:$0x1] =	wrdreg $0xFFFFFFFF  }
0xa8: {  	s28 =	simm.s32 $_size_execute0_lowered;
	s4 =	sadd.s32 s4, s6;
	[dreg:$0x0] =	wrdreg $0x0  }
0xa9: {  	s6 =	sshll.u32 s28, $0x1;
	[dreg:$0x2] =	wrdreg s4  }
0xaa: {  	[dreg:$0x3] =	wrdreg s6  }
0xab: {  	[dreg:$0x4] =	wrdreg $0xC0  }
0xac: {  	_ =	task [dreg:s8], $0x5FFFF  }
0xad: {  	[dreg:$0x1] =	wrdreg $0xFFFFFFFF  }
0xae: {  	[dreg:$0x0] =	wrdreg $0x60  }
0xaf: {  	[dreg:$0x2] =	wrdreg s2  }
0xb0: {  	[dreg:$0x3] =	wrdreg s18  }
0xb1: {  	[dreg:$0x4] =	wrdreg s24  }
0xb2: {  	[dreg:$0x5] =	wrdreg $0x9  }
0xb3: {  	_ =	task.clear_ibuf [dreg:s8], $0x6FFFF;
	_ =	strace $0x90000046  }
0xb4: {  	s29 =	simm.s32 $0x9;
	_ =	strace $0x80000048  }
0xb5: {  	_ =	swait.ge [sflag:s29], $0x1  }
0xb6: {  	[sflag:s29] =	ssyncadd.s32 $0xFFFFFFFF  }
0xb7: {  	_ =	strace $0x90000048  }
0xb8: {  	_ =	sfence  }
0xb9: {  	s30 =	sld [smem:$0x0];
	_ =	sdelay $0x2  }
0xba: {  	s31 =	sshll.u32 s1, $0xD;
	s1 =	sshrl.u32 s1, $0x2  }
0xbb: {  	s3 =	sand.u32 $0x4000, s31;
	s1 =	sadd.s32 s1, s30  }
0xbc: {  	s0 =	sor.u32 s3, s0;
	s1 =	sshll.u32 s1, $0x11  }
0xbd: {  	s0 =	sor.u32 s1, s0  }
0xbe: {  	s0 =	sadd.s32 $0x8F2B, s0  }
0xbf: {  	[sflag:s0] =	ssyncadd.remote.s32 $0x1  }
0xc0: {  	_ =	sfence.sel $0xFFFF  }
0xc1: {  	[dreg:$0x0] =	wrdreg $0xFFFFFFFF;
	(pc) =	sbr.abs _section_cstart, $3  }
0xc2: {  	[dreg:$0x1] =	wrdreg $0xFFFFFFFF  }
0xc3: {  	_ =	task.clear_ibuf [dreg:s8], $0x2FFFF;
	_ =	strace $0x9FFFFFFF  }
0xc4: {  	(tm) =	ssettm $0x7FFFFFFF  }
0xc5: {  	_ =	shalt  }
tec
execute0_lowered:
.L_overlay_start_1:
0x0: {  	(tag) =	ssettag $0x1  }
0x1: {  	s11 =	rddreg [dreg:$0x0]  }
0x2: {  	s0 =	rddreg [dreg:$0x2]  }
0x3: {  	s1 =	srdreg.scid;
	s3 =	stileid.u32  }
0x4: {  	s4 =	simm.s32 $0x0;
	s1 =	sand.u32 $0x1, s1;
	s3 =	sshll.u32 s3, $0x1  }
0x5: {  	[smem:$0x7FF] =	sst s4;
	s8 =	sadd.s32 $0x10, s11;
	s9 =	sadd.s32 $0x20, s11  }
0x6: {  	s14 =	sadd.s32 $0x40, s11;
	s2 =	ssub.s32 $0x2, s1;
	s1 =	sor.u32 s1, s3  }
0x7: {  	_ =	strace $0x80000047;
	s5 =	sshrl.u32 s2, $0x1;
	s13 =	sshll.u32 s1, $0xA  }
0x8: {  	s12 =	ssub.s32 $0xA0A, s1;
	s6 =	sshll.u32 s1, $0xD;
	s15 =	sadd.s32 s11, s13  }
0x9: {  	s7 =	ssub.s32 s2, s5;
	s16 =	sadd.s32 s13, s8;
	[dreg:$0x4] =	wrdreg s15  }
0xa: {  	s5 =	sshrl.u32 s12, $0x5;
	s17 =	sadd.s32 s13, s9;
	[dreg:$0x5] =	wrdreg s16  }
0xb: {  	s12 =	sadd.s32 $0x30, s11;
	s19 =	sadd.s32 s13, s14;
	[dreg:$0x6] =	wrdreg s17  }
0xc: {  	s21 =	sshrl.u32 s6, $0x3;
	s18 =	sadd.s32 s13, s12;
	[dreg:$0x8] =	wrdreg s19  }
0xd: {  	s15 =	sadd.s32 $0x50, s11;
	s31 =	smax.u32 s7, $0x1;
	[dreg:$0x7] =	wrdreg s18  }
0xe: {  	s3 =	sadd.s32 s11, s21;
	s20 =	sadd.s32 s13, s15;
	[dreg:$0x17] =	wrdreg s31  }
0xf: {  	s22 =	sadd.s32 $0x27AC80, s3;
	[dreg:$0x9] =	wrdreg s20  }
0x10: {  	s10 =	sand.u32 $0x1, s5;
	s24 =	sadd.s32 $0x27AC90, s3;
	[dreg:$0xa] =	wrdreg s22  }
0x11: {  	s19 =	sadd.s32 $0x70, s11;
	s25 =	sadd.s32 $0x27ACA0, s3;
	[dreg:$0xc] =	wrdreg s24  }
0x12: {  	s16 =	simm.s32 $0x80;
	s2 =	sadd.s32 s13, s19;
	[dreg:$0xd] =	wrdreg s25  }
0x13: {  	s17 =	simm.s32 $0x400;
	s26 =	sadd.s32 $0x27ACB0, s3;
	[dreg:$0xe] =	wrdreg s2  }
0x14: {  	s21 =	simm.s32 $0x2;
	s28 =	sadd.s32 $0x27ACC0, s3;
	[dreg:$0xf] =	wrdreg s26  }
0x15: {  	s18 =	sadd.s32 $0x60, s11;
	s29 =	sadd.s32 $0x27ACD0, s3;
	[dreg:$0x10] =	wrdreg s28  }
0x16: {  	p0 =	seq.s32 s10, $0x1;
	s30 =	sadd.s32 $0x27ACE0, s3;
	[dreg:$0x11] =	wrdreg s29  }
0x17: {  	s3 =	sadd.s32 $0x27ACF0, s3;
	s11 =	simm.s32 $0x4;
	[dreg:$0x12] =	wrdreg s30  }
0x18: {  	s23 =	sadd.s32 s13, s18;
	s2 =	simm.s32 $0x4;
	[dreg:$0x14] =	wrdreg s3  }
0x19: {  	s3 =	sadd.s32 $0x1200, s0;
	s0 =	sadd.s32 $0x4F6A00, s0;
	s13 =	simm.s32 $0x3  }
.Ltmp0:
0x1a: {  	s20 =	simm.s32 $0x4000;
	[dreg:$0xb] =	wrdreg s23;
	(pc) =	sbr.rel .LBB2_1-.Ltmp0, $4  }
0x1b: {  	s22 =	simm.s32 $0xC000;
	s2 =	simm.s32 @!p0 $0x3;
	[dreg:$0x16] =	wrdreg s0  }
0x1c: {  	v0 =	vlaneseq.u32;
	s24 =	simm.s32 $0x8000;
	[dreg:$0x13] =	wrdreg s2;
	s2 =	simm.s32 $0x3  }
0x1d: {  	v0 =	vmul.u32 $0x400, v0;
	s23 =	simm.s32 $0x1;
	s2 =	simm.s32 @!p0 $0x4;
	p0 =	sne.s32 s1, $0x1F  }
0x1e: {  	[dreg:$0x15] =	wrdreg s2;
	s2 =	sshll.u32 s1, $0xE;
	s1 =	simm.s32 $0x0  }
.LBB2_18:
0x1f: {  	s0 =	rddreg [dreg:$0x13]  }
0x20: {  	_ =	swait.ge [sflag:s0], $0x4000  }
0x21: {  	[sflag:s0] =	ssyncset.done $0x0  }
0x22: {  	s29 =	rddreg [dreg:$0x15];
	[sflag:s0] =	ssyncadd.s32 $0xFFFFC000  }
0x23: {  	_ =	swait.ge [sflag:s29], $0x4000  }
0x24: {  	[sflag:s29] =	ssyncset.done $0x0  }
0x25: {  	[sflag:s29] =	ssyncadd.s32 $0xFFFFC000  }
0x26: {  	s1 =	simm.s32 @!p0 $0x10000;
	s0 =	simm.s32 @!p0 $0x0;
	s7 =	rddreg [dreg:$0x1]  }
0x27: {  	[tilespmem:s1], [sflag:$0x5] =	stream.linear.gather @!p0 [hbm4b:s7+s0], $0x400, $0x38;
	[tilespmem:$0x10400] =	vst v63  }
0x28: {  	s7 =	simm.s32 @!p0 $0x5  }
0x29: {  	_ =	swait.ge @!p0 [sflag:s7], $0x400  }
0x2a: {  	[sflag:s7] =	ssyncset.done @!p0 $0x0  }
0x2b: {  	s10 =	rddreg [dreg:$0x16];
	[sflag:s7] =	ssyncadd.s32 @!p0 $0xFFFFFC00  }
0x2c: {  	[hbm4b:s10+s0] =	stream.linear.scatter @!p0 [tilespmem:s1], [sflag:$0x5], $0x400, $0x38;
	[tilespmem:$0x10400] =	vst v63  }
0x2d: {  	_ =	swait.ge @!p0 [sflag:s7], $0x400  }
0x2e: {  	s30 =	rddreg [dreg:$0x18]  }
0x2f: {  	s31 =	rddreg [dreg:$0x17];
	s1 =	sadd.s32 $0x1, s30  }
0x30: {  	p1 =	sne.s32 s1, s31  }
.Ltmp1:
0x31: {  	_ = 	snop;
	(pc) =	sbr.rel @!p1 .LBB2_19-.Ltmp1, $3  }
0x32: {  	_ =	sdelay $0x1  }
0x33: {  	[sflag:s7] =	ssyncset.done @!p0 $0x0  }
0x34: {  	[sflag:s7] =	ssyncadd.s32 @!p0 $0xFFFFFC00  }
.LBB2_1:
0x35: {  	s0 =	rddreg [dreg:$0x4]  }
0x36: {  	[tilespmem:s4], [sflag:$0x1] =	stream.strided.gather [hbm4b:s0+s16], $0x400, s17, s16, $0x38;
	[tilespmem:$0x10400] =	vst v63  }
0x37: {  	s26 =	rddreg [dreg:$0x5]  }
0x38: {  	[tilespmem:s17], [sflag:$0x1] =	stream.strided.gather [hbm4b:s26+s16], $0x400, s17, s16, $0x38;
	[tilespmem:$0x10400] =	vst v63  }
0x39: {  	s28 =	rddreg [dreg:$0x6];
	s29 =	simm.s32 $0x800  }
0x3a: {  	[tilespmem:s29], [sflag:$0x1] =	stream.strided.gather [hbm4b:s28+s16], $0x400, s17, s16, $0x38;
	[tilespmem:$0x10400] =	vst v63  }
0x3b: {  	s30 =	rddreg [dreg:$0x7];
	s31 =	simm.s32 $0xC00  }
0x3c: {  	[tilespmem:s31], [sflag:$0x1] =	stream.strided.gather [hbm4b:s30+s16], $0x400, s17, s16, $0x38;
	[tilespmem:$0x10400] =	vst v63  }
0x3d: {  	s7 =	rddreg [dreg:$0x8];
	s10 =	simm.s32 $0x1000  }
0x3e: {  	[tilespmem:s10], [sflag:$0x1] =	stream.strided.gather [hbm4b:s7+s16], $0x400, s17, s16, $0x38;
	[tilespmem:$0x10400] =	vst v63  }
0x3f: {  	s25 =	rddreg [dreg:$0x9];
	s26 =	simm.s32 $0x1400  }
0x40: {  	[tilespmem:s26], [sflag:$0x1] =	stream.strided.gather [hbm4b:s25+s16], $0x400, s17, s16, $0x38;
	[tilespmem:$0x10400] =	vst v63  }
0x41: {  	s28 =	rddreg [dreg:$0xb];
	s29 =	simm.s32 $0x1800  }
0x42: {  	[tilespmem:s29], [sflag:$0x1] =	stream.strided.gather [hbm4b:s28+s16], $0x400, s17, s16, $0x38;
	[tilespmem:$0x10400] =	vst v63  }
0x43: {  	s30 =	rddreg [dreg:$0xe];
	s31 =	simm.s32 $0x1C00  }
0x44: {  	[tilespmem:s31], [sflag:$0x1] =	stream.strided.gather [hbm4b:s30+s16], $0x400, s17, s16, $0x38;
	[tilespmem:$0x10400] =	vst v63  }
0x45: {  	s7 =	rddreg [dreg:$0xa];
	s10 =	simm.s32 $0x2000  }
0x46: {  	[tilespmem:s10], [sflag:$0x1] =	stream.strided.gather [hbm4b:s7+s16], $0x400, s17, s16, $0x38;
	[tilespmem:$0x10400] =	vst v63  }
0x47: {  	s25 =	rddreg [dreg:$0xc];
	s26 =	simm.s32 $0x2400  }
0x48: {  	[tilespmem:s26], [sflag:$0x1] =	stream.strided.gather [hbm4b:s25+s16], $0x400, s17, s16, $0x38;
	[tilespmem:$0x10400] =	vst v63  }
0x49: {  	s28 =	rddreg [dreg:$0xd];
	s29 =	simm.s32 $0x2800  }
0x4a: {  	[tilespmem:s29], [sflag:$0x1] =	stream.strided.gather [hbm4b:s28+s16], $0x400, s17, s16, $0x38;
	[tilespmem:$0x10400] =	vst v63  }
0x4b: {  	s30 =	rddreg [dreg:$0xf];
	s31 =	simm.s32 $0x2C00  }
0x4c: {  	[tilespmem:s31], [sflag:$0x1] =	stream.strided.gather [hbm4b:s30+s16], $0x400, s17, s16, $0x38;
	[tilespmem:$0x10400] =	vst v63  }
0x4d: {  	s7 =	rddreg [dreg:$0x10];
	s10 =	simm.s32 $0x3000  }
0x4e: {  	[tilespmem:s10], [sflag:$0x1] =	stream.strided.gather [hbm4b:s7+s16], $0x400, s17, s16, $0x38;
	[tilespmem:$0x10400] =	vst v63  }
0x4f: {  	s25 =	rddreg [dreg:$0x11];
	s26 =	simm.s32 $0x3400  }
0x50: {  	[tilespmem:s26], [sflag:$0x1] =	stream.strided.gather [hbm4b:s25+s16], $0x400, s17, s16, $0x38;
	[tilespmem:$0x10400] =	vst v63  }
.Ltmp2:
0x51: {  	[dreg:$0x18] =	wrdreg s1;
	(pc) =	sbr.rel .LBB2_2-.Ltmp2, $4  }
0x52: {  	s28 =	rddreg [dreg:$0x12];
	s29 =	simm.s32 $0x3800  }
0x53: {  	[tilespmem:s29], [sflag:$0x1] =	stream.strided.gather [hbm4b:s28+s16], $0x400, s17, s16, $0x38;
	[tilespmem:$0x10400] =	vst v63  }
0x54: {  	s30 =	rddreg [dreg:$0x14];
	s31 =	simm.s32 $0x3C00;
	s26 =	simm.s32 $0x0  }
0x55: {  	[tilespmem:s31], [sflag:$0x1] =	stream.strided.gather [hbm4b:s30+s16], $0x400, s17, s16, $0x38;
	[tilespmem:$0x10400] =	vst v63  }
.LBB2_17:
0x56: {  	p1 =	sne.s32 s28, s5  }
.Ltmp3:
0x57: {  	_ = 	snop;
	(pc) =	sbr.rel @!p1 .LBB2_18-.Ltmp3, $2  }
0x58: {  	_ =	sdelay $0x2  }
0x59: {  	s26 =	smov.u32 s28  }
.LBB2_2:
0x5a: {  	s28 =	sadd.s32 $0x1, s26  }
0x5b: {  	p2 =	sge.u32 s28, s5  }
.Ltmp4:
0x5c: {  	_ = 	snop;
	(pc) =	sbr.rel @p2 .LBB2_6-.Ltmp4, $3  }
0x5d: {  	_ =	sdelay $0x1  }
0x5e: {  	s29 =	sand.u32 $0x1, s26  }
0x5f: {  	p1 =	seq.s32 s29, $0x1  }
.Ltmp5:
0x60: {  	s0 =	sshll.u32 s28, $0x12;
	(pc) =	sbr.rel @!p1 .LBB2_4-.Ltmp5, $4  }
0x61: {  	s0 =	sor.u32 s6, s0  }
0x62: {  	s25 =	rddreg [dreg:$0x0];
	s10 =	sshrl.u32 s0, $0x3  }
0x63: {  	s7 =	sadd.s32 s25, s10;
	s25 =	sadd.s32 s10, s8;
	s1 =	sadd.s32 s10, s9  }
0x64: {  	s0 =	sadd.s32 s10, s12;
	s31 =	sadd.s32 s10, s14;
	s30 =	sadd.s32 s10, s15  }
0x65: {  	[tilespmem:s4], [sflag:$0x1] =	stream.strided.gather [hbm4b:s7+s16], $0x400, s17, s16, $0x38;
	[tilespmem:$0x10400] =	vst v63  }
0x66: {  	_ = 	snop  }
0x67: {  	[tilespmem:s17], [sflag:$0x1] =	stream.strided.gather [hbm4b:s25+s16], $0x400, s17, s16, $0x38;
	[tilespmem:$0x10400] =	vst v63  }
0x68: {  	s25 =	simm.s32 $0x800  }
0x69: {  	[tilespmem:s25], [sflag:$0x1] =	stream.strided.gather [hbm4b:s1+s16], $0x400, s17, s16, $0x38;
	[tilespmem:$0x10400] =	vst v63  }
0x6a: {  	s25 =	simm.s32 $0xC00  }
0x6b: {  	[tilespmem:s25], [sflag:$0x1] =	stream.strided.gather [hbm4b:s0+s16], $0x400, s17, s16, $0x38;
	[tilespmem:$0x10400] =	vst v63  }
0x6c: {  	s25 =	simm.s32 $0x1000  }
0x6d: {  	[tilespmem:s25], [sflag:$0x1] =	stream.strided.gather [hbm4b:s31+s16], $0x400, s17, s16, $0x38;
	[tilespmem:$0x10400] =	vst v63  }
0x6e: {  	s31 =	simm.s32 $0x1400  }
0x6f: {  	[tilespmem:s31], [sflag:$0x1] =	stream.strided.gather [hbm4b:s30+s16], $0x400, s17, s16, $0x38;
	[tilespmem:$0x10400] =	vst v63  }
0x70: {  	s1 =	sadd.s32 s10, s18;
	s25 =	simm.s32 $0x1800  }
0x71: {  	[tilespmem:s25], [sflag:$0x1] =	stream.strided.gather [hbm4b:s1+s16], $0x400, s17, s16, $0x38;
	[tilespmem:$0x10400] =	vst v63  }
0x72: {  	s30 =	sadd.s32 s10, s19;
	s31 =	simm.s32 $0x1C00  }
0x73: {  	[tilespmem:s31], [sflag:$0x1] =	stream.strided.gather [hbm4b:s30+s16], $0x400, s17, s16, $0x38;
	[tilespmem:$0x10400] =	vst v63  }
0x74: {  	s10 =	sadd.s32 $0x27AC80, s7;
	s25 =	simm.s32 $0x2000  }
0x75: {  	[tilespmem:s25], [sflag:$0x1] =	stream.strided.gather [hbm4b:s10+s16], $0x400, s17, s16, $0x38;
	[tilespmem:$0x10400] =	vst v63  }
0x76: {  	s30 =	sadd.s32 $0x27AC90, s7;
	s31 =	simm.s32 $0x2400  }
0x77: {  	[tilespmem:s31], [sflag:$0x1] =	stream.strided.gather [hbm4b:s30+s16], $0x400, s17, s16, $0x38;
	[tilespmem:$0x10400] =	vst v63  }
0x78: {  	s10 =	sadd.s32 $0x27ACA0, s7;
	s25 =	simm.s32 $0x2800  }
0x79: {  	[tilespmem:s25], [sflag:$0x1] =	stream.strided.gather [hbm4b:s10+s16], $0x400, s17, s16, $0x38;
	[tilespmem:$0x10400] =	vst v63  }
0x7a: {  	s30 =	sadd.s32 $0x27ACB0, s7;
	s31 =	simm.s32 $0x2C00  }
0x7b: {  	[tilespmem:s31], [sflag:$0x1] =	stream.strided.gather [hbm4b:s30+s16], $0x400, s17, s16, $0x38;
	[tilespmem:$0x10400] =	vst v63  }
0x7c: {  	s10 =	sadd.s32 $0x27ACC0, s7;
	s25 =	simm.s32 $0x3000  }
0x7d: {  	[tilespmem:s25], [sflag:$0x1] =	stream.strided.gather [hbm4b:s10+s16], $0x400, s17, s16, $0x38;
	[tilespmem:$0x10400] =	vst v63  }
0x7e: {  	s30 =	sadd.s32 $0x27ACD0, s7;
	s31 =	simm.s32 $0x3400  }
0x7f: {  	[tilespmem:s31], [sflag:$0x1] =	stream.strided.gather [hbm4b:s30+s16], $0x400, s17, s16, $0x38;
	[tilespmem:$0x10400] =	vst v63  }
.Ltmp6:
0x80: {  	_ = 	snop;
	(pc) =	sbr.rel .LBB2_6-.Ltmp6, $4  }
0x81: {  	s10 =	sadd.s32 $0x27ACE0, s7;
	s25 =	simm.s32 $0x3800  }
0x82: {  	[tilespmem:s25], [sflag:$0x1] =	stream.strided.gather [hbm4b:s10+s16], $0x400, s17, s16, $0x38;
	[tilespmem:$0x10400] =	vst v63  }
0x83: {  	s30 =	sadd.s32 $0x27ACF0, s7;
	s31 =	simm.s32 $0x3C00  }
0x84: {  	[tilespmem:s31], [sflag:$0x1] =	stream.strided.gather [hbm4b:s30+s16], $0x400, s17, s16, $0x38;
	[tilespmem:$0x10400] =	vst v63  }
.LBB2_4:
0x85: {  	[tilespmem:s20], [sflag:$0x2] =	stream.strided.gather [hbm4b:s7+s16], $0x400, s17, s16, $0x38;
	[tilespmem:$0x10400] =	vst v63  }
0x86: {  	s24 =	simm.s32 $0x4400  }
0x87: {  	[tilespmem:s24], [sflag:$0x2] =	stream.strided.gather [hbm4b:s25+s16], $0x400, s17, s16, $0x38;
	[tilespmem:$0x10400] =	vst v63  }
0x88: {  	s25 =	simm.s32 $0x4800  }
0x89: {  	[tilespmem:s25], [sflag:$0x2] =	stream.strided.gather [hbm4b:s1+s16], $0x400, s17, s16, $0x38;
	[tilespmem:$0x10400] =	vst v63  }
0x8a: {  	s25 =	simm.s32 $0x4C00  }
0x8b: {  	[tilespmem:s25], [sflag:$0x2] =	stream.strided.gather [hbm4b:s0+s16], $0x400, s17, s16, $0x38;
	[tilespmem:$0x10400] =	vst v63  }
0x8c: {  	s25 =	simm.s32 $0x5000  }
0x8d: {  	[tilespmem:s25], [sflag:$0x2] =	stream.strided.gather [hbm4b:s31+s16], $0x400, s17, s16, $0x38;
	[tilespmem:$0x10400] =	vst v63  }
0x8e: {  	s31 =	simm.s32 $0x5400  }
0x8f: {  	[tilespmem:s31], [sflag:$0x2] =	stream.strided.gather [hbm4b:s30+s16], $0x400, s17, s16, $0x38;
	[tilespmem:$0x10400] =	vst v63  }
0x90: {  	s1 =	sadd.s32 s10, s18;
	s25 =	simm.s32 $0x5800  }
0x91: {  	[tilespmem:s25], [sflag:$0x2] =	stream.strided.gather [hbm4b:s1+s16], $0x400, s17, s16, $0x38;
	[tilespmem:$0x10400] =	vst v63  }
0x92: {  	s30 =	sadd.s32 s10, s19;
	s31 =	simm.s32 $0x5C00  }
0x93: {  	[tilespmem:s31], [sflag:$0x2] =	stream.strided.gather [hbm4b:s30+s16], $0x400, s17, s16, $0x38;
	[tilespmem:$0x10400] =	vst v63  }
0x94: {  	s10 =	sadd.s32 $0x27AC80, s7;
	s25 =	simm.s32 $0x6000  }
0x95: {  	[tilespmem:s25], [sflag:$0x2] =	stream.strided.gather [hbm4b:s10+s16], $0x400, s17, s16, $0x38;
	[tilespmem:$0x10400] =	vst v63  }
0x96: {  	s30 =	sadd.s32 $0x27AC90, s7;
	s31 =	simm.s32 $0x6400  }
0x97: {  	[tilespmem:s31], [sflag:$0x2] =	stream.strided.gather [hbm4b:s30+s16], $0x400, s17, s16, $0x38;
	[tilespmem:$0x10400] =	vst v63  }
0x98: {  	s10 =	sadd.s32 $0x27ACA0, s7;
	s25 =	simm.s32 $0x6800  }
0x99: {  	[tilespmem:s25], [sflag:$0x2] =	stream.strided.gather [hbm4b:s10+s16], $0x400, s17, s16, $0x38;
	[tilespmem:$0x10400] =	vst v63  }
0x9a: {  	s30 =	sadd.s32 $0x27ACB0, s7;
	s31 =	simm.s32 $0x6C00  }
0x9b: {  	[tilespmem:s31], [sflag:$0x2] =	stream.strided.gather [hbm4b:s30+s16], $0x400, s17, s16, $0x38;
	[tilespmem:$0x10400] =	vst v63  }
0x9c: {  	s10 =	sadd.s32 $0x27ACC0, s7;
	s25 =	simm.s32 $0x7000  }
0x9d: {  	[tilespmem:s25], [sflag:$0x2] =	stream.strided.gather [hbm4b:s10+s16], $0x400, s17, s16, $0x38;
	[tilespmem:$0x10400] =	vst v63  }
0x9e: {  	s30 =	sadd.s32 $0x27ACD0, s7;
	s31 =	simm.s32 $0x7400  }
0x9f: {  	[tilespmem:s31], [sflag:$0x2] =	stream.strided.gather [hbm4b:s30+s16], $0x400, s17, s16, $0x38;
	[tilespmem:$0x10400] =	vst v63  }
0xa0: {  	s10 =	sadd.s32 $0x27ACE0, s7;
	s25 =	simm.s32 $0x7800  }
0xa1: {  	[tilespmem:s25], [sflag:$0x2] =	stream.strided.gather [hbm4b:s10+s16], $0x400, s17, s16, $0x38;
	[tilespmem:$0x10400] =	vst v63  }
0xa2: {  	s24 =	simm.s32 $0x8000;
	s30 =	sadd.s32 $0x27ACF0, s7;
	s31 =	simm.s32 $0x7C00  }
0xa3: {  	[tilespmem:s31], [sflag:$0x2] =	stream.strided.gather [hbm4b:s30+s16], $0x400, s17, s16, $0x38;
	[tilespmem:$0x10400] =	vst v63  }
.LBB2_6:
0xa4: {  	p2 =	slt.u32 s26, $0x2  }
.Ltmp7:
0xa5: {  	_ = 	snop;
	(pc) =	sbr.rel @p2 .LBB2_10-.Ltmp7, $1  }
0xa6: {  	_ =	sdelay $0x3  }
.Ltmp8:
0xa7: {  	(pc) =	sbr.rel @!p1 .LBB2_8-.Ltmp8, $1  }
0xa8: {  	_ =	sdelay $0x3  }
.Ltmp9:
0xa9: {  	(pc) =	sbr.rel .LBB2_14-.Ltmp9, $4  }
0xaa: {  	_ = 	snop  }
0xab: {  	_ =	swait.ge [sflag:s11], $0x4000  }
0xac: {  	[sflag:s11] =	ssyncset.done $0x0  }
0xad: {  	[sflag:s11] =	ssyncadd.s32 $0xFFFFC000  }
.LBB2_10:
.Ltmp10:
0xae: {  	(pc) =	sbr.rel @p1 .LBB2_14-.Ltmp10, $4  }
.Ltmp11:
0xaf: {  	(pc) =	sbr.rel @!p1 .LBB2_11-.Ltmp11, $4  }
0xb0: {  	_ = 	snop  }
0xb1: {  	_ = 	snop  }
0xb2: {  	_ = 	snop  }
0xb3: {  	_ = 	snop  }
.LBB2_8:
0xb4: {  	_ =	swait.ge [sflag:s13], $0x4000  }
0xb5: {  	[sflag:s13] =	ssyncset.done $0x0  }
0xb6: {  	[sflag:s13] =	ssyncadd.s32 $0xFFFFC000  }
.LBB2_11:
0xb7: {  	_ =	swait.ge [sflag:s23], $0x400  }
0xb8: {  	[sflag:s23] =	ssyncset.done $0x0  }
0xb9: {  	[sflag:s23] =	ssyncadd.s32 $0xFFFFFC00  }
0xba: {  	_ =	swait.ge [sflag:s23], $0x400  }
0xbb: {  	[sflag:s23] =	ssyncset.done $0x0  }
0xbc: {  	[sflag:s23] =	ssyncadd.s32 $0xFFFFFC00  }
0xbd: {  	_ =	swait.ge [sflag:s23], $0x400  }
0xbe: {  	[sflag:s23] =	ssyncset.done $0x0  }
0xbf: {  	[sflag:s23] =	ssyncadd.s32 $0xFFFFFC00  }
0xc0: {  	_ =	swait.ge [sflag:s23], $0x400  }
0xc1: {  	[sflag:s23] =	ssyncset.done $0x0  }
0xc2: {  	[sflag:s23] =	ssyncadd.s32 $0xFFFFFC00  }
0xc3: {  	_ =	swait.ge [sflag:s23], $0x400  }
0xc4: {  	[sflag:s23] =	ssyncset.done $0x0  }
0xc5: {  	[sflag:s23] =	ssyncadd.s32 $0xFFFFFC00  }
0xc6: {  	_ =	swait.ge [sflag:s23], $0x400  }
0xc7: {  	[sflag:s23] =	ssyncset.done $0x0  }
0xc8: {  	[sflag:s23] =	ssyncadd.s32 $0xFFFFFC00  }
0xc9: {  	_ =	swait.ge [sflag:s23], $0x400  }
0xca: {  	[sflag:s23] =	ssyncset.done $0x0  }
0xcb: {  	[sflag:s23] =	ssyncadd.s32 $0xFFFFFC00  }
0xcc: {  	_ =	swait.ge [sflag:s23], $0x400  }
0xcd: {  	[sflag:s23] =	ssyncset.done $0x0  }
0xce: {  	[sflag:s23] =	ssyncadd.s32 $0xFFFFFC00  }
0xcf: {  	_ =	swait.ge [sflag:s23], $0x400  }
0xd0: {  	[sflag:s23] =	ssyncset.done $0x0  }
0xd1: {  	[sflag:s23] =	ssyncadd.s32 $0xFFFFFC00  }
0xd2: {  	_ =	swait.ge [sflag:s23], $0x400  }
0xd3: {  	[sflag:s23] =	ssyncset.done $0x0  }
0xd4: {  	[sflag:s23] =	ssyncadd.s32 $0xFFFFFC00  }
0xd5: {  	_ =	swait.ge [sflag:s23], $0x400  }
0xd6: {  	[sflag:s23] =	ssyncset.done $0x0  }
0xd7: {  	[sflag:s23] =	ssyncadd.s32 $0xFFFFFC00  }
0xd8: {  	_ =	swait.ge [sflag:s23], $0x400  }
0xd9: {  	[sflag:s23] =	ssyncset.done $0x0  }
0xda: {  	[sflag:s23] =	ssyncadd.s32 $0xFFFFFC00  }
0xdb: {  	_ =	swait.ge [sflag:s23], $0x400  }
0xdc: {  	[sflag:s23] =	ssyncset.done $0x0  }
0xdd: {  	[sflag:s23] =	ssyncadd.s32 $0xFFFFFC00  }
0xde: {  	_ =	swait.ge [sflag:s23], $0x400  }
0xdf: {  	[sflag:s23] =	ssyncset.done $0x0  }
0xe0: {  	[sflag:s23] =	ssyncadd.s32 $0xFFFFFC00  }
0xe1: {  	s0 =	simm.s32 $0x7;
	_ =	swait.ge [sflag:s23], $0x400  }
0xe2: {  	s1 =	simm.s32 $0x1;
	v1 =	vor.u32 s0, v0;
	[sflag:s23] =	ssyncset.done $0x0  }
0xe3: {  	s7 =	simm.s32 $0x2;
	v2 =	vor.u32 s1, v0;
	[sflag:s23] =	ssyncadd.s32 $0xFFFFFC00  }
0xe4: {  	s10 =	simm.s32 $0x3;
	v3 =	vor.u32 s7, v0;
	_ =	swait.ge [sflag:s23], $0x400  }
0xe5: {  	s25 =	simm.s32 $0x4;
	v4 =	vor.u32 s10, v0;
	[sflag:s23] =	ssyncset.done $0x0  }
0xe6: {  	v5 =	vor.u32 s25, v0;
	s1 =	simm.s32 $0x5;
	[sflag:s23] =	ssyncadd.s32 $0xFFFFFC00  }
0xe7: {  	s7 =	simm.s32 $0x6;
	v6 =	vor.u32 s1, v0;
	v1 =	vld.idx.msk [tilespmem:v1+s4+$0x0], $0xffff  }
0xe8: {  	s25 =	simm.s32 $0xF;
	v7 =	vor.u32 s7, v0;
	v2 =	vld.idx.msk [tilespmem:v2+s4+$0x0], $0xffff  }
0xe9: {  	s10 =	simm.s32 $0x0;
	v11 =	vor.u32 s25, v0;
	v9 =	vld.idx.msk [tilespmem:v3+s4+$0x0], $0xffff  }
0xea: {  	v8 =	vor.u32 s10, v0;
	s10 =	simm.s32 $0xA;
	v12 =	vld.idx.msk [tilespmem:v4+s4+$0x0], $0xffff  }
0xeb: {  	s7 =	simm.s32 $0x9;
	v15 =	vor.u32 s10, v0;
	v14 =	vld.idx.msk [tilespmem:v5+s4+$0x0], $0xffff  }
0xec: {  	s31 =	simm.s32 $0x8040;
	s25 =	simm.s32 $0xB;
	v13 =	vor.u32 s7, v0;
	v5 =	vld.idx.msk [tilespmem:v6+s4+$0x0], $0xffff  }
0xed: {  	s1 =	simm.s32 $0xC;
	v10 =	vor.u32 s25, v0;
	v4 =	vld.idx.msk [tilespmem:v7+s4+$0x0], $0xffff;
	[tilespmem:s31+$0x30] =	vst v1  }
0xee: {  	s7 =	simm.s32 $0xD;
	[tilespmem:s31+$0xFFFFFFD0] =	vst v2;
	v1 =	vld.idx.msk [tilespmem:v11+s4+$0x0], $0xffff;
	v11 =	vor.u32 s1, v0  }
0xef: {  	s10 =	simm.s32 $0xE;
	v3 =	vld.idx.msk [tilespmem:v8+s4+$0x0], $0xffff;
	v8 =	vor.u32 s7, v0;
	[tilespmem:s31+$0xFFFFFFE0] =	vst v9  }
0xf0: {  	s25 =	simm.s32 $0x8;
	v6 =	vld.idx.msk [tilespmem:v15+s4+$0x0], $0xffff;
	[tilespmem:s31+$0xFFFFFFF0] =	vst v12;
	v9 =	vor.u32 s10, v0  }
0xf1: {  	s30 =	simm.s32 $0x17;
	s7 =	simm.s32 $0x10;
	v7 =	vor.u32 s25, v0;
	v2 =	vld.idx.msk [tilespmem:v13+s4+$0x0], $0xffff;
	s10 =	simm.s32 $0x18;
	[tilespmem:s31+$0x0] =	vst v14  }
.LBB2_12:
0xf2: {  	p1 =	slt.u32 s10, $0x3F8;
	s0 =	sadd.s32 $0x1, s7;
	v12 =	vor.u32 s30, v0;
	v13 =	vld.idx.msk [tilespmem:v10+s4+$0x0], $0xffff;
	[tilespmem:s31+$0x10] =	vst v5  }
0xf3: {  	v14 =	vor.u32 s0, v0;
	s0 =	sadd.s32 $0x2, s7;
	v15 =	vld.idx.msk [tilespmem:v11+s4+$0x0], $0xffff;
	[tilespmem:s31+$0x20] =	vst v4  }
0xf4: {  	v16 =	vor.u32 s0, v0;
	s0 =	sadd.s32 $0x3, s7;
	v5 =	vld.idx.msk [tilespmem:v8+s4+$0x0], $0xffff;
	[tilespmem:s31+$0xFFFFFFC0] =	vst v3;
	s31 =	sadd.s32 $0x80, s31  }
.Ltmp12:
0xf5: {  	v10 =	vor.u32 s0, v0;
	s0 =	sadd.s32 $0x4, s7;
	v4 =	vld.idx.msk [tilespmem:v9+s4+$0x0], $0xffff;
	[tilespmem:s31+$0x30] =	vst v1;
	(pc) =	sbr.rel @p1 .LBB2_12-.Ltmp12, $4  }
0xf6: {  	v11 =	vor.u32 s0, v0;
	s0 =	sadd.s32 $0x5, s7;
	v3 =	vld.idx.msk [tilespmem:v7+s4+$0x0], $0xffff;
	[tilespmem:s31+$0xFFFFFFD0] =	vst v2  }
0xf7: {  	v8 =	vor.u32 s0, v0;
	s0 =	sadd.s32 $0x6, s7;
	v1 =	vld.idx.msk [tilespmem:v12+s4+$0x0], $0xffff;
	[tilespmem:s31+$0xFFFFFFE0] =	vst v6  }
0xf8: {  	v2 =	vld.idx.msk [tilespmem:v14+s4+$0x0], $0xffff;
	v9 =	vor.u32 s0, v0;
	[tilespmem:s31+$0xFFFFFFF0] =	vst v13  }
0xf9: {  	s30 =	sadd.s32 $0x7, s10;
	v7 =	vor.u32 s7, v0;
	s7 =	smov.u32 s10;
	s10 =	sadd.s32 $0x8, s10;
	v6 =	vld.idx.msk [tilespmem:v16+s4+$0x0], $0xffff;
	[tilespmem:s31+$0x0] =	vst v15  }
0xfa: {  	_ =	sdelay $0x2  }
0xfb: {  	[tilespmem:s31+$0x10] =	vst v5  }
0xfc: {  	v57 =	vor.u32 s30, v0;
	v10 =	vld.idx.msk [tilespmem:v10+s4+$0x0], $0xffff;
	[tilespmem:s31+$0x20] =	vst v4  }
0xfd: {  	s0 =	sadd.s32 $0x1, s7;
	v11 =	vld.idx.msk [tilespmem:v11+s4+$0x0], $0xffff;
	s1 =	sadd.s32 $0x80, s31;
	v61 =	vor.u32 s7, v0;
	[tilespmem:s31+$0xFFFFFFC0] =	vst v3  }
0xfe: {  	s10 =	sadd.s32 $0x2, s7;
	v8 =	vld.idx.msk [tilespmem:v8+s4+$0x0], $0xffff;
	v58 =	vor.u32 s0, v0;
	[tilespmem:s1+$0x30] =	vst v1  }
0xff: {  	s25 =	sadd.s32 $0x3, s7;
	v9 =	vld.idx.msk [tilespmem:v9+s4+$0x0], $0xffff;
	v3 =	vor.u32 s10, v0;
	[tilespmem:s1+$0xFFFFFFD0] =	vst v2  }
0x100: {  	v7 =	vld.idx.msk [tilespmem:v7+s4+$0x0], $0xffff;
	s31 =	sadd.s32 $0x5, s7;
	v1 =	vor.u32 s25, v0;
	[tilespmem:s1+$0xFFFFFFE0] =	vst v6  }
0x101: {  	s10 =	sadd.s32 $0x6, s7;
	v59 =	vor.u32 s31, v0;
	v5 =	vld.idx.msk [tilespmem:v57+s4+$0x0], $0xffff;
	[tilespmem:s1+$0xFFFFFFF0] =	vst v10  }
0x102: {  	s30 =	sadd.s32 $0x4, s7;
	v60 =	vor.u32 s10, v0;
	[tilespmem:s1+$0x0] =	vst v11;
	v63 =	vld.idx.msk [tilespmem:v61+s4+$0x0], $0xffff  }
0x103: {  	v2 =	vor.u32 s30, v0;
	[tilespmem:s1+$0x10] =	vst v8;
	v4 =	vld.idx.msk [tilespmem:v58+s4+$0x0], $0xffff  }
0x104: {  	[tilespmem:s1+$0x20] =	vst v9;
	v3 =	vld.idx.msk [tilespmem:v3+s4+$0x0], $0xffff  }
0x105: {  	s25 =	sadd.s32 $0x80, s1;
	[tilespmem:s1+$0xFFFFFFC0] =	vst v7;
	v1 =	vld.idx.msk [tilespmem:v1+s4+$0x0], $0xffff  }
0x106: {  	v6 =	vld.idx.msk [tilespmem:v59+s4+$0x0], $0xffff;
	[tilespmem:s25+$0x30] =	vst v5  }
0x107: {  	v62 =	vld.idx.msk [tilespmem:v60+s4+$0x0], $0xffff;
	[tilespmem:s25+$0xFFFFFFC0] =	vst v63  }
0x108: {  	v2 =	vld.idx.msk [tilespmem:v2+s4+$0x0], $0xffff;
	[tilespmem:s25+$0xFFFFFFD0] =	vst v4  }
0x109: {  	p1 =	seq.s32 s29, $0x0;
	[tilespmem:s25+$0xFFFFFFE0] =	vst v3  }
.Ltmp13:
0x10a: {  	s30 =	sshll.u32 s26, $0x13;
	[tilespmem:s25+$0xFFFFFFF0] =	vst v1;
	(pc) =	sbr.rel @p1 .LBB2_17-.Ltmp13, $4  }
0x10b: {  	s1 =	sor.u32 s2, s30;
	[tilespmem:s25+$0x10] =	vst v6  }
0x10c: {  	s1 =	sshrl.u32 s1, $0x3;
	[tilespmem:s25+$0x20] =	vst v62  }
0x10d: {  	s31 =	sadd.s32 s3, s1;
	[tilespmem:s25+$0x0] =	vst v2  }
0x10e: {  	[hbm4b:s31+s4] =	stream.linear.scatter [tilespmem:s24], [sflag:$0x3], $0x4000, $0x38;
	[tilespmem:$0x10400] =	vst v63  }
.LBB2_14:
0x10f: {  	_ =	swait.ge [sflag:s21], $0x400  }
0x110: {  	[sflag:s21] =	ssyncset.done $0x0  }
0x111: {  	[sflag:s21] =	ssyncadd.s32 $0xFFFFFC00  }
0x112: {  	_ =	swait.ge [sflag:s21], $0x400  }
0x113: {  	[sflag:s21] =	ssyncset.done $0x0  }
0x114: {  	[sflag:s21] =	ssyncadd.s32 $0xFFFFFC00  }
0x115: {  	_ =	swait.ge [sflag:s21], $0x400  }
0x116: {  	[sflag:s21] =	ssyncset.done $0x0  }
0x117: {  	[sflag:s21] =	ssyncadd.s32 $0xFFFFFC00  }
0x118: {  	_ =	swait.ge [sflag:s21], $0x400  }
0x119: {  	[sflag:s21] =	ssyncset.done $0x0  }
0x11a: {  	[sflag:s21] =	ssyncadd.s32 $0xFFFFFC00  }
0x11b: {  	_ =	swait.ge [sflag:s21], $0x400  }
0x11c: {  	[sflag:s21] =	ssyncset.done $0x0  }
0x11d: {  	[sflag:s21] =	ssyncadd.s32 $0xFFFFFC00  }
0x11e: {  	_ =	swait.ge [sflag:s21], $0x400  }
0x11f: {  	[sflag:s21] =	ssyncset.done $0x0  }
0x120: {  	[sflag:s21] =	ssyncadd.s32 $0xFFFFFC00  }
0x121: {  	_ =	swait.ge [sflag:s21], $0x400  }
0x122: {  	[sflag:s21] =	ssyncset.done $0x0  }
0x123: {  	[sflag:s21] =	ssyncadd.s32 $0xFFFFFC00  }
0x124: {  	_ =	swait.ge [sflag:s21], $0x400  }
0x125: {  	[sflag:s21] =	ssyncset.done $0x0  }
0x126: {  	[sflag:s21] =	ssyncadd.s32 $0xFFFFFC00  }
0x127: {  	_ =	swait.ge [sflag:s21], $0x400  }
0x128: {  	[sflag:s21] =	ssyncset.done $0x0  }
0x129: {  	[sflag:s21] =	ssyncadd.s32 $0xFFFFFC00  }
0x12a: {  	_ =	swait.ge [sflag:s21], $0x400  }
0x12b: {  	[sflag:s21] =	ssyncset.done $0x0  }
0x12c: {  	[sflag:s21] =	ssyncadd.s32 $0xFFFFFC00  }
0x12d: {  	_ =	swait.ge [sflag:s21], $0x400  }
0x12e: {  	[sflag:s21] =	ssyncset.done $0x0  }
0x12f: {  	[sflag:s21] =	ssyncadd.s32 $0xFFFFFC00  }
0x130: {  	_ =	swait.ge [sflag:s21], $0x400  }
0x131: {  	[sflag:s21] =	ssyncset.done $0x0  }
0x132: {  	[sflag:s21] =	ssyncadd.s32 $0xFFFFFC00  }
0x133: {  	_ =	swait.ge [sflag:s21], $0x400  }
0x134: {  	[sflag:s21] =	ssyncset.done $0x0  }
0x135: {  	[sflag:s21] =	ssyncadd.s32 $0xFFFFFC00  }
0x136: {  	_ =	swait.ge [sflag:s21], $0x400  }
0x137: {  	[sflag:s21] =	ssyncset.done $0x0  }
0x138: {  	[sflag:s21] =	ssyncadd.s32 $0xFFFFFC00  }
0x139: {  	s0 =	simm.s32 $0x7;
	_ =	swait.ge [sflag:s21], $0x400  }
0x13a: {  	s1 =	simm.s32 $0x1;
	v1 =	vor.u32 s0, v0;
	[sflag:s21] =	ssyncset.done $0x0  }
0x13b: {  	s7 =	simm.s32 $0x2;
	v2 =	vor.u32 s1, v0;
	[sflag:s21] =	ssyncadd.s32 $0xFFFFFC00  }
0x13c: {  	s10 =	simm.s32 $0x3;
	v3 =	vor.u32 s7, v0;
	_ =	swait.ge [sflag:s21], $0x400  }
0x13d: {  	s25 =	simm.s32 $0x4;
	v4 =	vor.u32 s10, v0;
	[sflag:s21] =	ssyncset.done $0x0  }
0x13e: {  	s31 =	simm.s32 $0x5;
	v5 =	vor.u32 s25, v0;
	[sflag:s21] =	ssyncadd.s32 $0xFFFFFC00  }
0x13f: {  	v6 =	vor.u32 s31, v0;
	s1 =	simm.s32 $0x6;
	v1 =	vld.idx.msk [tilespmem:v1+s20+$0x0], $0xffff  }
0x140: {  	s10 =	simm.s32 $0xF;
	v7 =	vor.u32 s1, v0;
	v2 =	vld.idx.msk [tilespmem:v2+s20+$0x0], $0xffff  }
0x141: {  	s7 =	simm.s32 $0x0;
	v11 =	vor.u32 s10, v0;
	v9 =	vld.idx.msk [tilespmem:v3+s20+$0x0], $0xffff  }
0x142: {  	s31 =	simm.s32 $0xA;
	v8 =	vor.u32 s7, v0;
	v12 =	vld.idx.msk [tilespmem:v4+s20+$0x0], $0xffff  }
0x143: {  	s25 =	simm.s32 $0x9;
	v15 =	vor.u32 s31, v0;
	v14 =	vld.idx.msk [tilespmem:v5+s20+$0x0], $0xffff  }
0x144: {  	s29 =	simm.s32 $0xC040;
	v13 =	vor.u32 s25, v0;
	s1 =	simm.s32 $0xB;
	v5 =	vld.idx.msk [tilespmem:v6+s20+$0x0], $0xffff  }
0x145: {  	s7 =	simm.s32 $0xC;
	v10 =	vor.u32 s1, v0;
	v4 =	vld.idx.msk [tilespmem:v7+s20+$0x0], $0xffff;
	[tilespmem:s29+$0x30] =	vst v1  }
0x146: {  	s10 =	simm.s32 $0xD;
	[tilespmem:s29+$0xFFFFFFD0] =	vst v2;
	v1 =	vld.idx.msk [tilespmem:v11+s20+$0x0], $0xffff;
	v11 =	vor.u32 s7, v0  }
0x147: {  	s31 =	simm.s32 $0xE;
	v3 =	vld.idx.msk [tilespmem:v8+s20+$0x0], $0xffff;
	v8 =	vor.u32 s10, v0;
	[tilespmem:s29+$0xFFFFFFE0] =	vst v9  }
0x148: {  	s25 =	simm.s32 $0x8;
	v6 =	vld.idx.msk [tilespmem:v15+s20+$0x0], $0xffff;
	[tilespmem:s29+$0xFFFFFFF0] =	vst v12;
	v9 =	vor.u32 s31, v0  }
0x149: {  	s30 =	simm.s32 $0x17;
	s10 =	simm.s32 $0x18;
	v7 =	vor.u32 s25, v0;
	v2 =	vld.idx.msk [tilespmem:v13+s20+$0x0], $0xffff;
	s7 =	simm.s32 $0x10;
	[tilespmem:s29+$0x0] =	vst v14  }
.LBB2_15:
0x14a: {  	p1 =	slt.u32 s10, $0x3F8;
	s0 =	sadd.s32 $0x1, s7;
	v12 =	vor.u32 s30, v0;
	v13 =	vld.idx.msk [tilespmem:v10+s20+$0x0], $0xffff;
	[tilespmem:s29+$0x10] =	vst v5  }
0x14b: {  	v14 =	vor.u32 s0, v0;
	s0 =	sadd.s32 $0x2, s7;
	v15 =	vld.idx.msk [tilespmem:v11+s20+$0x0], $0xffff;
	[tilespmem:s29+$0x20] =	vst v4  }
0x14c: {  	v16 =	vor.u32 s0, v0;
	s0 =	sadd.s32 $0x3, s7;
	v5 =	vld.idx.msk [tilespmem:v8+s20+$0x0], $0xffff;
	[tilespmem:s29+$0xFFFFFFC0] =	vst v3;
	s29 =	sadd.s32 $0x80, s29  }
.Ltmp14:
0x14d: {  	v10 =	vor.u32 s0, v0;
	s0 =	sadd.s32 $0x4, s7;
	v4 =	vld.idx.msk [tilespmem:v9+s20+$0x0], $0xffff;
	[tilespmem:s29+$0x30] =	vst v1;
	(pc) =	sbr.rel @p1 .LBB2_15-.Ltmp14, $4  }
0x14e: {  	v11 =	vor.u32 s0, v0;
	s0 =	sadd.s32 $0x5, s7;
	v3 =	vld.idx.msk [tilespmem:v7+s20+$0x0], $0xffff;
	[tilespmem:s29+$0xFFFFFFD0] =	vst v2  }
0x14f: {  	v8 =	vor.u32 s0, v0;
	s0 =	sadd.s32 $0x6, s7;
	v1 =	vld.idx.msk [tilespmem:v12+s20+$0x0], $0xffff;
	[tilespmem:s29+$0xFFFFFFE0] =	vst v6  }
0x150: {  	v2 =	vld.idx.msk [tilespmem:v14+s20+$0x0], $0xffff;
	v9 =	vor.u32 s0, v0;
	[tilespmem:s29+$0xFFFFFFF0] =	vst v13  }
0x151: {  	s30 =	sadd.s32 $0x7, s10;
	v7 =	vor.u32 s7, v0;
	s7 =	smov.u32 s10;
	s10 =	sadd.s32 $0x8, s10;
	v6 =	vld.idx.msk [tilespmem:v16+s20+$0x0], $0xffff;
	[tilespmem:s29+$0x0] =	vst v15  }
0x152: {  	_ =	sdelay $0x2  }
0x153: {  	[tilespmem:s29+$0x10] =	vst v5  }
0x154: {  	v57 =	vor.u32 s30, v0;
	v10 =	vld.idx.msk [tilespmem:v10+s20+$0x0], $0xffff;
	[tilespmem:s29+$0x20] =	vst v4  }
0x155: {  	s0 =	sadd.s32 $0x1, s7;
	v11 =	vld.idx.msk [tilespmem:v11+s20+$0x0], $0xffff;
	s1 =	sadd.s32 $0x80, s29;
	v61 =	vor.u32 s7, v0;
	[tilespmem:s29+$0xFFFFFFC0] =	vst v3  }
0x156: {  	s25 =	sadd.s32 $0x2, s7;
	v8 =	vld.idx.msk [tilespmem:v8+s20+$0x0], $0xffff;
	v58 =	vor.u32 s0, v0;
	[tilespmem:s1+$0x30] =	vst v1  }
0x157: {  	v9 =	vld.idx.msk [tilespmem:v9+s20+$0x0], $0xffff;
	s10 =	sadd.s32 $0x5, s7;
	v3 =	vor.u32 s25, v0;
	[tilespmem:s1+$0xFFFFFFD0] =	vst v2  }
0x158: {  	s30 =	sadd.s32 $0x3, s7;
	v7 =	vld.idx.msk [tilespmem:v7+s20+$0x0], $0xffff;
	v59 =	vor.u32 s10, v0;
	[tilespmem:s1+$0xFFFFFFE0] =	vst v6  }
0x159: {  	s25 =	sadd.s32 $0x6, s7;
	v1 =	vor.u32 s30, v0;
	v5 =	vld.idx.msk [tilespmem:v57+s20+$0x0], $0xffff;
	[tilespmem:s1+$0xFFFFFFF0] =	vst v10  }
0x15a: {  	s31 =	sadd.s32 $0x4, s7;
	v60 =	vor.u32 s25, v0;
	[tilespmem:s1+$0x0] =	vst v11;
	v63 =	vld.idx.msk [tilespmem:v61+s20+$0x0], $0xffff  }
0x15b: {  	v2 =	vor.u32 s31, v0;
	[tilespmem:s1+$0x10] =	vst v8;
	v4 =	vld.idx.msk [tilespmem:v58+s20+$0x0], $0xffff  }
0x15c: {  	[tilespmem:s1+$0x20] =	vst v9;
	v3 =	vld.idx.msk [tilespmem:v3+s20+$0x0], $0xffff  }
0x15d: {  	s29 =	sadd.s32 $0x80, s1;
	[tilespmem:s1+$0xFFFFFFC0] =	vst v7;
	v6 =	vld.idx.msk [tilespmem:v59+s20+$0x0], $0xffff  }
0x15e: {  	v1 =	vld.idx.msk [tilespmem:v1+s20+$0x0], $0xffff;
	[tilespmem:s29+$0x30] =	vst v5  }
0x15f: {  	v62 =	vld.idx.msk [tilespmem:v60+s20+$0x0], $0xffff;
	[tilespmem:s29+$0xFFFFFFC0] =	vst v63  }
0x160: {  	v2 =	vld.idx.msk [tilespmem:v2+s20+$0x0], $0xffff;
	[tilespmem:s29+$0xFFFFFFD0] =	vst v4  }
0x161: {  	[tilespmem:s29+$0xFFFFFFE0] =	vst v3  }
.Ltmp15:
0x162: {  	s30 =	sshll.u32 s26, $0x13;
	[tilespmem:s29+$0x10] =	vst v6;
	(pc) =	sbr.rel .LBB2_17-.Ltmp15, $4  }
0x163: {  	s1 =	sor.u32 s2, s30;
	[tilespmem:s29+$0xFFFFFFF0] =	vst v1  }
0x164: {  	s1 =	sshrl.u32 s1, $0x3;
	[tilespmem:s29+$0x20] =	vst v62  }
0x165: {  	s31 =	sadd.s32 s3, s1;
	[tilespmem:s29+$0x0] =	vst v2  }
0x166: {  	[hbm4b:s31+s4] =	stream.linear.scatter [tilespmem:s22], [sflag:$0x4], $0x4000, $0x38;
	[tilespmem:$0x10400] =	vst v63  }
.LBB2_19:
0x167: {  	_ =	sfence.sel $0x180000  }
0x168: {  	[bflag:$0x0] =	sbarrier.arrive $0xFFFF  }
0x169: {  	_ =	strace $0x90000047  }
0x16a: {  	s0 =	stileid.u32;
	[bflag:$0x2] =	sbarrier.arrive $0xFFFF  }
0x16b: {  	p0 =	sne.s32 s0, $0x0;
	s0 =	rddreg [dreg:$0x3]  }
0x16c: {  	s0 =	sadd.s32 @!p0 $0x100000, s0  }
0x16d: {  	[sflag:s0] =	ssyncadd.tile.s32 @!p0 $0x1;
	_ =	shalt  }
.Lfunc_end2:
_tile_overlayer_lowered:
.L_overlay_start_2:
0x16e: {  	(tag) =	ssettag $0x2  }
0x16f: {  	s0 =	rddreg [dreg:$0x0];
	s2 =	stileid.u32  }
0x170: {  	s1 =	rddreg [dreg:$0x1];
	p0 =	sne.s32 s2, $0x0  }
0x171: {  	s3 =	rddreg [dreg:$0x2];
	[bflag:$0x3] =	sbarrier.arrive $0xFFFF;
	s2 =	simm.s32 @!p0 $0x1C05  }
0x172: {  	[timem:s3], [sflag:s2] =	dma.local @!p0 [hbm:s0], s1  }
0x173: {  	s0 =	simm.s32 @!p0 $0x5  }
0x174: {  	_ =	swait.ge @!p0 [sflag:s0], s1  }
0x175: {  	s1 =	ssub.s32 @!p0 $0x0, s1;
	[sflag:s0] =	ssyncset.done @!p0 $0x0  }
0x176: {  	[sflag:s0] =	ssyncadd.s32 @!p0 s1  }
0x177: {  	[bflag:$0x3] =	sbarrier.arrive $0xFFFF  }
0x178: {  	_ =	shalt  }

// kernel: kernel.7.cloned.1.call-start
scs
__scs_entry_jumppad:
0x0: {  	(pc) =	sbr.rel $0x88, $3  }
0x1: {  	(tag) =	ssettag $0x0;
	lr =	simm.s32 $0x1  }
0x2: {  	[smem:$0x3F9D] =	sst lr;
	_ =	strace $0xD0000000  }
0x3: {  	_ = 	snop  }
0x4: {  	_ = 	snop  }
0x5: {  	_ = 	snop  }
0x6: {  	_ = 	snop  }
0x7: {  	_ = 	snop  }
__scs_overlays_trampoline_lowered:
0x8: {  	[smem:$0x3FAC] =	sst s0  }
0x9: {  	[smem:$0x3FAD] =	sst s1  }
0xa: {  	[smem:$0x3FAE] =	sst s2  }
0xb: {  	[smem:$0x3FAF] =	sst s3  }
0xc: {  	[smem:$0x3FB0] =	sst s4  }
0xd: {  	[smem:$0x3FB1] =	sst s5  }
0xe: {  	[smem:$0x3FB2] =	sst s6  }
0xf: {  	[smem:$0x3FB3] =	sst s7  }
0x10: {  	[smem:$0x3FB4] =	sst s8  }
0x11: {  	[smem:$0x3FB5] =	sst s9;
	s0 =	simm.s32 @!p0 $0x0  }
0x12: {  	s1 =	sld [smem:$0x3F9B];
	s0 =	simm.s32 @p0 $0x1  }
0x13: {  	[smem:$0x3FB6] =	sst s0;
	s0 =	simm.s32 @!p1 $0x0  }
0x14: {  	s2 =	sld [smem:$0x3F9A];
	s0 =	simm.s32 @p1 $0x1  }
0x15: {  	[smem:$0x3FB7] =	sst s0;
	s0 =	simm.s32 @!p2 $0x0  }
0x16: {  	s3 =	sld [smem:$0x3FDB];
	s0 =	simm.s32 @p2 $0x1  }
0x17: {  	s4 =	simm.s32 $0x1BF5;
	[smem:$0x3FB9] =	sst s0  }
0x18: {  	s0 =	sld [smem:$0x3F9C];
	_ =	swait.ge [sflag:s4], $0x0  }
0x19: {  	s7 =	sld [smem:$0x3F9D]  }
0x1a: {  	s8 =	sadd.s32 $0xFFFFE003, lr  }
0x1b: {  	s9 =	sadd.s32 $0xFFFFFEF7, lr;
	s5 =	simm.s32 $0xFFFFFFFF;
	p2 =	slt.u32 s8, $0xFFFFF086  }
0x1c: {  	p1 =	slt.u32 s9, $0xF7A;
	s5 =	simm.s32 @!p2 $0x0  }
0x1d: {  	s5 =	simm.s32 @p1 $0x1;
	p0 =	seq.s32 s7, s2  }
0x1e: {  	s7 =	smul.u32 @!p0 $0xF7A, s2;
	p2 =	seq.s32 @!p0 s5, $0x0  }
0x1f: {  	s9 =	smul.u32 $0xF7A, s1;
	s8 =	simm.s32 @!p0 $0x1BF5;
	p2 =	por !p2, p0  }
0x20: {  	[sflag:s8] =	ssyncset.s32 @!p0 $0xFFFFF086;
	s6 =	sadd.s32 @!p0 s3, s7;
	s7 =	simm.s32 @!p0 $0x108  }
0x21: {  	s3 =	sadd.s32 s3, s9;
	s6 =	sadd.s32 @!p0 $0x88, s6;
	s7 =	simm.s32 @p2 $0x1082  }
0x22: {  	[simem:s7], [sflag:s8] =	dma.local @!p0 [hbm:s6], $0xF7A  }
0x23: {  	s9 =	sor.u32 $0xD0000000, s2;
	s6 =	simm.s32 $0x108;
	_ =	swait.ge @!p0 [sflag:s8], $0x0  }
0x24: {  	s3 =	sadd.s32 $0x88, s3;
	s6 =	simm.s32 @!p1 $0x1082;
	[sflag:s4] =	ssyncset.s32 $0xFFFFF086  }
0x25: {  	[simem:s6], [sflag:s4] =	dma.local [hbm:s3], $0xF7A  }
0x26: {  	[smem:$0x3F9D] =	sst s1;
	(tag) =	ssettag s2;
	_ =	strace s9  }
0x27: {  	s1 =	sld [smem:$0x3FAD]  }
0x28: {  	s2 =	sld [smem:$0x3FAE]  }
0x29: {  	s4 =	sld [smem:$0x3FB0]  }
0x2a: {  	p0 =	seq.s32 s5, $0x0;
	s5 =	sld [smem:$0x3FB1]  }
0x2b: {  	s6 =	sld [smem:$0x3FB2]  }
0x2c: {  	s7 =	sld [smem:$0x3FB3]  }
0x2d: {  	s3 =	simm.s32 $0x108;
	s8 =	sld [smem:$0x3FB4]  }
0x2e: {  	s3 =	simm.s32 @!p0 $0x1082;
	s9 =	sld [smem:$0x3FB5]  }
0x2f: {  	lr =	sadd.s32 s0, s3;
	s0 =	sld [smem:$0x3FAC]  }
0x30: {  	s3 =	sld [smem:$0x3FAF]  }
0x31: {  	[smem:$0x3FB8] =	sst s10  }
0x32: {  	s10 =	sld [smem:$0x3FB6];
	_ =	sdelay $0x3  }
0x33: {  	p0 =	seq.s32 s10, $0x1;
	s10 =	sld [smem:$0x3FB8];
	_ =	sdelay $0x3  }
0x34: {  	[smem:$0x3FB8] =	sst s10  }
0x35: {  	s10 =	sld [smem:$0x3FB7];
	_ =	sdelay $0x3  }
0x36: {  	p1 =	seq.s32 s10, $0x1;
	s10 =	sld [smem:$0x3FB8];
	_ =	sdelay $0x3  }
0x37: {  	[smem:$0x3FB8] =	sst s10  }
0x38: {  	s10 =	sld [smem:$0x3FB9]  }
0x39: {  	_ = 	snop;
	(pc) =	sbr.ind lr, $3  }
0x3a: {  	_ = 	snop  }
0x3b: {  	_ = 	snop  }
0x3c: {  	p2 =	seq.s32 s10, $0x1;
	s10 =	sld [smem:$0x3FB8]  }
0x3d: {  	_ =	shalt  }
0x3e: {  	_ =	shalt  }
0x3f: {  	_ =	shalt  }
0x40: {  	_ =	shalt  }
0x41: {  	_ =	shalt  }
0x42: {  	_ =	shalt  }
0x43: {  	_ =	shalt  }
0x44: {  	_ =	shalt  }
0x45: {  	_ =	shalt  }
0x46: {  	_ =	shalt  }
0x47: {  	_ =	shalt  }
0x48: {  	_ =	shalt  }
0x49: {  	_ =	shalt  }
0x4a: {  	_ =	shalt  }
0x4b: {  	_ =	shalt  }
0x4c: {  	_ =	shalt  }
0x4d: {  	_ =	shalt  }
0x4e: {  	_ =	shalt  }
0x4f: {  	_ =	shalt  }
0x50: {  	_ =	shalt  }
0x51: {  	_ =	shalt  }
0x52: {  	_ =	shalt  }
0x53: {  	_ =	shalt  }
0x54: {  	_ =	shalt  }
0x55: {  	_ =	shalt  }
0x56: {  	_ =	shalt  }
0x57: {  	_ =	shalt  }
0x58: {  	_ =	shalt  }
0x59: {  	_ =	shalt  }
0x5a: {  	_ =	shalt  }
0x5b: {  	_ =	shalt  }
0x5c: {  	_ =	shalt  }
0x5d: {  	_ =	shalt  }
0x5e: {  	_ =	shalt  }
0x5f: {  	_ =	shalt  }
0x60: {  	_ =	shalt  }
0x61: {  	_ =	shalt  }
0x62: {  	_ =	shalt  }
0x63: {  	_ =	shalt  }
0x64: {  	_ =	shalt  }
0x65: {  	_ =	shalt  }
0x66: {  	_ =	shalt  }
0x67: {  	_ =	shalt  }
0x68: {  	_ =	shalt  }
0x69: {  	_ =	shalt  }
0x6a: {  	_ =	shalt  }
0x6b: {  	_ =	shalt  }
0x6c: {  	_ =	shalt  }
0x6d: {  	_ =	shalt  }
0x6e: {  	_ =	shalt  }
0x6f: {  	_ =	shalt  }
0x70: {  	_ =	shalt  }
0x71: {  	_ =	shalt  }
0x72: {  	_ =	shalt  }
0x73: {  	_ =	shalt  }
0x74: {  	_ =	shalt  }
0x75: {  	_ =	shalt  }
0x76: {  	_ =	shalt  }
0x77: {  	_ =	shalt  }
0x78: {  	_ =	shalt  }
0x79: {  	_ =	shalt  }
0x7a: {  	_ =	shalt  }
0x7b: {  	_ =	shalt  }
0x7c: {  	_ =	shalt  }
0x7d: {  	_ =	shalt  }
0x7e: {  	_ =	shalt  }
0x7f: {  	_ =	shalt  }
0x80: {  	_ =	shalt  }
0x81: {  	_ =	shalt  }
0x82: {  	_ =	shalt  }
0x83: {  	_ =	shalt  }
0x84: {  	_ =	shalt  }
0x85: {  	_ =	shalt  }
0x86: {  	_ =	shalt  }
0x87: {  	_ =	shalt  }
.Lfunc_end0:
.L_simem_size_0:
called_computation.1_lowered:
.L_overlay_start_0:
0x88: {  	s2 =	sld [smem:$0x3FD9]  }
0x89: {  	s3 =	sld [smem:$0x3FFE];
	_ =	sdelay $0x1  }
0x8a: {  	s1 =	srdreg.scid  }
0x8b: {  	s0 =	sand.u32 $0x1, s1  }
0x8c: {  	s17 =	sshll.u32 s0, $0xA;
	s2 =	sadd.s32 s3, s2  }
0x8d: {  	s2 =	sadd.s32 s2, s17  }
0x8e: {  	[smem:$0x3FC4] =	sst s2  }
0x8f: {  	_ = 	snop  }
0x90: {  	s2 =	sld [smem:$0x3FD0];
	(tm) =	ssettm $0x1  }
0x91: {  	s18 =	sld [smem:$0x3FFB];
	_ =	sdelay $0x3  }
0x92: {  	_ =	strace s18  }
0x93: {  	s3 =	sld [smem:$0x3FFC];
	_ =	sdelay $0x3  }
0x94: {  	_ =	strace s3  }
0x95: {  	s3 =	sld [smem:$0x3FFD];
	_ =	sdelay $0x3  }
0x96: {  	_ =	strace s3  }
0x97: {  	_ =	strace $0x8FFFFFFF  }
0x98: {  	s19 =	sld [smem:$0x3FDB];
	_ =	sdelay $0x1  }
0x99: {  	s4 =	simm.s32 $_scs_section_size  }
0x9a: {  	s5 =	simm.s32 $_size__tile_overlayer_lowered;
	s6 =	simm.s32 $_tile_overlayer_lowered  }
0x9b: {  	s22 =	simm.s32 $0x1BFF;
	s21 =	sshll.u32 s6, $0x1;
	s3 =	sadd.s32 s4, s19  }
0x9c: {  	s7 =	simm.s32 $0x0;
	s20 =	sshll.u32 s5, $0x1;
	s5 =	sadd.s32 s21, s3  }
0x9d: {  	[timem:s7], [sflag:s22] =	dma.local [hbm:s5], s20  }
0x9e: {  	_ =	swait.ge [sflag:s22], s20  }
0x9f: {  	s4 =	ssub.s32 $0x0, s20;
	[sflag:s22] =	ssyncset.done $0x0  }
0xa0: {  	[sflag:s22] =	ssyncadd.s32 s4;
	_ =	sdelay $0x1  }
0xa1: {  	s23 =	simm.s32 $0x1B8B  }
0xa2: {  	_ =	swait.ge [sflag:s23], $0x1  }
0xa3: {  	[sflag:s23] =	ssyncset.done $0x0  }
0xa4: {  	s25 =	simm.s32 $0x1B8E;
	s24 =	sld [smem:$0x3FFE];
	[sflag:s23] =	ssyncadd.s32 $0xFFFFFFFF  }
0xa5: {  	s26 =	simm.s32 $execute0_lowered;
	[smem:$0x3FD2] =	sst s25  }
0xa6: {  	s5 =	sshll.u32 s26, $0x1;
	_ =	strace $0x80000049;
	[dreg:$0x1] =	wrdreg $0xFFFFFFFF  }
0xa7: {  	s28 =	simm.s32 $_size_execute0_lowered;
	s3 =	sadd.s32 s3, s5;
	[dreg:$0x0] =	wrdreg $0x0  }
0xa8: {  	s5 =	sshll.u32 s28, $0x1;
	[dreg:$0x2] =	wrdreg s3  }
0xa9: {  	[dreg:$0x3] =	wrdreg s5  }
0xaa: {  	[dreg:$0x4] =	wrdreg $0xC0  }
0xab: {  	_ =	task [dreg:s7], $0x5FFFF  }
0xac: {  	[dreg:$0x1] =	wrdreg $0xFFFFFFFF  }
0xad: {  	[dreg:$0x0] =	wrdreg $0x60  }
0xae: {  	[dreg:$0x2] =	wrdreg s24  }
0xaf: {  	[dreg:$0x3] =	wrdreg s2  }
0xb0: {  	[dreg:$0x4] =	wrdreg $0x9  }
0xb1: {  	_ =	task.clear_ibuf [dreg:s7], $0x5FFFF;
	_ =	strace $0x90000049  }
0xb2: {  	s29 =	simm.s32 $0x9;
	_ =	strace $0x8000004B  }
0xb3: {  	_ =	swait.ge [sflag:s29], $0x1  }
0xb4: {  	[sflag:s29] =	ssyncadd.s32 $0xFFFFFFFF  }
0xb5: {  	_ =	strace $0x9000004B  }
0xb6: {  	_ =	sfence  }
0xb7: {  	s30 =	sld [smem:$0x0];
	_ =	sdelay $0x2  }
0xb8: {  	s31 =	sshll.u32 s1, $0xD;
	s1 =	sshrl.u32 s1, $0x2  }
0xb9: {  	s3 =	sand.u32 $0x4000, s31;
	s1 =	sadd.s32 s1, s30  }
0xba: {  	s0 =	sor.u32 s3, s0;
	s1 =	sshll.u32 s1, $0x11  }
0xbb: {  	s0 =	sor.u32 s1, s0  }
0xbc: {  	s0 =	sadd.s32 $0x8F2B, s0  }
0xbd: {  	[sflag:s0] =	ssyncadd.remote.s32 $0x1  }
0xbe: {  	_ =	sfence.sel $0xFFFF  }
0xbf: {  	[dreg:$0x0] =	wrdreg $0xFFFFFFFF;
	(pc) =	sbr.abs _section_cstart, $3  }
0xc0: {  	[dreg:$0x1] =	wrdreg $0xFFFFFFFF  }
0xc1: {  	_ =	task.clear_ibuf [dreg:s7], $0x2FFFF;
	_ =	strace $0x9FFFFFFF  }
0xc2: {  	(tm) =	ssettm $0x7FFFFFFF  }
0xc3: {  	_ =	shalt  }
tec
execute0_lowered:
.L_overlay_start_1:
0x0: {  	(tag) =	ssettag $0x1  }
0x1: {  	s6 =	rddreg [dreg:$0x0]  }
0x2: {  	s1 =	rddreg [dreg:$0x1]  }
0x3: {  	s0 =	rddreg [dreg:$0x2];
	s2 =	simm.s32 $0x0  }
0x4: {  	s3 =	srdreg.scid;
	s10 =	simm.s32 $0x80;
	s11 =	simm.s32 $0x1  }
0x5: {  	s12 =	simm.s32 $0x2;
	s13 =	simm.s32 $0xEA00;
	s14 =	simm.s32 $0x0  }
0x6: {  	[smem:$0x7FF] =	sst s2;
	s7 =	sand.u32 $0x1, s3;
	s4 =	sadd.s32 $0x4F6C00, s6  }
0x7: {  	s5 =	sadd.s32 $0x1200, s6;
	s3 =	stileid.u32;
	s8 =	ssub.s32 $0x2, s7  }
0x8: {  	s6 =	sadd.s32 $0x503C00, s6;
	_ =	strace $0x8000004A;
	s9 =	sshrl.u32 s8, $0x1  }
0x9: {  	s31 =	sshll.u32 s3, $0xA;
	s7 =	sshll.u32 s7, $0x9;
	s8 =	ssub.s32 s8, s9  }
0xa: {  	v0 =	vlaneseq.u32;
	v1 =	vimm.f32 $0.0e+00;
	s7 =	sor.u32 s7, s31;
	s9 =	simm.s32 $0x3;
	s8 =	smax.u32 s8, $0x1  }
.LBB2_1:
0xb: {  	s15 =	simm.s32 $0x0  }
.LBB2_2:
0xc: {  	s18 =	simm.s32 $0x0  }
0xd: {  	s16 =	sshll.u32 s15, $0x7;
	s26 =	simm.s32 $0x70;
	v2 =	vor.u32 s18, v0  }
0xe: {  	s28 =	simm.s32 $0x10;
	s16 =	sadd.s32 s7, s16;
	v4 =	vor.u32 s26, v0;
	v3 =	vmulhi.u32 $0x4EC4EC4F, v2  }
0xf: {  	s19 =	simm.s32 $0x20;
	v5 =	vor.u32 s28, v0;
	s17 =	smul.u32 $0x1A, s16;
	v7 =	vmulhi.u32 $0x4EC4EC4F, v4  }
0x10: {  	s29 =	simm.s32 $0x30;
	v6 =	vor.u32 s19, v0;
	v12 =	vmulhi.u32 $0x4EC4EC4F, v5  }
0x11: {  	s30 =	simm.s32 $0x40;
	v8 =	vor.u32 s29, v0;
	v13 =	vmulhi.u32 $0x4EC4EC4F, v6;
	s17 =	sshrl.u32 s17, $0x3  }
0x12: {  	s31 =	simm.s32 $0x50;
	s20 =	simm.s32 $0x60;
	v9 =	vor.u32 s30, v0;
	v15 =	vmulhi.u32 $0x4EC4EC4F, v8;
	s17 =	sadd.s32 s4, s17  }
0x13: {  	v10 =	vor.u32 s31, v0;
	v16 =	vmulhi.u32 $0x4EC4EC4F, v9;
	[tilespmem:s18], [sflag:$0x3] =	stream.linear.gather [hbm4b:s17+s18], $0xD00, $0x38;
	[tilespmem:$0xEA80] =	vst v63  }
0x14: {  	v11 =	vor.u32 s20, v0;
	v57 =	vmulhi.u32 $0x4EC4EC4F, v10;
	_ =	swait.ge [sflag:s9], $0xD00  }
0x15: {  	v18 =	vmulhi.u32 $0x4EC4EC4F, v11;
	v7 =	vshrl.u32 v7, $0x3;
	[sflag:s9] =	ssyncset.done $0x0  }
0x16: {  	v3 =	vshrl.u32 v3, $0x3;
	v12 =	vshrl.u32 v12, $0x3;
	v13 =	vshrl.u32 v13, $0x3;
	s17 =	simm.s32 $0x40;
	[sflag:s9] =	ssyncadd.s32 $0xFFFFF300  }
0x17: {  	v16 =	vshrl.u32 v16, $0x3;
	v18 =	vshrl.u32 v18, $0x3;
	v7 =	vmul.u32 $0x1A, v7;
	v14 =	vld [tilespmem:s17+$0x30]  }
0x18: {  	v3 =	vmul.u32 $0x1A, v3;
	v12 =	vmul.u32 $0x1A, v12;
	v13 =	vmul.u32 $0x1A, v13;
	v17 =	vld [tilespmem:s17+$0xFFFFFFD0]  }
0x19: {  	v4 =	vsub.s32 v4, v7;
	v7 =	vshrl.u32 v15, $0x3;
	v15 =	vshrl.u32 v57, $0x3;
	v19 =	vld [tilespmem:s17+$0xFFFFFFE0]  }
0x1a: {  	v16 =	vmul.u32 $0x1A, v16;
	v60 =	vmul.u32 $0x1A, v18;
	v59 =	vmul.u32 $0x1A, v15;
	v58 =	vld [tilespmem:s17+$0xFFFFFFF0]  }
0x1b: {  	v5 =	vsub.s32 v5, v12;
	v6 =	vsub.s32 v6, v13;
	v7 =	vmul.u32 $0x1A, v7;
	v20 =	vld [tilespmem:s17+$0x0]  }
0x1c: {  	v3 =	vsub.s32 v2, v3;
	v4 =	vmul.u32 $0x186A0, v4;
	v61 =	vld [tilespmem:s17+$0x10];
	v2 =	vsub.s32 v10, v59  }
0x1d: {  	v7 =	vsub.s32 v8, v7;
	v8 =	vsub.s32 v9, v16;
	v63 =	vmul.u32 $0x186A0, v2;
	v2 =	vld [tilespmem:s17+$0xFFFFFFC0]  }
0x1e: {  	v9 =	vsub.s32 v11, v60;
	v11 =	vmul.u32 $0x186A0, v7;
	v7 =	vmul.u32 $0x186A0, v3;
	v3 =	vld [tilespmem:s17+$0x20]  }
0x1f: {  	v6 =	vmul.u32 $0x186A0, v6;
	v10 =	vmul.u32 $0x186A0, v5  }
0x20: {  	v62 =	vmul.u32 $0x186A0, v8;
	v4 =	vadd.s32 v4, v14  }
0x21: {  	s21 =	simm.s32 $0x80;
	v5 =	vmul.u32 $0x186A0, v9;
	v9 =	vadd.s32 v6, v19;
	[tilespmem:s17+$0x30] =	vst v4;
	v4 =	vadd.s32 v10, v17  }
0x22: {  	s19 =	simm.s32 $0x0;
	s20 =	simm.s32 $0x40;
	s18 =	simm.s32 $0xD00;
	v8 =	vadd.s32 v11, v58;
	v6 =	vadd.s32 v62, v20;
	[tilespmem:s17+$0xFFFFFFD0] =	vst v4;
	v4 =	vadd.s32 v63, v61  }
.LBB2_3:
0x23: {  	v10 =	vor.u32 s21, v0;
	s22 =	sadd.s32 $0x10, s21;
	s23 =	sadd.s32 $0x70, s21;
	s19 =	sadd.s32 $0x8, s19;
	v2 =	vadd.s32 v7, v2;
	[tilespmem:s17+$0xFFFFFFE0] =	vst v9;
	v3 =	vadd.s32 v5, v3  }
0x24: {  	s24 =	sadd.s32 $0x30, s21;
	v5 =	vmulhi.u32 $0x4EC4EC4F, v10;
	v7 =	vor.u32 s22, v0;
	s22 =	sadd.s32 $0x20, s21;
	v9 =	vor.u32 s23, v0;
	p0 =	slt.u32 s19, $0xC8;
	[tilespmem:s17+$0xFFFFFFF0] =	vst v8  }
0x25: {  	v11 =	vor.u32 s24, v0;
	s23 =	sadd.s32 $0x50, s21;
	s24 =	sadd.s32 $0x60, s21;
	v8 =	vor.u32 s22, v0;
	s22 =	sadd.s32 $0x40, s21;
	v12 =	vmulhi.u32 $0x4EC4EC4F, v9;
	[tilespmem:s17+$0x0] =	vst v6  }
0x26: {  	v13 =	vor.u32 s23, v0;
	v14 =	vor.u32 s24, v0;
	v6 =	vor.u32 s22, v0;
	[tilespmem:s17+$0x10] =	vst v4  }
0x27: {  	v4 =	vshrl.u32 v5, $0x3;
	v5 =	vmulhi.u32 $0x4EC4EC4F, v7;
	s17 =	sadd.s32 $0x80, s17;
	v12 =	vshrl.u32 v12, $0x3;
	[tilespmem:s20+$0x20] =	vst v3  }
0x28: {  	v4 =	vmul.u32 $0x1A, v4;
	v3 =	vmulhi.u32 $0x4EC4EC4F, v8;
	v12 =	vmul.u32 $0x1A, v12;
	v15 =	vld [tilespmem:s17+$0x30];
	[tilespmem:s20+$0xFFFFFFC0] =	vst v2;
	s20 =	smov.u32 s17  }
0x29: {  	v16 =	vmulhi.u32 $0x4EC4EC4F, v11;
	v5 =	vshrl.u32 v5, $0x3;
	v2 =	vld [tilespmem:s17+$0xFFFFFFC0]  }
0x2a: {  	v18 =	vmulhi.u32 $0x4EC4EC4F, v6;
	v3 =	vshrl.u32 v3, $0x3;
	v17 =	vld [tilespmem:s17+$0xFFFFFFD0];
	v9 =	vsub.s32 v9, v12  }
0x2b: {  	v19 =	vmulhi.u32 $0x4EC4EC4F, v13;
	v16 =	vshrl.u32 v16, $0x3;
	v12 =	vld [tilespmem:s17+$0xFFFFFFE0];
	v9 =	vmul.u32 $0x186A0, v9  }
0x2c: {  	v21 =	vmulhi.u32 $0x4EC4EC4F, v14;
	v5 =	vmul.u32 $0x1A, v5;
	v18 =	vshrl.u32 v18, $0x3;
	v20 =	vld [tilespmem:s17+$0xFFFFFFF0]  }
0x2d: {  	v22 =	vmul.u32 $0x1A, v3;
	v3 =	vshrl.u32 v19, $0x3;
	v23 =	vld [tilespmem:s17+$0x0];
	v9 =	vadd.s32 v9, v15  }
0x2e: {  	v19 =	vshrl.u32 v21, $0x3;
	v15 =	vmul.u32 $0x1A, v16;
	v16 =	vmul.u32 $0x1A, v18;
	v18 =	vld [tilespmem:s17+$0x10];
	[tilespmem:s17+$0x30] =	vst v9  }
0x2f: {  	v5 =	vsub.s32 v7, v5;
	v7 =	vmul.u32 $0x1A, v3;
	v9 =	vmul.u32 $0x1A, v19;
	v3 =	vld [tilespmem:s17+$0x20]  }
0x30: {  	v8 =	vsub.s32 v8, v22;
	v11 =	vsub.s32 v11, v15;
	v6 =	vsub.s32 v6, v16  }
.Ltmp0:
0x31: {  	v4 =	vsub.s32 v10, v4;
	v7 =	vsub.s32 v13, v7;
	v9 =	vsub.s32 v14, v9;
	(pc) =	sbr.rel @p0 .LBB2_3-.Ltmp0, $4  }
0x32: {  	v10 =	vmul.u32 $0x186A0, v5;
	v8 =	vmul.u32 $0x186A0, v8;
	v11 =	vmul.u32 $0x186A0, v11  }
0x33: {  	v13 =	vmul.u32 $0x186A0, v7;
	v6 =	vmul.u32 $0x186A0, v6;
	v5 =	vmul.u32 $0x186A0, v9  }
0x34: {  	v7 =	vmul.u32 $0x186A0, v4;
	v4 =	vadd.s32 v10, v17;
	v9 =	vadd.s32 v8, v12  }
0x35: {  	s21 =	sadd.s32 $0x80, s21;
	v8 =	vadd.s32 v11, v20;
	v6 =	vadd.s32 v6, v23;
	[tilespmem:s17+$0xFFFFFFD0] =	vst v4;
	v4 =	vadd.s32 v13, v18  }
0x36: {  	[tilespmem:s17+$0xFFFFFFE0] =	vst v9  }
0x37: {  	[tilespmem:s17+$0xFFFFFFF0] =	vst v8  }
0x38: {  	[tilespmem:s17+$0x0] =	vst v6  }
0x39: {  	v3 =	vadd.s32 v5, v3;
	[tilespmem:s17+$0x10] =	vst v4  }
0x3a: {  	v2 =	vadd.s32 v7, v2;
	[tilespmem:s20+$0x20] =	vst v3  }
0x3b: {  	s19 =	simm.s32 $0x0;
	[tilespmem:s20+$0xFFFFFFC0] =	vst v2  }
0x3c: {  	[tilespmem:s18], [sflag:$0x1] =	stream.indirect.gather [hbm4b:s5+s10], $0x10, s19, s10, $0xb8;
	[tilespmem:$0xEA80] =	vst v63  }
0x3d: {  	s17 =	simm.s32 $0x200;
	s20 =	simm.s32 $0xDD00;
	s18 =	simm.s32 $0x1500  }
.LBB2_5:
0x3e: {  	[tilespmem:s20], [sflag:$0x2] =	stream.indirect.gather [hbm4b:s6+s10], $0x1, s19, s10, $0xb8;
	[tilespmem:$0xEA80] =	vst v63  }
0x3f: {  	s19 =	smov.u32 s17;
	p0 =	sne.s32 s17, $0x3200  }
.Ltmp1:
0x40: {  	s17 =	sadd.s32 $0x200, s17;
	(pc) =	sbr.rel @p0 .LBB2_5-.Ltmp1, $4  }
0x41: {  	_ = 	snop  }
0x42: {  	s19 =	sshra.s32 s19, $0x2  }
0x43: {  	[tilespmem:s18], [sflag:$0x1] =	stream.indirect.gather [hbm4b:s5+s10], $0x10, s19, s10, $0xb8;
	[tilespmem:$0xEA80] =	vst v63  }
0x44: {  	s20 =	sadd.s32 $0xDD00, s19;
	s18 =	sadd.s32 $0x800, s18  }
0x45: {  	[tilespmem:s20], [sflag:$0x2] =	stream.indirect.gather [hbm4b:s6+s10], $0x1, s19, s10, $0xb8;
	[tilespmem:$0xEA80] =	vst v63  }
0x46: {  	s17 =	simm.s32 $0x0  }
.LBB2_7:
0x47: {  	p0 =	sne.s32 s17, $0x1C0  }
.Ltmp2:
0x48: {  	_ = 	snop;
	(pc) =	sbr.rel @p0 .LBB2_7-.Ltmp2, $3  }
0x49: {  	_ =	sdelay $0x1  }
0x4a: {  	s18 =	sshra.s32 s17, $0x2  }
0x4b: {  	s17 =	sadd.s32 $0x40, s17;
	[tilespmem:s18+$0xEA00] =	vst v1  }
0x4c: {  	_ =	swait.ge [sflag:s11], $0x800  }
0x4d: {  	[sflag:s11] =	ssyncset.done $0x0  }
0x4e: {  	[sflag:s11] =	ssyncadd.s32 $0xFFFFF800  }
0x4f: {  	_ =	swait.ge [sflag:s12], $0x80  }
0x50: {  	s17 =	simm.s32 $0x19;
	[sflag:s12] =	ssyncset.done $0x0  }
.LBB2_9:
0x51: {  	p0 =	sne.s32 s17, $0x1;
	s17 =	sadd.s32 $0xFFFFFFFF, s17;
	[sflag:s12] =	ssyncadd.s32 $0xFFFFFF80  }
.Ltmp3:
0x52: {  	_ =	swait.ge [sflag:s11], $0x800;
	(pc) =	sbr.rel @p0 .LBB2_9-.Ltmp3, $4  }
0x53: {  	[sflag:s11] =	ssyncset.done $0x0  }
0x54: {  	[sflag:s11] =	ssyncadd.s32 $0xFFFFF800  }
0x55: {  	_ =	swait.ge [sflag:s12], $0x80  }
0x56: {  	[sflag:s12] =	ssyncset.done $0x0  }
0x57: {  	s18 =	simm.s32 $0x0  }
0x58: {  	v2 =	vor.u32 s18, v0  }
0x59: {  	v2 =	vmulhi.u32 $0x4EC4EC4F, v2  }
0x5a: {  	[sflag:s12] =	ssyncadd.s32 $0xFFFFFF80;
	s17 =	simm.s32 $0xDD00  }
0x5b: {  	s19 =	simm.s32 $0x10;
	v3 =	vld [tilespmem:s17+$0x0];
	v2 =	vshrl.u32 v2, $0x3  }
.LBB2_11:
0x5c: {  	p0 =	sne.s32 s19, $0xCF0  }
.Ltmp4:
0x5d: {  	_ = 	snop;
	(pc) =	sbr.rel @p0 .LBB2_11-.Ltmp4, $4  }
0x5e: {  	v4 =	vor.u32 s19, v0  }
0x5f: {  	v4 =	vmulhi.u32 $0x4EC4EC4F, v4  }
0x60: {  	s17 =	sadd.s32 $0x10, s17;
	[tilespmem:v2+s13+$0x0] =	vst.idx.add.f32.msk $0xffff, v3  }
0x61: {  	s19 =	sadd.s32 $0x10, s19;
	v2 =	vshrl.u32 v4, $0x3;
	v3 =	vld [tilespmem:s17+$0x0]  }
0x62: {  	_ =	sdelay $0x3  }
0x63: {  	s19 =	simm.s32 $0xEA0;
	[tilespmem:v2+s13+$0x0] =	vst.idx.add.f32.msk $0xffff, v3  }
0x64: {  	v2 =	vld [tilespmem:s19+$0x40]  }
0x65: {  	v3 =	vld [tilespmem:s19+$0xFFFFFE60]  }
0x66: {  	v4 =	vld [tilespmem:s19+$0x0]  }
0x67: {  	v5 =	vld [tilespmem:s19+$0xFFFFFE70]  }
0x68: {  	v6 =	vld [tilespmem:s19+$0x10]  }
0x69: {  	v7 =	vld [tilespmem:s19+$0xFFFFFE80]  }
0x6a: {  	v8 =	vld [tilespmem:s19+$0x20]  }
0x6b: {  	v10 =	vld [tilespmem:s19+$0x30];
	v9 =	vadd.f32 $0.0e+00, v3;
	v11 =	vadd.f32 $0.0e+00, v4  }
0x6c: {  	v13 =	vld [tilespmem:s19+$0xFFFFFE90];
	v12 =	vmul.f32 v5, v5;
	v3 =	vmul.f32 v3, v3  }
0x6d: {  	v14 =	vmul.f32 v6, v6;
	v5 =	vadd.f32 v5, v9;
	v6 =	vadd.f32 v6, v11  }
0x6e: {  	v4 =	vmul.f32 v4, v4;
	v9 =	vld [tilespmem:s19+$0xFFFFFEA0];
	v3 =	vadd.f32 v12, v3;
	v11 =	vmul.f32 v7, v7  }
0x6f: {  	v12 =	vld [tilespmem:s19+$0xFFFFFEB0];
	v5 =	vadd.f32 v7, v5;
	v6 =	vadd.f32 v8, v6  }
0x70: {  	v4 =	vadd.f32 v14, v4;
	v7 =	vld [tilespmem:s19+$0x50];
	v8 =	vmul.f32 v8, v8;
	v3 =	vadd.f32 v11, v3  }
0x71: {  	v14 =	vld [tilespmem:s19+$0xFFFFFEC0];
	v11 =	vmul.f32 v2, v2;
	v5 =	vadd.f32 v13, v5;
	v6 =	vadd.f32 v10, v6  }
0x72: {  	v13 =	vmul.f32 v13, v13;
	v4 =	vadd.f32 v8, v4;
	v8 =	vld [tilespmem:s19+$0x60];
	v10 =	vmul.f32 v10, v10  }
0x73: {  	v16 =	vld [tilespmem:s19+$0x70];
	v15 =	vmul.f32 v9, v9;
	v5 =	vadd.f32 v9, v5;
	v6 =	vadd.f32 v2, v6  }
0x74: {  	s17 =	simm.s32 $0x1;
	v9 =	vld [tilespmem:s19+$0xFFFFFED0];
	v3 =	vadd.f32 v13, v3;
	v13 =	vmul.f32 v12, v12;
	v4 =	vadd.f32 v10, v4  }
0x75: {  	v2 =	vmov s17;
	v10 =	vld [tilespmem:s19+$0x80];
	v5 =	vadd.f32 v12, v5;
	v6 =	vadd.f32 v7, v6  }
0x76: {  	v12 =	vld [tilespmem:s19+$0xFFFFFEE0];
	v7 =	vmul.f32 v7, v7;
	v3 =	vadd.f32 v15, v3;
	v4 =	vadd.f32 v11, v4  }
0x77: {  	v15 =	vmul.f32 v14, v14;
	v11 =	vld [tilespmem:s19+$0x90];
	v5 =	vadd.f32 v14, v5;
	v6 =	vadd.f32 v8, v6  }
0x78: {  	v14 =	vld [tilespmem:s19+$0xFFFFFEF0];
	v8 =	vmul.f32 v8, v8;
	v3 =	vadd.f32 v13, v3;
	v4 =	vadd.f32 v7, v4  }
0x79: {  	v7 =	vld [tilespmem:s19+$0xA0];
	v13 =	vmul.f32 v9, v9;
	v5 =	vadd.f32 v9, v5;
	v6 =	vadd.f32 v16, v6  }
0x7a: {  	v9 =	vld [tilespmem:s19+$0xFFFFFF00];
	v16 =	vmul.f32 v16, v16;
	v3 =	vadd.f32 v15, v3;
	v4 =	vadd.f32 v8, v4  }
0x7b: {  	v8 =	vld [tilespmem:s19+$0xB0];
	v15 =	vmul.f32 v12, v12;
	v5 =	vadd.f32 v12, v5;
	v6 =	vadd.f32 v10, v6  }
0x7c: {  	v12 =	vld [tilespmem:s19+$0xFFFFFF10];
	v10 =	vmul.f32 v10, v10;
	v3 =	vadd.f32 v13, v3;
	v4 =	vadd.f32 v16, v4  }
0x7d: {  	v16 =	vld [tilespmem:s19+$0xC0];
	v13 =	vmul.f32 v14, v14;
	v5 =	vadd.f32 v14, v5;
	v6 =	vadd.f32 v11, v6  }
0x7e: {  	v14 =	vld [tilespmem:s19+$0xFFFFFF20];
	v11 =	vmul.f32 v11, v11;
	v3 =	vadd.f32 v15, v3;
	v4 =	vadd.f32 v10, v4  }
0x7f: {  	v10 =	vld [tilespmem:s19+$0xD0];
	v15 =	vmul.f32 v9, v9;
	v5 =	vadd.f32 v9, v5;
	v6 =	vadd.f32 v7, v6  }
0x80: {  	v9 =	vld [tilespmem:s19+$0xFFFFFF30];
	v7 =	vmul.f32 v7, v7;
	v3 =	vadd.f32 v13, v3;
	v4 =	vadd.f32 v11, v4  }
0x81: {  	v11 =	vld [tilespmem:s19+$0xE0];
	v13 =	vmul.f32 v12, v12;
	v5 =	vadd.f32 v12, v5;
	v6 =	vadd.f32 v8, v6  }
0x82: {  	v12 =	vld [tilespmem:s19+$0xFFFFFF40];
	v8 =	vmul.f32 v8, v8;
	v3 =	vadd.f32 v15, v3;
	v4 =	vadd.f32 v7, v4  }
0x83: {  	v7 =	vld [tilespmem:s19+$0xF0];
	v15 =	vmul.f32 v14, v14;
	v5 =	vadd.f32 v14, v5;
	v6 =	vadd.f32 v16, v6  }
0x84: {  	v14 =	vld [tilespmem:s19+$0xFFFFFF50];
	v16 =	vmul.f32 v16, v16;
	v3 =	vadd.f32 v13, v3;
	v4 =	vadd.f32 v8, v4  }
0x85: {  	v8 =	vld [tilespmem:s19+$0x100];
	v13 =	vmul.f32 v9, v9;
	v5 =	vadd.f32 v9, v5;
	v6 =	vadd.f32 v10, v6  }
0x86: {  	v9 =	vld [tilespmem:s19+$0xFFFFFF60];
	v10 =	vmul.f32 v10, v10;
	v3 =	vadd.f32 v15, v3;
	v4 =	vadd.f32 v16, v4  }
0x87: {  	v16 =	vld [tilespmem:s19+$0x110];
	v15 =	vmul.f32 v12, v12;
	v5 =	vadd.f32 v12, v5;
	v6 =	vadd.f32 v11, v6  }
0x88: {  	v12 =	vld [tilespmem:s19+$0xFFFFFF70];
	v11 =	vmul.f32 v11, v11;
	v3 =	vadd.f32 v13, v3;
	v4 =	vadd.f32 v10, v4  }
0x89: {  	v10 =	vld [tilespmem:s19+$0x120];
	v13 =	vmul.f32 v14, v14;
	v5 =	vadd.f32 v14, v5;
	v6 =	vadd.f32 v7, v6  }
0x8a: {  	v14 =	vld [tilespmem:s19+$0xFFFFFF80];
	v7 =	vmul.f32 v7, v7;
	v3 =	vadd.f32 v15, v3;
	v4 =	vadd.f32 v11, v4  }
0x8b: {  	v11 =	vld [tilespmem:s19+$0x130];
	v15 =	vmul.f32 v9, v9;
	v5 =	vadd.f32 v9, v5;
	v6 =	vadd.f32 v8, v6  }
0x8c: {  	v9 =	vld [tilespmem:s19+$0xFFFFFF90];
	v8 =	vmul.f32 v8, v8;
	v3 =	vadd.f32 v13, v3;
	v4 =	vadd.f32 v7, v4  }
0x8d: {  	v7 =	vld [tilespmem:s19+$0x140];
	v13 =	vmul.f32 v12, v12;
	v5 =	vadd.f32 v12, v5;
	v6 =	vadd.f32 v16, v6  }
0x8e: {  	v12 =	vld [tilespmem:s19+$0xFFFFFFA0];
	v16 =	vmul.f32 v16, v16;
	v3 =	vadd.f32 v15, v3;
	v4 =	vadd.f32 v8, v4  }
0x8f: {  	v8 =	vld [tilespmem:s19+$0x150];
	v15 =	vmul.f32 v14, v14;
	v5 =	vadd.f32 v14, v5;
	v6 =	vadd.f32 v10, v6  }
0x90: {  	v14 =	vld [tilespmem:s19+$0xFFFFFFB0];
	v10 =	vmul.f32 v10, v10;
	v3 =	vadd.f32 v13, v3;
	v4 =	vadd.f32 v16, v4  }
0x91: {  	v13 =	vmul.f32 v9, v9;
	v5 =	vadd.f32 v9, v5;
	v9 =	vld [tilespmem:s19+$0xFFFFFFC0];
	v6 =	vadd.f32 v11, v6  }
0x92: {  	v11 =	vmul.f32 v11, v11;
	v3 =	vadd.f32 v15, v3;
	v4 =	vadd.f32 v10, v4;
	v10 =	vld [tilespmem:s19+$0x170]  }
0x93: {  	v16 =	vld [tilespmem:s19+$0x160];
	v15 =	vmul.f32 v12, v12;
	v5 =	vadd.f32 v12, v5;
	v6 =	vadd.f32 v7, v6  }
0x94: {  	s17 =	simm.s32 $0x11E0;
	v12 =	vld [tilespmem:s19+$0xFFFFFFD0];
	v7 =	vmul.f32 v7, v7;
	v3 =	vadd.f32 v13, v3;
	v4 =	vadd.f32 v11, v4  }
0x95: {  	v21 =	vld [tilespmem:s17+$0x10];
	v13 =	vmul.f32 v14, v14;
	v5 =	vadd.f32 v14, v5;
	v6 =	vadd.f32 v8, v6  }
0x96: {  	v14 =	vld [tilespmem:s19+$0xFFFFFFE0];
	v8 =	vmul.f32 v8, v8;
	v3 =	vadd.f32 v15, v3;
	v4 =	vadd.f32 v7, v4  }
0x97: {  	v11 =	vld [tilespmem:s19+$0x180];
	v15 =	vmul.f32 v9, v9;
	v7 =	vmul.f32 v10, v10;
	v5 =	vadd.f32 v9, v5  }
0x98: {  	v6 =	vadd.f32 v16, v6;
	v9 =	vmul.f32 v16, v16;
	v16 =	vld [tilespmem:s19+$0x190];
	v13 =	vadd.f32 v13, v3  }
0x99: {  	v18 =	vld [tilespmem:s19+$0xFFFFFFF0];
	v4 =	vadd.f32 v8, v4;
	v17 =	vmul.f32 v12, v12;
	v5 =	vadd.f32 v12, v5  }
0x9a: {  	v8 =	vld [tilespmem:s17+$0xFFFFFE70];
	v6 =	vadd.f32 v10, v6;
	v10 =	vadd.f32 v15, v13;
	v15 =	vmov s18  }
0x9b: {  	v19 =	vld [tilespmem:s17+$0xFFFFFE60];
	v4 =	vadd.f32 v9, v4;
	v12 =	vmul.f32 v14, v14;
	v5 =	vadd.f32 v14, v5  }
0x9c: {  	v3 =	vld [tilespmem:s17+$0x40];
	v6 =	vadd.f32 v11, v6;
	v10 =	vadd.f32 v17, v10;
	v11 =	vmul.f32 v11, v11  }
0x9d: {  	v17 =	vld [tilespmem:s17+$0x0];
	v4 =	vadd.f32 v7, v4;
	v14 =	vmul.f32 v21, v21;
	v7 =	vmul.f32 v16, v16  }
0x9e: {  	v9 =	vld [tilespmem:s17+$0x50];
	v5 =	vadd.f32 v18, v5;
	v18 =	vmul.f32 v18, v18;
	v22 =	vadd.f32 v16, v6  }
0x9f: {  	v13 =	vld [tilespmem:s17+$0x20];
	v6 =	vadd.f32 v12, v10;
	v10 =	vmul.f32 v8, v8;
	v4 =	vadd.f32 v11, v4  }
0xa0: {  	v12 =	vadd.f32 $0.0e+00, v19;
	v23 =	vmul.f32 v5, v5;
	v5 =	vand.u32 $0xFFFFFFFE, v15;
	v15 =	vld [tilespmem:s17+$0xFFFFFE80]  }
0xa1: {  	v11 =	vld [tilespmem:s17+$0x30];
	v24 =	vadd.f32 v18, v6;
	v18 =	vmul.f32 v19, v19;
	v6 =	vadd.f32 v7, v4  }
0xa2: {  	v16 =	vld [tilespmem:s17+$0xFFFFFE90];
	v20 =	vadd.f32 v8, v12;
	v5 =	vbroadcast v5, $0x0;
	v25 =	vadd.f32 $0.0e+00, v17  }
0xa3: {  	v12 =	vld [tilespmem:s17+$0xFFFFFEB0];
	v8 =	vmul.f32 v22, v22;
	v19 =	vmul.f32 v17, v17;
	v18 =	vadd.f32 v10, v18  }
0xa4: {  	s20 =	simm.s32 $0x1520;
	s19 =	simm.s32 $0x4;
	s18 =	simm.s32 $0x2;
	v17 =	vld [tilespmem:s17+$0xFFFFFEA0];
	v10 =	vmul.f32 v3, v3;
	v7 =	vsub.f32 v23, v24;
	v21 =	vadd.f32 v21, v25  }
.LBB2_13:
0xa5: {  	v4 =	vld [tilespmem:s20+$0x40];
	p0 =	slt.u32 s19, $0x7E;
	v22 =	vmul.f32 v15, v15;
	v14 =	vadd.f32 v14, v19;
	v19 =	vmul.f32 v13, v13;
	s21 =	smov.u32 s19;
	s19 =	sadd.s32 $0x2, s19  }
0xa6: {  	v15 =	vadd.f32 v15, v20;
	v13 =	vadd.f32 v13, v21;
	v20 =	vld [tilespmem:s17+$0x70];
	v7 =	vmul.f32 $5.000000000e-01, v7  }
0xa7: {  	v6 =	vsub.f32 v8, v6;
	v18 =	vadd.f32 v22, v18;
	v21 =	vmul.f32 v16, v16;
	v22 =	vld [tilespmem:s17+$0xFFFFFEC0]  }
0xa8: {  	v8 =	vadd.f32 v16, v15;
	v13 =	vadd.f32 v11, v13;
	[tilespmem:v5+s13+$0x0] =	vst.idx.add.f32.msk $0xffff, v7  }
0xa9: {  	v7 =	vadd.f32 v19, v14;
	v6 =	vmul.f32 $5.000000000e-01, v6;
	v5 =	vmul.f32 v17, v17;
	v14 =	vld [tilespmem:s17+$0x60]  }
0xaa: {  	s22 =	sadd.s32 $0x1, s18;
	v11 =	vmul.f32 v11, v11;
	v8 =	vadd.f32 v17, v8;
	v15 =	vld [tilespmem:s17+$0xFFFFFED0];
	v13 =	vadd.f32 v3, v13;
	v3 =	vmovc v4  }
0xab: {  	v16 =	vadd.f32 v21, v18;
	v17 =	vmul.f32 v12, v12;
	[tilespmem:v2+s13+$0x0] =	vst.idx.add.f32.msk $0xffff, v6;
	v2 =	vmov s22  }
0xac: {  	v6 =	vadd.f32 v12, v8;
	v8 =	vld [tilespmem:s17+$0xFFFFFEE0];
	v12 =	vadd.f32 v9, v13;
	v9 =	vmul.f32 v9, v9  }
0xad: {  	v7 =	vadd.f32 v11, v7;
	v5 =	vadd.f32 v5, v16;
	v13 =	vmul.f32 v22, v22;
	v11 =	vld [tilespmem:s17+$0x80]  }
0xae: {  	v6 =	vadd.f32 v22, v6;
	v16 =	vld [tilespmem:s17+$0xFFFFFEF0];
	v12 =	vadd.f32 v14, v12;
	v14 =	vmul.f32 v14, v14  }
0xaf: {  	v7 =	vadd.f32 v10, v7;
	v5 =	vadd.f32 v17, v5;
	v17 =	vmul.f32 v15, v15;
	v10 =	vld [tilespmem:s17+$0x90]  }
0xb0: {  	v18 =	vmul.f32 v20, v20;
	v6 =	vadd.f32 v15, v6;
	v15 =	vld [tilespmem:s17+$0xFFFFFF00];
	v12 =	vadd.f32 v20, v12  }
0xb1: {  	v7 =	vadd.f32 v9, v7;
	v5 =	vadd.f32 v13, v5;
	v13 =	vmul.f32 v8, v8;
	v9 =	vld [tilespmem:s17+$0xA0]  }
0xb2: {  	v6 =	vadd.f32 v8, v6;
	v8 =	vld [tilespmem:s17+$0xFFFFFF10];
	v12 =	vadd.f32 v11, v12;
	v11 =	vmul.f32 v11, v11  }
0xb3: {  	v7 =	vadd.f32 v14, v7;
	v5 =	vadd.f32 v17, v5;
	v17 =	vmul.f32 v16, v16;
	v14 =	vld [tilespmem:s17+$0xB0]  }
0xb4: {  	v6 =	vadd.f32 v16, v6;
	v16 =	vld [tilespmem:s17+$0xFFFFFF20];
	v12 =	vadd.f32 v10, v12;
	v10 =	vmul.f32 v10, v10  }
0xb5: {  	v7 =	vadd.f32 v18, v7;
	v5 =	vadd.f32 v13, v5;
	v13 =	vmul.f32 v15, v15;
	v18 =	vld [tilespmem:s17+$0xC0]  }
0xb6: {  	v6 =	vadd.f32 v15, v6;
	v15 =	vld [tilespmem:s17+$0xFFFFFF30];
	v12 =	vadd.f32 v9, v12;
	v9 =	vmul.f32 v9, v9  }
0xb7: {  	v7 =	vadd.f32 v11, v7;
	v5 =	vadd.f32 v17, v5;
	v17 =	vmul.f32 v8, v8;
	v11 =	vld [tilespmem:s17+$0xD0]  }
0xb8: {  	v6 =	vadd.f32 v8, v6;
	v8 =	vld [tilespmem:s17+$0xFFFFFF40];
	v12 =	vadd.f32 v14, v12;
	v14 =	vmul.f32 v14, v14  }
0xb9: {  	v7 =	vadd.f32 v10, v7;
	v5 =	vadd.f32 v13, v5;
	v13 =	vmul.f32 v16, v16;
	v10 =	vld [tilespmem:s17+$0xE0]  }
0xba: {  	v6 =	vadd.f32 v16, v6;
	v16 =	vld [tilespmem:s17+$0xFFFFFF50];
	v12 =	vadd.f32 v18, v12;
	v18 =	vmul.f32 v18, v18  }
0xbb: {  	v7 =	vadd.f32 v9, v7;
	v5 =	vadd.f32 v17, v5;
	v17 =	vmul.f32 v15, v15;
	v9 =	vld [tilespmem:s17+$0xF0]  }
0xbc: {  	v6 =	vadd.f32 v15, v6;
	v15 =	vld [tilespmem:s17+$0xFFFFFF60];
	v12 =	vadd.f32 v11, v12;
	v11 =	vmul.f32 v11, v11  }
0xbd: {  	v7 =	vadd.f32 v14, v7;
	v5 =	vadd.f32 v13, v5;
	v13 =	vmul.f32 v8, v8;
	v14 =	vld [tilespmem:s17+$0x100]  }
0xbe: {  	v6 =	vadd.f32 v8, v6;
	v8 =	vld [tilespmem:s17+$0xFFFFFF70];
	v12 =	vadd.f32 v10, v12;
	v10 =	vmul.f32 v10, v10  }
0xbf: {  	v7 =	vadd.f32 v18, v7;
	v5 =	vadd.f32 v17, v5;
	v17 =	vmul.f32 v16, v16;
	v18 =	vld [tilespmem:s17+$0x110]  }
0xc0: {  	v6 =	vadd.f32 v16, v6;
	v16 =	vld [tilespmem:s17+$0xFFFFFF80];
	v12 =	vadd.f32 v9, v12;
	v9 =	vmul.f32 v9, v9  }
0xc1: {  	v7 =	vadd.f32 v11, v7;
	v5 =	vadd.f32 v13, v5;
	v13 =	vmul.f32 v15, v15;
	v11 =	vld [tilespmem:s17+$0x120]  }
0xc2: {  	v6 =	vadd.f32 v15, v6;
	v15 =	vld [tilespmem:s17+$0xFFFFFF90];
	v12 =	vadd.f32 v14, v12;
	v14 =	vmul.f32 v14, v14  }
0xc3: {  	v7 =	vadd.f32 v10, v7;
	v5 =	vadd.f32 v17, v5;
	v17 =	vmul.f32 v8, v8;
	v10 =	vld [tilespmem:s17+$0x130]  }
0xc4: {  	v6 =	vadd.f32 v8, v6;
	v8 =	vld [tilespmem:s17+$0xFFFFFFA0];
	v12 =	vadd.f32 v18, v12;
	v18 =	vmul.f32 v18, v18  }
0xc5: {  	v7 =	vadd.f32 v9, v7;
	v5 =	vadd.f32 v13, v5;
	v13 =	vmul.f32 v16, v16;
	v9 =	vld [tilespmem:s17+$0x140]  }
0xc6: {  	v6 =	vadd.f32 v16, v6;
	v16 =	vld [tilespmem:s17+$0xFFFFFFB0];
	v12 =	vadd.f32 v11, v12;
	v11 =	vmul.f32 v11, v11  }
0xc7: {  	v7 =	vadd.f32 v14, v7;
	v5 =	vadd.f32 v17, v5;
	v17 =	vmul.f32 v15, v15;
	v14 =	vld [tilespmem:s17+$0x150]  }
0xc8: {  	v6 =	vadd.f32 v15, v6;
	v15 =	vld [tilespmem:s17+$0xFFFFFFC0];
	v12 =	vadd.f32 v10, v12;
	v10 =	vmul.f32 v10, v10  }
0xc9: {  	v7 =	vadd.f32 v18, v7;
	v5 =	vadd.f32 v13, v5;
	v13 =	vmul.f32 v8, v8;
	v18 =	vld [tilespmem:s17+$0x160]  }
0xca: {  	v6 =	vadd.f32 v8, v6;
	v8 =	vld [tilespmem:s17+$0xFFFFFFD0];
	v12 =	vadd.f32 v9, v12;
	v9 =	vmul.f32 v9, v9  }
0xcb: {  	v7 =	vadd.f32 v11, v7;
	v5 =	vadd.f32 v17, v5;
	v17 =	vmul.f32 v16, v16;
	v11 =	vld [tilespmem:s17+$0x170]  }
0xcc: {  	v6 =	vadd.f32 v16, v6;
	v16 =	vld [tilespmem:s17+$0xFFFFFFE0];
	v12 =	vadd.f32 v14, v12;
	v14 =	vmul.f32 v14, v14  }
0xcd: {  	v7 =	vadd.f32 v10, v7;
	v5 =	vadd.f32 v13, v5;
	v13 =	vmul.f32 v15, v15;
	v10 =	vld [tilespmem:s17+$0x180]  }
0xce: {  	v6 =	vadd.f32 v15, v6;
	v12 =	vadd.f32 v18, v12;
	v15 =	vmul.f32 v18, v18;
	v18 =	vld [tilespmem:s17+$0x190]  }
0xcf: {  	v7 =	vadd.f32 v9, v7;
	v5 =	vadd.f32 v17, v5;
	v17 =	vmul.f32 v8, v8;
	v19 =	vld [tilespmem:s17+$0xFFFFFFF0];
	s17 =	smov.u32 s20  }
0xd0: {  	v6 =	vadd.f32 v8, v6;
	v8 =	vadd.f32 v11, v12;
	v11 =	vmul.f32 v11, v11  }
0xd1: {  	v7 =	vadd.f32 v14, v7;
	v5 =	vadd.f32 v13, v5;
	v21 =	vld [tilespmem:s20+$0x10];
	v12 =	vmul.f32 v16, v16  }
0xd2: {  	v6 =	vadd.f32 v16, v6;
	v16 =	vmov s18;
	s18 =	smov.u32 s21;
	v20 =	vld [tilespmem:s20+$0xFFFFFE70];
	v8 =	vadd.f32 v10, v8  }
0xd3: {  	v7 =	vadd.f32 v15, v7;
	v5 =	vadd.f32 v17, v5;
	v10 =	vmul.f32 v10, v10;
	v22 =	vld [tilespmem:s20+$0xFFFFFE60]  }
0xd4: {  	v17 =	vld [tilespmem:s20+$0x0];
	v6 =	vadd.f32 v19, v6;
	v19 =	vmul.f32 v19, v19;
	v8 =	vadd.f32 v18, v8  }
0xd5: {  	v7 =	vadd.f32 v11, v7;
	v5 =	vadd.f32 v12, v5;
	v12 =	vmul.f32 v18, v18;
	v9 =	vld [tilespmem:s20+$0x50]  }
0xd6: {  	v14 =	vmul.f32 v21, v21;
	v13 =	vld [tilespmem:s20+$0x20];
	v23 =	vmul.f32 v6, v6;
	v6 =	vand.u32 $0xFFFFFFFE, v16  }
.Ltmp5:
0xd7: {  	v7 =	vadd.f32 v10, v7;
	v24 =	vadd.f32 v19, v5;
	v18 =	vmul.f32 v20, v20;
	v15 =	vld [tilespmem:s20+$0xFFFFFE80];
	(pc) =	sbr.rel @p0 .LBB2_13-.Ltmp5, $4  }
0xd8: {  	v5 =	vbroadcast v6, $0x0;
	v10 =	vadd.f32 $0.0e+00, v22;
	v22 =	vmul.f32 v22, v22;
	v11 =	vld [tilespmem:s20+$0x30]  }
0xd9: {  	v6 =	vadd.f32 v12, v7;
	v16 =	vld [tilespmem:s20+$0xFFFFFE90];
	v25 =	vadd.f32 $0.0e+00, v17;
	v19 =	vmul.f32 v17, v17  }
0xda: {  	v20 =	vadd.f32 v20, v10;
	v18 =	vadd.f32 v18, v22;
	v12 =	vld [tilespmem:s20+$0xFFFFFEB0];
	v10 =	vmul.f32 v4, v3  }
0xdb: {  	v8 =	vmul.f32 v8, v8;
	v7 =	vsub.f32 v23, v24;
	s20 =	sadd.s32 $0x340, s20;
	v17 =	vld [tilespmem:s17+$0xFFFFFEA0];
	v21 =	vadd.f32 v21, v25  }
0xdc: {  	v4 =	vadd.f32 v15, v20;
	v54 =	vmul.f32 v15, v15;
	v14 =	vadd.f32 v14, v19  }
0xdd: {  	v56 =	vmul.f32 v13, v13;
	v58 =	vld [tilespmem:s17+$0xFFFFFEC0];
	v25 =	vmul.f32 v9, v9;
	v55 =	vadd.f32 v13, v21  }
0xde: {  	v60 =	vld [tilespmem:s17+$0x60];
	v4 =	vadd.f32 v16, v4;
	v15 =	vadd.f32 v54, v18;
	v57 =	vmul.f32 v16, v16  }
0xdf: {  	v63 =	vld [tilespmem:s17+$0xFFFFFED0];
	v61 =	vmul.f32 v11, v11;
	v13 =	vadd.f32 v56, v14;
	v59 =	vadd.f32 v11, v55  }
0xe0: {  	v22 =	vld [tilespmem:s17+$0x70];
	v4 =	vadd.f32 v17, v4;
	v62 =	vmul.f32 v17, v17;
	v15 =	vadd.f32 v57, v15  }
0xe1: {  	v24 =	vld [tilespmem:s17+$0xFFFFFEE0];
	v23 =	vmul.f32 v12, v12;
	v11 =	vadd.f32 v61, v13;
	v3 =	vadd.f32 v3, v59  }
0xe2: {  	v28 =	vld [tilespmem:s17+$0x80];
	v27 =	vmul.f32 v58, v58;
	v4 =	vadd.f32 v12, v4;
	v26 =	vadd.f32 v62, v15  }
0xe3: {  	v29 =	vld [tilespmem:s17+$0xFFFFFEF0];
	v14 =	vmul.f32 v60, v60;
	v10 =	vadd.f32 v10, v11;
	v3 =	vadd.f32 v9, v3  }
0xe4: {  	v31 =	vld [tilespmem:s17+$0x90];
	v30 =	vmul.f32 v63, v63;
	v4 =	vadd.f32 v58, v4;
	v13 =	vadd.f32 v23, v26  }
0xe5: {  	v32 =	vld [tilespmem:s17+$0xFFFFFF00];
	v16 =	vmul.f32 v22, v22;
	v9 =	vadd.f32 v25, v10;
	v3 =	vadd.f32 v60, v3  }
0xe6: {  	v34 =	vld [tilespmem:s17+$0xA0];
	v33 =	vmul.f32 v24, v24;
	v4 =	vadd.f32 v63, v4;
	v13 =	vadd.f32 v27, v13  }
0xe7: {  	v35 =	vld [tilespmem:s17+$0xFFFFFF10];
	v36 =	vmul.f32 v28, v28;
	v9 =	vadd.f32 v14, v9;
	v3 =	vadd.f32 v22, v3  }
0xe8: {  	v38 =	vld [tilespmem:s17+$0xB0];
	v37 =	vmul.f32 v29, v29;
	v4 =	vadd.f32 v24, v4;
	v13 =	vadd.f32 v30, v13  }
0xe9: {  	v39 =	vld [tilespmem:s17+$0xFFFFFF20];
	v40 =	vmul.f32 v31, v31;
	v9 =	vadd.f32 v16, v9;
	v3 =	vadd.f32 v28, v3  }
0xea: {  	v42 =	vld [tilespmem:s17+$0xC0];
	v41 =	vmul.f32 v32, v32;
	v4 =	vadd.f32 v29, v4;
	v13 =	vadd.f32 v33, v13  }
0xeb: {  	v43 =	vld [tilespmem:s17+$0xFFFFFF30];
	v44 =	vmul.f32 v34, v34;
	v9 =	vadd.f32 v36, v9;
	v3 =	vadd.f32 v31, v3  }
0xec: {  	v46 =	vld [tilespmem:s17+$0xD0];
	v45 =	vmul.f32 v35, v35;
	v4 =	vadd.f32 v32, v4;
	v13 =	vadd.f32 v37, v13  }
0xed: {  	v47 =	vld [tilespmem:s17+$0xFFFFFF40];
	v48 =	vmul.f32 v38, v38;
	v9 =	vadd.f32 v40, v9;
	v3 =	vadd.f32 v34, v3  }
0xee: {  	v51 =	vld [tilespmem:s17+$0xFFFFFF50];
	v49 =	vmul.f32 v39, v39;
	v4 =	vadd.f32 v35, v4;
	v13 =	vadd.f32 v41, v13  }
0xef: {  	v55 =	vld [tilespmem:s17+$0xFFFFFF60];
	v52 =	vmul.f32 v42, v42;
	v9 =	vadd.f32 v44, v9;
	v3 =	vadd.f32 v38, v3  }
0xf0: {  	v50 =	vld [tilespmem:s17+$0xE0];
	v53 =	vmul.f32 v43, v43;
	v4 =	vadd.f32 v39, v4;
	v13 =	vadd.f32 v45, v13  }
0xf1: {  	v54 =	vld [tilespmem:s17+$0xF0];
	v56 =	vmul.f32 v46, v46;
	v9 =	vadd.f32 v48, v9;
	v3 =	vadd.f32 v42, v3  }
0xf2: {  	v57 =	vmul.f32 v47, v47;
	v58 =	vld [tilespmem:s17+$0x100];
	v4 =	vadd.f32 v43, v4;
	v13 =	vadd.f32 v49, v13  }
0xf3: {  	v59 =	vld [tilespmem:s17+$0xFFFFFF70];
	v61 =	vmul.f32 v51, v51;
	v9 =	vadd.f32 v52, v9;
	v3 =	vadd.f32 v46, v3  }
0xf4: {  	v25 =	vmul.f32 v55, v55;
	v26 =	vld [tilespmem:s17+$0x120];
	v4 =	vadd.f32 v47, v4;
	v13 =	vadd.f32 v53, v13  }
0xf5: {  	v60 =	vmul.f32 v50, v50;
	v63 =	vld [tilespmem:s17+$0xFFFFFF80];
	v9 =	vadd.f32 v56, v9;
	v3 =	vadd.f32 v50, v3  }
0xf6: {  	v62 =	vld [tilespmem:s17+$0x110];
	v24 =	vmul.f32 v54, v54;
	v4 =	vadd.f32 v51, v4;
	v13 =	vadd.f32 v57, v13  }
0xf7: {  	v27 =	vld [tilespmem:s17+$0xFFFFFF90];
	v28 =	vmul.f32 v58, v58;
	v9 =	vadd.f32 v60, v9;
	v3 =	vadd.f32 v54, v3  }
0xf8: {  	v30 =	vld [tilespmem:s17+$0x130];
	v29 =	vmul.f32 v59, v59;
	v4 =	vadd.f32 v55, v4;
	v13 =	vadd.f32 v61, v13  }
0xf9: {  	v36 =	vmul.f32 v26, v26;
	v31 =	vld [tilespmem:s17+$0xFFFFFFA0];
	v9 =	vadd.f32 v24, v9;
	v3 =	vadd.f32 v58, v3  }
0xfa: {  	v33 =	vmul.f32 v63, v63;
	v34 =	vld [tilespmem:s17+$0x140];
	v4 =	vadd.f32 v59, v4;
	v13 =	vadd.f32 v25, v13  }
0xfb: {  	v32 =	vmul.f32 v62, v62;
	v35 =	vld [tilespmem:s17+$0xFFFFFFB0];
	v9 =	vadd.f32 v28, v9;
	v3 =	vadd.f32 v62, v3  }
0xfc: {  	v37 =	vmul.f32 v27, v27;
	v38 =	vld [tilespmem:s17+$0x150];
	v4 =	vadd.f32 v63, v4;
	v13 =	vadd.f32 v29, v13  }
0xfd: {  	v40 =	vmul.f32 v30, v30;
	v39 =	vld [tilespmem:s17+$0xFFFFFFC0];
	v9 =	vadd.f32 v32, v9;
	v3 =	vadd.f32 v26, v3  }
0xfe: {  	v41 =	vmul.f32 v31, v31;
	v42 =	vld [tilespmem:s17+$0x160];
	v4 =	vadd.f32 v27, v4;
	v13 =	vadd.f32 v33, v13  }
0xff: {  	v44 =	vmul.f32 v34, v34;
	v9 =	vadd.f32 v36, v9;
	v3 =	vadd.f32 v30, v3  }
0x100: {  	v43 =	vld [tilespmem:s17+$0xFFFFFFD0];
	v45 =	vmul.f32 v35, v35;
	v4 =	vadd.f32 v31, v4;
	v13 =	vadd.f32 v37, v13  }
0x101: {  	v52 =	vld [tilespmem:s17+$0xFFFFFFF0];
	v48 =	vmul.f32 v38, v38;
	v9 =	vadd.f32 v40, v9;
	v3 =	vadd.f32 v34, v3  }
0x102: {  	v46 =	vld [tilespmem:s17+$0x170];
	v49 =	vmul.f32 v39, v39;
	v4 =	vadd.f32 v35, v4;
	v13 =	vadd.f32 v41, v13  }
0x103: {  	v47 =	vld [tilespmem:s17+$0xFFFFFFE0];
	v51 =	vmul.f32 v42, v42;
	v9 =	vadd.f32 v44, v9;
	v3 =	vadd.f32 v38, v3  }
0x104: {  	v50 =	vld [tilespmem:s17+$0x180];
	v57 =	vmov s18;
	v4 =	vadd.f32 v39, v4;
	v13 =	vadd.f32 v45, v13  }
0x105: {  	v54 =	vmul.f32 v43, v43;
	v9 =	vadd.f32 v48, v9;
	v3 =	vadd.f32 v42, v3  }
0x106: {  	v53 =	vld [tilespmem:s17+$0x190];
	v60 =	vmul.f32 v52, v52;
	v4 =	vadd.f32 v43, v4;
	v13 =	vadd.f32 v49, v13  }
0x107: {  	v55 =	vmul.f32 v46, v46;
	v9 =	vadd.f32 v51, v9;
	v3 =	vadd.f32 v46, v3  }
0x108: {  	v56 =	vmul.f32 v47, v47;
	v4 =	vadd.f32 v47, v4;
	v58 =	vadd.f32 v54, v13  }
0x109: {  	v59 =	vmul.f32 v50, v50;
	v9 =	vadd.f32 v55, v9;
	v3 =	vadd.f32 v50, v3  }
0x10a: {  	v10 =	vand.u32 $0xFFFFFFFE, v57;
	v4 =	vadd.f32 v52, v4;
	v11 =	vadd.f32 v56, v58  }
0x10b: {  	v61 =	vmul.f32 v53, v53;
	v9 =	vadd.f32 v59, v9;
	v3 =	vadd.f32 v53, v3  }
0x10c: {  	v10 =	vbroadcast v10, $0x0;
	v4 =	vmul.f32 v4, v4;
	v11 =	vadd.f32 v60, v11  }
0x10d: {  	s31 =	sadd.s32 $0x1, s18;
	v6 =	vsub.f32 v8, v6;
	v62 =	vadd.f32 v61, v9;
	v3 =	vmul.f32 v3, v3  }
0x10e: {  	v7 =	vmul.f32 $5.000000000e-01, v7;
	v63 =	vmov s31;
	v4 =	vsub.f32 v4, v11  }
0x10f: {  	v6 =	vmul.f32 $5.000000000e-01, v6;
	v3 =	vsub.f32 v3, v62  }
0x110: {  	[tilespmem:v5+s13+$0x0] =	vst.idx.add.f32.msk $0xffff, v7;
	v4 =	vmul.f32 $5.000000000e-01, v4  }
0x111: {  	s15 =	sadd.s32 $0x1, s15;
	[tilespmem:v2+s13+$0x0] =	vst.idx.add.f32.msk $0xffff, v6;
	v2 =	vmul.f32 $5.000000000e-01, v3  }
0x112: {  	s16 =	sshrl.u32 s16, $0x3;
	p0 =	sne.s32 s15, $0x4;
	[tilespmem:v10+s13+$0x0] =	vst.idx.add.f32.msk $0xffff, v4  }
.Ltmp6:
0x113: {  	s16 =	sadd.s32 s1, s16;
	[tilespmem:v63+s13+$0x0] =	vst.idx.add.f32.msk $0xffff, v2;
	(pc) =	sbr.rel @p0 .LBB2_2-.Ltmp6, $4  }
0x114: {  	[hbm4b:s16+s2] =	stream.linear.scatter [tilespmem:s13], [sflag:$0x3], $0x80, $0x38;
	[tilespmem:$0xEA80] =	vst v63  }
0x115: {  	_ =	swait.ge [sflag:s9], $0x80  }
0x116: {  	[sflag:s9] =	ssyncset.done $0x0  }
0x117: {  	[sflag:s9] =	ssyncadd.s32 $0xFFFFFF80  }
0x118: {  	s14 =	sadd.s32 $0x1, s14  }
0x119: {  	p0 =	sne.s32 s14, s8  }
.Ltmp7:
0x11a: {  	_ = 	snop;
	(pc) =	sbr.rel @p0 .LBB2_1-.Ltmp7, $1  }
0x11b: {  	_ =	sdelay $0x3  }
0x11c: {  	_ =	sfence.sel $0x180000  }
0x11d: {  	[bflag:$0x0] =	sbarrier.arrive $0xFFFF  }
0x11e: {  	p0 =	sne.s32 s3, $0x0;
	_ =	strace $0x9000004A  }
0x11f: {  	s0 =	sadd.s32 @!p0 $0x100000, s0;
	[bflag:$0x2] =	sbarrier.arrive $0xFFFF  }
0x120: {  	[sflag:s0] =	ssyncadd.tile.s32 @!p0 $0x1;
	_ =	shalt  }
.Lfunc_end2:
_tile_overlayer_lowered:
.L_overlay_start_2:
0x121: {  	(tag) =	ssettag $0x2  }
0x122: {  	s0 =	rddreg [dreg:$0x0];
	s2 =	stileid.u32  }
0x123: {  	s1 =	rddreg [dreg:$0x1];
	p0 =	sne.s32 s2, $0x0  }
0x124: {  	s3 =	rddreg [dreg:$0x2];
	[bflag:$0x3] =	sbarrier.arrive $0xFFFF;
	s2 =	simm.s32 @!p0 $0x1C03  }
0x125: {  	[timem:s3], [sflag:s2] =	dma.local @!p0 [hbm:s0], s1  }
0x126: {  	s0 =	simm.s32 @!p0 $0x3  }
0x127: {  	_ =	swait.ge @!p0 [sflag:s0], s1  }
0x128: {  	s1 =	ssub.s32 @!p0 $0x0, s1;
	[sflag:s0] =	ssyncset.done @!p0 $0x0  }
0x129: {  	[sflag:s0] =	ssyncadd.s32 @!p0 s1  }
0x12a: {  	[bflag:$0x3] =	sbarrier.arrive $0xFFFF  }
0x12b: {  	_ =	shalt  }

</sc_bundles>
